<compile_context>
chip_gen: v7x
topology: tpu7x:2x2x1
jax: 0.10.2.dev20260603
libtpu: 0.0.44.dev20260713+nightly
codegen_flags: <defaults>
</compile_context>

<pallas_src>
import dataclasses

import jax
import jax.numpy as jnp
from jax import lax
from jax.experimental import pallas as pl
from jax.experimental.pallas import tpu as pltpu
from jax.experimental.pallas import tpu_sc as plsc

_L = 16
_NT = 32

_F_CH = 448
_F_CHUNKS = 14
_F_PER_TILE = _F_CH * _F_CHUNKS
_F_PAD = _F_PER_TILE * _NT

_V_CH = 224
_V_CHUNKS = 14
_V_PER_TILE = _V_CH * _V_CHUNKS
_N_PAD = _V_PER_TILE * _NT


def _c16(v):
    return jnp.full((_L,), v, jnp.int32)


def _rsqrt(s):
    i = plsc.bitcast(s, jnp.int32)
    y = plsc.bitcast(jnp.int32(0x5F3759DF) - (i >> 1), jnp.float32)
    xh = s * 0.5
    for _ in range(3):
        y = y * (1.5 - xh * y * y)
    return y


def _wid():
    return lax.axis_index("s") * 2 + lax.axis_index("c")


def _face_body(p_hbm, f0, f1, f2, fn_hbm,
               ia0, ib0, ic0, ia1, ib1, ic1,
               ra0, rb0, rc0, ra1, rb1, rc1, outb0, outb1,
               semi0, semi1, semg0, semg1):
    wid = _wid()
    iota = lax.iota(jnp.int32, _L)
    last = _F_CHUNKS - 1
    fs = (f0, f1, f2)

    def fire_idx(ch, idxs, sem):
        base = pl.multiple_of((wid * _F_CHUNKS + ch) * _F_CH, 8)
        for src, dst in zip(fs, idxs):
            pltpu.async_copy(src.at[pl.ds(base, _F_CH)], dst, sem)

    def wait_idx(idxs, sem):
        for src, dst in zip(fs, idxs):
            pltpu.make_async_copy(src.at[pl.ds(0, _F_CH)], dst, sem).wait()

    def fire_g(idxs, rs, sem):
        for idxr, rr in zip(idxs, rs):
            pltpu.async_copy(p_hbm.at[idxr], rr, sem)

    def wait_g(idxs, rs, sem):
        for idxr, rr in zip(idxs, rs):
            pltpu.make_async_copy(p_hbm.at[idxr], rr, sem).wait()

    def compute(ch, rs, outr):
        r0, r1, r2 = rs

        @pl.loop(0, _F_CH // _L)
        def _grp(g):
            riv = g * _L + iota
            a0 = [plsc.load_gather(r0, [riv, _c16(j)]) for j in range(12)]
            a1 = [plsc.load_gather(r1, [riv, _c16(j)]) for j in range(12)]
            a2 = [plsc.load_gather(r2, [riv, _c16(j)]) for j in range(12)]
            u = [a1[j] - a0[j] for j in range(12)]
            v = [a2[j] - a0[j] for j in range(12)]
            for b in range(4):
                X, Y, Z = 3 * b, 3 * b + 1, 3 * b + 2
                nx = u[Y] * v[Z] - u[Z] * v[Y]
                ny = u[Z] * v[X] - u[X] * v[Z]
                nz = u[X] * v[Y] - u[Y] * v[X]
                s = jnp.maximum(nx * nx + ny * ny + nz * nz, 1e-24)
                r = _rsqrt(s)
                plsc.store_scatter(outr, [riv, _c16(X)], nx * r)
                plsc.store_scatter(outr, [riv, _c16(Y)], ny * r)
                plsc.store_scatter(outr, [riv, _c16(Z)], nz * r)

        base = pl.multiple_of((wid * _F_CHUNKS + ch) * _F_CH, 8)
        pltpu.sync_copy(outr, fn_hbm.at[pl.ds(base, _F_CH)])

    i0 = (ia0, ib0, ic0)
    i1 = (ia1, ib1, ic1)
    rs0 = (ra0, rb0, rc0)
    rs1 = (ra1, rb1, rc1)

    fire_idx(0, i0, semi0)
    wait_idx(i0, semi0)
    fire_g(i0, rs0, semg0)
    fire_idx(1, i1, semi1)

    @pl.loop(0, _F_CHUNKS // 2)
    def _pair(i):
        e = i * 2
        wait_g(i0, rs0, semg0)
        wait_idx(i1, semi1)
        fire_g(i1, rs1, semg1)
        compute(e, rs0, outb0)
        fire_idx(jnp.minimum(e + 2, last), i0, semi0)
        wait_g(i1, rs1, semg1)
        wait_idx(i0, semi0)
        fire_g(i0, rs0, semg0)
        compute(e + 1, rs1, outb1)
        fire_idx(jnp.minimum(e + 3, last), i1, semi1)

    wait_g(i0, rs0, semg0)
    wait_idx(i1, semi1)


def _vert_body(fn_hbm, vt, w_hbm, vn_hbm,
               idx0, idx1, wb0, wb1, rows0, rows1, outb0, outb1,
               semi0, semi1, semg0, semg1):
    wid = _wid()
    iota = lax.iota(jnp.int32, _L)
    c8 = _V_CH * 8
    last = _V_CHUNKS - 1

    def fire_idxw(ch, idxr, wr, sem):
        cidx = wid * _V_CHUNKS + ch
        off = pl.multiple_of(cidx * c8, 8)
        pltpu.async_copy(vt.at[pl.ds(off, c8)], idxr, sem)
        pltpu.async_copy(w_hbm.at[pl.ds(off, c8)], wr, sem)

    def wait_idxw(idxr, wr, sem):
        pltpu.make_async_copy(vt.at[pl.ds(0, c8)], idxr, sem).wait()
        pltpu.make_async_copy(w_hbm.at[pl.ds(0, c8)], wr, sem).wait()

    def fire_g(idxr, rowsr, sem):
        pltpu.async_copy(fn_hbm.at[idxr], rowsr, sem)

    def wait_g(idxr, rowsr, sem):
        pltpu.make_async_copy(fn_hbm.at[idxr], rowsr, sem).wait()

    def compute(ch, wr, rowsr, outr):
        @pl.loop(0, _V_CH // _L)
        def _grp(g):
            riv = g * _L + iota
            rb = riv * 8
            rix = [rb + c for c in range(8)]
            ws = [plsc.load_gather(wr, [rix[c]]) for c in range(8)]
            for b in range(4):
                comp = []
                for k in range(3):
                    cj = _c16(3 * b + k)
                    t = ws[0] * plsc.load_gather(rowsr, [rix[0], cj])
                    for c in range(1, 8):
                        t = t + ws[c] * plsc.load_gather(rowsr, [rix[c], cj])
                    comp.append(t)
                s = jnp.maximum(
                    comp[0] * comp[0] + comp[1] * comp[1] + comp[2] * comp[2],
                    1e-24,
                )
                r = _rsqrt(s)
                for k in range(3):
                    plsc.store_scatter(outr, [riv, _c16(3 * b + k)],
                                       comp[k] * r)

        cidx = wid * _V_CHUNKS + ch
        off = pl.multiple_of(cidx * _V_CH, 8)
        pltpu.sync_copy(outr, vn_hbm.at[pl.ds(off, _V_CH)])

    fire_idxw(0, idx0, wb0, semi0)
    wait_idxw(idx0, wb0, semi0)
    fire_g(idx0, rows0, semg0)
    fire_idxw(1, idx1, wb1, semi1)

    @pl.loop(0, _V_CHUNKS // 2)
    def _pair(i):
        e = i * 2
        wait_g(idx0, rows0, semg0)
        wait_idxw(idx1, wb1, semi1)
        fire_g(idx1, rows1, semg1)
        compute(e, wb0, rows0, outb0)
        fire_idxw(jnp.minimum(e + 2, last), idx0, wb0, semi0)
        wait_g(idx1, rows1, semg1)
        wait_idxw(idx0, wb0, semi0)
        fire_g(idx0, rows0, semg0)
        compute(e + 1, wb1, rows1, outb1)
        fire_idxw(jnp.minimum(e + 3, last), idx1, wb1, semi1)

    wait_g(idx0, rows0, semg0)
    wait_idxw(idx1, wb1, semi1)


def _center_body(x_ref, o_ref, n):
    x = x_ref[...]
    s = jnp.sum(x, axis=0, keepdims=True)
    m = s[:, 0:16]
    for k in range(1, 8):
        m = m + s[:, 16 * k:16 * (k + 1)]
    m = m * (1.0 / n)
    o_ref[...] = x - jnp.concatenate([m] * 8, axis=1)


def kernel(points, faces, vert_tri_indices, vert_tri_weights):
    bs, n, _ = points.shape
    f = faces.shape[0]
    dt = points.dtype

    p_rows = jnp.transpose(points, (1, 0, 2)).reshape(n, bs * 3)
    p_rows = jnp.pad(p_rows, ((0, 0), (0, 16 - bs * 3)))
    f1d = [jnp.pad(faces[:, k], (0, _F_PAD - f)) for k in range(3)]
    vt1d = jnp.pad(vert_tri_indices.reshape(-1), (0, (_N_PAD - n) * 8))
    w_flat = jnp.pad(vert_tri_weights.reshape(-1), (0, (_N_PAD - n) * 8))

    mesh = plsc.VectorSubcoreMesh(core_axis_name="c", subcore_axis_name="s")
    f32 = jnp.float32
    i32 = jnp.int32
    cp = pltpu.CompilerParams()
    fields = pltpu.CompilerParams.__dataclass_fields__
    if "needs_layout_passes" in fields:
        cp = dataclasses.replace(cp, needs_layout_passes=False)
    if "use_tc_tiling_on_sc" in fields:
        cp = dataclasses.replace(cp, use_tc_tiling_on_sc=False)

    fn_rows = pl.kernel(
        _face_body,
        out_type=jax.ShapeDtypeStruct((_F_PAD, 16), f32),
        mesh=mesh,
        scratch_types=(
            [pltpu.VMEM((_F_CH,), i32)] * 6
            + [pltpu.VMEM((_F_CH, 16), f32)] * 8
            + [pltpu.SemaphoreType.DMA] * 4
        ),
        compiler_params=cp,
    )(p_rows, f1d[0], f1d[1], f1d[2])

    vn_rows = pl.kernel(
        _vert_body,
        out_type=jax.ShapeDtypeStruct((_N_PAD, 16), f32),
        mesh=mesh,
        scratch_types=[
            pltpu.VMEM((_V_CH * 8,), i32),
            pltpu.VMEM((_V_CH * 8,), i32),
            pltpu.VMEM((_V_CH * 8,), f32),
            pltpu.VMEM((_V_CH * 8,), f32),
            pltpu.VMEM((_V_CH * 8, 16), f32),
            pltpu.VMEM((_V_CH * 8, 16), f32),
            pltpu.VMEM((_V_CH, 16), f32),
            pltpu.VMEM((_V_CH, 16), f32),
            pltpu.SemaphoreType.DMA,
            pltpu.SemaphoreType.DMA,
            pltpu.SemaphoreType.DMA,
            pltpu.SemaphoreType.DMA,
        ],
        compiler_params=cp,
    )(fn_rows, vt1d, w_flat)

    pts2d = pl.pallas_call(
        lambda x_ref, o_ref: _center_body(x_ref, o_ref, n),
        out_shape=jax.ShapeDtypeStruct((n // 8, 128), f32),
    )(p_rows.reshape(n // 8, 128))

    pts = pts2d.reshape(n, 16)[:, : bs * 3].reshape(n, bs, 3).transpose(1, 0, 2)
    vn = vn_rows[:n, : bs * 3].reshape(n, bs, 3).transpose(1, 0, 2)
    rgb = jnp.ones((bs, n, 3), dt)
    return pts, vn, rgb

# --- scband reference (transcript-rebuilt; emitter-appended) ---
"""Pipeline reference for scband-points-renderer-60138132079226 (READ-ONLY COPY).

The authoritative reference and input builder live on the scoring server;
editing this copy changes nothing except your own understanding.
"""

import jax, jax.numpy as jnp
import numpy as np


def _normalize(x, eps=1e-12):
    n = jnp.linalg.norm(x, ord=2, axis=-1, keepdims=True)
    return x / jnp.maximum(n, eps)


def setup_inputs(seed: int = 0) -> dict:
    key = jax.random.key(seed)
    k1, k2, k3, k4 = jax.random.split(key, 4)
    bs, N, F_, c = 4, 100000, 200000, 8
    points = jax.random.normal(k1, (bs, N, 3), dtype=jnp.float32)
    faces = jax.random.randint(k2, (F_, 3), 0, N, dtype=jnp.int32)
    vert_tri_indices = jax.random.randint(k3, (N, c), 0, F_, dtype=jnp.int32)
    vert_tri_weights = jax.random.uniform(k4, (N, c, 1), dtype=jnp.float32)
    return {"points": points, "faces": faces, "vert_tri_indices": vert_tri_indices, "vert_tri_weights": vert_tri_weights}


def reference(points, faces, vert_tri_indices, vert_tri_weights):
    max_brightness = 1.0
    bs = points.shape[0]
    # rgb features (constant brightness)
    rgb = jnp.ones((bs, points.shape[1], 3), dtype=points.dtype) * max_brightness
    # get_face_normals: gather vertices by face ids, cross product, normalize
    v0 = jnp.take(points, faces[:, 0], axis=1)
    v1 = jnp.take(points, faces[:, 1], axis=1) - v0
    v2 = jnp.take(points, faces[:, 2], axis=1) - v0
    face_normals = _normalize(jnp.cross(v1, v2, axis=-1))
    # get_vertex_normals: gather incident face normals per vertex, weighted sum (segment reduce), normalize
    r, c = vert_tri_indices.shape
    fn_group = jnp.take(face_normals, vert_tri_indices.reshape(-1), axis=1).reshape(bs, r, c, 3)
    weighted_fn_group = fn_group * vert_tri_weights
    vertex_normals = _normalize(weighted_fn_group.sum(axis=-2))
    # translate points to centroid origin
    tm = points.mean(axis=-2, keepdims=True)
    pts = points - tm
    return pts, vertex_normals, rgb

if __name__ == "__main__":
    import jax
    _d = setup_inputs()
    print(jax.jit(kernel)(*tuple(_d.values())))

</pallas_src>

<mosaic_0001>
#map = affine_map<(d0, d1) -> (0, 0)>
#map1 = affine_map<(d0, d1) -> (0)>
module attributes {stable_mosaic.version = 14 : i64} {
  func.func @_face_body(%arg0: i32, %arg1: i32, %arg2: memref<100000x16xf32, #tpu.memory_space<hbm>>, %arg3: memref<200704xi32, #tpu.memory_space<hbm>>, %arg4: memref<200704xi32, #tpu.memory_space<hbm>>, %arg5: memref<200704xi32, #tpu.memory_space<hbm>>, %arg6: memref<200704x16xf32, #tpu.memory_space<hbm>>, %arg7: memref<448xi32, #tpu.memory_space<vmem>>, %arg8: memref<448xi32, #tpu.memory_space<vmem>>, %arg9: memref<448xi32, #tpu.memory_space<vmem>>, %arg10: memref<448xi32, #tpu.memory_space<vmem>>, %arg11: memref<448xi32, #tpu.memory_space<vmem>>, %arg12: memref<448xi32, #tpu.memory_space<vmem>>, %arg13: memref<448x16xf32, #tpu.memory_space<vmem>>, %arg14: memref<448x16xf32, #tpu.memory_space<vmem>>, %arg15: memref<448x16xf32, #tpu.memory_space<vmem>>, %arg16: memref<448x16xf32, #tpu.memory_space<vmem>>, %arg17: memref<448x16xf32, #tpu.memory_space<vmem>>, %arg18: memref<448x16xf32, #tpu.memory_space<vmem>>, %arg19: memref<448x16xf32, #tpu.memory_space<vmem>>, %arg20: memref<448x16xf32, #tpu.memory_space<vmem>>, %arg21: memref<!tpu.dma_semaphore, #tpu.memory_space<semaphore_mem>>, %arg22: memref<!tpu.dma_semaphore, #tpu.memory_space<semaphore_mem>>, %arg23: memref<!tpu.dma_semaphore, #tpu.memory_space<semaphore_mem>>, %arg24: memref<!tpu.dma_semaphore, #tpu.memory_space<semaphore_mem>>) attributes {dimension_semantics = [#tpu.dimension_semantics<core_parallel>, #tpu.dimension_semantics<subcore_parallel>], iteration_bounds = array<i64: 2, 16>, scalar_prefetch = 0 : i64, scratch_operands = 18 : i64, tpu.core_type = #tpu.core_type<sc_vector_subcore>, window_params = [{transform_indices = #map}, {transform_indices = #map1}, {transform_indices = #map1}, {transform_indices = #map1}, {transform_indices = #map}]} {
    %mul3A = arith.constant 2 : i32
    %mul3A_0 = arith.muli %arg1, %mul3A : i32
    %add3A = arith.addi %mul3A_0, %arg0 : i32
    %iota3A = tpu.iota {dimensions = array<i32: 0>} : vector<16xi32>
    %mul3A_1 = arith.constant 14 : i32
    %mul3A_2 = arith.muli %add3A, %mul3A_1 : i32
    %add3A_3 = arith.constant 0 : i32
    %add3A_4 = arith.addi %mul3A_2, %add3A_3 : i32
    %mul3A_5 = arith.constant 448 : i32
    %mul3A_6 = arith.muli %add3A_4, %mul3A_5 : i32
    %multiple_of3A = tpu.assume_multiple %mul3A_6, 8 : i32
    %dma_start3A = tpu.memref_slice %arg3[%multiple_of3A] : memref<200704xi32, #tpu.memory_space<hbm>> -> memref<448xi32, #tpu.memory_space<hbm>>
    %dma_start3A_7 = tpu.memref_slice %arg3[%multiple_of3A] : memref<200704xi32, #tpu.memory_space<hbm>> -> memref<448xi32, #tpu.memory_space<hbm>>
    tpu.enqueue_dma source(%dma_start3A_7 : memref<448xi32, #tpu.memory_space<hbm>>) target(%arg7 : memref<448xi32, #tpu.memory_space<vmem>>) target_semaphore(%arg21 : memref<!tpu.dma_semaphore, #tpu.memory_space<semaphore_mem>>)
    %dma_start3A_8 = tpu.memref_slice %arg4[%multiple_of3A] : memref<200704xi32, #tpu.memory_space<hbm>> -> memref<448xi32, #tpu.memory_space<hbm>>
    %dma_start3A_9 = tpu.memref_slice %arg4[%multiple_of3A] : memref<200704xi32, #tpu.memory_space<hbm>> -> memref<448xi32, #tpu.memory_space<hbm>>
    tpu.enqueue_dma source(%dma_start3A_9 : memref<448xi32, #tpu.memory_space<hbm>>) target(%arg8 : memref<448xi32, #tpu.memory_space<vmem>>) target_semaphore(%arg21 : memref<!tpu.dma_semaphore, #tpu.memory_space<semaphore_mem>>)
    %dma_start3A_10 = tpu.memref_slice %arg5[%multiple_of3A] : memref<200704xi32, #tpu.memory_space<hbm>> -> memref<448xi32, #tpu.memory_space<hbm>>
    %dma_start3A_11 = tpu.memref_slice %arg5[%multiple_of3A] : memref<200704xi32, #tpu.memory_space<hbm>> -> memref<448xi32, #tpu.memory_space<hbm>>
    tpu.enqueue_dma source(%dma_start3A_11 : memref<448xi32, #tpu.memory_space<hbm>>) target(%arg9 : memref<448xi32, #tpu.memory_space<vmem>>) target_semaphore(%arg21 : memref<!tpu.dma_semaphore, #tpu.memory_space<semaphore_mem>>)
    %dma_wait3A = arith.constant 0 : i32
    %dma_wait3A_12 = tpu.memref_slice %arg3[%dma_wait3A] : memref<200704xi32, #tpu.memory_space<hbm>> -> memref<448xi32, #tpu.memory_space<hbm>>
    %dma_wait3A_13 = arith.constant 0 : i32
    %dma_wait3A_14 = tpu.memref_slice %arg3[%dma_wait3A_13] : memref<200704xi32, #tpu.memory_space<hbm>> -> memref<448xi32, #tpu.memory_space<hbm>>
    tpu.wait_dma2 semaphore(%arg21 : memref<!tpu.dma_semaphore, #tpu.memory_space<semaphore_mem>>) src(%dma_wait3A_14 : memref<448xi32, #tpu.memory_space<hbm>>) dst(%arg7 : memref<448xi32, #tpu.memory_space<vmem>>)
    %dma_wait3A_15 = arith.constant 0 : i32
    %dma_wait3A_16 = tpu.memref_slice %arg4[%dma_wait3A_15] : memref<200704xi32, #tpu.memory_space<hbm>> -> memref<448xi32, #tpu.memory_space<hbm>>
    %dma_wait3A_17 = arith.constant 0 : i32
    %dma_wait3A_18 = tpu.memref_slice %arg4[%dma_wait3A_17] : memref<200704xi32, #tpu.memory_space<hbm>> -> memref<448xi32, #tpu.memory_space<hbm>>
    tpu.wait_dma2 semaphore(%arg21 : memref<!tpu.dma_semaphore, #tpu.memory_space<semaphore_mem>>) src(%dma_wait3A_18 : memref<448xi32, #tpu.memory_space<hbm>>) dst(%arg8 : memref<448xi32, #tpu.memory_space<vmem>>)
    %dma_wait3A_19 = arith.constant 0 : i32
    %dma_wait3A_20 = tpu.memref_slice %arg5[%dma_wait3A_19] : memref<200704xi32, #tpu.memory_space<hbm>> -> memref<448xi32, #tpu.memory_space<hbm>>
    %dma_wait3A_21 = arith.constant 0 : i32
    %dma_wait3A_22 = tpu.memref_slice %arg5[%dma_wait3A_21] : memref<200704xi32, #tpu.memory_space<hbm>> -> memref<448xi32, #tpu.memory_space<hbm>>
    tpu.wait_dma2 semaphore(%arg21 : memref<!tpu.dma_semaphore, #tpu.memory_space<semaphore_mem>>) src(%dma_wait3A_22 : memref<448xi32, #tpu.memory_space<hbm>>) dst(%arg9 : memref<448xi32, #tpu.memory_space<vmem>>)
    %dma_start3A_23 = arith.constant 0 : i32
    %dma_start3A_24 = arith.constant 0 : i32
    %dma_start3A_25 = tpu.memref_slice %arg2[%dma_start3A_23, %dma_start3A_24] : memref<100000x16xf32, #tpu.memory_space<hbm>> -> memref<100000x16xf32, #tpu.memory_space<hbm>>
    tpu.enqueue_indirect_dma source(%dma_start3A_25 : memref<100000x16xf32, #tpu.memory_space<hbm>>) target(%arg13 : memref<448x16xf32, #tpu.memory_space<vmem>>) offsets(%arg7 : memref<448xi32, #tpu.memory_space<vmem>>) semaphore(%arg23 : memref<!tpu.dma_semaphore, #tpu.memory_space<semaphore_mem>>)
    %dma_start3A_26 = arith.constant 0 : i32
    %dma_start3A_27 = arith.constant 0 : i32
    %dma_start3A_28 = tpu.memref_slice %arg2[%dma_start3A_26, %dma_start3A_27] : memref<100000x16xf32, #tpu.memory_space<hbm>> -> memref<100000x16xf32, #tpu.memory_space<hbm>>
    tpu.enqueue_indirect_dma source(%dma_start3A_28 : memref<100000x16xf32, #tpu.memory_space<hbm>>) target(%arg14 : memref<448x16xf32, #tpu.memory_space<vmem>>) offsets(%arg8 : memref<448xi32, #tpu.memory_space<vmem>>) semaphore(%arg23 : memref<!tpu.dma_semaphore, #tpu.memory_space<semaphore_mem>>)
    %dma_start3A_29 = arith.constant 0 : i32
    %dma_start3A_30 = arith.constant 0 : i32
    %dma_start3A_31 = tpu.memref_slice %arg2[%dma_start3A_29, %dma_start3A_30] : memref<100000x16xf32, #tpu.memory_space<hbm>> -> memref<100000x16xf32, #tpu.memory_space<hbm>>
    tpu.enqueue_indirect_dma source(%dma_start3A_31 : memref<100000x16xf32, #tpu.memory_space<hbm>>) target(%arg15 : memref<448x16xf32, #tpu.memory_space<vmem>>) offsets(%arg9 : memref<448xi32, #tpu.memory_space<vmem>>) semaphore(%arg23 : memref<!tpu.dma_semaphore, #tpu.memory_space<semaphore_mem>>)
    %mul3A_32 = arith.constant 14 : i32
    %mul3A_33 = arith.muli %add3A, %mul3A_32 : i32
    %add3A_34 = arith.constant 1 : i32
    %add3A_35 = arith.addi %mul3A_33, %add3A_34 : i32
    %mul3A_36 = arith.constant 448 : i32
    %mul3A_37 = arith.muli %add3A_35, %mul3A_36 : i32
    %multiple_of3A_38 = tpu.assume_multiple %mul3A_37, 8 : i32
    %dma_start3A_39 = tpu.memref_slice %arg3[%multiple_of3A_38] : memref<200704xi32, #tpu.memory_space<hbm>> -> memref<448xi32, #tpu.memory_space<hbm>>
    %dma_start3A_40 = tpu.memref_slice %arg3[%multiple_of3A_38] : memref<200704xi32, #tpu.memory_space<hbm>> -> memref<448xi32, #tpu.memory_space<hbm>>
    tpu.enqueue_dma source(%dma_start3A_40 : memref<448xi32, #tpu.memory_space<hbm>>) target(%arg10 : memref<448xi32, #tpu.memory_space<vmem>>) target_semaphore(%arg22 : memref<!tpu.dma_semaphore, #tpu.memory_space<semaphore_mem>>)
    %dma_start3A_41 = tpu.memref_slice %arg4[%multiple_of3A_38] : memref<200704xi32, #tpu.memory_space<hbm>> -> memref<448xi32, #tpu.memory_space<hbm>>
    %dma_start3A_42 = tpu.memref_slice %arg4[%multiple_of3A_38] : memref<200704xi32, #tpu.memory_space<hbm>> -> memref<448xi32, #tpu.memory_space<hbm>>
    tpu.enqueue_dma source(%dma_start3A_42 : memref<448xi32, #tpu.memory_space<hbm>>) target(%arg11 : memref<448xi32, #tpu.memory_space<vmem>>) target_semaphore(%arg22 : memref<!tpu.dma_semaphore, #tpu.memory_space<semaphore_mem>>)
    %dma_start3A_43 = tpu.memref_slice %arg5[%multiple_of3A_38] : memref<200704xi32, #tpu.memory_space<hbm>> -> memref<448xi32, #tpu.memory_space<hbm>>
    %dma_start3A_44 = tpu.memref_slice %arg5[%multiple_of3A_38] : memref<200704xi32, #tpu.memory_space<hbm>> -> memref<448xi32, #tpu.memory_space<hbm>>
    tpu.enqueue_dma source(%dma_start3A_44 : memref<448xi32, #tpu.memory_space<hbm>>) target(%arg12 : memref<448xi32, #tpu.memory_space<vmem>>) target_semaphore(%arg22 : memref<!tpu.dma_semaphore, #tpu.memory_space<semaphore_mem>>)
    %scan3A = arith.constant 0 : i32
    %scan3A_45 = arith.constant 7 : i32
    %scan3A_46 = arith.addi %scan3A, %scan3A_45 : i32
    %scan3A_47 = arith.constant 1 : i32
    scf.for %scan3A_70 = %scan3A to %scan3A_46 step %scan3A_47  : i32 {
      %mul3A_71 = arith.constant 1 : i32
      %mul3A_72 = arith.muli %scan3A_70, %mul3A_71 : i32
      %add3A_73 = arith.constant 0 : i32
      %add3A_74 = arith.addi %add3A_73, %mul3A_72 : i32
      %mul3A_75 = arith.constant 2 : i32
      %mul3A_76 = arith.muli %add3A_74, %mul3A_75 : i32
      %dma_wait3A_77 = arith.constant 0 : i32
      %dma_wait3A_78 = arith.constant 0 : i32
      %dma_wait3A_79 = tpu.memref_slice %arg2[%dma_wait3A_77, %dma_wait3A_78] : memref<100000x16xf32, #tpu.memory_space<hbm>> -> memref<100000x16xf32, #tpu.memory_space<hbm>>
      tpu.wait_indirect_dma semaphore(%arg23 : memref<!tpu.dma_semaphore, #tpu.memory_space<semaphore_mem>>) src(%dma_wait3A_79 : memref<100000x16xf32, #tpu.memory_space<hbm>>) dst(%arg13 : memref<448x16xf32, #tpu.memory_space<vmem>>)
      %dma_wait3A_80 = arith.constant 0 : i32
      %dma_wait3A_81 = arith.constant 0 : i32
      %dma_wait3A_82 = tpu.memref_slice %arg2[%dma_wait3A_80, %dma_wait3A_81] : memref<100000x16xf32, #tpu.memory_space<hbm>> -> memref<100000x16xf32, #tpu.memory_space<hbm>>
      tpu.wait_indirect_dma semaphore(%arg23 : memref<!tpu.dma_semaphore, #tpu.memory_space<semaphore_mem>>) src(%dma_wait3A_82 : memref<100000x16xf32, #tpu.memory_space<hbm>>) dst(%arg14 : memref<448x16xf32, #tpu.memory_space<vmem>>)
      %dma_wait3A_83 = arith.constant 0 : i32
      %dma_wait3A_84 = arith.constant 0 : i32
      %dma_wait3A_85 = tpu.memref_slice %arg2[%dma_wait3A_83, %dma_wait3A_84] : memref<100000x16xf32, #tpu.memory_space<hbm>> -> memref<100000x16xf32, #tpu.memory_space<hbm>>
      tpu.wait_indirect_dma semaphore(%arg23 : memref<!tpu.dma_semaphore, #tpu.memory_space<semaphore_mem>>) src(%dma_wait3A_85 : memref<100000x16xf32, #tpu.memory_space<hbm>>) dst(%arg15 : memref<448x16xf32, #tpu.memory_space<vmem>>)
      %dma_wait3A_86 = arith.constant 0 : i32
      %dma_wait3A_87 = tpu.memref_slice %arg3[%dma_wait3A_86] : memref<200704xi32, #tpu.memory_space<hbm>> -> memref<448xi32, #tpu.memory_space<hbm>>
      %dma_wait3A_88 = arith.constant 0 : i32
      %dma_wait3A_89 = tpu.memref_slice %arg3[%dma_wait3A_88] : memref<200704xi32, #tpu.memory_space<hbm>> -> memref<448xi32, #tpu.memory_space<hbm>>
      tpu.wait_dma2 semaphore(%arg22 : memref<!tpu.dma_semaphore, #tpu.memory_space<semaphore_mem>>) src(%dma_wait3A_89 : memref<448xi32, #tpu.memory_space<hbm>>) dst(%arg10 : memref<448xi32, #tpu.memory_space<vmem>>)
      %dma_wait3A_90 = arith.constant 0 : i32
      %dma_wait3A_91 = tpu.memref_slice %arg4[%dma_wait3A_90] : memref<200704xi32, #tpu.memory_space<hbm>> -> memref<448xi32, #tpu.memory_space<hbm>>
      %dma_wait3A_92 = arith.constant 0 : i32
      %dma_wait3A_93 = tpu.memref_slice %arg4[%dma_wait3A_92] : memref<200704xi32, #tpu.memory_space<hbm>> -> memref<448xi32, #tpu.memory_space<hbm>>
      tpu.wait_dma2 semaphore(%arg22 : memref<!tpu.dma_semaphore, #tpu.memory_space<semaphore_mem>>) src(%dma_wait3A_93 : memref<448xi32, #tpu.memory_space<hbm>>) dst(%arg11 : memref<448xi32, #tpu.memory_space<vmem>>)
      %dma_wait3A_94 = arith.constant 0 : i32
      %dma_wait3A_95 = tpu.memref_slice %arg5[%dma_wait3A_94] : memref<200704xi32, #tpu.memory_space<hbm>> -> memref<448xi32, #tpu.memory_space<hbm>>
      %dma_wait3A_96 = arith.constant 0 : i32
      %dma_wait3A_97 = tpu.memref_slice %arg5[%dma_wait3A_96] : memref<200704xi32, #tpu.memory_space<hbm>> -> memref<448xi32, #tpu.memory_space<hbm>>
      tpu.wait_dma2 semaphore(%arg22 : memref<!tpu.dma_semaphore, #tpu.memory_space<semaphore_mem>>) src(%dma_wait3A_97 : memref<448xi32, #tpu.memory_space<hbm>>) dst(%arg12 : memref<448xi32, #tpu.memory_space<vmem>>)
      %dma_start3A_98 = arith.constant 0 : i32
      %dma_start3A_99 = arith.constant 0 : i32
      %dma_start3A_100 = tpu.memref_slice %arg2[%dma_start3A_98, %dma_start3A_99] : memref<100000x16xf32, #tpu.memory_space<hbm>> -> memref<100000x16xf32, #tpu.memory_space<hbm>>
      tpu.enqueue_indirect_dma source(%dma_start3A_100 : memref<100000x16xf32, #tpu.memory_space<hbm>>) target(%arg16 : memref<448x16xf32, #tpu.memory_space<vmem>>) offsets(%arg10 : memref<448xi32, #tpu.memory_space<vmem>>) semaphore(%arg24 : memref<!tpu.dma_semaphore, #tpu.memory_space<semaphore_mem>>)
      %dma_start3A_101 = arith.constant 0 : i32
      %dma_start3A_102 = arith.constant 0 : i32
      %dma_start3A_103 = tpu.memref_slice %arg2[%dma_start3A_101, %dma_start3A_102] : memref<100000x16xf32, #tpu.memory_space<hbm>> -> memref<100000x16xf32, #tpu.memory_space<hbm>>
      tpu.enqueue_indirect_dma source(%dma_start3A_103 : memref<100000x16xf32, #tpu.memory_space<hbm>>) target(%arg17 : memref<448x16xf32, #tpu.memory_space<vmem>>) offsets(%arg11 : memref<448xi32, #tpu.memory_space<vmem>>) semaphore(%arg24 : memref<!tpu.dma_semaphore, #tpu.memory_space<semaphore_mem>>)
      %dma_start3A_104 = arith.constant 0 : i32
      %dma_start3A_105 = arith.constant 0 : i32
      %dma_start3A_106 = tpu.memref_slice %arg2[%dma_start3A_104, %dma_start3A_105] : memref<100000x16xf32, #tpu.memory_space<hbm>> -> memref<100000x16xf32, #tpu.memory_space<hbm>>
      tpu.enqueue_indirect_dma source(%dma_start3A_106 : memref<100000x16xf32, #tpu.memory_space<hbm>>) target(%arg18 : memref<448x16xf32, #tpu.memory_space<vmem>>) offsets(%arg12 : memref<448xi32, #tpu.memory_space<vmem>>) semaphore(%arg24 : memref<!tpu.dma_semaphore, #tpu.memory_space<semaphore_mem>>)
      %scan3A_107 = arith.constant 0 : i32
      %scan3A_108 = arith.constant 28 : i32
      %scan3A_109 = arith.addi %scan3A_107, %scan3A_108 : i32
      %scan3A_110 = arith.constant 1 : i32
      scf.for %scan3A_192 = %scan3A_107 to %scan3A_109 step %scan3A_110  : i32 {
        %mul3A_193 = arith.constant 1 : i32
        %mul3A_194 = arith.muli %scan3A_192, %mul3A_193 : i32
        %add3A_195 = arith.constant 0 : i32
        %add3A_196 = arith.addi %add3A_195, %mul3A_194 : i32
        %mul3A_197 = arith.constant 16 : i32
        %mul3A_198 = arith.muli %add3A_196, %mul3A_197 : i32
        %add3A_199 = vector.broadcast %mul3A_198 : i32 to vector<16xi32>
        %add3A_200 = arith.addi %add3A_199, %iota3A : vector<16xi32>
        %broadcast_in_dim3A = arith.constant 0 : i32
        %broadcast_in_dim3A_201 = vector.broadcast %broadcast_in_dim3A : i32 to vector<16xi32>
        %gather3A = tpu.vector_load_idx %arg13[%add3A_200, %broadcast_in_dim3A_201] : memref<448x16xf32, #tpu.memory_space<vmem>>[vector<16xi32>, vector<16xi32>], vector<16xf32>,
        %broadcast_in_dim3A_202 = arith.constant 1 : i32
        %broadcast_in_dim3A_203 = vector.broadcast %broadcast_in_dim3A_202 : i32 to vector<16xi32>
        %gather3A_204 = tpu.vector_load_idx %arg13[%add3A_200, %broadcast_in_dim3A_203] : memref<448x16xf32, #tpu.memory_space<vmem>>[vector<16xi32>, vector<16xi32>], vector<16xf32>,
        %broadcast_in_dim3A_205 = arith.constant 2 : i32
        %broadcast_in_dim3A_206 = vector.broadcast %broadcast_in_dim3A_205 : i32 to vector<16xi32>
        %gather3A_207 = tpu.vector_load_idx %arg13[%add3A_200, %broadcast_in_dim3A_206] : memref<448x16xf32, #tpu.memory_space<vmem>>[vector<16xi32>, vector<16xi32>], vector<16xf32>,
        %broadcast_in_dim3A_208 = arith.constant 3 : i32
        %broadcast_in_dim3A_209 = vector.broadcast %broadcast_in_dim3A_208 : i32 to vector<16xi32>
        %gather3A_210 = tpu.vector_load_idx %arg13[%add3A_200, %broadcast_in_dim3A_209] : memref<448x16xf32, #tpu.memory_space<vmem>>[vector<16xi32>, vector<16xi32>], vector<16xf32>,
        %broadcast_in_dim3A_211 = arith.constant 4 : i32
        %broadcast_in_dim3A_212 = vector.broadcast %broadcast_in_dim3A_211 : i32 to vector<16xi32>
        %gather3A_213 = tpu.vector_load_idx %arg13[%add3A_200, %broadcast_in_dim3A_212] : memref<448x16xf32, #tpu.memory_space<vmem>>[vector<16xi32>, vector<16xi32>], vector<16xf32>,
        %broadcast_in_dim3A_214 = arith.constant 5 : i32
        %broadcast_in_dim3A_215 = vector.broadcast %broadcast_in_dim3A_214 : i32 to vector<16xi32>
        %gather3A_216 = tpu.vector_load_idx %arg13[%add3A_200, %broadcast_in_dim3A_215] : memref<448x16xf32, #tpu.memory_space<vmem>>[vector<16xi32>, vector<16xi32>], vector<16xf32>,
        %broadcast_in_dim3A_217 = arith.constant 6 : i32
        %broadcast_in_dim3A_218 = vector.broadcast %broadcast_in_dim3A_217 : i32 to vector<16xi32>
        %gather3A_219 = tpu.vector_load_idx %arg13[%add3A_200, %broadcast_in_dim3A_218] : memref<448x16xf32, #tpu.memory_space<vmem>>[vector<16xi32>, vector<16xi32>], vector<16xf32>,
        %broadcast_in_dim3A_220 = arith.constant 7 : i32
        %broadcast_in_dim3A_221 = vector.broadcast %broadcast_in_dim3A_220 : i32 to vector<16xi32>
        %gather3A_222 = tpu.vector_load_idx %arg13[%add3A_200, %broadcast_in_dim3A_221] : memref<448x16xf32, #tpu.memory_space<vmem>>[vector<16xi32>, vector<16xi32>], vector<16xf32>,
        %broadcast_in_dim3A_223 = arith.constant 8 : i32
        %broadcast_in_dim3A_224 = vector.broadcast %broadcast_in_dim3A_223 : i32 to vector<16xi32>
        %gather3A_225 = tpu.vector_load_idx %arg13[%add3A_200, %broadcast_in_dim3A_224] : memref<448x16xf32, #tpu.memory_space<vmem>>[vector<16xi32>, vector<16xi32>], vector<16xf32>,
        %broadcast_in_dim3A_226 = arith.constant 9 : i32
        %broadcast_in_dim3A_227 = vector.broadcast %broadcast_in_dim3A_226 : i32 to vector<16xi32>
        %gather3A_228 = tpu.vector_load_idx %arg13[%add3A_200, %broadcast_in_dim3A_227] : memref<448x16xf32, #tpu.memory_space<vmem>>[vector<16xi32>, vector<16xi32>], vector<16xf32>,
        %broadcast_in_dim3A_229 = arith.constant 10 : i32
        %broadcast_in_dim3A_230 = vector.broadcast %broadcast_in_dim3A_229 : i32 to vector<16xi32>
        %gather3A_231 = tpu.vector_load_idx %arg13[%add3A_200, %broadcast_in_dim3A_230] : memref<448x16xf32, #tpu.memory_space<vmem>>[vector<16xi32>, vector<16xi32>], vector<16xf32>,
        %broadcast_in_dim3A_232 = arith.constant 11 : i32
        %broadcast_in_dim3A_233 = vector.broadcast %broadcast_in_dim3A_232 : i32 to vector<16xi32>
        %gather3A_234 = tpu.vector_load_idx %arg13[%add3A_200, %broadcast_in_dim3A_233] : memref<448x16xf32, #tpu.memory_space<vmem>>[vector<16xi32>, vector<16xi32>], vector<16xf32>,
        %broadcast_in_dim3A_235 = arith.constant 0 : i32
        %broadcast_in_dim3A_236 = vector.broadcast %broadcast_in_dim3A_235 : i32 to vector<16xi32>
        %gather3A_237 = tpu.vector_load_idx %arg14[%add3A_200, %broadcast_in_dim3A_236] : memref<448x16xf32, #tpu.memory_space<vmem>>[vector<16xi32>, vector<16xi32>], vector<16xf32>,
        %broadcast_in_dim3A_238 = arith.constant 1 : i32
        %broadcast_in_dim3A_239 = vector.broadcast %broadcast_in_dim3A_238 : i32 to vector<16xi32>
        %gather3A_240 = tpu.vector_load_idx %arg14[%add3A_200, %broadcast_in_dim3A_239] : memref<448x16xf32, #tpu.memory_space<vmem>>[vector<16xi32>, vector<16xi32>], vector<16xf32>,
        %broadcast_in_dim3A_241 = arith.constant 2 : i32
        %broadcast_in_dim3A_242 = vector.broadcast %broadcast_in_dim3A_241 : i32 to vector<16xi32>
        %gather3A_243 = tpu.vector_load_idx %arg14[%add3A_200, %broadcast_in_dim3A_242] : memref<448x16xf32, #tpu.memory_space<vmem>>[vector<16xi32>, vector<16xi32>], vector<16xf32>,
        %broadcast_in_dim3A_244 = arith.constant 3 : i32
        %broadcast_in_dim3A_245 = vector.broadcast %broadcast_in_dim3A_244 : i32 to vector<16xi32>
        %gather3A_246 = tpu.vector_load_idx %arg14[%add3A_200, %broadcast_in_dim3A_245] : memref<448x16xf32, #tpu.memory_space<vmem>>[vector<16xi32>, vector<16xi32>], vector<16xf32>,
        %broadcast_in_dim3A_247 = arith.constant 4 : i32
        %broadcast_in_dim3A_248 = vector.broadcast %broadcast_in_dim3A_247 : i32 to vector<16xi32>
        %gather3A_249 = tpu.vector_load_idx %arg14[%add3A_200, %broadcast_in_dim3A_248] : memref<448x16xf32, #tpu.memory_space<vmem>>[vector<16xi32>, vector<16xi32>], vector<16xf32>,
        %broadcast_in_dim3A_250 = arith.constant 5 : i32
        %broadcast_in_dim3A_251 = vector.broadcast %broadcast_in_dim3A_250 : i32 to vector<16xi32>
        %gather3A_252 = tpu.vector_load_idx %arg14[%add3A_200, %broadcast_in_dim3A_251] : memref<448x16xf32, #tpu.memory_space<vmem>>[vector<16xi32>, vector<16xi32>], vector<16xf32>,
        %broadcast_in_dim3A_253 = arith.constant 6 : i32
        %broadcast_in_dim3A_254 = vector.broadcast %broadcast_in_dim3A_253 : i32 to vector<16xi32>
        %gather3A_255 = tpu.vector_load_idx %arg14[%add3A_200, %broadcast_in_dim3A_254] : memref<448x16xf32, #tpu.memory_space<vmem>>[vector<16xi32>, vector<16xi32>], vector<16xf32>,
        %broadcast_in_dim3A_256 = arith.constant 7 : i32
        %broadcast_in_dim3A_257 = vector.broadcast %broadcast_in_dim3A_256 : i32 to vector<16xi32>
        %gather3A_258 = tpu.vector_load_idx %arg14[%add3A_200, %broadcast_in_dim3A_257] : memref<448x16xf32, #tpu.memory_space<vmem>>[vector<16xi32>, vector<16xi32>], vector<16xf32>,
        %broadcast_in_dim3A_259 = arith.constant 8 : i32
        %broadcast_in_dim3A_260 = vector.broadcast %broadcast_in_dim3A_259 : i32 to vector<16xi32>
        %gather3A_261 = tpu.vector_load_idx %arg14[%add3A_200, %broadcast_in_dim3A_260] : memref<448x16xf32, #tpu.memory_space<vmem>>[vector<16xi32>, vector<16xi32>], vector<16xf32>,
        %broadcast_in_dim3A_262 = arith.constant 9 : i32
        %broadcast_in_dim3A_263 = vector.broadcast %broadcast_in_dim3A_262 : i32 to vector<16xi32>
        %gather3A_264 = tpu.vector_load_idx %arg14[%add3A_200, %broadcast_in_dim3A_263] : memref<448x16xf32, #tpu.memory_space<vmem>>[vector<16xi32>, vector<16xi32>], vector<16xf32>,
        %broadcast_in_dim3A_265 = arith.constant 10 : i32
        %broadcast_in_dim3A_266 = vector.broadcast %broadcast_in_dim3A_265 : i32 to vector<16xi32>
        %gather3A_267 = tpu.vector_load_idx %arg14[%add3A_200, %broadcast_in_dim3A_266] : memref<448x16xf32, #tpu.memory_space<vmem>>[vector<16xi32>, vector<16xi32>], vector<16xf32>,
        %broadcast_in_dim3A_268 = arith.constant 11 : i32
        %broadcast_in_dim3A_269 = vector.broadcast %broadcast_in_dim3A_268 : i32 to vector<16xi32>
        %gather3A_270 = tpu.vector_load_idx %arg14[%add3A_200, %broadcast_in_dim3A_269] : memref<448x16xf32, #tpu.memory_space<vmem>>[vector<16xi32>, vector<16xi32>], vector<16xf32>,
        %broadcast_in_dim3A_271 = arith.constant 0 : i32
        %broadcast_in_dim3A_272 = vector.broadcast %broadcast_in_dim3A_271 : i32 to vector<16xi32>
        %gather3A_273 = tpu.vector_load_idx %arg15[%add3A_200, %broadcast_in_dim3A_272] : memref<448x16xf32, #tpu.memory_space<vmem>>[vector<16xi32>, vector<16xi32>], vector<16xf32>,
        %broadcast_in_dim3A_274 = arith.constant 1 : i32
        %broadcast_in_dim3A_275 = vector.broadcast %broadcast_in_dim3A_274 : i32 to vector<16xi32>
        %gather3A_276 = tpu.vector_load_idx %arg15[%add3A_200, %broadcast_in_dim3A_275] : memref<448x16xf32, #tpu.memory_space<vmem>>[vector<16xi32>, vector<16xi32>], vector<16xf32>,
        %broadcast_in_dim3A_277 = arith.constant 2 : i32
        %broadcast_in_dim3A_278 = vector.broadcast %broadcast_in_dim3A_277 : i32 to vector<16xi32>
        %gather3A_279 = tpu.vector_load_idx %arg15[%add3A_200, %broadcast_in_dim3A_278] : memref<448x16xf32, #tpu.memory_space<vmem>>[vector<16xi32>, vector<16xi32>], vector<16xf32>,
        %broadcast_in_dim3A_280 = arith.constant 3 : i32
        %broadcast_in_dim3A_281 = vector.broadcast %broadcast_in_dim3A_280 : i32 to vector<16xi32>
        %gather3A_282 = tpu.vector_load_idx %arg15[%add3A_200, %broadcast_in_dim3A_281] : memref<448x16xf32, #tpu.memory_space<vmem>>[vector<16xi32>, vector<16xi32>], vector<16xf32>,
        %broadcast_in_dim3A_283 = arith.constant 4 : i32
        %broadcast_in_dim3A_284 = vector.broadcast %broadcast_in_dim3A_283 : i32 to vector<16xi32>
        %gather3A_285 = tpu.vector_load_idx %arg15[%add3A_200, %broadcast_in_dim3A_284] : memref<448x16xf32, #tpu.memory_space<vmem>>[vector<16xi32>, vector<16xi32>], vector<16xf32>,
        %broadcast_in_dim3A_286 = arith.constant 5 : i32
        %broadcast_in_dim3A_287 = vector.broadcast %broadcast_in_dim3A_286 : i32 to vector<16xi32>
        %gather3A_288 = tpu.vector_load_idx %arg15[%add3A_200, %broadcast_in_dim3A_287] : memref<448x16xf32, #tpu.memory_space<vmem>>[vector<16xi32>, vector<16xi32>], vector<16xf32>,
        %broadcast_in_dim3A_289 = arith.constant 6 : i32
        %broadcast_in_dim3A_290 = vector.broadcast %broadcast_in_dim3A_289 : i32 to vector<16xi32>
        %gather3A_291 = tpu.vector_load_idx %arg15[%add3A_200, %broadcast_in_dim3A_290] : memref<448x16xf32, #tpu.memory_space<vmem>>[vector<16xi32>, vector<16xi32>], vector<16xf32>,
        %broadcast_in_dim3A_292 = arith.constant 7 : i32
        %broadcast_in_dim3A_293 = vector.broadcast %broadcast_in_dim3A_292 : i32 to vector<16xi32>
        %gather3A_294 = tpu.vector_load_idx %arg15[%add3A_200, %broadcast_in_dim3A_293] : memref<448x16xf32, #tpu.memory_space<vmem>>[vector<16xi32>, vector<16xi32>], vector<16xf32>,
        %broadcast_in_dim3A_295 = arith.constant 8 : i32
        %broadcast_in_dim3A_296 = vector.broadcast %broadcast_in_dim3A_295 : i32 to vector<16xi32>
        %gather3A_297 = tpu.vector_load_idx %arg15[%add3A_200, %broadcast_in_dim3A_296] : memref<448x16xf32, #tpu.memory_space<vmem>>[vector<16xi32>, vector<16xi32>], vector<16xf32>,
        %broadcast_in_dim3A_298 = arith.constant 9 : i32
        %broadcast_in_dim3A_299 = vector.broadcast %broadcast_in_dim3A_298 : i32 to vector<16xi32>
        %gather3A_300 = tpu.vector_load_idx %arg15[%add3A_200, %broadcast_in_dim3A_299] : memref<448x16xf32, #tpu.memory_space<vmem>>[vector<16xi32>, vector<16xi32>], vector<16xf32>,
        %broadcast_in_dim3A_301 = arith.constant 10 : i32
        %broadcast_in_dim3A_302 = vector.broadcast %broadcast_in_dim3A_301 : i32 to vector<16xi32>
        %gather3A_303 = tpu.vector_load_idx %arg15[%add3A_200, %broadcast_in_dim3A_302] : memref<448x16xf32, #tpu.memory_space<vmem>>[vector<16xi32>, vector<16xi32>], vector<16xf32>,
        %broadcast_in_dim3A_304 = arith.constant 11 : i32
        %broadcast_in_dim3A_305 = vector.broadcast %broadcast_in_dim3A_304 : i32 to vector<16xi32>
        %gather3A_306 = tpu.vector_load_idx %arg15[%add3A_200, %broadcast_in_dim3A_305] : memref<448x16xf32, #tpu.memory_space<vmem>>[vector<16xi32>, vector<16xi32>], vector<16xf32>,
        %sub3A = arith.subf %gather3A_237, %gather3A : vector<16xf32>
        %sub3A_307 = arith.subf %gather3A_240, %gather3A_204 : vector<16xf32>
        %sub3A_308 = arith.subf %gather3A_243, %gather3A_207 : vector<16xf32>
        %sub3A_309 = arith.subf %gather3A_246, %gather3A_210 : vector<16xf32>
        %sub3A_310 = arith.subf %gather3A_249, %gather3A_213 : vector<16xf32>
        %sub3A_311 = arith.subf %gather3A_252, %gather3A_216 : vector<16xf32>
        %sub3A_312 = arith.subf %gather3A_255, %gather3A_219 : vector<16xf32>
        %sub3A_313 = arith.subf %gather3A_258, %gather3A_222 : vector<16xf32>
        %sub3A_314 = arith.subf %gather3A_261, %gather3A_225 : vector<16xf32>
        %sub3A_315 = arith.subf %gather3A_264, %gather3A_228 : vector<16xf32>
        %sub3A_316 = arith.subf %gather3A_267, %gather3A_231 : vector<16xf32>
        %sub3A_317 = arith.subf %gather3A_270, %gather3A_234 : vector<16xf32>
        %sub3A_318 = arith.subf %gather3A_273, %gather3A : vector<16xf32>
        %sub3A_319 = arith.subf %gather3A_276, %gather3A_204 : vector<16xf32>
        %sub3A_320 = arith.subf %gather3A_279, %gather3A_207 : vector<16xf32>
        %sub3A_321 = arith.subf %gather3A_282, %gather3A_210 : vector<16xf32>
        %sub3A_322 = arith.subf %gather3A_285, %gather3A_213 : vector<16xf32>
        %sub3A_323 = arith.subf %gather3A_288, %gather3A_216 : vector<16xf32>
        %sub3A_324 = arith.subf %gather3A_291, %gather3A_219 : vector<16xf32>
        %sub3A_325 = arith.subf %gather3A_294, %gather3A_222 : vector<16xf32>
        %sub3A_326 = arith.subf %gather3A_297, %gather3A_225 : vector<16xf32>
        %sub3A_327 = arith.subf %gather3A_300, %gather3A_228 : vector<16xf32>
        %sub3A_328 = arith.subf %gather3A_303, %gather3A_231 : vector<16xf32>
        %sub3A_329 = arith.subf %gather3A_306, %gather3A_234 : vector<16xf32>
        %mul3A_330 = arith.mulf %sub3A_307, %sub3A_320 : vector<16xf32>
        %mul3A_331 = arith.mulf %sub3A_308, %sub3A_319 : vector<16xf32>
        %sub3A_332 = arith.subf %mul3A_330, %mul3A_331 : vector<16xf32>
        %mul3A_333 = arith.mulf %sub3A_308, %sub3A_318 : vector<16xf32>
        %mul3A_334 = arith.mulf %sub3A, %sub3A_320 : vector<16xf32>
        %sub3A_335 = arith.subf %mul3A_333, %mul3A_334 : vector<16xf32>
        %mul3A_336 = arith.mulf %sub3A, %sub3A_319 : vector<16xf32>
        %mul3A_337 = arith.mulf %sub3A_307, %sub3A_318 : vector<16xf32>
        %sub3A_338 = arith.subf %mul3A_336, %mul3A_337 : vector<16xf32>
        %mul3A_339 = arith.mulf %sub3A_332, %sub3A_332 : vector<16xf32>
        %mul3A_340 = arith.mulf %sub3A_335, %sub3A_335 : vector<16xf32>
        %add3A_341 = arith.addf %mul3A_339, %mul3A_340 : vector<16xf32>
        %mul3A_342 = arith.mulf %sub3A_338, %sub3A_338 : vector<16xf32>
        %add3A_343 = arith.addf %add3A_341, %mul3A_342 : vector<16xf32>
        %max3A = arith.constant 1.000000e-24 : f32
        %max3A_344 = vector.broadcast %max3A : f32 to vector<16xf32>
        %max3A_345 = arith.maximumf %add3A_343, %max3A_344 : vector<16xf32>
        %bitcast3A = vector.bitcast %max3A_345 : vector<16xf32> to vector<16xi32>
        %shift_right_arithmetic3A = arith.constant 1 : i32
        %shift_right_arithmetic3A_346 = vector.broadcast %shift_right_arithmetic3A : i32 to vector<16xi32>
        %shift_right_arithmetic3A_347 = arith.shrsi %bitcast3A, %shift_right_arithmetic3A_346 : vector<16xi32>
        %sub3A_348 = arith.constant 1597463007 : i32
        %sub3A_349 = vector.broadcast %sub3A_348 : i32 to vector<16xi32>
        %sub3A_350 = arith.subi %sub3A_349, %shift_right_arithmetic3A_347 : vector<16xi32>
        %bitcast3A_351 = vector.bitcast %sub3A_350 : vector<16xi32> to vector<16xf32>
        %mul3A_352 = arith.constant 5.000000e-01 : f32
        %mul3A_353 = vector.broadcast %mul3A_352 : f32 to vector<16xf32>
        %mul3A_354 = arith.mulf %max3A_345, %mul3A_353 : vector<16xf32>
        %mul3A_355 = arith.mulf %mul3A_354, %bitcast3A_351 : vector<16xf32>
        %mul3A_356 = arith.mulf %mul3A_355, %bitcast3A_351 : vector<16xf32>
        %sub3A_357 = arith.constant 1.500000e+00 : f32
        %sub3A_358 = vector.broadcast %sub3A_357 : f32 to vector<16xf32>
        %sub3A_359 = arith.subf %sub3A_358, %mul3A_356 : vector<16xf32>
        %mul3A_360 = arith.mulf %bitcast3A_351, %sub3A_359 : vector<16xf32>
        %mul3A_361 = arith.mulf %mul3A_354, %mul3A_360 : vector<16xf32>
        %mul3A_362 = arith.mulf %mul3A_361, %mul3A_360 : vector<16xf32>
        %sub3A_363 = arith.constant 1.500000e+00 : f32
        %sub3A_364 = vector.broadcast %sub3A_363 : f32 to vector<16xf32>
        %sub3A_365 = arith.subf %sub3A_364, %mul3A_362 : vector<16xf32>
        %mul3A_366 = arith.mulf %mul3A_360, %sub3A_365 : vector<16xf32>
        %mul3A_367 = arith.mulf %mul3A_354, %mul3A_366 : vector<16xf32>
        %mul3A_368 = arith.mulf %mul3A_367, %mul3A_366 : vector<16xf32>
        %sub3A_369 = arith.constant 1.500000e+00 : f32
        %sub3A_370 = vector.broadcast %sub3A_369 : f32 to vector<16xf32>
        %sub3A_371 = arith.subf %sub3A_370, %mul3A_368 : vector<16xf32>
        %mul3A_372 = arith.mulf %mul3A_366, %sub3A_371 : vector<16xf32>
        %broadcast_in_dim3A_373 = arith.constant 0 : i32
        %broadcast_in_dim3A_374 = vector.broadcast %broadcast_in_dim3A_373 : i32 to vector<16xi32>
        %mul3A_375 = arith.mulf %sub3A_332, %mul3A_372 : vector<16xf32>
        tpu.vector_store_idx %arg19[%add3A_200, %broadcast_in_dim3A_374], %mul3A_375 : memref<448x16xf32, #tpu.memory_space<vmem>>[vector<16xi32>, vector<16xi32>], vector<16xf32>,
        %broadcast_in_dim3A_376 = arith.constant 1 : i32
        %broadcast_in_dim3A_377 = vector.broadcast %broadcast_in_dim3A_376 : i32 to vector<16xi32>
        %mul3A_378 = arith.mulf %sub3A_335, %mul3A_372 : vector<16xf32>
        tpu.vector_store_idx %arg19[%add3A_200, %broadcast_in_dim3A_377], %mul3A_378 : memref<448x16xf32, #tpu.memory_space<vmem>>[vector<16xi32>, vector<16xi32>], vector<16xf32>,
        %broadcast_in_dim3A_379 = arith.constant 2 : i32
        %broadcast_in_dim3A_380 = vector.broadcast %broadcast_in_dim3A_379 : i32 to vector<16xi32>
        %mul3A_381 = arith.mulf %sub3A_338, %mul3A_372 : vector<16xf32>
        tpu.vector_store_idx %arg19[%add3A_200, %broadcast_in_dim3A_380], %mul3A_381 : memref<448x16xf32, #tpu.memory_space<vmem>>[vector<16xi32>, vector<16xi32>], vector<16xf32>,
        %mul3A_382 = arith.mulf %sub3A_310, %sub3A_323 : vector<16xf32>
        %mul3A_383 = arith.mulf %sub3A_311, %sub3A_322 : vector<16xf32>
        %sub3A_384 = arith.subf %mul3A_382, %mul3A_383 : vector<16xf32>
        %mul3A_385 = arith.mulf %sub3A_311, %sub3A_321 : vector<16xf32>
        %mul3A_386 = arith.mulf %sub3A_309, %sub3A_323 : vector<16xf32>
        %sub3A_387 = arith.subf %mul3A_385, %mul3A_386 : vector<16xf32>
        %mul3A_388 = arith.mulf %sub3A_309, %sub3A_322 : vector<16xf32>
        %mul3A_389 = arith.mulf %sub3A_310, %sub3A_321 : vector<16xf32>
        %sub3A_390 = arith.subf %mul3A_388, %mul3A_389 : vector<16xf32>
        %mul3A_391 = arith.mulf %sub3A_384, %sub3A_384 : vector<16xf32>
        %mul3A_392 = arith.mulf %sub3A_387, %sub3A_387 : vector<16xf32>
        %add3A_393 = arith.addf %mul3A_391, %mul3A_392 : vector<16xf32>
        %mul3A_394 = arith.mulf %sub3A_390, %sub3A_390 : vector<16xf32>
        %add3A_395 = arith.addf %add3A_393, %mul3A_394 : vector<16xf32>
        %max3A_396 = arith.constant 1.000000e-24 : f32
        %max3A_397 = vector.broadcast %max3A_396 : f32 to vector<16xf32>
        %max3A_398 = arith.maximumf %add3A_395, %max3A_397 : vector<16xf32>
        %bitcast3A_399 = vector.bitcast %max3A_398 : vector<16xf32> to vector<16xi32>
        %shift_right_arithmetic3A_400 = arith.constant 1 : i32
        %shift_right_arithmetic3A_401 = vector.broadcast %shift_right_arithmetic3A_400 : i32 to vector<16xi32>
        %shift_right_arithmetic3A_402 = arith.shrsi %bitcast3A_399, %shift_right_arithmetic3A_401 : vector<16xi32>
        %sub3A_403 = arith.constant 1597463007 : i32
        %sub3A_404 = vector.broadcast %sub3A_403 : i32 to vector<16xi32>
        %sub3A_405 = arith.subi %sub3A_404, %shift_right_arithmetic3A_402 : vector<16xi32>
        %bitcast3A_406 = vector.bitcast %sub3A_405 : vector<16xi32> to vector<16xf32>
        %mul3A_407 = arith.constant 5.000000e-01 : f32
        %mul3A_408 = vector.broadcast %mul3A_407 : f32 to vector<16xf32>
        %mul3A_409 = arith.mulf %max3A_398, %mul3A_408 : vector<16xf32>
        %mul3A_410 = arith.mulf %mul3A_409, %bitcast3A_406 : vector<16xf32>
        %mul3A_411 = arith.mulf %mul3A_410, %bitcast3A_406 : vector<16xf32>
        %sub3A_412 = arith.constant 1.500000e+00 : f32
        %sub3A_413 = vector.broadcast %sub3A_412 : f32 to vector<16xf32>
        %sub3A_414 = arith.subf %sub3A_413, %mul3A_411 : vector<16xf32>
        %mul3A_415 = arith.mulf %bitcast3A_406, %sub3A_414 : vector<16xf32>
        %mul3A_416 = arith.mulf %mul3A_409, %mul3A_415 : vector<16xf32>
        %mul3A_417 = arith.mulf %mul3A_416, %mul3A_415 : vector<16xf32>
        %sub3A_418 = arith.constant 1.500000e+00 : f32
        %sub3A_419 = vector.broadcast %sub3A_418 : f32 to vector<16xf32>
        %sub3A_420 = arith.subf %sub3A_419, %mul3A_417 : vector<16xf32>
        %mul3A_421 = arith.mulf %mul3A_415, %sub3A_420 : vector<16xf32>
        %mul3A_422 = arith.mulf %mul3A_409, %mul3A_421 : vector<16xf32>
        %mul3A_423 = arith.mulf %mul3A_422, %mul3A_421 : vector<16xf32>
        %sub3A_424 = arith.constant 1.500000e+00 : f32
        %sub3A_425 = vector.broadcast %sub3A_424 : f32 to vector<16xf32>
        %sub3A_426 = arith.subf %sub3A_425, %mul3A_423 : vector<16xf32>
        %mul3A_427 = arith.mulf %mul3A_421, %sub3A_426 : vector<16xf32>
        %broadcast_in_dim3A_428 = arith.constant 3 : i32
        %broadcast_in_dim3A_429 = vector.broadcast %broadcast_in_dim3A_428 : i32 to vector<16xi32>
        %mul3A_430 = arith.mulf %sub3A_384, %mul3A_427 : vector<16xf32>
        tpu.vector_store_idx %arg19[%add3A_200, %broadcast_in_dim3A_429], %mul3A_430 : memref<448x16xf32, #tpu.memory_space<vmem>>[vector<16xi32>, vector<16xi32>], vector<16xf32>,
        %broadcast_in_dim3A_431 = arith.constant 4 : i32
        %broadcast_in_dim3A_432 = vector.broadcast %broadcast_in_dim3A_431 : i32 to vector<16xi32>
        %mul3A_433 = arith.mulf %sub3A_387, %mul3A_427 : vector<16xf32>
        tpu.vector_store_idx %arg19[%add3A_200, %broadcast_in_dim3A_432], %mul3A_433 : memref<448x16xf32, #tpu.memory_space<vmem>>[vector<16xi32>, vector<16xi32>], vector<16xf32>,
        %broadcast_in_dim3A_434 = arith.constant 5 : i32
        %broadcast_in_dim3A_435 = vector.broadcast %broadcast_in_dim3A_434 : i32 to vector<16xi32>
        %mul3A_436 = arith.mulf %sub3A_390, %mul3A_427 : vector<16xf32>
        tpu.vector_store_idx %arg19[%add3A_200, %broadcast_in_dim3A_435], %mul3A_436 : memref<448x16xf32, #tpu.memory_space<vmem>>[vector<16xi32>, vector<16xi32>], vector<16xf32>,
        %mul3A_437 = arith.mulf %sub3A_313, %sub3A_326 : vector<16xf32>
        %mul3A_438 = arith.mulf %sub3A_314, %sub3A_325 : vector<16xf32>
        %sub3A_439 = arith.subf %mul3A_437, %mul3A_438 : vector<16xf32>
        %mul3A_440 = arith.mulf %sub3A_314, %sub3A_324 : vector<16xf32>
        %mul3A_441 = arith.mulf %sub3A_312, %sub3A_326 : vector<16xf32>
        %sub3A_442 = arith.subf %mul3A_440, %mul3A_441 : vector<16xf32>
        %mul3A_443 = arith.mulf %sub3A_312, %sub3A_325 : vector<16xf32>
        %mul3A_444 = arith.mulf %sub3A_313, %sub3A_324 : vector<16xf32>
        %sub3A_445 = arith.subf %mul3A_443, %mul3A_444 : vector<16xf32>
        %mul3A_446 = arith.mulf %sub3A_439, %sub3A_439 : vector<16xf32>
        %mul3A_447 = arith.mulf %sub3A_442, %sub3A_442 : vector<16xf32>
        %add3A_448 = arith.addf %mul3A_446, %mul3A_447 : vector<16xf32>
        %mul3A_449 = arith.mulf %sub3A_445, %sub3A_445 : vector<16xf32>
        %add3A_450 = arith.addf %add3A_448, %mul3A_449 : vector<16xf32>
        %max3A_451 = arith.constant 1.000000e-24 : f32
        %max3A_452 = vector.broadcast %max3A_451 : f32 to vector<16xf32>
        %max3A_453 = arith.maximumf %add3A_450, %max3A_452 : vector<16xf32>
        %bitcast3A_454 = vector.bitcast %max3A_453 : vector<16xf32> to vector<16xi32>
        %shift_right_arithmetic3A_455 = arith.constant 1 : i32
        %shift_right_arithmetic3A_456 = vector.broadcast %shift_right_arithmetic3A_455 : i32 to vector<16xi32>
        %shift_right_arithmetic3A_457 = arith.shrsi %bitcast3A_454, %shift_right_arithmetic3A_456 : vector<16xi32>
        %sub3A_458 = arith.constant 1597463007 : i32
        %sub3A_459 = vector.broadcast %sub3A_458 : i32 to vector<16xi32>
        %sub3A_460 = arith.subi %sub3A_459, %shift_right_arithmetic3A_457 : vector<16xi32>
        %bitcast3A_461 = vector.bitcast %sub3A_460 : vector<16xi32> to vector<16xf32>
        %mul3A_462 = arith.constant 5.000000e-01 : f32
        %mul3A_463 = vector.broadcast %mul3A_462 : f32 to vector<16xf32>
        %mul3A_464 = arith.mulf %max3A_453, %mul3A_463 : vector<16xf32>
        %mul3A_465 = arith.mulf %mul3A_464, %bitcast3A_461 : vector<16xf32>
        %mul3A_466 = arith.mulf %mul3A_465, %bitcast3A_461 : vector<16xf32>
        %sub3A_467 = arith.constant 1.500000e+00 : f32
        %sub3A_468 = vector.broadcast %sub3A_467 : f32 to vector<16xf32>
        %sub3A_469 = arith.subf %sub3A_468, %mul3A_466 : vector<16xf32>
        %mul3A_470 = arith.mulf %bitcast3A_461, %sub3A_469 : vector<16xf32>
        %mul3A_471 = arith.mulf %mul3A_464, %mul3A_470 : vector<16xf32>
        %mul3A_472 = arith.mulf %mul3A_471, %mul3A_470 : vector<16xf32>
        %sub3A_473 = arith.constant 1.500000e+00 : f32
        %sub3A_474 = vector.broadcast %sub3A_473 : f32 to vector<16xf32>
        %sub3A_475 = arith.subf %sub3A_474, %mul3A_472 : vector<16xf32>
        %mul3A_476 = arith.mulf %mul3A_470, %sub3A_475 : vector<16xf32>
        %mul3A_477 = arith.mulf %mul3A_464, %mul3A_476 : vector<16xf32>
        %mul3A_478 = arith.mulf %mul3A_477, %mul3A_476 : vector<16xf32>
        %sub3A_479 = arith.constant 1.500000e+00 : f32
        %sub3A_480 = vector.broadcast %sub3A_479 : f32 to vector<16xf32>
        %sub3A_481 = arith.subf %sub3A_480, %mul3A_478 : vector<16xf32>
        %mul3A_482 = arith.mulf %mul3A_476, %sub3A_481 : vector<16xf32>
        %broadcast_in_dim3A_483 = arith.constant 6 : i32
        %broadcast_in_dim3A_484 = vector.broadcast %broadcast_in_dim3A_483 : i32 to vector<16xi32>
        %mul3A_485 = arith.mulf %sub3A_439, %mul3A_482 : vector<16xf32>
        tpu.vector_store_idx %arg19[%add3A_200, %broadcast_in_dim3A_484], %mul3A_485 : memref<448x16xf32, #tpu.memory_space<vmem>>[vector<16xi32>, vector<16xi32>], vector<16xf32>,
        %broadcast_in_dim3A_486 = arith.constant 7 : i32
        %broadcast_in_dim3A_487 = vector.broadcast %broadcast_in_dim3A_486 : i32 to vector<16xi32>
        %mul3A_488 = arith.mulf %sub3A_442, %mul3A_482 : vector<16xf32>
        tpu.vector_store_idx %arg19[%add3A_200, %broadcast_in_dim3A_487], %mul3A_488 : memref<448x16xf32, #tpu.memory_space<vmem>>[vector<16xi32>, vector<16xi32>], vector<16xf32>,
        %broadcast_in_dim3A_489 = arith.constant 8 : i32
        %broadcast_in_dim3A_490 = vector.broadcast %broadcast_in_dim3A_489 : i32 to vector<16xi32>
        %mul3A_491 = arith.mulf %sub3A_445, %mul3A_482 : vector<16xf32>
        tpu.vector_store_idx %arg19[%add3A_200, %broadcast_in_dim3A_490], %mul3A_491 : memref<448x16xf32, #tpu.memory_space<vmem>>[vector<16xi32>, vector<16xi32>], vector<16xf32>,
        %mul3A_492 = arith.mulf %sub3A_316, %sub3A_329 : vector<16xf32>
        %mul3A_493 = arith.mulf %sub3A_317, %sub3A_328 : vector<16xf32>
        %sub3A_494 = arith.subf %mul3A_492, %mul3A_493 : vector<16xf32>
        %mul3A_495 = arith.mulf %sub3A_317, %sub3A_327 : vector<16xf32>
        %mul3A_496 = arith.mulf %sub3A_315, %sub3A_329 : vector<16xf32>
        %sub3A_497 = arith.subf %mul3A_495, %mul3A_496 : vector<16xf32>
        %mul3A_498 = arith.mulf %sub3A_315, %sub3A_328 : vector<16xf32>
        %mul3A_499 = arith.mulf %sub3A_316, %sub3A_327 : vector<16xf32>
        %sub3A_500 = arith.subf %mul3A_498, %mul3A_499 : vector<16xf32>
        %mul3A_501 = arith.mulf %sub3A_494, %sub3A_494 : vector<16xf32>
        %mul3A_502 = arith.mulf %sub3A_497, %sub3A_497 : vector<16xf32>
        %add3A_503 = arith.addf %mul3A_501, %mul3A_502 : vector<16xf32>
        %mul3A_504 = arith.mulf %sub3A_500, %sub3A_500 : vector<16xf32>
        %add3A_505 = arith.addf %add3A_503, %mul3A_504 : vector<16xf32>
        %max3A_506 = arith.constant 1.000000e-24 : f32
        %max3A_507 = vector.broadcast %max3A_506 : f32 to vector<16xf32>
        %max3A_508 = arith.maximumf %add3A_505, %max3A_507 : vector<16xf32>
        %bitcast3A_509 = vector.bitcast %max3A_508 : vector<16xf32> to vector<16xi32>
        %shift_right_arithmetic3A_510 = arith.constant 1 : i32
        %shift_right_arithmetic3A_511 = vector.broadcast %shift_right_arithmetic3A_510 : i32 to vector<16xi32>
        %shift_right_arithmetic3A_512 = arith.shrsi %bitcast3A_509, %shift_right_arithmetic3A_511 : vector<16xi32>
        %sub3A_513 = arith.constant 1597463007 : i32
        %sub3A_514 = vector.broadcast %sub3A_513 : i32 to vector<16xi32>
        %sub3A_515 = arith.subi %sub3A_514, %shift_right_arithmetic3A_512 : vector<16xi32>
        %bitcast3A_516 = vector.bitcast %sub3A_515 : vector<16xi32> to vector<16xf32>
        %mul3A_517 = arith.constant 5.000000e-01 : f32
        %mul3A_518 = vector.broadcast %mul3A_517 : f32 to vector<16xf32>
        %mul3A_519 = arith.mulf %max3A_508, %mul3A_518 : vector<16xf32>
        %mul3A_520 = arith.mulf %mul3A_519, %bitcast3A_516 : vector<16xf32>
        %mul3A_521 = arith.mulf %mul3A_520, %bitcast3A_516 : vector<16xf32>
        %sub3A_522 = arith.constant 1.500000e+00 : f32
        %sub3A_523 = vector.broadcast %sub3A_522 : f32 to vector<16xf32>
        %sub3A_524 = arith.subf %sub3A_523, %mul3A_521 : vector<16xf32>
        %mul3A_525 = arith.mulf %bitcast3A_516, %sub3A_524 : vector<16xf32>
        %mul3A_526 = arith.mulf %mul3A_519, %mul3A_525 : vector<16xf32>
        %mul3A_527 = arith.mulf %mul3A_526, %mul3A_525 : vector<16xf32>
        %sub3A_528 = arith.constant 1.500000e+00 : f32
        %sub3A_529 = vector.broadcast %sub3A_528 : f32 to vector<16xf32>
        %sub3A_530 = arith.subf %sub3A_529, %mul3A_527 : vector<16xf32>
        %mul3A_531 = arith.mulf %mul3A_525, %sub3A_530 : vector<16xf32>
        %mul3A_532 = arith.mulf %mul3A_519, %mul3A_531 : vector<16xf32>
        %mul3A_533 = arith.mulf %mul3A_532, %mul3A_531 : vector<16xf32>
        %sub3A_534 = arith.constant 1.500000e+00 : f32
        %sub3A_535 = vector.broadcast %sub3A_534 : f32 to vector<16xf32>
        %sub3A_536 = arith.subf %sub3A_535, %mul3A_533 : vector<16xf32>
        %mul3A_537 = arith.mulf %mul3A_531, %sub3A_536 : vector<16xf32>
        %broadcast_in_dim3A_538 = arith.constant 9 : i32
        %broadcast_in_dim3A_539 = vector.broadcast %broadcast_in_dim3A_538 : i32 to vector<16xi32>
        %mul3A_540 = arith.mulf %sub3A_494, %mul3A_537 : vector<16xf32>
        tpu.vector_store_idx %arg19[%add3A_200, %broadcast_in_dim3A_539], %mul3A_540 : memref<448x16xf32, #tpu.memory_space<vmem>>[vector<16xi32>, vector<16xi32>], vector<16xf32>,
        %broadcast_in_dim3A_541 = arith.constant 10 : i32
        %broadcast_in_dim3A_542 = vector.broadcast %broadcast_in_dim3A_541 : i32 to vector<16xi32>
        %mul3A_543 = arith.mulf %sub3A_497, %mul3A_537 : vector<16xf32>
        tpu.vector_store_idx %arg19[%add3A_200, %broadcast_in_dim3A_542], %mul3A_543 : memref<448x16xf32, #tpu.memory_space<vmem>>[vector<16xi32>, vector<16xi32>], vector<16xf32>,
        %broadcast_in_dim3A_544 = arith.constant 11 : i32
        %broadcast_in_dim3A_545 = vector.broadcast %broadcast_in_dim3A_544 : i32 to vector<16xi32>
        %mul3A_546 = arith.mulf %sub3A_500, %mul3A_537 : vector<16xf32>
        tpu.vector_store_idx %arg19[%add3A_200, %broadcast_in_dim3A_545], %mul3A_546 : memref<448x16xf32, #tpu.memory_space<vmem>>[vector<16xi32>, vector<16xi32>], vector<16xf32>,
      }
      %scan3A_111 = arith.constant 28 : i32
      %mul3A_112 = arith.constant 14 : i32
      %mul3A_113 = arith.muli %add3A, %mul3A_112 : i32
      %add3A_114 = arith.addi %mul3A_113, %mul3A_76 : i32
      %mul3A_115 = arith.constant 448 : i32
      %mul3A_116 = arith.muli %add3A_114, %mul3A_115 : i32
      %multiple_of3A_117 = tpu.assume_multiple %mul3A_116, 8 : i32
      "tpu.region"() ({
        %run_scoped3A = tpu.sem_alloc : memref<!tpu.dma_semaphore, #tpu.memory_space<semaphore_mem>>
        %dma_start3A_192 = arith.constant 0 : i32
        %dma_start3A_193 = tpu.memref_slice %arg6[%multiple_of3A_117, %dma_start3A_192] : memref<200704x16xf32, #tpu.memory_space<hbm>> -> memref<448x16xf32, #tpu.memory_space<hbm>>
        %dma_start3A_194 = arith.constant 0 : i32
        %dma_start3A_195 = tpu.memref_slice %arg6[%multiple_of3A_117, %dma_start3A_194] : memref<200704x16xf32, #tpu.memory_space<hbm>> -> memref<448x16xf32, #tpu.memory_space<hbm>>
        tpu.enqueue_dma source(%arg19 : memref<448x16xf32, #tpu.memory_space<vmem>>) target(%dma_start3A_195 : memref<448x16xf32, #tpu.memory_space<hbm>>) target_semaphore(%run_scoped3A : memref<!tpu.dma_semaphore, #tpu.memory_space<semaphore_mem>>)
        %dma_wait3A_196 = arith.constant 0 : i32
        %dma_wait3A_197 = tpu.memref_slice %arg6[%multiple_of3A_117, %dma_wait3A_196] : memref<200704x16xf32, #tpu.memory_space<hbm>> -> memref<448x16xf32, #tpu.memory_space<hbm>>
        %dma_wait3A_198 = arith.constant 0 : i32
        %dma_wait3A_199 = tpu.memref_slice %arg6[%multiple_of3A_117, %dma_wait3A_198] : memref<200704x16xf32, #tpu.memory_space<hbm>> -> memref<448x16xf32, #tpu.memory_space<hbm>>
        tpu.wait_dma2 semaphore(%run_scoped3A : memref<!tpu.dma_semaphore, #tpu.memory_space<semaphore_mem>>) src(%arg19 : memref<448x16xf32, #tpu.memory_space<vmem>>) dst(%dma_wait3A_199 : memref<448x16xf32, #tpu.memory_space<hbm>>)
        tpu.yield
      }) : () -> ()
      %add3A_118 = arith.constant 2 : i32
      %add3A_119 = arith.addi %mul3A_76, %add3A_118 : i32
      %min3A = arith.constant 13 : i32
      %min3A_120 = arith.minsi %add3A_119, %min3A : i32
      %mul3A_121 = arith.constant 14 : i32
      %mul3A_122 = arith.muli %add3A, %mul3A_121 : i32
      %add3A_123 = arith.addi %mul3A_122, %min3A_120 : i32
      %mul3A_124 = arith.constant 448 : i32
      %mul3A_125 = arith.muli %add3A_123, %mul3A_124 : i32
      %multiple_of3A_126 = tpu.assume_multiple %mul3A_125, 8 : i32
      %dma_start3A_127 = tpu.memref_slice %arg3[%multiple_of3A_126] : memref<200704xi32, #tpu.memory_space<hbm>> -> memref<448xi32, #tpu.memory_space<hbm>>
      %dma_start3A_128 = tpu.memref_slice %arg3[%multiple_of3A_126] : memref<200704xi32, #tpu.memory_space<hbm>> -> memref<448xi32, #tpu.memory_space<hbm>>
      tpu.enqueue_dma source(%dma_start3A_128 : memref<448xi32, #tpu.memory_space<hbm>>) target(%arg7 : memref<448xi32, #tpu.memory_space<vmem>>) target_semaphore(%arg21 : memref<!tpu.dma_semaphore, #tpu.memory_space<semaphore_mem>>)
      %dma_start3A_129 = tpu.memref_slice %arg4[%multiple_of3A_126] : memref<200704xi32, #tpu.memory_space<hbm>> -> memref<448xi32, #tpu.memory_space<hbm>>
      %dma_start3A_130 = tpu.memref_slice %arg4[%multiple_of3A_126] : memref<200704xi32, #tpu.memory_space<hbm>> -> memref<448xi32, #tpu.memory_space<hbm>>
      tpu.enqueue_dma source(%dma_start3A_130 : memref<448xi32, #tpu.memory_space<hbm>>) target(%arg8 : memref<448xi32, #tpu.memory_space<vmem>>) target_semaphore(%arg21 : memref<!tpu.dma_semaphore, #tpu.memory_space<semaphore_mem>>)
      %dma_start3A_131 = tpu.memref_slice %arg5[%multiple_of3A_126] : memref<200704xi32, #tpu.memory_space<hbm>> -> memref<448xi32, #tpu.memory_space<hbm>>
      %dma_start3A_132 = tpu.memref_slice %arg5[%multiple_of3A_126] : memref<200704xi32, #tpu.memory_space<hbm>> -> memref<448xi32, #tpu.memory_space<hbm>>
      tpu.enqueue_dma source(%dma_start3A_132 : memref<448xi32, #tpu.memory_space<hbm>>) target(%arg9 : memref<448xi32, #tpu.memory_space<vmem>>) target_semaphore(%arg21 : memref<!tpu.dma_semaphore, #tpu.memory_space<semaphore_mem>>)
      %dma_wait3A_133 = arith.constant 0 : i32
      %dma_wait3A_134 = arith.constant 0 : i32
      %dma_wait3A_135 = tpu.memref_slice %arg2[%dma_wait3A_133, %dma_wait3A_134] : memref<100000x16xf32, #tpu.memory_space<hbm>> -> memref<100000x16xf32, #tpu.memory_space<hbm>>
      tpu.wait_indirect_dma semaphore(%arg24 : memref<!tpu.dma_semaphore, #tpu.memory_space<semaphore_mem>>) src(%dma_wait3A_135 : memref<100000x16xf32, #tpu.memory_space<hbm>>) dst(%arg16 : memref<448x16xf32, #tpu.memory_space<vmem>>)
      %dma_wait3A_136 = arith.constant 0 : i32
      %dma_wait3A_137 = arith.constant 0 : i32
      %dma_wait3A_138 = tpu.memref_slice %arg2[%dma_wait3A_136, %dma_wait3A_137] : memref<100000x16xf32, #tpu.memory_space<hbm>> -> memref<100000x16xf32, #tpu.memory_space<hbm>>
      tpu.wait_indirect_dma semaphore(%arg24 : memref<!tpu.dma_semaphore, #tpu.memory_space<semaphore_mem>>) src(%dma_wait3A_138 : memref<100000x16xf32, #tpu.memory_space<hbm>>) dst(%arg17 : memref<448x16xf32, #tpu.memory_space<vmem>>)
      %dma_wait3A_139 = arith.constant 0 : i32
      %dma_wait3A_140 = arith.constant 0 : i32
      %dma_wait3A_141 = tpu.memref_slice %arg2[%dma_wait3A_139, %dma_wait3A_140] : memref<100000x16xf32, #tpu.memory_space<hbm>> -> memref<100000x16xf32, #tpu.memory_space<hbm>>
      tpu.wait_indirect_dma semaphore(%arg24 : memref<!tpu.dma_semaphore, #tpu.memory_space<semaphore_mem>>) src(%dma_wait3A_141 : memref<100000x16xf32, #tpu.memory_space<hbm>>) dst(%arg18 : memref<448x16xf32, #tpu.memory_space<vmem>>)
      %dma_wait3A_142 = arith.constant 0 : i32
      %dma_wait3A_143 = tpu.memref_slice %arg3[%dma_wait3A_142] : memref<200704xi32, #tpu.memory_space<hbm>> -> memref<448xi32, #tpu.memory_space<hbm>>
      %dma_wait3A_144 = arith.constant 0 : i32
      %dma_wait3A_145 = tpu.memref_slice %arg3[%dma_wait3A_144] : memref<200704xi32, #tpu.memory_space<hbm>> -> memref<448xi32, #tpu.memory_space<hbm>>
      tpu.wait_dma2 semaphore(%arg21 : memref<!tpu.dma_semaphore, #tpu.memory_space<semaphore_mem>>) src(%dma_wait3A_145 : memref<448xi32, #tpu.memory_space<hbm>>) dst(%arg7 : memref<448xi32, #tpu.memory_space<vmem>>)
      %dma_wait3A_146 = arith.constant 0 : i32
      %dma_wait3A_147 = tpu.memref_slice %arg4[%dma_wait3A_146] : memref<200704xi32, #tpu.memory_space<hbm>> -> memref<448xi32, #tpu.memory_space<hbm>>
      %dma_wait3A_148 = arith.constant 0 : i32
      %dma_wait3A_149 = tpu.memref_slice %arg4[%dma_wait3A_148] : memref<200704xi32, #tpu.memory_space<hbm>> -> memref<448xi32, #tpu.memory_space<hbm>>
      tpu.wait_dma2 semaphore(%arg21 : memref<!tpu.dma_semaphore, #tpu.memory_space<semaphore_mem>>) src(%dma_wait3A_149 : memref<448xi32, #tpu.memory_space<hbm>>) dst(%arg8 : memref<448xi32, #tpu.memory_space<vmem>>)
      %dma_wait3A_150 = arith.constant 0 : i32
      %dma_wait3A_151 = tpu.memref_slice %arg5[%dma_wait3A_150] : memref<200704xi32, #tpu.memory_space<hbm>> -> memref<448xi32, #tpu.memory_space<hbm>>
      %dma_wait3A_152 = arith.constant 0 : i32
      %dma_wait3A_153 = tpu.memref_slice %arg5[%dma_wait3A_152] : memref<200704xi32, #tpu.memory_space<hbm>> -> memref<448xi32, #tpu.memory_space<hbm>>
      tpu.wait_dma2 semaphore(%arg21 : memref<!tpu.dma_semaphore, #tpu.memory_space<semaphore_mem>>) src(%dma_wait3A_153 : memref<448xi32, #tpu.memory_space<hbm>>) dst(%arg9 : memref<448xi32, #tpu.memory_space<vmem>>)
      %dma_start3A_154 = arith.constant 0 : i32
      %dma_start3A_155 = arith.constant 0 : i32
      %dma_start3A_156 = tpu.memref_slice %arg2[%dma_start3A_154, %dma_start3A_155] : memref<100000x16xf32, #tpu.memory_space<hbm>> -> memref<100000x16xf32, #tpu.memory_space<hbm>>
      tpu.enqueue_indirect_dma source(%dma_start3A_156 : memref<100000x16xf32, #tpu.memory_space<hbm>>) target(%arg13 : memref<448x16xf32, #tpu.memory_space<vmem>>) offsets(%arg7 : memref<448xi32, #tpu.memory_space<vmem>>) semaphore(%arg23 : memref<!tpu.dma_semaphore, #tpu.memory_space<semaphore_mem>>)
      %dma_start3A_157 = arith.constant 0 : i32
      %dma_start3A_158 = arith.constant 0 : i32
      %dma_start3A_159 = tpu.memref_slice %arg2[%dma_start3A_157, %dma_start3A_158] : memref<100000x16xf32, #tpu.memory_space<hbm>> -> memref<100000x16xf32, #tpu.memory_space<hbm>>
      tpu.enqueue_indirect_dma source(%dma_start3A_159 : memref<100000x16xf32, #tpu.memory_space<hbm>>) target(%arg14 : memref<448x16xf32, #tpu.memory_space<vmem>>) offsets(%arg8 : memref<448xi32, #tpu.memory_space<vmem>>) semaphore(%arg23 : memref<!tpu.dma_semaphore, #tpu.memory_space<semaphore_mem>>)
      %dma_start3A_160 = arith.constant 0 : i32
      %dma_start3A_161 = arith.constant 0 : i32
      %dma_start3A_162 = tpu.memref_slice %arg2[%dma_start3A_160, %dma_start3A_161] : memref<100000x16xf32, #tpu.memory_space<hbm>> -> memref<100000x16xf32, #tpu.memory_space<hbm>>
      tpu.enqueue_indirect_dma source(%dma_start3A_162 : memref<100000x16xf32, #tpu.memory_space<hbm>>) target(%arg15 : memref<448x16xf32, #tpu.memory_space<vmem>>) offsets(%arg9 : memref<448xi32, #tpu.memory_space<vmem>>) semaphore(%arg23 : memref<!tpu.dma_semaphore, #tpu.memory_space<semaphore_mem>>)
      %add3A_163 = arith.constant 1 : i32
      %add3A_164 = arith.addi %mul3A_76, %add3A_163 : i32
      %scan3A_165 = arith.constant 0 : i32
      %scan3A_166 = arith.constant 28 : i32
      %scan3A_167 = arith.addi %scan3A_165, %scan3A_166 : i32
      %scan3A_168 = arith.constant 1 : i32
      scf.for %scan3A_192 = %scan3A_165 to %scan3A_167 step %scan3A_168  : i32 {
        %mul3A_193 = arith.constant 1 : i32
        %mul3A_194 = arith.muli %scan3A_192, %mul3A_193 : i32
        %add3A_195 = arith.constant 0 : i32
        %add3A_196 = arith.addi %add3A_195, %mul3A_194 : i32
        %mul3A_197 = arith.constant 16 : i32
        %mul3A_198 = arith.muli %add3A_196, %mul3A_197 : i32
        %add3A_199 = vector.broadcast %mul3A_198 : i32 to vector<16xi32>
        %add3A_200 = arith.addi %add3A_199, %iota3A : vector<16xi32>
        %broadcast_in_dim3A = arith.constant 0 : i32
        %broadcast_in_dim3A_201 = vector.broadcast %broadcast_in_dim3A : i32 to vector<16xi32>
        %gather3A = tpu.vector_load_idx %arg16[%add3A_200, %broadcast_in_dim3A_201] : memref<448x16xf32, #tpu.memory_space<vmem>>[vector<16xi32>, vector<16xi32>], vector<16xf32>,
        %broadcast_in_dim3A_202 = arith.constant 1 : i32
        %broadcast_in_dim3A_203 = vector.broadcast %broadcast_in_dim3A_202 : i32 to vector<16xi32>
        %gather3A_204 = tpu.vector_load_idx %arg16[%add3A_200, %broadcast_in_dim3A_203] : memref<448x16xf32, #tpu.memory_space<vmem>>[vector<16xi32>, vector<16xi32>], vector<16xf32>,
        %broadcast_in_dim3A_205 = arith.constant 2 : i32
        %broadcast_in_dim3A_206 = vector.broadcast %broadcast_in_dim3A_205 : i32 to vector<16xi32>
        %gather3A_207 = tpu.vector_load_idx %arg16[%add3A_200, %broadcast_in_dim3A_206] : memref<448x16xf32, #tpu.memory_space<vmem>>[vector<16xi32>, vector<16xi32>], vector<16xf32>,
        %broadcast_in_dim3A_208 = arith.constant 3 : i32
        %broadcast_in_dim3A_209 = vector.broadcast %broadcast_in_dim3A_208 : i32 to vector<16xi32>
        %gather3A_210 = tpu.vector_load_idx %arg16[%add3A_200, %broadcast_in_dim3A_209] : memref<448x16xf32, #tpu.memory_space<vmem>>[vector<16xi32>, vector<16xi32>], vector<16xf32>,
        %broadcast_in_dim3A_211 = arith.constant 4 : i32
        %broadcast_in_dim3A_212 = vector.broadcast %broadcast_in_dim3A_211 : i32 to vector<16xi32>
        %gather3A_213 = tpu.vector_load_idx %arg16[%add3A_200, %broadcast_in_dim3A_212] : memref<448x16xf32, #tpu.memory_space<vmem>>[vector<16xi32>, vector<16xi32>], vector<16xf32>,
        %broadcast_in_dim3A_214 = arith.constant 5 : i32
        %broadcast_in_dim3A_215 = vector.broadcast %broadcast_in_dim3A_214 : i32 to vector<16xi32>
        %gather3A_216 = tpu.vector_load_idx %arg16[%add3A_200, %broadcast_in_dim3A_215] : memref<448x16xf32, #tpu.memory_space<vmem>>[vector<16xi32>, vector<16xi32>], vector<16xf32>,
        %broadcast_in_dim3A_217 = arith.constant 6 : i32
        %broadcast_in_dim3A_218 = vector.broadcast %broadcast_in_dim3A_217 : i32 to vector<16xi32>
        %gather3A_219 = tpu.vector_load_idx %arg16[%add3A_200, %broadcast_in_dim3A_218] : memref<448x16xf32, #tpu.memory_space<vmem>>[vector<16xi32>, vector<16xi32>], vector<16xf32>,
        %broadcast_in_dim3A_220 = arith.constant 7 : i32
        %broadcast_in_dim3A_221 = vector.broadcast %broadcast_in_dim3A_220 : i32 to vector<16xi32>
        %gather3A_222 = tpu.vector_load_idx %arg16[%add3A_200, %broadcast_in_dim3A_221] : memref<448x16xf32, #tpu.memory_space<vmem>>[vector<16xi32>, vector<16xi32>], vector<16xf32>,
        %broadcast_in_dim3A_223 = arith.constant 8 : i32
        %broadcast_in_dim3A_224 = vector.broadcast %broadcast_in_dim3A_223 : i32 to vector<16xi32>
        %gather3A_225 = tpu.vector_load_idx %arg16[%add3A_200, %broadcast_in_dim3A_224] : memref<448x16xf32, #tpu.memory_space<vmem>>[vector<16xi32>, vector<16xi32>], vector<16xf32>,
        %broadcast_in_dim3A_226 = arith.constant 9 : i32
        %broadcast_in_dim3A_227 = vector.broadcast %broadcast_in_dim3A_226 : i32 to vector<16xi32>
        %gather3A_228 = tpu.vector_load_idx %arg16[%add3A_200, %broadcast_in_dim3A_227] : memref<448x16xf32, #tpu.memory_space<vmem>>[vector<16xi32>, vector<16xi32>], vector<16xf32>,
        %broadcast_in_dim3A_229 = arith.constant 10 : i32
        %broadcast_in_dim3A_230 = vector.broadcast %broadcast_in_dim3A_229 : i32 to vector<16xi32>
        %gather3A_231 = tpu.vector_load_idx %arg16[%add3A_200, %broadcast_in_dim3A_230] : memref<448x16xf32, #tpu.memory_space<vmem>>[vector<16xi32>, vector<16xi32>], vector<16xf32>,
        %broadcast_in_dim3A_232 = arith.constant 11 : i32
        %broadcast_in_dim3A_233 = vector.broadcast %broadcast_in_dim3A_232 : i32 to vector<16xi32>
        %gather3A_234 = tpu.vector_load_idx %arg16[%add3A_200, %broadcast_in_dim3A_233] : memref<448x16xf32, #tpu.memory_space<vmem>>[vector<16xi32>, vector<16xi32>], vector<16xf32>,
        %broadcast_in_dim3A_235 = arith.constant 0 : i32
        %broadcast_in_dim3A_236 = vector.broadcast %broadcast_in_dim3A_235 : i32 to vector<16xi32>
        %gather3A_237 = tpu.vector_load_idx %arg17[%add3A_200, %broadcast_in_dim3A_236] : memref<448x16xf32, #tpu.memory_space<vmem>>[vector<16xi32>, vector<16xi32>], vector<16xf32>,
        %broadcast_in_dim3A_238 = arith.constant 1 : i32
        %broadcast_in_dim3A_239 = vector.broadcast %broadcast_in_dim3A_238 : i32 to vector<16xi32>
        %gather3A_240 = tpu.vector_load_idx %arg17[%add3A_200, %broadcast_in_dim3A_239] : memref<448x16xf32, #tpu.memory_space<vmem>>[vector<16xi32>, vector<16xi32>], vector<16xf32>,
        %broadcast_in_dim3A_241 = arith.constant 2 : i32
        %broadcast_in_dim3A_242 = vector.broadcast %broadcast_in_dim3A_241 : i32 to vector<16xi32>
        %gather3A_243 = tpu.vector_load_idx %arg17[%add3A_200, %broadcast_in_dim3A_242] : memref<448x16xf32, #tpu.memory_space<vmem>>[vector<16xi32>, vector<16xi32>], vector<16xf32>,
        %broadcast_in_dim3A_244 = arith.constant 3 : i32
        %broadcast_in_dim3A_245 = vector.broadcast %broadcast_in_dim3A_244 : i32 to vector<16xi32>
        %gather3A_246 = tpu.vector_load_idx %arg17[%add3A_200, %broadcast_in_dim3A_245] : memref<448x16xf32, #tpu.memory_space<vmem>>[vector<16xi32>, vector<16xi32>], vector<16xf32>,
        %broadcast_in_dim3A_247 = arith.constant 4 : i32
        %broadcast_in_dim3A_248 = vector.broadcast %broadcast_in_dim3A_247 : i32 to vector<16xi32>
        %gather3A_249 = tpu.vector_load_idx %arg17[%add3A_200, %broadcast_in_dim3A_248] : memref<448x16xf32, #tpu.memory_space<vmem>>[vector<16xi32>, vector<16xi32>], vector<16xf32>,
        %broadcast_in_dim3A_250 = arith.constant 5 : i32
        %broadcast_in_dim3A_251 = vector.broadcast %broadcast_in_dim3A_250 : i32 to vector<16xi32>
        %gather3A_252 = tpu.vector_load_idx %arg17[%add3A_200, %broadcast_in_dim3A_251] : memref<448x16xf32, #tpu.memory_space<vmem>>[vector<16xi32>, vector<16xi32>], vector<16xf32>,
        %broadcast_in_dim3A_253 = arith.constant 6 : i32
        %broadcast_in_dim3A_254 = vector.broadcast %broadcast_in_dim3A_253 : i32 to vector<16xi32>
        %gather3A_255 = tpu.vector_load_idx %arg17[%add3A_200, %broadcast_in_dim3A_254] : memref<448x16xf32, #tpu.memory_space<vmem>>[vector<16xi32>, vector<16xi32>], vector<16xf32>,
        %broadcast_in_dim3A_256 = arith.constant 7 : i32
        %broadcast_in_dim3A_257 = vector.broadcast %broadcast_in_dim3A_256 : i32 to vector<16xi32>
        %gather3A_258 = tpu.vector_load_idx %arg17[%add3A_200, %broadcast_in_dim3A_257] : memref<448x16xf32, #tpu.memory_space<vmem>>[vector<16xi32>, vector<16xi32>], vector<16xf32>,
        %broadcast_in_dim3A_259 = arith.constant 8 : i32
        %broadcast_in_dim3A_260 = vector.broadcast %broadcast_in_dim3A_259 : i32 to vector<16xi32>
        %gather3A_261 = tpu.vector_load_idx %arg17[%add3A_200, %broadcast_in_dim3A_260] : memref<448x16xf32, #tpu.memory_space<vmem>>[vector<16xi32>, vector<16xi32>], vector<16xf32>,
        %broadcast_in_dim3A_262 = arith.constant 9 : i32
        %broadcast_in_dim3A_263 = vector.broadcast %broadcast_in_dim3A_262 : i32 to vector<16xi32>
        %gather3A_264 = tpu.vector_load_idx %arg17[%add3A_200, %broadcast_in_dim3A_263] : memref<448x16xf32, #tpu.memory_space<vmem>>[vector<16xi32>, vector<16xi32>], vector<16xf32>,
        %broadcast_in_dim3A_265 = arith.constant 10 : i32
        %broadcast_in_dim3A_266 = vector.broadcast %broadcast_in_dim3A_265 : i32 to vector<16xi32>
        %gather3A_267 = tpu.vector_load_idx %arg17[%add3A_200, %broadcast_in_dim3A_266] : memref<448x16xf32, #tpu.memory_space<vmem>>[vector<16xi32>, vector<16xi32>], vector<16xf32>,
        %broadcast_in_dim3A_268 = arith.constant 11 : i32
        %broadcast_in_dim3A_269 = vector.broadcast %broadcast_in_dim3A_268 : i32 to vector<16xi32>
        %gather3A_270 = tpu.vector_load_idx %arg17[%add3A_200, %broadcast_in_dim3A_269] : memref<448x16xf32, #tpu.memory_space<vmem>>[vector<16xi32>, vector<16xi32>], vector<16xf32>,
        %broadcast_in_dim3A_271 = arith.constant 0 : i32
        %broadcast_in_dim3A_272 = vector.broadcast %broadcast_in_dim3A_271 : i32 to vector<16xi32>
        %gather3A_273 = tpu.vector_load_idx %arg18[%add3A_200, %broadcast_in_dim3A_272] : memref<448x16xf32, #tpu.memory_space<vmem>>[vector<16xi32>, vector<16xi32>], vector<16xf32>,
        %broadcast_in_dim3A_274 = arith.constant 1 : i32
        %broadcast_in_dim3A_275 = vector.broadcast %broadcast_in_dim3A_274 : i32 to vector<16xi32>
        %gather3A_276 = tpu.vector_load_idx %arg18[%add3A_200, %broadcast_in_dim3A_275] : memref<448x16xf32, #tpu.memory_space<vmem>>[vector<16xi32>, vector<16xi32>], vector<16xf32>,
        %broadcast_in_dim3A_277 = arith.constant 2 : i32
        %broadcast_in_dim3A_278 = vector.broadcast %broadcast_in_dim3A_277 : i32 to vector<16xi32>
        %gather3A_279 = tpu.vector_load_idx %arg18[%add3A_200, %broadcast_in_dim3A_278] : memref<448x16xf32, #tpu.memory_space<vmem>>[vector<16xi32>, vector<16xi32>], vector<16xf32>,
        %broadcast_in_dim3A_280 = arith.constant 3 : i32
        %broadcast_in_dim3A_281 = vector.broadcast %broadcast_in_dim3A_280 : i32 to vector<16xi32>
        %gather3A_282 = tpu.vector_load_idx %arg18[%add3A_200, %broadcast_in_dim3A_281] : memref<448x16xf32, #tpu.memory_space<vmem>>[vector<16xi32>, vector<16xi32>], vector<16xf32>,
        %broadcast_in_dim3A_283 = arith.constant 4 : i32
        %broadcast_in_dim3A_284 = vector.broadcast %broadcast_in_dim3A_283 : i32 to vector<16xi32>
        %gather3A_285 = tpu.vector_load_idx %arg18[%add3A_200, %broadcast_in_dim3A_284] : memref<448x16xf32, #tpu.memory_space<vmem>>[vector<16xi32>, vector<16xi32>], vector<16xf32>,
        %broadcast_in_dim3A_286 = arith.constant 5 : i32
        %broadcast_in_dim3A_287 = vector.broadcast %broadcast_in_dim3A_286 : i32 to vector<16xi32>
        %gather3A_288 = tpu.vector_load_idx %arg18[%add3A_200, %broadcast_in_dim3A_287] : memref<448x16xf32, #tpu.memory_space<vmem>>[vector<16xi32>, vector<16xi32>], vector<16xf32>,
        %broadcast_in_dim3A_289 = arith.constant 6 : i32
        %broadcast_in_dim3A_290 = vector.broadcast %broadcast_in_dim3A_289 : i32 to vector<16xi32>
        %gather3A_291 = tpu.vector_load_idx %arg18[%add3A_200, %broadcast_in_dim3A_290] : memref<448x16xf32, #tpu.memory_space<vmem>>[vector<16xi32>, vector<16xi32>], vector<16xf32>,
        %broadcast_in_dim3A_292 = arith.constant 7 : i32
        %broadcast_in_dim3A_293 = vector.broadcast %broadcast_in_dim3A_292 : i32 to vector<16xi32>
        %gather3A_294 = tpu.vector_load_idx %arg18[%add3A_200, %broadcast_in_dim3A_293] : memref<448x16xf32, #tpu.memory_space<vmem>>[vector<16xi32>, vector<16xi32>], vector<16xf32>,
        %broadcast_in_dim3A_295 = arith.constant 8 : i32
        %broadcast_in_dim3A_296 = vector.broadcast %broadcast_in_dim3A_295 : i32 to vector<16xi32>
        %gather3A_297 = tpu.vector_load_idx %arg18[%add3A_200, %broadcast_in_dim3A_296] : memref<448x16xf32, #tpu.memory_space<vmem>>[vector<16xi32>, vector<16xi32>], vector<16xf32>,
        %broadcast_in_dim3A_298 = arith.constant 9 : i32
        %broadcast_in_dim3A_299 = vector.broadcast %broadcast_in_dim3A_298 : i32 to vector<16xi32>
        %gather3A_300 = tpu.vector_load_idx %arg18[%add3A_200, %broadcast_in_dim3A_299] : memref<448x16xf32, #tpu.memory_space<vmem>>[vector<16xi32>, vector<16xi32>], vector<16xf32>,
        %broadcast_in_dim3A_301 = arith.constant 10 : i32
        %broadcast_in_dim3A_302 = vector.broadcast %broadcast_in_dim3A_301 : i32 to vector<16xi32>
        %gather3A_303 = tpu.vector_load_idx %arg18[%add3A_200, %broadcast_in_dim3A_302] : memref<448x16xf32, #tpu.memory_space<vmem>>[vector<16xi32>, vector<16xi32>], vector<16xf32>,
        %broadcast_in_dim3A_304 = arith.constant 11 : i32
        %broadcast_in_dim3A_305 = vector.broadcast %broadcast_in_dim3A_304 : i32 to vector<16xi32>
        %gather3A_306 = tpu.vector_load_idx %arg18[%add3A_200, %broadcast_in_dim3A_305] : memref<448x16xf32, #tpu.memory_space<vmem>>[vector<16xi32>, vector<16xi32>], vector<16xf32>,
        %sub3A = arith.subf %gather3A_237, %gather3A : vector<16xf32>
        %sub3A_307 = arith.subf %gather3A_240, %gather3A_204 : vector<16xf32>
        %sub3A_308 = arith.subf %gather3A_243, %gather3A_207 : vector<16xf32>
        %sub3A_309 = arith.subf %gather3A_246, %gather3A_210 : vector<16xf32>
        %sub3A_310 = arith.subf %gather3A_249, %gather3A_213 : vector<16xf32>
        %sub3A_311 = arith.subf %gather3A_252, %gather3A_216 : vector<16xf32>
        %sub3A_312 = arith.subf %gather3A_255, %gather3A_219 : vector<16xf32>
        %sub3A_313 = arith.subf %gather3A_258, %gather3A_222 : vector<16xf32>
        %sub3A_314 = arith.subf %gather3A_261, %gather3A_225 : vector<16xf32>
        %sub3A_315 = arith.subf %gather3A_264, %gather3A_228 : vector<16xf32>
        %sub3A_316 = arith.subf %gather3A_267, %gather3A_231 : vector<16xf32>
        %sub3A_317 = arith.subf %gather3A_270, %gather3A_234 : vector<16xf32>
        %sub3A_318 = arith.subf %gather3A_273, %gather3A : vector<16xf32>
        %sub3A_319 = arith.subf %gather3A_276, %gather3A_204 : vector<16xf32>
        %sub3A_320 = arith.subf %gather3A_279, %gather3A_207 : vector<16xf32>
        %sub3A_321 = arith.subf %gather3A_282, %gather3A_210 : vector<16xf32>
        %sub3A_322 = arith.subf %gather3A_285, %gather3A_213 : vector<16xf32>
        %sub3A_323 = arith.subf %gather3A_288, %gather3A_216 : vector<16xf32>
        %sub3A_324 = arith.subf %gather3A_291, %gather3A_219 : vector<16xf32>
        %sub3A_325 = arith.subf %gather3A_294, %gather3A_222 : vector<16xf32>
        %sub3A_326 = arith.subf %gather3A_297, %gather3A_225 : vector<16xf32>
        %sub3A_327 = arith.subf %gather3A_300, %gather3A_228 : vector<16xf32>
        %sub3A_328 = arith.subf %gather3A_303, %gather3A_231 : vector<16xf32>
        %sub3A_329 = arith.subf %gather3A_306, %gather3A_234 : vector<16xf32>
        %mul3A_330 = arith.mulf %sub3A_307, %sub3A_320 : vector<16xf32>
        %mul3A_331 = arith.mulf %sub3A_308, %sub3A_319 : vector<16xf32>
        %sub3A_332 = arith.subf %mul3A_330, %mul3A_331 : vector<16xf32>
        %mul3A_333 = arith.mulf %sub3A_308, %sub3A_318 : vector<16xf32>
        %mul3A_334 = arith.mulf %sub3A, %sub3A_320 : vector<16xf32>
        %sub3A_335 = arith.subf %mul3A_333, %mul3A_334 : vector<16xf32>
        %mul3A_336 = arith.mulf %sub3A, %sub3A_319 : vector<16xf32>
        %mul3A_337 = arith.mulf %sub3A_307, %sub3A_318 : vector<16xf32>
        %sub3A_338 = arith.subf %mul3A_336, %mul3A_337 : vector<16xf32>
        %mul3A_339 = arith.mulf %sub3A_332, %sub3A_332 : vector<16xf32>
        %mul3A_340 = arith.mulf %sub3A_335, %sub3A_335 : vector<16xf32>
        %add3A_341 = arith.addf %mul3A_339, %mul3A_340 : vector<16xf32>
        %mul3A_342 = arith.mulf %sub3A_338, %sub3A_338 : vector<16xf32>
        %add3A_343 = arith.addf %add3A_341, %mul3A_342 : vector<16xf32>
        %max3A = arith.constant 1.000000e-24 : f32
        %max3A_344 = vector.broadcast %max3A : f32 to vector<16xf32>
        %max3A_345 = arith.maximumf %add3A_343, %max3A_344 : vector<16xf32>
        %bitcast3A = vector.bitcast %max3A_345 : vector<16xf32> to vector<16xi32>
        %shift_right_arithmetic3A = arith.constant 1 : i32
        %shift_right_arithmetic3A_346 = vector.broadcast %shift_right_arithmetic3A : i32 to vector<16xi32>
        %shift_right_arithmetic3A_347 = arith.shrsi %bitcast3A, %shift_right_arithmetic3A_346 : vector<16xi32>
        %sub3A_348 = arith.constant 1597463007 : i32
        %sub3A_349 = vector.broadcast %sub3A_348 : i32 to vector<16xi32>
        %sub3A_350 = arith.subi %sub3A_349, %shift_right_arithmetic3A_347 : vector<16xi32>
        %bitcast3A_351 = vector.bitcast %sub3A_350 : vector<16xi32> to vector<16xf32>
        %mul3A_352 = arith.constant 5.000000e-01 : f32
        %mul3A_353 = vector.broadcast %mul3A_352 : f32 to vector<16xf32>
        %mul3A_354 = arith.mulf %max3A_345, %mul3A_353 : vector<16xf32>
        %mul3A_355 = arith.mulf %mul3A_354, %bitcast3A_351 : vector<16xf32>
        %mul3A_356 = arith.mulf %mul3A_355, %bitcast3A_351 : vector<16xf32>
        %sub3A_357 = arith.constant 1.500000e+00 : f32
        %sub3A_358 = vector.broadcast %sub3A_357 : f32 to vector<16xf32>
        %sub3A_359 = arith.subf %sub3A_358, %mul3A_356 : vector<16xf32>
        %mul3A_360 = arith.mulf %bitcast3A_351, %sub3A_359 : vector<16xf32>
        %mul3A_361 = arith.mulf %mul3A_354, %mul3A_360 : vector<16xf32>
        %mul3A_362 = arith.mulf %mul3A_361, %mul3A_360 : vector<16xf32>
        %sub3A_363 = arith.constant 1.500000e+00 : f32
        %sub3A_364 = vector.broadcast %sub3A_363 : f32 to vector<16xf32>
        %sub3A_365 = arith.subf %sub3A_364, %mul3A_362 : vector<16xf32>
        %mul3A_366 = arith.mulf %mul3A_360, %sub3A_365 : vector<16xf32>
        %mul3A_367 = arith.mulf %mul3A_354, %mul3A_366 : vector<16xf32>
        %mul3A_368 = arith.mulf %mul3A_367, %mul3A_366 : vector<16xf32>
        %sub3A_369 = arith.constant 1.500000e+00 : f32
        %sub3A_370 = vector.broadcast %sub3A_369 : f32 to vector<16xf32>
        %sub3A_371 = arith.subf %sub3A_370, %mul3A_368 : vector<16xf32>
        %mul3A_372 = arith.mulf %mul3A_366, %sub3A_371 : vector<16xf32>
        %broadcast_in_dim3A_373 = arith.constant 0 : i32
        %broadcast_in_dim3A_374 = vector.broadcast %broadcast_in_dim3A_373 : i32 to vector<16xi32>
        %mul3A_375 = arith.mulf %sub3A_332, %mul3A_372 : vector<16xf32>
        tpu.vector_store_idx %arg20[%add3A_200, %broadcast_in_dim3A_374], %mul3A_375 : memref<448x16xf32, #tpu.memory_space<vmem>>[vector<16xi32>, vector<16xi32>], vector<16xf32>,
        %broadcast_in_dim3A_376 = arith.constant 1 : i32
        %broadcast_in_dim3A_377 = vector.broadcast %broadcast_in_dim3A_376 : i32 to vector<16xi32>
        %mul3A_378 = arith.mulf %sub3A_335, %mul3A_372 : vector<16xf32>
        tpu.vector_store_idx %arg20[%add3A_200, %broadcast_in_dim3A_377], %mul3A_378 : memref<448x16xf32, #tpu.memory_space<vmem>>[vector<16xi32>, vector<16xi32>], vector<16xf32>,
        %broadcast_in_dim3A_379 = arith.constant 2 : i32
        %broadcast_in_dim3A_380 = vector.broadcast %broadcast_in_dim3A_379 : i32 to vector<16xi32>
        %mul3A_381 = arith.mulf %sub3A_338, %mul3A_372 : vector<16xf32>
        tpu.vector_store_idx %arg20[%add3A_200, %broadcast_in_dim3A_380], %mul3A_381 : memref<448x16xf32, #tpu.memory_space<vmem>>[vector<16xi32>, vector<16xi32>], vector<16xf32>,
        %mul3A_382 = arith.mulf %sub3A_310, %sub3A_323 : vector<16xf32>
        %mul3A_383 = arith.mulf %sub3A_311, %sub3A_322 : vector<16xf32>
        %sub3A_384 = arith.subf %mul3A_382, %mul3A_383 : vector<16xf32>
        %mul3A_385 = arith.mulf %sub3A_311, %sub3A_321 : vector<16xf32>
        %mul3A_386 = arith.mulf %sub3A_309, %sub3A_323 : vector<16xf32>
        %sub3A_387 = arith.subf %mul3A_385, %mul3A_386 : vector<16xf32>
        %mul3A_388 = arith.mulf %sub3A_309, %sub3A_322 : vector<16xf32>
        %mul3A_389 = arith.mulf %sub3A_310, %sub3A_321 : vector<16xf32>
        %sub3A_390 = arith.subf %mul3A_388, %mul3A_389 : vector<16xf32>
        %mul3A_391 = arith.mulf %sub3A_384, %sub3A_384 : vector<16xf32>
        %mul3A_392 = arith.mulf %sub3A_387, %sub3A_387 : vector<16xf32>
        %add3A_393 = arith.addf %mul3A_391, %mul3A_392 : vector<16xf32>
        %mul3A_394 = arith.mulf %sub3A_390, %sub3A_390 : vector<16xf32>
        %add3A_395 = arith.addf %add3A_393, %mul3A_394 : vector<16xf32>
        %max3A_396 = arith.constant 1.000000e-24 : f32
        %max3A_397 = vector.broadcast %max3A_396 : f32 to vector<16xf32>
        %max3A_398 = arith.maximumf %add3A_395, %max3A_397 : vector<16xf32>
        %bitcast3A_399 = vector.bitcast %max3A_398 : vector<16xf32> to vector<16xi32>
        %shift_right_arithmetic3A_400 = arith.constant 1 : i32
        %shift_right_arithmetic3A_401 = vector.broadcast %shift_right_arithmetic3A_400 : i32 to vector<16xi32>
        %shift_right_arithmetic3A_402 = arith.shrsi %bitcast3A_399, %shift_right_arithmetic3A_401 : vector<16xi32>
        %sub3A_403 = arith.constant 1597463007 : i32
        %sub3A_404 = vector.broadcast %sub3A_403 : i32 to vector<16xi32>
        %sub3A_405 = arith.subi %sub3A_404, %shift_right_arithmetic3A_402 : vector<16xi32>
        %bitcast3A_406 = vector.bitcast %sub3A_405 : vector<16xi32> to vector<16xf32>
        %mul3A_407 = arith.constant 5.000000e-01 : f32
        %mul3A_408 = vector.broadcast %mul3A_407 : f32 to vector<16xf32>
        %mul3A_409 = arith.mulf %max3A_398, %mul3A_408 : vector<16xf32>
        %mul3A_410 = arith.mulf %mul3A_409, %bitcast3A_406 : vector<16xf32>
        %mul3A_411 = arith.mulf %mul3A_410, %bitcast3A_406 : vector<16xf32>
        %sub3A_412 = arith.constant 1.500000e+00 : f32
        %sub3A_413 = vector.broadcast %sub3A_412 : f32 to vector<16xf32>
        %sub3A_414 = arith.subf %sub3A_413, %mul3A_411 : vector<16xf32>
        %mul3A_415 = arith.mulf %bitcast3A_406, %sub3A_414 : vector<16xf32>
        %mul3A_416 = arith.mulf %mul3A_409, %mul3A_415 : vector<16xf32>
        %mul3A_417 = arith.mulf %mul3A_416, %mul3A_415 : vector<16xf32>
        %sub3A_418 = arith.constant 1.500000e+00 : f32
        %sub3A_419 = vector.broadcast %sub3A_418 : f32 to vector<16xf32>
        %sub3A_420 = arith.subf %sub3A_419, %mul3A_417 : vector<16xf32>
        %mul3A_421 = arith.mulf %mul3A_415, %sub3A_420 : vector<16xf32>
        %mul3A_422 = arith.mulf %mul3A_409, %mul3A_421 : vector<16xf32>
        %mul3A_423 = arith.mulf %mul3A_422, %mul3A_421 : vector<16xf32>
        %sub3A_424 = arith.constant 1.500000e+00 : f32
        %sub3A_425 = vector.broadcast %sub3A_424 : f32 to vector<16xf32>
        %sub3A_426 = arith.subf %sub3A_425, %mul3A_423 : vector<16xf32>
        %mul3A_427 = arith.mulf %mul3A_421, %sub3A_426 : vector<16xf32>
        %broadcast_in_dim3A_428 = arith.constant 3 : i32
        %broadcast_in_dim3A_429 = vector.broadcast %broadcast_in_dim3A_428 : i32 to vector<16xi32>
        %mul3A_430 = arith.mulf %sub3A_384, %mul3A_427 : vector<16xf32>
        tpu.vector_store_idx %arg20[%add3A_200, %broadcast_in_dim3A_429], %mul3A_430 : memref<448x16xf32, #tpu.memory_space<vmem>>[vector<16xi32>, vector<16xi32>], vector<16xf32>,
        %broadcast_in_dim3A_431 = arith.constant 4 : i32
        %broadcast_in_dim3A_432 = vector.broadcast %broadcast_in_dim3A_431 : i32 to vector<16xi32>
        %mul3A_433 = arith.mulf %sub3A_387, %mul3A_427 : vector<16xf32>
        tpu.vector_store_idx %arg20[%add3A_200, %broadcast_in_dim3A_432], %mul3A_433 : memref<448x16xf32, #tpu.memory_space<vmem>>[vector<16xi32>, vector<16xi32>], vector<16xf32>,
        %broadcast_in_dim3A_434 = arith.constant 5 : i32
        %broadcast_in_dim3A_435 = vector.broadcast %broadcast_in_dim3A_434 : i32 to vector<16xi32>
        %mul3A_436 = arith.mulf %sub3A_390, %mul3A_427 : vector<16xf32>
        tpu.vector_store_idx %arg20[%add3A_200, %broadcast_in_dim3A_435], %mul3A_436 : memref<448x16xf32, #tpu.memory_space<vmem>>[vector<16xi32>, vector<16xi32>], vector<16xf32>,
        %mul3A_437 = arith.mulf %sub3A_313, %sub3A_326 : vector<16xf32>
        %mul3A_438 = arith.mulf %sub3A_314, %sub3A_325 : vector<16xf32>
        %sub3A_439 = arith.subf %mul3A_437, %mul3A_438 : vector<16xf32>
        %mul3A_440 = arith.mulf %sub3A_314, %sub3A_324 : vector<16xf32>
        %mul3A_441 = arith.mulf %sub3A_312, %sub3A_326 : vector<16xf32>
        %sub3A_442 = arith.subf %mul3A_440, %mul3A_441 : vector<16xf32>
        %mul3A_443 = arith.mulf %sub3A_312, %sub3A_325 : vector<16xf32>
        %mul3A_444 = arith.mulf %sub3A_313, %sub3A_324 : vector<16xf32>
        %sub3A_445 = arith.subf %mul3A_443, %mul3A_444 : vector<16xf32>
        %mul3A_446 = arith.mulf %sub3A_439, %sub3A_439 : vector<16xf32>
        %mul3A_447 = arith.mulf %sub3A_442, %sub3A_442 : vector<16xf32>
        %add3A_448 = arith.addf %mul3A_446, %mul3A_447 : vector<16xf32>
        %mul3A_449 = arith.mulf %sub3A_445, %sub3A_445 : vector<16xf32>
        %add3A_450 = arith.addf %add3A_448, %mul3A_449 : vector<16xf32>
        %max3A_451 = arith.constant 1.000000e-24 : f32
        %max3A_452 = vector.broadcast %max3A_451 : f32 to vector<16xf32>
        %max3A_453 = arith.maximumf %add3A_450, %max3A_452 : vector<16xf32>
        %bitcast3A_454 = vector.bitcast %max3A_453 : vector<16xf32> to vector<16xi32>
        %shift_right_arithmetic3A_455 = arith.constant 1 : i32
        %shift_right_arithmetic3A_456 = vector.broadcast %shift_right_arithmetic3A_455 : i32 to vector<16xi32>
        %shift_right_arithmetic3A_457 = arith.shrsi %bitcast3A_454, %shift_right_arithmetic3A_456 : vector<16xi32>
        %sub3A_458 = arith.constant 1597463007 : i32
        %sub3A_459 = vector.broadcast %sub3A_458 : i32 to vector<16xi32>
        %sub3A_460 = arith.subi %sub3A_459, %shift_right_arithmetic3A_457 : vector<16xi32>
        %bitcast3A_461 = vector.bitcast %sub3A_460 : vector<16xi32> to vector<16xf32>
        %mul3A_462 = arith.constant 5.000000e-01 : f32
        %mul3A_463 = vector.broadcast %mul3A_462 : f32 to vector<16xf32>
        %mul3A_464 = arith.mulf %max3A_453, %mul3A_463 : vector<16xf32>
        %mul3A_465 = arith.mulf %mul3A_464, %bitcast3A_461 : vector<16xf32>
        %mul3A_466 = arith.mulf %mul3A_465, %bitcast3A_461 : vector<16xf32>
        %sub3A_467 = arith.constant 1.500000e+00 : f32
        %sub3A_468 = vector.broadcast %sub3A_467 : f32 to vector<16xf32>
        %sub3A_469 = arith.subf %sub3A_468, %mul3A_466 : vector<16xf32>
        %mul3A_470 = arith.mulf %bitcast3A_461, %sub3A_469 : vector<16xf32>
        %mul3A_471 = arith.mulf %mul3A_464, %mul3A_470 : vector<16xf32>
        %mul3A_472 = arith.mulf %mul3A_471, %mul3A_470 : vector<16xf32>
        %sub3A_473 = arith.constant 1.500000e+00 : f32
        %sub3A_474 = vector.broadcast %sub3A_473 : f32 to vector<16xf32>
        %sub3A_475 = arith.subf %sub3A_474, %mul3A_472 : vector<16xf32>
        %mul3A_476 = arith.mulf %mul3A_470, %sub3A_475 : vector<16xf32>
        %mul3A_477 = arith.mulf %mul3A_464, %mul3A_476 : vector<16xf32>
        %mul3A_478 = arith.mulf %mul3A_477, %mul3A_476 : vector<16xf32>
        %sub3A_479 = arith.constant 1.500000e+00 : f32
        %sub3A_480 = vector.broadcast %sub3A_479 : f32 to vector<16xf32>
        %sub3A_481 = arith.subf %sub3A_480, %mul3A_478 : vector<16xf32>
        %mul3A_482 = arith.mulf %mul3A_476, %sub3A_481 : vector<16xf32>
        %broadcast_in_dim3A_483 = arith.constant 6 : i32
        %broadcast_in_dim3A_484 = vector.broadcast %broadcast_in_dim3A_483 : i32 to vector<16xi32>
        %mul3A_485 = arith.mulf %sub3A_439, %mul3A_482 : vector<16xf32>
        tpu.vector_store_idx %arg20[%add3A_200, %broadcast_in_dim3A_484], %mul3A_485 : memref<448x16xf32, #tpu.memory_space<vmem>>[vector<16xi32>, vector<16xi32>], vector<16xf32>,
        %broadcast_in_dim3A_486 = arith.constant 7 : i32
        %broadcast_in_dim3A_487 = vector.broadcast %broadcast_in_dim3A_486 : i32 to vector<16xi32>
        %mul3A_488 = arith.mulf %sub3A_442, %mul3A_482 : vector<16xf32>
        tpu.vector_store_idx %arg20[%add3A_200, %broadcast_in_dim3A_487], %mul3A_488 : memref<448x16xf32, #tpu.memory_space<vmem>>[vector<16xi32>, vector<16xi32>], vector<16xf32>,
        %broadcast_in_dim3A_489 = arith.constant 8 : i32
        %broadcast_in_dim3A_490 = vector.broadcast %broadcast_in_dim3A_489 : i32 to vector<16xi32>
        %mul3A_491 = arith.mulf %sub3A_445, %mul3A_482 : vector<16xf32>
        tpu.vector_store_idx %arg20[%add3A_200, %broadcast_in_dim3A_490], %mul3A_491 : memref<448x16xf32, #tpu.memory_space<vmem>>[vector<16xi32>, vector<16xi32>], vector<16xf32>,
        %mul3A_492 = arith.mulf %sub3A_316, %sub3A_329 : vector<16xf32>
        %mul3A_493 = arith.mulf %sub3A_317, %sub3A_328 : vector<16xf32>
        %sub3A_494 = arith.subf %mul3A_492, %mul3A_493 : vector<16xf32>
        %mul3A_495 = arith.mulf %sub3A_317, %sub3A_327 : vector<16xf32>
        %mul3A_496 = arith.mulf %sub3A_315, %sub3A_329 : vector<16xf32>
        %sub3A_497 = arith.subf %mul3A_495, %mul3A_496 : vector<16xf32>
        %mul3A_498 = arith.mulf %sub3A_315, %sub3A_328 : vector<16xf32>
        %mul3A_499 = arith.mulf %sub3A_316, %sub3A_327 : vector<16xf32>
        %sub3A_500 = arith.subf %mul3A_498, %mul3A_499 : vector<16xf32>
        %mul3A_501 = arith.mulf %sub3A_494, %sub3A_494 : vector<16xf32>
        %mul3A_502 = arith.mulf %sub3A_497, %sub3A_497 : vector<16xf32>
        %add3A_503 = arith.addf %mul3A_501, %mul3A_502 : vector<16xf32>
        %mul3A_504 = arith.mulf %sub3A_500, %sub3A_500 : vector<16xf32>
        %add3A_505 = arith.addf %add3A_503, %mul3A_504 : vector<16xf32>
        %max3A_506 = arith.constant 1.000000e-24 : f32
        %max3A_507 = vector.broadcast %max3A_506 : f32 to vector<16xf32>
        %max3A_508 = arith.maximumf %add3A_505, %max3A_507 : vector<16xf32>
        %bitcast3A_509 = vector.bitcast %max3A_508 : vector<16xf32> to vector<16xi32>
        %shift_right_arithmetic3A_510 = arith.constant 1 : i32
        %shift_right_arithmetic3A_511 = vector.broadcast %shift_right_arithmetic3A_510 : i32 to vector<16xi32>
        %shift_right_arithmetic3A_512 = arith.shrsi %bitcast3A_509, %shift_right_arithmetic3A_511 : vector<16xi32>
        %sub3A_513 = arith.constant 1597463007 : i32
        %sub3A_514 = vector.broadcast %sub3A_513 : i32 to vector<16xi32>
        %sub3A_515 = arith.subi %sub3A_514, %shift_right_arithmetic3A_512 : vector<16xi32>
        %bitcast3A_516 = vector.bitcast %sub3A_515 : vector<16xi32> to vector<16xf32>
        %mul3A_517 = arith.constant 5.000000e-01 : f32
        %mul3A_518 = vector.broadcast %mul3A_517 : f32 to vector<16xf32>
        %mul3A_519 = arith.mulf %max3A_508, %mul3A_518 : vector<16xf32>
        %mul3A_520 = arith.mulf %mul3A_519, %bitcast3A_516 : vector<16xf32>
        %mul3A_521 = arith.mulf %mul3A_520, %bitcast3A_516 : vector<16xf32>
        %sub3A_522 = arith.constant 1.500000e+00 : f32
        %sub3A_523 = vector.broadcast %sub3A_522 : f32 to vector<16xf32>
        %sub3A_524 = arith.subf %sub3A_523, %mul3A_521 : vector<16xf32>
        %mul3A_525 = arith.mulf %bitcast3A_516, %sub3A_524 : vector<16xf32>
        %mul3A_526 = arith.mulf %mul3A_519, %mul3A_525 : vector<16xf32>
        %mul3A_527 = arith.mulf %mul3A_526, %mul3A_525 : vector<16xf32>
        %sub3A_528 = arith.constant 1.500000e+00 : f32
        %sub3A_529 = vector.broadcast %sub3A_528 : f32 to vector<16xf32>
        %sub3A_530 = arith.subf %sub3A_529, %mul3A_527 : vector<16xf32>
        %mul3A_531 = arith.mulf %mul3A_525, %sub3A_530 : vector<16xf32>
        %mul3A_532 = arith.mulf %mul3A_519, %mul3A_531 : vector<16xf32>
        %mul3A_533 = arith.mulf %mul3A_532, %mul3A_531 : vector<16xf32>
        %sub3A_534 = arith.constant 1.500000e+00 : f32
        %sub3A_535 = vector.broadcast %sub3A_534 : f32 to vector<16xf32>
        %sub3A_536 = arith.subf %sub3A_535, %mul3A_533 : vector<16xf32>
        %mul3A_537 = arith.mulf %mul3A_531, %sub3A_536 : vector<16xf32>
        %broadcast_in_dim3A_538 = arith.constant 9 : i32
        %broadcast_in_dim3A_539 = vector.broadcast %broadcast_in_dim3A_538 : i32 to vector<16xi32>
        %mul3A_540 = arith.mulf %sub3A_494, %mul3A_537 : vector<16xf32>
        tpu.vector_store_idx %arg20[%add3A_200, %broadcast_in_dim3A_539], %mul3A_540 : memref<448x16xf32, #tpu.memory_space<vmem>>[vector<16xi32>, vector<16xi32>], vector<16xf32>,
        %broadcast_in_dim3A_541 = arith.constant 10 : i32
        %broadcast_in_dim3A_542 = vector.broadcast %broadcast_in_dim3A_541 : i32 to vector<16xi32>
        %mul3A_543 = arith.mulf %sub3A_497, %mul3A_537 : vector<16xf32>
        tpu.vector_store_idx %arg20[%add3A_200, %broadcast_in_dim3A_542], %mul3A_543 : memref<448x16xf32, #tpu.memory_space<vmem>>[vector<16xi32>, vector<16xi32>], vector<16xf32>,
        %broadcast_in_dim3A_544 = arith.constant 11 : i32
        %broadcast_in_dim3A_545 = vector.broadcast %broadcast_in_dim3A_544 : i32 to vector<16xi32>
        %mul3A_546 = arith.mulf %sub3A_500, %mul3A_537 : vector<16xf32>
        tpu.vector_store_idx %arg20[%add3A_200, %broadcast_in_dim3A_545], %mul3A_546 : memref<448x16xf32, #tpu.memory_space<vmem>>[vector<16xi32>, vector<16xi32>], vector<16xf32>,
      }
      %scan3A_169 = arith.constant 28 : i32
      %mul3A_170 = arith.constant 14 : i32
      %mul3A_171 = arith.muli %add3A, %mul3A_170 : i32
      %add3A_172 = arith.addi %mul3A_171, %add3A_164 : i32
      %mul3A_173 = arith.constant 448 : i32
      %mul3A_174 = arith.muli %add3A_172, %mul3A_173 : i32
      %multiple_of3A_175 = tpu.assume_multiple %mul3A_174, 8 : i32
      "tpu.region"() ({
        %run_scoped3A = tpu.sem_alloc : memref<!tpu.dma_semaphore, #tpu.memory_space<semaphore_mem>>
        %dma_start3A_192 = arith.constant 0 : i32
        %dma_start3A_193 = tpu.memref_slice %arg6[%multiple_of3A_175, %dma_start3A_192] : memref<200704x16xf32, #tpu.memory_space<hbm>> -> memref<448x16xf32, #tpu.memory_space<hbm>>
        %dma_start3A_194 = arith.constant 0 : i32
        %dma_start3A_195 = tpu.memref_slice %arg6[%multiple_of3A_175, %dma_start3A_194] : memref<200704x16xf32, #tpu.memory_space<hbm>> -> memref<448x16xf32, #tpu.memory_space<hbm>>
        tpu.enqueue_dma source(%arg20 : memref<448x16xf32, #tpu.memory_space<vmem>>) target(%dma_start3A_195 : memref<448x16xf32, #tpu.memory_space<hbm>>) target_semaphore(%run_scoped3A : memref<!tpu.dma_semaphore, #tpu.memory_space<semaphore_mem>>)
        %dma_wait3A_196 = arith.constant 0 : i32
        %dma_wait3A_197 = tpu.memref_slice %arg6[%multiple_of3A_175, %dma_wait3A_196] : memref<200704x16xf32, #tpu.memory_space<hbm>> -> memref<448x16xf32, #tpu.memory_space<hbm>>
        %dma_wait3A_198 = arith.constant 0 : i32
        %dma_wait3A_199 = tpu.memref_slice %arg6[%multiple_of3A_175, %dma_wait3A_198] : memref<200704x16xf32, #tpu.memory_space<hbm>> -> memref<448x16xf32, #tpu.memory_space<hbm>>
        tpu.wait_dma2 semaphore(%run_scoped3A : memref<!tpu.dma_semaphore, #tpu.memory_space<semaphore_mem>>) src(%arg20 : memref<448x16xf32, #tpu.memory_space<vmem>>) dst(%dma_wait3A_199 : memref<448x16xf32, #tpu.memory_space<hbm>>)
        tpu.yield
      }) : () -> ()
      %add3A_176 = arith.constant 3 : i32
      %add3A_177 = arith.addi %mul3A_76, %add3A_176 : i32
      %min3A_178 = arith.constant 13 : i32
      %min3A_179 = arith.minsi %add3A_177, %min3A_178 : i32
      %mul3A_180 = arith.constant 14 : i32
      %mul3A_181 = arith.muli %add3A, %mul3A_180 : i32
      %add3A_182 = arith.addi %mul3A_181, %min3A_179 : i32
      %mul3A_183 = arith.constant 448 : i32
      %mul3A_184 = arith.muli %add3A_182, %mul3A_183 : i32
      %multiple_of3A_185 = tpu.assume_multiple %mul3A_184, 8 : i32
      %dma_start3A_186 = tpu.memref_slice %arg3[%multiple_of3A_185] : memref<200704xi32, #tpu.memory_space<hbm>> -> memref<448xi32, #tpu.memory_space<hbm>>
      %dma_start3A_187 = tpu.memref_slice %arg3[%multiple_of3A_185] : memref<200704xi32, #tpu.memory_space<hbm>> -> memref<448xi32, #tpu.memory_space<hbm>>
      tpu.enqueue_dma source(%dma_start3A_187 : memref<448xi32, #tpu.memory_space<hbm>>) target(%arg10 : memref<448xi32, #tpu.memory_space<vmem>>) target_semaphore(%arg22 : memref<!tpu.dma_semaphore, #tpu.memory_space<semaphore_mem>>)
      %dma_start3A_188 = tpu.memref_slice %arg4[%multiple_of3A_185] : memref<200704xi32, #tpu.memory_space<hbm>> -> memref<448xi32, #tpu.memory_space<hbm>>
      %dma_start3A_189 = tpu.memref_slice %arg4[%multiple_of3A_185] : memref<200704xi32, #tpu.memory_space<hbm>> -> memref<448xi32, #tpu.memory_space<hbm>>
      tpu.enqueue_dma source(%dma_start3A_189 : memref<448xi32, #tpu.memory_space<hbm>>) target(%arg11 : memref<448xi32, #tpu.memory_space<vmem>>) target_semaphore(%arg22 : memref<!tpu.dma_semaphore, #tpu.memory_space<semaphore_mem>>)
      %dma_start3A_190 = tpu.memref_slice %arg5[%multiple_of3A_185] : memref<200704xi32, #tpu.memory_space<hbm>> -> memref<448xi32, #tpu.memory_space<hbm>>
      %dma_start3A_191 = tpu.memref_slice %arg5[%multiple_of3A_185] : memref<200704xi32, #tpu.memory_space<hbm>> -> memref<448xi32, #tpu.memory_space<hbm>>
      tpu.enqueue_dma source(%dma_start3A_191 : memref<448xi32, #tpu.memory_space<hbm>>) target(%arg12 : memref<448xi32, #tpu.memory_space<vmem>>) target_semaphore(%arg22 : memref<!tpu.dma_semaphore, #tpu.memory_space<semaphore_mem>>)
    }
    %scan3A_48 = arith.constant 7 : i32
    %dma_wait3A_49 = arith.constant 0 : i32
    %dma_wait3A_50 = arith.constant 0 : i32
    %dma_wait3A_51 = tpu.memref_slice %arg2[%dma_wait3A_49, %dma_wait3A_50] : memref<100000x16xf32, #tpu.memory_space<hbm>> -> memref<100000x16xf32, #tpu.memory_space<hbm>>
    tpu.wait_indirect_dma semaphore(%arg23 : memref<!tpu.dma_semaphore, #tpu.memory_space<semaphore_mem>>) src(%dma_wait3A_51 : memref<100000x16xf32, #tpu.memory_space<hbm>>) dst(%arg13 : memref<448x16xf32, #tpu.memory_space<vmem>>)
    %dma_wait3A_52 = arith.constant 0 : i32
    %dma_wait3A_53 = arith.constant 0 : i32
    %dma_wait3A_54 = tpu.memref_slice %arg2[%dma_wait3A_52, %dma_wait3A_53] : memref<100000x16xf32, #tpu.memory_space<hbm>> -> memref<100000x16xf32, #tpu.memory_space<hbm>>
    tpu.wait_indirect_dma semaphore(%arg23 : memref<!tpu.dma_semaphore, #tpu.memory_space<semaphore_mem>>) src(%dma_wait3A_54 : memref<100000x16xf32, #tpu.memory_space<hbm>>) dst(%arg14 : memref<448x16xf32, #tpu.memory_space<vmem>>)
    %dma_wait3A_55 = arith.constant 0 : i32
    %dma_wait3A_56 = arith.constant 0 : i32
    %dma_wait3A_57 = tpu.memref_slice %arg2[%dma_wait3A_55, %dma_wait3A_56] : memref<100000x16xf32, #tpu.memory_space<hbm>> -> memref<100000x16xf32, #tpu.memory_space<hbm>>
    tpu.wait_indirect_dma semaphore(%arg23 : memref<!tpu.dma_semaphore, #tpu.memory_space<semaphore_mem>>) src(%dma_wait3A_57 : memref<100000x16xf32, #tpu.memory_space<hbm>>) dst(%arg15 : memref<448x16xf32, #tpu.memory_space<vmem>>)
    %dma_wait3A_58 = arith.constant 0 : i32
    %dma_wait3A_59 = tpu.memref_slice %arg3[%dma_wait3A_58] : memref<200704xi32, #tpu.memory_space<hbm>> -> memref<448xi32, #tpu.memory_space<hbm>>
    %dma_wait3A_60 = arith.constant 0 : i32
    %dma_wait3A_61 = tpu.memref_slice %arg3[%dma_wait3A_60] : memref<200704xi32, #tpu.memory_space<hbm>> -> memref<448xi32, #tpu.memory_space<hbm>>
    tpu.wait_dma2 semaphore(%arg22 : memref<!tpu.dma_semaphore, #tpu.memory_space<semaphore_mem>>) src(%dma_wait3A_61 : memref<448xi32, #tpu.memory_space<hbm>>) dst(%arg10 : memref<448xi32, #tpu.memory_space<vmem>>)
    %dma_wait3A_62 = arith.constant 0 : i32
    %dma_wait3A_63 = tpu.memref_slice %arg4[%dma_wait3A_62] : memref<200704xi32, #tpu.memory_space<hbm>> -> memref<448xi32, #tpu.memory_space<hbm>>
    %dma_wait3A_64 = arith.constant 0 : i32
    %dma_wait3A_65 = tpu.memref_slice %arg4[%dma_wait3A_64] : memref<200704xi32, #tpu.memory_space<hbm>> -> memref<448xi32, #tpu.memory_space<hbm>>
    tpu.wait_dma2 semaphore(%arg22 : memref<!tpu.dma_semaphore, #tpu.memory_space<semaphore_mem>>) src(%dma_wait3A_65 : memref<448xi32, #tpu.memory_space<hbm>>) dst(%arg11 : memref<448xi32, #tpu.memory_space<vmem>>)
    %dma_wait3A_66 = arith.constant 0 : i32
    %dma_wait3A_67 = tpu.memref_slice %arg5[%dma_wait3A_66] : memref<200704xi32, #tpu.memory_space<hbm>> -> memref<448xi32, #tpu.memory_space<hbm>>
    %dma_wait3A_68 = arith.constant 0 : i32
    %dma_wait3A_69 = tpu.memref_slice %arg5[%dma_wait3A_68] : memref<200704xi32, #tpu.memory_space<hbm>> -> memref<448xi32, #tpu.memory_space<hbm>>
    tpu.wait_dma2 semaphore(%arg22 : memref<!tpu.dma_semaphore, #tpu.memory_space<semaphore_mem>>) src(%dma_wait3A_69 : memref<448xi32, #tpu.memory_space<hbm>>) dst(%arg12 : memref<448xi32, #tpu.memory_space<vmem>>)
    return
  }
}

#map = affine_map<(d0, d1) -> (0, 0)>
#map1 = affine_map<(d0, d1) -> (0)>
module attributes {stable_mosaic.version = 14 : i64} {
  func.func @_vert_body(%arg0: i32, %arg1: i32, %arg2: memref<200704x16xf32, #tpu.memory_space<hbm>>, %arg3: memref<802816xi32, #tpu.memory_space<hbm>>, %arg4: memref<802816xf32, #tpu.memory_space<hbm>>, %arg5: memref<100352x16xf32, #tpu.memory_space<hbm>>, %arg6: memref<1792xi32, #tpu.memory_space<vmem>>, %arg7: memref<1792xi32, #tpu.memory_space<vmem>>, %arg8: memref<1792xf32, #tpu.memory_space<vmem>>, %arg9: memref<1792xf32, #tpu.memory_space<vmem>>, %arg10: memref<1792x16xf32, #tpu.memory_space<vmem>>, %arg11: memref<1792x16xf32, #tpu.memory_space<vmem>>, %arg12: memref<224x16xf32, #tpu.memory_space<vmem>>, %arg13: memref<224x16xf32, #tpu.memory_space<vmem>>, %arg14: memref<!tpu.dma_semaphore, #tpu.memory_space<semaphore_mem>>, %arg15: memref<!tpu.dma_semaphore, #tpu.memory_space<semaphore_mem>>, %arg16: memref<!tpu.dma_semaphore, #tpu.memory_space<semaphore_mem>>, %arg17: memref<!tpu.dma_semaphore, #tpu.memory_space<semaphore_mem>>) attributes {dimension_semantics = [#tpu.dimension_semantics<core_parallel>, #tpu.dimension_semantics<subcore_parallel>], iteration_bounds = array<i64: 2, 16>, scalar_prefetch = 0 : i64, scratch_operands = 12 : i64, tpu.core_type = #tpu.core_type<sc_vector_subcore>, window_params = [{transform_indices = #map}, {transform_indices = #map1}, {transform_indices = #map1}, {transform_indices = #map}]} {
    %mul3A = arith.constant 2 : i32
    %mul3A_0 = arith.muli %arg1, %mul3A : i32
    %add3A = arith.addi %mul3A_0, %arg0 : i32
    %iota3A = tpu.iota {dimensions = array<i32: 0>} : vector<16xi32>
    %mul3A_1 = arith.constant 14 : i32
    %mul3A_2 = arith.muli %add3A, %mul3A_1 : i32
    %add3A_3 = arith.constant 0 : i32
    %add3A_4 = arith.addi %mul3A_2, %add3A_3 : i32
    %mul3A_5 = arith.constant 1792 : i32
    %mul3A_6 = arith.muli %add3A_4, %mul3A_5 : i32
    %multiple_of3A = tpu.assume_multiple %mul3A_6, 8 : i32
    %dma_start3A = tpu.memref_slice %arg3[%multiple_of3A] : memref<802816xi32, #tpu.memory_space<hbm>> -> memref<1792xi32, #tpu.memory_space<hbm>>
    %dma_start3A_7 = tpu.memref_slice %arg3[%multiple_of3A] : memref<802816xi32, #tpu.memory_space<hbm>> -> memref<1792xi32, #tpu.memory_space<hbm>>
    tpu.enqueue_dma source(%dma_start3A_7 : memref<1792xi32, #tpu.memory_space<hbm>>) target(%arg6 : memref<1792xi32, #tpu.memory_space<vmem>>) target_semaphore(%arg14 : memref<!tpu.dma_semaphore, #tpu.memory_space<semaphore_mem>>)
    %dma_start3A_8 = tpu.memref_slice %arg4[%multiple_of3A] : memref<802816xf32, #tpu.memory_space<hbm>> -> memref<1792xf32, #tpu.memory_space<hbm>>
    %dma_start3A_9 = tpu.memref_slice %arg4[%multiple_of3A] : memref<802816xf32, #tpu.memory_space<hbm>> -> memref<1792xf32, #tpu.memory_space<hbm>>
    tpu.enqueue_dma source(%dma_start3A_9 : memref<1792xf32, #tpu.memory_space<hbm>>) target(%arg8 : memref<1792xf32, #tpu.memory_space<vmem>>) target_semaphore(%arg14 : memref<!tpu.dma_semaphore, #tpu.memory_space<semaphore_mem>>)
    %dma_wait3A = arith.constant 0 : i32
    %dma_wait3A_10 = tpu.memref_slice %arg3[%dma_wait3A] : memref<802816xi32, #tpu.memory_space<hbm>> -> memref<1792xi32, #tpu.memory_space<hbm>>
    %dma_wait3A_11 = arith.constant 0 : i32
    %dma_wait3A_12 = tpu.memref_slice %arg3[%dma_wait3A_11] : memref<802816xi32, #tpu.memory_space<hbm>> -> memref<1792xi32, #tpu.memory_space<hbm>>
    tpu.wait_dma2 semaphore(%arg14 : memref<!tpu.dma_semaphore, #tpu.memory_space<semaphore_mem>>) src(%dma_wait3A_12 : memref<1792xi32, #tpu.memory_space<hbm>>) dst(%arg6 : memref<1792xi32, #tpu.memory_space<vmem>>)
    %dma_wait3A_13 = arith.constant 0 : i32
    %dma_wait3A_14 = tpu.memref_slice %arg4[%dma_wait3A_13] : memref<802816xf32, #tpu.memory_space<hbm>> -> memref<1792xf32, #tpu.memory_space<hbm>>
    %dma_wait3A_15 = arith.constant 0 : i32
    %dma_wait3A_16 = tpu.memref_slice %arg4[%dma_wait3A_15] : memref<802816xf32, #tpu.memory_space<hbm>> -> memref<1792xf32, #tpu.memory_space<hbm>>
    tpu.wait_dma2 semaphore(%arg14 : memref<!tpu.dma_semaphore, #tpu.memory_space<semaphore_mem>>) src(%dma_wait3A_16 : memref<1792xf32, #tpu.memory_space<hbm>>) dst(%arg8 : memref<1792xf32, #tpu.memory_space<vmem>>)
    %dma_start3A_17 = arith.constant 0 : i32
    %dma_start3A_18 = arith.constant 0 : i32
    %dma_start3A_19 = tpu.memref_slice %arg2[%dma_start3A_17, %dma_start3A_18] : memref<200704x16xf32, #tpu.memory_space<hbm>> -> memref<200704x16xf32, #tpu.memory_space<hbm>>
    tpu.enqueue_indirect_dma source(%dma_start3A_19 : memref<200704x16xf32, #tpu.memory_space<hbm>>) target(%arg10 : memref<1792x16xf32, #tpu.memory_space<vmem>>) offsets(%arg6 : memref<1792xi32, #tpu.memory_space<vmem>>) semaphore(%arg16 : memref<!tpu.dma_semaphore, #tpu.memory_space<semaphore_mem>>)
    %mul3A_20 = arith.constant 14 : i32
    %mul3A_21 = arith.muli %add3A, %mul3A_20 : i32
    %add3A_22 = arith.constant 1 : i32
    %add3A_23 = arith.addi %mul3A_21, %add3A_22 : i32
    %mul3A_24 = arith.constant 1792 : i32
    %mul3A_25 = arith.muli %add3A_23, %mul3A_24 : i32
    %multiple_of3A_26 = tpu.assume_multiple %mul3A_25, 8 : i32
    %dma_start3A_27 = tpu.memref_slice %arg3[%multiple_of3A_26] : memref<802816xi32, #tpu.memory_space<hbm>> -> memref<1792xi32, #tpu.memory_space<hbm>>
    %dma_start3A_28 = tpu.memref_slice %arg3[%multiple_of3A_26] : memref<802816xi32, #tpu.memory_space<hbm>> -> memref<1792xi32, #tpu.memory_space<hbm>>
    tpu.enqueue_dma source(%dma_start3A_28 : memref<1792xi32, #tpu.memory_space<hbm>>) target(%arg7 : memref<1792xi32, #tpu.memory_space<vmem>>) target_semaphore(%arg15 : memref<!tpu.dma_semaphore, #tpu.memory_space<semaphore_mem>>)
    %dma_start3A_29 = tpu.memref_slice %arg4[%multiple_of3A_26] : memref<802816xf32, #tpu.memory_space<hbm>> -> memref<1792xf32, #tpu.memory_space<hbm>>
    %dma_start3A_30 = tpu.memref_slice %arg4[%multiple_of3A_26] : memref<802816xf32, #tpu.memory_space<hbm>> -> memref<1792xf32, #tpu.memory_space<hbm>>
    tpu.enqueue_dma source(%dma_start3A_30 : memref<1792xf32, #tpu.memory_space<hbm>>) target(%arg9 : memref<1792xf32, #tpu.memory_space<vmem>>) target_semaphore(%arg15 : memref<!tpu.dma_semaphore, #tpu.memory_space<semaphore_mem>>)
    %scan3A = arith.constant 0 : i32
    %scan3A_31 = arith.constant 7 : i32
    %scan3A_32 = arith.addi %scan3A, %scan3A_31 : i32
    %scan3A_33 = arith.constant 1 : i32
    scf.for %scan3A_46 = %scan3A to %scan3A_32 step %scan3A_33  : i32 {
      %mul3A_47 = arith.constant 1 : i32
      %mul3A_48 = arith.muli %scan3A_46, %mul3A_47 : i32
      %add3A_49 = arith.constant 0 : i32
      %add3A_50 = arith.addi %add3A_49, %mul3A_48 : i32
      %mul3A_51 = arith.constant 2 : i32
      %mul3A_52 = arith.muli %add3A_50, %mul3A_51 : i32
      %dma_wait3A_53 = arith.constant 0 : i32
      %dma_wait3A_54 = arith.constant 0 : i32
      %dma_wait3A_55 = tpu.memref_slice %arg2[%dma_wait3A_53, %dma_wait3A_54] : memref<200704x16xf32, #tpu.memory_space<hbm>> -> memref<200704x16xf32, #tpu.memory_space<hbm>>
      tpu.wait_indirect_dma semaphore(%arg16 : memref<!tpu.dma_semaphore, #tpu.memory_space<semaphore_mem>>) src(%dma_wait3A_55 : memref<200704x16xf32, #tpu.memory_space<hbm>>) dst(%arg10 : memref<1792x16xf32, #tpu.memory_space<vmem>>)
      %dma_wait3A_56 = arith.constant 0 : i32
      %dma_wait3A_57 = tpu.memref_slice %arg3[%dma_wait3A_56] : memref<802816xi32, #tpu.memory_space<hbm>> -> memref<1792xi32, #tpu.memory_space<hbm>>
      %dma_wait3A_58 = arith.constant 0 : i32
      %dma_wait3A_59 = tpu.memref_slice %arg3[%dma_wait3A_58] : memref<802816xi32, #tpu.memory_space<hbm>> -> memref<1792xi32, #tpu.memory_space<hbm>>
      tpu.wait_dma2 semaphore(%arg15 : memref<!tpu.dma_semaphore, #tpu.memory_space<semaphore_mem>>) src(%dma_wait3A_59 : memref<1792xi32, #tpu.memory_space<hbm>>) dst(%arg7 : memref<1792xi32, #tpu.memory_space<vmem>>)
      %dma_wait3A_60 = arith.constant 0 : i32
      %dma_wait3A_61 = tpu.memref_slice %arg4[%dma_wait3A_60] : memref<802816xf32, #tpu.memory_space<hbm>> -> memref<1792xf32, #tpu.memory_space<hbm>>
      %dma_wait3A_62 = arith.constant 0 : i32
      %dma_wait3A_63 = tpu.memref_slice %arg4[%dma_wait3A_62] : memref<802816xf32, #tpu.memory_space<hbm>> -> memref<1792xf32, #tpu.memory_space<hbm>>
      tpu.wait_dma2 semaphore(%arg15 : memref<!tpu.dma_semaphore, #tpu.memory_space<semaphore_mem>>) src(%dma_wait3A_63 : memref<1792xf32, #tpu.memory_space<hbm>>) dst(%arg9 : memref<1792xf32, #tpu.memory_space<vmem>>)
      %dma_start3A_64 = arith.constant 0 : i32
      %dma_start3A_65 = arith.constant 0 : i32
      %dma_start3A_66 = tpu.memref_slice %arg2[%dma_start3A_64, %dma_start3A_65] : memref<200704x16xf32, #tpu.memory_space<hbm>> -> memref<200704x16xf32, #tpu.memory_space<hbm>>
      tpu.enqueue_indirect_dma source(%dma_start3A_66 : memref<200704x16xf32, #tpu.memory_space<hbm>>) target(%arg11 : memref<1792x16xf32, #tpu.memory_space<vmem>>) offsets(%arg7 : memref<1792xi32, #tpu.memory_space<vmem>>) semaphore(%arg17 : memref<!tpu.dma_semaphore, #tpu.memory_space<semaphore_mem>>)
      %scan3A_67 = arith.constant 0 : i32
      %scan3A_68 = arith.constant 14 : i32
      %scan3A_69 = arith.addi %scan3A_67, %scan3A_68 : i32
      %scan3A_70 = arith.constant 1 : i32
      scf.for %scan3A_132 = %scan3A_67 to %scan3A_69 step %scan3A_70  : i32 {
        %mul3A_133 = arith.constant 1 : i32
        %mul3A_134 = arith.muli %scan3A_132, %mul3A_133 : i32
        %add3A_135 = arith.constant 0 : i32
        %add3A_136 = arith.addi %add3A_135, %mul3A_134 : i32
        %mul3A_137 = arith.constant 16 : i32
        %mul3A_138 = arith.muli %add3A_136, %mul3A_137 : i32
        %add3A_139 = vector.broadcast %mul3A_138 : i32 to vector<16xi32>
        %add3A_140 = arith.addi %add3A_139, %iota3A : vector<16xi32>
        %mul3A_141 = arith.constant 8 : i32
        %mul3A_142 = vector.broadcast %mul3A_141 : i32 to vector<16xi32>
        %mul3A_143 = arith.muli %add3A_140, %mul3A_142 : vector<16xi32>
        %add3A_144 = arith.constant 0 : i32
        %add3A_145 = vector.broadcast %add3A_144 : i32 to vector<16xi32>
        %add3A_146 = arith.addi %mul3A_143, %add3A_145 : vector<16xi32>
        %add3A_147 = arith.constant 1 : i32
        %add3A_148 = vector.broadcast %add3A_147 : i32 to vector<16xi32>
        %add3A_149 = arith.addi %mul3A_143, %add3A_148 : vector<16xi32>
        %add3A_150 = arith.constant 2 : i32
        %add3A_151 = vector.broadcast %add3A_150 : i32 to vector<16xi32>
        %add3A_152 = arith.addi %mul3A_143, %add3A_151 : vector<16xi32>
        %add3A_153 = arith.constant 3 : i32
        %add3A_154 = vector.broadcast %add3A_153 : i32 to vector<16xi32>
        %add3A_155 = arith.addi %mul3A_143, %add3A_154 : vector<16xi32>
        %add3A_156 = arith.constant 4 : i32
        %add3A_157 = vector.broadcast %add3A_156 : i32 to vector<16xi32>
        %add3A_158 = arith.addi %mul3A_143, %add3A_157 : vector<16xi32>
        %add3A_159 = arith.constant 5 : i32
        %add3A_160 = vector.broadcast %add3A_159 : i32 to vector<16xi32>
        %add3A_161 = arith.addi %mul3A_143, %add3A_160 : vector<16xi32>
        %add3A_162 = arith.constant 6 : i32
        %add3A_163 = vector.broadcast %add3A_162 : i32 to vector<16xi32>
        %add3A_164 = arith.addi %mul3A_143, %add3A_163 : vector<16xi32>
        %add3A_165 = arith.constant 7 : i32
        %add3A_166 = vector.broadcast %add3A_165 : i32 to vector<16xi32>
        %add3A_167 = arith.addi %mul3A_143, %add3A_166 : vector<16xi32>
        %gather3A = tpu.vector_load_idx %arg8[%add3A_146] : memref<1792xf32, #tpu.memory_space<vmem>>[vector<16xi32>], vector<16xf32>,
        %gather3A_168 = tpu.vector_load_idx %arg8[%add3A_149] : memref<1792xf32, #tpu.memory_space<vmem>>[vector<16xi32>], vector<16xf32>,
        %gather3A_169 = tpu.vector_load_idx %arg8[%add3A_152] : memref<1792xf32, #tpu.memory_space<vmem>>[vector<16xi32>], vector<16xf32>,
        %gather3A_170 = tpu.vector_load_idx %arg8[%add3A_155] : memref<1792xf32, #tpu.memory_space<vmem>>[vector<16xi32>], vector<16xf32>,
        %gather3A_171 = tpu.vector_load_idx %arg8[%add3A_158] : memref<1792xf32, #tpu.memory_space<vmem>>[vector<16xi32>], vector<16xf32>,
        %gather3A_172 = tpu.vector_load_idx %arg8[%add3A_161] : memref<1792xf32, #tpu.memory_space<vmem>>[vector<16xi32>], vector<16xf32>,
        %gather3A_173 = tpu.vector_load_idx %arg8[%add3A_164] : memref<1792xf32, #tpu.memory_space<vmem>>[vector<16xi32>], vector<16xf32>,
        %gather3A_174 = tpu.vector_load_idx %arg8[%add3A_167] : memref<1792xf32, #tpu.memory_space<vmem>>[vector<16xi32>], vector<16xf32>,
        %broadcast_in_dim3A = arith.constant 0 : i32
        %broadcast_in_dim3A_175 = vector.broadcast %broadcast_in_dim3A : i32 to vector<16xi32>
        %gather3A_176 = tpu.vector_load_idx %arg10[%add3A_146, %broadcast_in_dim3A_175] : memref<1792x16xf32, #tpu.memory_space<vmem>>[vector<16xi32>, vector<16xi32>], vector<16xf32>,
        %mul3A_177 = arith.mulf %gather3A, %gather3A_176 : vector<16xf32>
        %gather3A_178 = tpu.vector_load_idx %arg10[%add3A_149, %broadcast_in_dim3A_175] : memref<1792x16xf32, #tpu.memory_space<vmem>>[vector<16xi32>, vector<16xi32>], vector<16xf32>,
        %mul3A_179 = arith.mulf %gather3A_168, %gather3A_178 : vector<16xf32>
        %add3A_180 = arith.addf %mul3A_177, %mul3A_179 : vector<16xf32>
        %gather3A_181 = tpu.vector_load_idx %arg10[%add3A_152, %broadcast_in_dim3A_175] : memref<1792x16xf32, #tpu.memory_space<vmem>>[vector<16xi32>, vector<16xi32>], vector<16xf32>,
        %mul3A_182 = arith.mulf %gather3A_169, %gather3A_181 : vector<16xf32>
        %add3A_183 = arith.addf %add3A_180, %mul3A_182 : vector<16xf32>
        %gather3A_184 = tpu.vector_load_idx %arg10[%add3A_155, %broadcast_in_dim3A_175] : memref<1792x16xf32, #tpu.memory_space<vmem>>[vector<16xi32>, vector<16xi32>], vector<16xf32>,
        %mul3A_185 = arith.mulf %gather3A_170, %gather3A_184 : vector<16xf32>
        %add3A_186 = arith.addf %add3A_183, %mul3A_185 : vector<16xf32>
        %gather3A_187 = tpu.vector_load_idx %arg10[%add3A_158, %broadcast_in_dim3A_175] : memref<1792x16xf32, #tpu.memory_space<vmem>>[vector<16xi32>, vector<16xi32>], vector<16xf32>,
        %mul3A_188 = arith.mulf %gather3A_171, %gather3A_187 : vector<16xf32>
        %add3A_189 = arith.addf %add3A_186, %mul3A_188 : vector<16xf32>
        %gather3A_190 = tpu.vector_load_idx %arg10[%add3A_161, %broadcast_in_dim3A_175] : memref<1792x16xf32, #tpu.memory_space<vmem>>[vector<16xi32>, vector<16xi32>], vector<16xf32>,
        %mul3A_191 = arith.mulf %gather3A_172, %gather3A_190 : vector<16xf32>
        %add3A_192 = arith.addf %add3A_189, %mul3A_191 : vector<16xf32>
        %gather3A_193 = tpu.vector_load_idx %arg10[%add3A_164, %broadcast_in_dim3A_175] : memref<1792x16xf32, #tpu.memory_space<vmem>>[vector<16xi32>, vector<16xi32>], vector<16xf32>,
        %mul3A_194 = arith.mulf %gather3A_173, %gather3A_193 : vector<16xf32>
        %add3A_195 = arith.addf %add3A_192, %mul3A_194 : vector<16xf32>
        %gather3A_196 = tpu.vector_load_idx %arg10[%add3A_167, %broadcast_in_dim3A_175] : memref<1792x16xf32, #tpu.memory_space<vmem>>[vector<16xi32>, vector<16xi32>], vector<16xf32>,
        %mul3A_197 = arith.mulf %gather3A_174, %gather3A_196 : vector<16xf32>
        %add3A_198 = arith.addf %add3A_195, %mul3A_197 : vector<16xf32>
        %broadcast_in_dim3A_199 = arith.constant 1 : i32
        %broadcast_in_dim3A_200 = vector.broadcast %broadcast_in_dim3A_199 : i32 to vector<16xi32>
        %gather3A_201 = tpu.vector_load_idx %arg10[%add3A_146, %broadcast_in_dim3A_200] : memref<1792x16xf32, #tpu.memory_space<vmem>>[vector<16xi32>, vector<16xi32>], vector<16xf32>,
        %mul3A_202 = arith.mulf %gather3A, %gather3A_201 : vector<16xf32>
        %gather3A_203 = tpu.vector_load_idx %arg10[%add3A_149, %broadcast_in_dim3A_200] : memref<1792x16xf32, #tpu.memory_space<vmem>>[vector<16xi32>, vector<16xi32>], vector<16xf32>,
        %mul3A_204 = arith.mulf %gather3A_168, %gather3A_203 : vector<16xf32>
        %add3A_205 = arith.addf %mul3A_202, %mul3A_204 : vector<16xf32>
        %gather3A_206 = tpu.vector_load_idx %arg10[%add3A_152, %broadcast_in_dim3A_200] : memref<1792x16xf32, #tpu.memory_space<vmem>>[vector<16xi32>, vector<16xi32>], vector<16xf32>,
        %mul3A_207 = arith.mulf %gather3A_169, %gather3A_206 : vector<16xf32>
        %add3A_208 = arith.addf %add3A_205, %mul3A_207 : vector<16xf32>
        %gather3A_209 = tpu.vector_load_idx %arg10[%add3A_155, %broadcast_in_dim3A_200] : memref<1792x16xf32, #tpu.memory_space<vmem>>[vector<16xi32>, vector<16xi32>], vector<16xf32>,
        %mul3A_210 = arith.mulf %gather3A_170, %gather3A_209 : vector<16xf32>
        %add3A_211 = arith.addf %add3A_208, %mul3A_210 : vector<16xf32>
        %gather3A_212 = tpu.vector_load_idx %arg10[%add3A_158, %broadcast_in_dim3A_200] : memref<1792x16xf32, #tpu.memory_space<vmem>>[vector<16xi32>, vector<16xi32>], vector<16xf32>,
        %mul3A_213 = arith.mulf %gather3A_171, %gather3A_212 : vector<16xf32>
        %add3A_214 = arith.addf %add3A_211, %mul3A_213 : vector<16xf32>
        %gather3A_215 = tpu.vector_load_idx %arg10[%add3A_161, %broadcast_in_dim3A_200] : memref<1792x16xf32, #tpu.memory_space<vmem>>[vector<16xi32>, vector<16xi32>], vector<16xf32>,
        %mul3A_216 = arith.mulf %gather3A_172, %gather3A_215 : vector<16xf32>
        %add3A_217 = arith.addf %add3A_214, %mul3A_216 : vector<16xf32>
        %gather3A_218 = tpu.vector_load_idx %arg10[%add3A_164, %broadcast_in_dim3A_200] : memref<1792x16xf32, #tpu.memory_space<vmem>>[vector<16xi32>, vector<16xi32>], vector<16xf32>,
        %mul3A_219 = arith.mulf %gather3A_173, %gather3A_218 : vector<16xf32>
        %add3A_220 = arith.addf %add3A_217, %mul3A_219 : vector<16xf32>
        %gather3A_221 = tpu.vector_load_idx %arg10[%add3A_167, %broadcast_in_dim3A_200] : memref<1792x16xf32, #tpu.memory_space<vmem>>[vector<16xi32>, vector<16xi32>], vector<16xf32>,
        %mul3A_222 = arith.mulf %gather3A_174, %gather3A_221 : vector<16xf32>
        %add3A_223 = arith.addf %add3A_220, %mul3A_222 : vector<16xf32>
        %broadcast_in_dim3A_224 = arith.constant 2 : i32
        %broadcast_in_dim3A_225 = vector.broadcast %broadcast_in_dim3A_224 : i32 to vector<16xi32>
        %gather3A_226 = tpu.vector_load_idx %arg10[%add3A_146, %broadcast_in_dim3A_225] : memref<1792x16xf32, #tpu.memory_space<vmem>>[vector<16xi32>, vector<16xi32>], vector<16xf32>,
        %mul3A_227 = arith.mulf %gather3A, %gather3A_226 : vector<16xf32>
        %gather3A_228 = tpu.vector_load_idx %arg10[%add3A_149, %broadcast_in_dim3A_225] : memref<1792x16xf32, #tpu.memory_space<vmem>>[vector<16xi32>, vector<16xi32>], vector<16xf32>,
        %mul3A_229 = arith.mulf %gather3A_168, %gather3A_228 : vector<16xf32>
        %add3A_230 = arith.addf %mul3A_227, %mul3A_229 : vector<16xf32>
        %gather3A_231 = tpu.vector_load_idx %arg10[%add3A_152, %broadcast_in_dim3A_225] : memref<1792x16xf32, #tpu.memory_space<vmem>>[vector<16xi32>, vector<16xi32>], vector<16xf32>,
        %mul3A_232 = arith.mulf %gather3A_169, %gather3A_231 : vector<16xf32>
        %add3A_233 = arith.addf %add3A_230, %mul3A_232 : vector<16xf32>
        %gather3A_234 = tpu.vector_load_idx %arg10[%add3A_155, %broadcast_in_dim3A_225] : memref<1792x16xf32, #tpu.memory_space<vmem>>[vector<16xi32>, vector<16xi32>], vector<16xf32>,
        %mul3A_235 = arith.mulf %gather3A_170, %gather3A_234 : vector<16xf32>
        %add3A_236 = arith.addf %add3A_233, %mul3A_235 : vector<16xf32>
        %gather3A_237 = tpu.vector_load_idx %arg10[%add3A_158, %broadcast_in_dim3A_225] : memref<1792x16xf32, #tpu.memory_space<vmem>>[vector<16xi32>, vector<16xi32>], vector<16xf32>,
        %mul3A_238 = arith.mulf %gather3A_171, %gather3A_237 : vector<16xf32>
        %add3A_239 = arith.addf %add3A_236, %mul3A_238 : vector<16xf32>
        %gather3A_240 = tpu.vector_load_idx %arg10[%add3A_161, %broadcast_in_dim3A_225] : memref<1792x16xf32, #tpu.memory_space<vmem>>[vector<16xi32>, vector<16xi32>], vector<16xf32>,
        %mul3A_241 = arith.mulf %gather3A_172, %gather3A_240 : vector<16xf32>
        %add3A_242 = arith.addf %add3A_239, %mul3A_241 : vector<16xf32>
        %gather3A_243 = tpu.vector_load_idx %arg10[%add3A_164, %broadcast_in_dim3A_225] : memref<1792x16xf32, #tpu.memory_space<vmem>>[vector<16xi32>, vector<16xi32>], vector<16xf32>,
        %mul3A_244 = arith.mulf %gather3A_173, %gather3A_243 : vector<16xf32>
        %add3A_245 = arith.addf %add3A_242, %mul3A_244 : vector<16xf32>
        %gather3A_246 = tpu.vector_load_idx %arg10[%add3A_167, %broadcast_in_dim3A_225] : memref<1792x16xf32, #tpu.memory_space<vmem>>[vector<16xi32>, vector<16xi32>], vector<16xf32>,
        %mul3A_247 = arith.mulf %gather3A_174, %gather3A_246 : vector<16xf32>
        %add3A_248 = arith.addf %add3A_245, %mul3A_247 : vector<16xf32>
        %mul3A_249 = arith.mulf %add3A_198, %add3A_198 : vector<16xf32>
        %mul3A_250 = arith.mulf %add3A_223, %add3A_223 : vector<16xf32>
        %add3A_251 = arith.addf %mul3A_249, %mul3A_250 : vector<16xf32>
        %mul3A_252 = arith.mulf %add3A_248, %add3A_248 : vector<16xf32>
        %add3A_253 = arith.addf %add3A_251, %mul3A_252 : vector<16xf32>
        %max3A = arith.constant 1.000000e-24 : f32
        %max3A_254 = vector.broadcast %max3A : f32 to vector<16xf32>
        %max3A_255 = arith.maximumf %add3A_253, %max3A_254 : vector<16xf32>
        %bitcast3A = vector.bitcast %max3A_255 : vector<16xf32> to vector<16xi32>
        %shift_right_arithmetic3A = arith.constant 1 : i32
        %shift_right_arithmetic3A_256 = vector.broadcast %shift_right_arithmetic3A : i32 to vector<16xi32>
        %shift_right_arithmetic3A_257 = arith.shrsi %bitcast3A, %shift_right_arithmetic3A_256 : vector<16xi32>
        %sub3A = arith.constant 1597463007 : i32
        %sub3A_258 = vector.broadcast %sub3A : i32 to vector<16xi32>
        %sub3A_259 = arith.subi %sub3A_258, %shift_right_arithmetic3A_257 : vector<16xi32>
        %bitcast3A_260 = vector.bitcast %sub3A_259 : vector<16xi32> to vector<16xf32>
        %mul3A_261 = arith.constant 5.000000e-01 : f32
        %mul3A_262 = vector.broadcast %mul3A_261 : f32 to vector<16xf32>
        %mul3A_263 = arith.mulf %max3A_255, %mul3A_262 : vector<16xf32>
        %mul3A_264 = arith.mulf %mul3A_263, %bitcast3A_260 : vector<16xf32>
        %mul3A_265 = arith.mulf %mul3A_264, %bitcast3A_260 : vector<16xf32>
        %sub3A_266 = arith.constant 1.500000e+00 : f32
        %sub3A_267 = vector.broadcast %sub3A_266 : f32 to vector<16xf32>
        %sub3A_268 = arith.subf %sub3A_267, %mul3A_265 : vector<16xf32>
        %mul3A_269 = arith.mulf %bitcast3A_260, %sub3A_268 : vector<16xf32>
        %mul3A_270 = arith.mulf %mul3A_263, %mul3A_269 : vector<16xf32>
        %mul3A_271 = arith.mulf %mul3A_270, %mul3A_269 : vector<16xf32>
        %sub3A_272 = arith.constant 1.500000e+00 : f32
        %sub3A_273 = vector.broadcast %sub3A_272 : f32 to vector<16xf32>
        %sub3A_274 = arith.subf %sub3A_273, %mul3A_271 : vector<16xf32>
        %mul3A_275 = arith.mulf %mul3A_269, %sub3A_274 : vector<16xf32>
        %mul3A_276 = arith.mulf %mul3A_263, %mul3A_275 : vector<16xf32>
        %mul3A_277 = arith.mulf %mul3A_276, %mul3A_275 : vector<16xf32>
        %sub3A_278 = arith.constant 1.500000e+00 : f32
        %sub3A_279 = vector.broadcast %sub3A_278 : f32 to vector<16xf32>
        %sub3A_280 = arith.subf %sub3A_279, %mul3A_277 : vector<16xf32>
        %mul3A_281 = arith.mulf %mul3A_275, %sub3A_280 : vector<16xf32>
        %broadcast_in_dim3A_282 = arith.constant 0 : i32
        %broadcast_in_dim3A_283 = vector.broadcast %broadcast_in_dim3A_282 : i32 to vector<16xi32>
        %mul3A_284 = arith.mulf %add3A_198, %mul3A_281 : vector<16xf32>
        tpu.vector_store_idx %arg12[%add3A_140, %broadcast_in_dim3A_283], %mul3A_284 : memref<224x16xf32, #tpu.memory_space<vmem>>[vector<16xi32>, vector<16xi32>], vector<16xf32>,
        %broadcast_in_dim3A_285 = arith.constant 1 : i32
        %broadcast_in_dim3A_286 = vector.broadcast %broadcast_in_dim3A_285 : i32 to vector<16xi32>
        %mul3A_287 = arith.mulf %add3A_223, %mul3A_281 : vector<16xf32>
        tpu.vector_store_idx %arg12[%add3A_140, %broadcast_in_dim3A_286], %mul3A_287 : memref<224x16xf32, #tpu.memory_space<vmem>>[vector<16xi32>, vector<16xi32>], vector<16xf32>,
        %broadcast_in_dim3A_288 = arith.constant 2 : i32
        %broadcast_in_dim3A_289 = vector.broadcast %broadcast_in_dim3A_288 : i32 to vector<16xi32>
        %mul3A_290 = arith.mulf %add3A_248, %mul3A_281 : vector<16xf32>
        tpu.vector_store_idx %arg12[%add3A_140, %broadcast_in_dim3A_289], %mul3A_290 : memref<224x16xf32, #tpu.memory_space<vmem>>[vector<16xi32>, vector<16xi32>], vector<16xf32>,
        %broadcast_in_dim3A_291 = arith.constant 3 : i32
        %broadcast_in_dim3A_292 = vector.broadcast %broadcast_in_dim3A_291 : i32 to vector<16xi32>
        %gather3A_293 = tpu.vector_load_idx %arg10[%add3A_146, %broadcast_in_dim3A_292] : memref<1792x16xf32, #tpu.memory_space<vmem>>[vector<16xi32>, vector<16xi32>], vector<16xf32>,
        %mul3A_294 = arith.mulf %gather3A, %gather3A_293 : vector<16xf32>
        %gather3A_295 = tpu.vector_load_idx %arg10[%add3A_149, %broadcast_in_dim3A_292] : memref<1792x16xf32, #tpu.memory_space<vmem>>[vector<16xi32>, vector<16xi32>], vector<16xf32>,
        %mul3A_296 = arith.mulf %gather3A_168, %gather3A_295 : vector<16xf32>
        %add3A_297 = arith.addf %mul3A_294, %mul3A_296 : vector<16xf32>
        %gather3A_298 = tpu.vector_load_idx %arg10[%add3A_152, %broadcast_in_dim3A_292] : memref<1792x16xf32, #tpu.memory_space<vmem>>[vector<16xi32>, vector<16xi32>], vector<16xf32>,
        %mul3A_299 = arith.mulf %gather3A_169, %gather3A_298 : vector<16xf32>
        %add3A_300 = arith.addf %add3A_297, %mul3A_299 : vector<16xf32>
        %gather3A_301 = tpu.vector_load_idx %arg10[%add3A_155, %broadcast_in_dim3A_292] : memref<1792x16xf32, #tpu.memory_space<vmem>>[vector<16xi32>, vector<16xi32>], vector<16xf32>,
        %mul3A_302 = arith.mulf %gather3A_170, %gather3A_301 : vector<16xf32>
        %add3A_303 = arith.addf %add3A_300, %mul3A_302 : vector<16xf32>
        %gather3A_304 = tpu.vector_load_idx %arg10[%add3A_158, %broadcast_in_dim3A_292] : memref<1792x16xf32, #tpu.memory_space<vmem>>[vector<16xi32>, vector<16xi32>], vector<16xf32>,
        %mul3A_305 = arith.mulf %gather3A_171, %gather3A_304 : vector<16xf32>
        %add3A_306 = arith.addf %add3A_303, %mul3A_305 : vector<16xf32>
        %gather3A_307 = tpu.vector_load_idx %arg10[%add3A_161, %broadcast_in_dim3A_292] : memref<1792x16xf32, #tpu.memory_space<vmem>>[vector<16xi32>, vector<16xi32>], vector<16xf32>,
        %mul3A_308 = arith.mulf %gather3A_172, %gather3A_307 : vector<16xf32>
        %add3A_309 = arith.addf %add3A_306, %mul3A_308 : vector<16xf32>
        %gather3A_310 = tpu.vector_load_idx %arg10[%add3A_164, %broadcast_in_dim3A_292] : memref<1792x16xf32, #tpu.memory_space<vmem>>[vector<16xi32>, vector<16xi32>], vector<16xf32>,
        %mul3A_311 = arith.mulf %gather3A_173, %gather3A_310 : vector<16xf32>
        %add3A_312 = arith.addf %add3A_309, %mul3A_311 : vector<16xf32>
        %gather3A_313 = tpu.vector_load_idx %arg10[%add3A_167, %broadcast_in_dim3A_292] : memref<1792x16xf32, #tpu.memory_space<vmem>>[vector<16xi32>, vector<16xi32>], vector<16xf32>,
        %mul3A_314 = arith.mulf %gather3A_174, %gather3A_313 : vector<16xf32>
        %add3A_315 = arith.addf %add3A_312, %mul3A_314 : vector<16xf32>
        %broadcast_in_dim3A_316 = arith.constant 4 : i32
        %broadcast_in_dim3A_317 = vector.broadcast %broadcast_in_dim3A_316 : i32 to vector<16xi32>
        %gather3A_318 = tpu.vector_load_idx %arg10[%add3A_146, %broadcast_in_dim3A_317] : memref<1792x16xf32, #tpu.memory_space<vmem>>[vector<16xi32>, vector<16xi32>], vector<16xf32>,
        %mul3A_319 = arith.mulf %gather3A, %gather3A_318 : vector<16xf32>
        %gather3A_320 = tpu.vector_load_idx %arg10[%add3A_149, %broadcast_in_dim3A_317] : memref<1792x16xf32, #tpu.memory_space<vmem>>[vector<16xi32>, vector<16xi32>], vector<16xf32>,
        %mul3A_321 = arith.mulf %gather3A_168, %gather3A_320 : vector<16xf32>
        %add3A_322 = arith.addf %mul3A_319, %mul3A_321 : vector<16xf32>
        %gather3A_323 = tpu.vector_load_idx %arg10[%add3A_152, %broadcast_in_dim3A_317] : memref<1792x16xf32, #tpu.memory_space<vmem>>[vector<16xi32>, vector<16xi32>], vector<16xf32>,
        %mul3A_324 = arith.mulf %gather3A_169, %gather3A_323 : vector<16xf32>
        %add3A_325 = arith.addf %add3A_322, %mul3A_324 : vector<16xf32>
        %gather3A_326 = tpu.vector_load_idx %arg10[%add3A_155, %broadcast_in_dim3A_317] : memref<1792x16xf32, #tpu.memory_space<vmem>>[vector<16xi32>, vector<16xi32>], vector<16xf32>,
        %mul3A_327 = arith.mulf %gather3A_170, %gather3A_326 : vector<16xf32>
        %add3A_328 = arith.addf %add3A_325, %mul3A_327 : vector<16xf32>
        %gather3A_329 = tpu.vector_load_idx %arg10[%add3A_158, %broadcast_in_dim3A_317] : memref<1792x16xf32, #tpu.memory_space<vmem>>[vector<16xi32>, vector<16xi32>], vector<16xf32>,
        %mul3A_330 = arith.mulf %gather3A_171, %gather3A_329 : vector<16xf32>
        %add3A_331 = arith.addf %add3A_328, %mul3A_330 : vector<16xf32>
        %gather3A_332 = tpu.vector_load_idx %arg10[%add3A_161, %broadcast_in_dim3A_317] : memref<1792x16xf32, #tpu.memory_space<vmem>>[vector<16xi32>, vector<16xi32>], vector<16xf32>,
        %mul3A_333 = arith.mulf %gather3A_172, %gather3A_332 : vector<16xf32>
        %add3A_334 = arith.addf %add3A_331, %mul3A_333 : vector<16xf32>
        %gather3A_335 = tpu.vector_load_idx %arg10[%add3A_164, %broadcast_in_dim3A_317] : memref<1792x16xf32, #tpu.memory_space<vmem>>[vector<16xi32>, vector<16xi32>], vector<16xf32>,
        %mul3A_336 = arith.mulf %gather3A_173, %gather3A_335 : vector<16xf32>
        %add3A_337 = arith.addf %add3A_334, %mul3A_336 : vector<16xf32>
        %gather3A_338 = tpu.vector_load_idx %arg10[%add3A_167, %broadcast_in_dim3A_317] : memref<1792x16xf32, #tpu.memory_space<vmem>>[vector<16xi32>, vector<16xi32>], vector<16xf32>,
        %mul3A_339 = arith.mulf %gather3A_174, %gather3A_338 : vector<16xf32>
        %add3A_340 = arith.addf %add3A_337, %mul3A_339 : vector<16xf32>
        %broadcast_in_dim3A_341 = arith.constant 5 : i32
        %broadcast_in_dim3A_342 = vector.broadcast %broadcast_in_dim3A_341 : i32 to vector<16xi32>
        %gather3A_343 = tpu.vector_load_idx %arg10[%add3A_146, %broadcast_in_dim3A_342] : memref<1792x16xf32, #tpu.memory_space<vmem>>[vector<16xi32>, vector<16xi32>], vector<16xf32>,
        %mul3A_344 = arith.mulf %gather3A, %gather3A_343 : vector<16xf32>
        %gather3A_345 = tpu.vector_load_idx %arg10[%add3A_149, %broadcast_in_dim3A_342] : memref<1792x16xf32, #tpu.memory_space<vmem>>[vector<16xi32>, vector<16xi32>], vector<16xf32>,
        %mul3A_346 = arith.mulf %gather3A_168, %gather3A_345 : vector<16xf32>
        %add3A_347 = arith.addf %mul3A_344, %mul3A_346 : vector<16xf32>
        %gather3A_348 = tpu.vector_load_idx %arg10[%add3A_152, %broadcast_in_dim3A_342] : memref<1792x16xf32, #tpu.memory_space<vmem>>[vector<16xi32>, vector<16xi32>], vector<16xf32>,
        %mul3A_349 = arith.mulf %gather3A_169, %gather3A_348 : vector<16xf32>
        %add3A_350 = arith.addf %add3A_347, %mul3A_349 : vector<16xf32>
        %gather3A_351 = tpu.vector_load_idx %arg10[%add3A_155, %broadcast_in_dim3A_342] : memref<1792x16xf32, #tpu.memory_space<vmem>>[vector<16xi32>, vector<16xi32>], vector<16xf32>,
        %mul3A_352 = arith.mulf %gather3A_170, %gather3A_351 : vector<16xf32>
        %add3A_353 = arith.addf %add3A_350, %mul3A_352 : vector<16xf32>
        %gather3A_354 = tpu.vector_load_idx %arg10[%add3A_158, %broadcast_in_dim3A_342] : memref<1792x16xf32, #tpu.memory_space<vmem>>[vector<16xi32>, vector<16xi32>], vector<16xf32>,
        %mul3A_355 = arith.mulf %gather3A_171, %gather3A_354 : vector<16xf32>
        %add3A_356 = arith.addf %add3A_353, %mul3A_355 : vector<16xf32>
        %gather3A_357 = tpu.vector_load_idx %arg10[%add3A_161, %broadcast_in_dim3A_342] : memref<1792x16xf32, #tpu.memory_space<vmem>>[vector<16xi32>, vector<16xi32>], vector<16xf32>,
        %mul3A_358 = arith.mulf %gather3A_172, %gather3A_357 : vector<16xf32>
        %add3A_359 = arith.addf %add3A_356, %mul3A_358 : vector<16xf32>
        %gather3A_360 = tpu.vector_load_idx %arg10[%add3A_164, %broadcast_in_dim3A_342] : memref<1792x16xf32, #tpu.memory_space<vmem>>[vector<16xi32>, vector<16xi32>], vector<16xf32>,
        %mul3A_361 = arith.mulf %gather3A_173, %gather3A_360 : vector<16xf32>
        %add3A_362 = arith.addf %add3A_359, %mul3A_361 : vector<16xf32>
        %gather3A_363 = tpu.vector_load_idx %arg10[%add3A_167, %broadcast_in_dim3A_342] : memref<1792x16xf32, #tpu.memory_space<vmem>>[vector<16xi32>, vector<16xi32>], vector<16xf32>,
        %mul3A_364 = arith.mulf %gather3A_174, %gather3A_363 : vector<16xf32>
        %add3A_365 = arith.addf %add3A_362, %mul3A_364 : vector<16xf32>
        %mul3A_366 = arith.mulf %add3A_315, %add3A_315 : vector<16xf32>
        %mul3A_367 = arith.mulf %add3A_340, %add3A_340 : vector<16xf32>
        %add3A_368 = arith.addf %mul3A_366, %mul3A_367 : vector<16xf32>
        %mul3A_369 = arith.mulf %add3A_365, %add3A_365 : vector<16xf32>
        %add3A_370 = arith.addf %add3A_368, %mul3A_369 : vector<16xf32>
        %max3A_371 = arith.constant 1.000000e-24 : f32
        %max3A_372 = vector.broadcast %max3A_371 : f32 to vector<16xf32>
        %max3A_373 = arith.maximumf %add3A_370, %max3A_372 : vector<16xf32>
        %bitcast3A_374 = vector.bitcast %max3A_373 : vector<16xf32> to vector<16xi32>
        %shift_right_arithmetic3A_375 = arith.constant 1 : i32
        %shift_right_arithmetic3A_376 = vector.broadcast %shift_right_arithmetic3A_375 : i32 to vector<16xi32>
        %shift_right_arithmetic3A_377 = arith.shrsi %bitcast3A_374, %shift_right_arithmetic3A_376 : vector<16xi32>
        %sub3A_378 = arith.constant 1597463007 : i32
        %sub3A_379 = vector.broadcast %sub3A_378 : i32 to vector<16xi32>
        %sub3A_380 = arith.subi %sub3A_379, %shift_right_arithmetic3A_377 : vector<16xi32>
        %bitcast3A_381 = vector.bitcast %sub3A_380 : vector<16xi32> to vector<16xf32>
        %mul3A_382 = arith.constant 5.000000e-01 : f32
        %mul3A_383 = vector.broadcast %mul3A_382 : f32 to vector<16xf32>
        %mul3A_384 = arith.mulf %max3A_373, %mul3A_383 : vector<16xf32>
        %mul3A_385 = arith.mulf %mul3A_384, %bitcast3A_381 : vector<16xf32>
        %mul3A_386 = arith.mulf %mul3A_385, %bitcast3A_381 : vector<16xf32>
        %sub3A_387 = arith.constant 1.500000e+00 : f32
        %sub3A_388 = vector.broadcast %sub3A_387 : f32 to vector<16xf32>
        %sub3A_389 = arith.subf %sub3A_388, %mul3A_386 : vector<16xf32>
        %mul3A_390 = arith.mulf %bitcast3A_381, %sub3A_389 : vector<16xf32>
        %mul3A_391 = arith.mulf %mul3A_384, %mul3A_390 : vector<16xf32>
        %mul3A_392 = arith.mulf %mul3A_391, %mul3A_390 : vector<16xf32>
        %sub3A_393 = arith.constant 1.500000e+00 : f32
        %sub3A_394 = vector.broadcast %sub3A_393 : f32 to vector<16xf32>
        %sub3A_395 = arith.subf %sub3A_394, %mul3A_392 : vector<16xf32>
        %mul3A_396 = arith.mulf %mul3A_390, %sub3A_395 : vector<16xf32>
        %mul3A_397 = arith.mulf %mul3A_384, %mul3A_396 : vector<16xf32>
        %mul3A_398 = arith.mulf %mul3A_397, %mul3A_396 : vector<16xf32>
        %sub3A_399 = arith.constant 1.500000e+00 : f32
        %sub3A_400 = vector.broadcast %sub3A_399 : f32 to vector<16xf32>
        %sub3A_401 = arith.subf %sub3A_400, %mul3A_398 : vector<16xf32>
        %mul3A_402 = arith.mulf %mul3A_396, %sub3A_401 : vector<16xf32>
        %broadcast_in_dim3A_403 = arith.constant 3 : i32
        %broadcast_in_dim3A_404 = vector.broadcast %broadcast_in_dim3A_403 : i32 to vector<16xi32>
        %mul3A_405 = arith.mulf %add3A_315, %mul3A_402 : vector<16xf32>
        tpu.vector_store_idx %arg12[%add3A_140, %broadcast_in_dim3A_404], %mul3A_405 : memref<224x16xf32, #tpu.memory_space<vmem>>[vector<16xi32>, vector<16xi32>], vector<16xf32>,
        %broadcast_in_dim3A_406 = arith.constant 4 : i32
        %broadcast_in_dim3A_407 = vector.broadcast %broadcast_in_dim3A_406 : i32 to vector<16xi32>
        %mul3A_408 = arith.mulf %add3A_340, %mul3A_402 : vector<16xf32>
        tpu.vector_store_idx %arg12[%add3A_140, %broadcast_in_dim3A_407], %mul3A_408 : memref<224x16xf32, #tpu.memory_space<vmem>>[vector<16xi32>, vector<16xi32>], vector<16xf32>,
        %broadcast_in_dim3A_409 = arith.constant 5 : i32
        %broadcast_in_dim3A_410 = vector.broadcast %broadcast_in_dim3A_409 : i32 to vector<16xi32>
        %mul3A_411 = arith.mulf %add3A_365, %mul3A_402 : vector<16xf32>
        tpu.vector_store_idx %arg12[%add3A_140, %broadcast_in_dim3A_410], %mul3A_411 : memref<224x16xf32, #tpu.memory_space<vmem>>[vector<16xi32>, vector<16xi32>], vector<16xf32>,
        %broadcast_in_dim3A_412 = arith.constant 6 : i32
        %broadcast_in_dim3A_413 = vector.broadcast %broadcast_in_dim3A_412 : i32 to vector<16xi32>
        %gather3A_414 = tpu.vector_load_idx %arg10[%add3A_146, %broadcast_in_dim3A_413] : memref<1792x16xf32, #tpu.memory_space<vmem>>[vector<16xi32>, vector<16xi32>], vector<16xf32>,
        %mul3A_415 = arith.mulf %gather3A, %gather3A_414 : vector<16xf32>
        %gather3A_416 = tpu.vector_load_idx %arg10[%add3A_149, %broadcast_in_dim3A_413] : memref<1792x16xf32, #tpu.memory_space<vmem>>[vector<16xi32>, vector<16xi32>], vector<16xf32>,
        %mul3A_417 = arith.mulf %gather3A_168, %gather3A_416 : vector<16xf32>
        %add3A_418 = arith.addf %mul3A_415, %mul3A_417 : vector<16xf32>
        %gather3A_419 = tpu.vector_load_idx %arg10[%add3A_152, %broadcast_in_dim3A_413] : memref<1792x16xf32, #tpu.memory_space<vmem>>[vector<16xi32>, vector<16xi32>], vector<16xf32>,
        %mul3A_420 = arith.mulf %gather3A_169, %gather3A_419 : vector<16xf32>
        %add3A_421 = arith.addf %add3A_418, %mul3A_420 : vector<16xf32>
        %gather3A_422 = tpu.vector_load_idx %arg10[%add3A_155, %broadcast_in_dim3A_413] : memref<1792x16xf32, #tpu.memory_space<vmem>>[vector<16xi32>, vector<16xi32>], vector<16xf32>,
        %mul3A_423 = arith.mulf %gather3A_170, %gather3A_422 : vector<16xf32>
        %add3A_424 = arith.addf %add3A_421, %mul3A_423 : vector<16xf32>
        %gather3A_425 = tpu.vector_load_idx %arg10[%add3A_158, %broadcast_in_dim3A_413] : memref<1792x16xf32, #tpu.memory_space<vmem>>[vector<16xi32>, vector<16xi32>], vector<16xf32>,
        %mul3A_426 = arith.mulf %gather3A_171, %gather3A_425 : vector<16xf32>
        %add3A_427 = arith.addf %add3A_424, %mul3A_426 : vector<16xf32>
        %gather3A_428 = tpu.vector_load_idx %arg10[%add3A_161, %broadcast_in_dim3A_413] : memref<1792x16xf32, #tpu.memory_space<vmem>>[vector<16xi32>, vector<16xi32>], vector<16xf32>,
        %mul3A_429 = arith.mulf %gather3A_172, %gather3A_428 : vector<16xf32>
        %add3A_430 = arith.addf %add3A_427, %mul3A_429 : vector<16xf32>
        %gather3A_431 = tpu.vector_load_idx %arg10[%add3A_164, %broadcast_in_dim3A_413] : memref<1792x16xf32, #tpu.memory_space<vmem>>[vector<16xi32>, vector<16xi32>], vector<16xf32>,
        %mul3A_432 = arith.mulf %gather3A_173, %gather3A_431 : vector<16xf32>
        %add3A_433 = arith.addf %add3A_430, %mul3A_432 : vector<16xf32>
        %gather3A_434 = tpu.vector_load_idx %arg10[%add3A_167, %broadcast_in_dim3A_413] : memref<1792x16xf32, #tpu.memory_space<vmem>>[vector<16xi32>, vector<16xi32>], vector<16xf32>,
        %mul3A_435 = arith.mulf %gather3A_174, %gather3A_434 : vector<16xf32>
        %add3A_436 = arith.addf %add3A_433, %mul3A_435 : vector<16xf32>
        %broadcast_in_dim3A_437 = arith.constant 7 : i32
        %broadcast_in_dim3A_438 = vector.broadcast %broadcast_in_dim3A_437 : i32 to vector<16xi32>
        %gather3A_439 = tpu.vector_load_idx %arg10[%add3A_146, %broadcast_in_dim3A_438] : memref<1792x16xf32, #tpu.memory_space<vmem>>[vector<16xi32>, vector<16xi32>], vector<16xf32>,
        %mul3A_440 = arith.mulf %gather3A, %gather3A_439 : vector<16xf32>
        %gather3A_441 = tpu.vector_load_idx %arg10[%add3A_149, %broadcast_in_dim3A_438] : memref<1792x16xf32, #tpu.memory_space<vmem>>[vector<16xi32>, vector<16xi32>], vector<16xf32>,
        %mul3A_442 = arith.mulf %gather3A_168, %gather3A_441 : vector<16xf32>
        %add3A_443 = arith.addf %mul3A_440, %mul3A_442 : vector<16xf32>
        %gather3A_444 = tpu.vector_load_idx %arg10[%add3A_152, %broadcast_in_dim3A_438] : memref<1792x16xf32, #tpu.memory_space<vmem>>[vector<16xi32>, vector<16xi32>], vector<16xf32>,
        %mul3A_445 = arith.mulf %gather3A_169, %gather3A_444 : vector<16xf32>
        %add3A_446 = arith.addf %add3A_443, %mul3A_445 : vector<16xf32>
        %gather3A_447 = tpu.vector_load_idx %arg10[%add3A_155, %broadcast_in_dim3A_438] : memref<1792x16xf32, #tpu.memory_space<vmem>>[vector<16xi32>, vector<16xi32>], vector<16xf32>,
        %mul3A_448 = arith.mulf %gather3A_170, %gather3A_447 : vector<16xf32>
        %add3A_449 = arith.addf %add3A_446, %mul3A_448 : vector<16xf32>
        %gather3A_450 = tpu.vector_load_idx %arg10[%add3A_158, %broadcast_in_dim3A_438] : memref<1792x16xf32, #tpu.memory_space<vmem>>[vector<16xi32>, vector<16xi32>], vector<16xf32>,
        %mul3A_451 = arith.mulf %gather3A_171, %gather3A_450 : vector<16xf32>
        %add3A_452 = arith.addf %add3A_449, %mul3A_451 : vector<16xf32>
        %gather3A_453 = tpu.vector_load_idx %arg10[%add3A_161, %broadcast_in_dim3A_438] : memref<1792x16xf32, #tpu.memory_space<vmem>>[vector<16xi32>, vector<16xi32>], vector<16xf32>,
        %mul3A_454 = arith.mulf %gather3A_172, %gather3A_453 : vector<16xf32>
        %add3A_455 = arith.addf %add3A_452, %mul3A_454 : vector<16xf32>
        %gather3A_456 = tpu.vector_load_idx %arg10[%add3A_164, %broadcast_in_dim3A_438] : memref<1792x16xf32, #tpu.memory_space<vmem>>[vector<16xi32>, vector<16xi32>], vector<16xf32>,
        %mul3A_457 = arith.mulf %gather3A_173, %gather3A_456 : vector<16xf32>
        %add3A_458 = arith.addf %add3A_455, %mul3A_457 : vector<16xf32>
        %gather3A_459 = tpu.vector_load_idx %arg10[%add3A_167, %broadcast_in_dim3A_438] : memref<1792x16xf32, #tpu.memory_space<vmem>>[vector<16xi32>, vector<16xi32>], vector<16xf32>,
        %mul3A_460 = arith.mulf %gather3A_174, %gather3A_459 : vector<16xf32>
        %add3A_461 = arith.addf %add3A_458, %mul3A_460 : vector<16xf32>
        %broadcast_in_dim3A_462 = arith.constant 8 : i32
        %broadcast_in_dim3A_463 = vector.broadcast %broadcast_in_dim3A_462 : i32 to vector<16xi32>
        %gather3A_464 = tpu.vector_load_idx %arg10[%add3A_146, %broadcast_in_dim3A_463] : memref<1792x16xf32, #tpu.memory_space<vmem>>[vector<16xi32>, vector<16xi32>], vector<16xf32>,
        %mul3A_465 = arith.mulf %gather3A, %gather3A_464 : vector<16xf32>
        %gather3A_466 = tpu.vector_load_idx %arg10[%add3A_149, %broadcast_in_dim3A_463] : memref<1792x16xf32, #tpu.memory_space<vmem>>[vector<16xi32>, vector<16xi32>], vector<16xf32>,
        %mul3A_467 = arith.mulf %gather3A_168, %gather3A_466 : vector<16xf32>
        %add3A_468 = arith.addf %mul3A_465, %mul3A_467 : vector<16xf32>
        %gather3A_469 = tpu.vector_load_idx %arg10[%add3A_152, %broadcast_in_dim3A_463] : memref<1792x16xf32, #tpu.memory_space<vmem>>[vector<16xi32>, vector<16xi32>], vector<16xf32>,
        %mul3A_470 = arith.mulf %gather3A_169, %gather3A_469 : vector<16xf32>
        %add3A_471 = arith.addf %add3A_468, %mul3A_470 : vector<16xf32>
        %gather3A_472 = tpu.vector_load_idx %arg10[%add3A_155, %broadcast_in_dim3A_463] : memref<1792x16xf32, #tpu.memory_space<vmem>>[vector<16xi32>, vector<16xi32>], vector<16xf32>,
        %mul3A_473 = arith.mulf %gather3A_170, %gather3A_472 : vector<16xf32>
        %add3A_474 = arith.addf %add3A_471, %mul3A_473 : vector<16xf32>
        %gather3A_475 = tpu.vector_load_idx %arg10[%add3A_158, %broadcast_in_dim3A_463] : memref<1792x16xf32, #tpu.memory_space<vmem>>[vector<16xi32>, vector<16xi32>], vector<16xf32>,
        %mul3A_476 = arith.mulf %gather3A_171, %gather3A_475 : vector<16xf32>
        %add3A_477 = arith.addf %add3A_474, %mul3A_476 : vector<16xf32>
        %gather3A_478 = tpu.vector_load_idx %arg10[%add3A_161, %broadcast_in_dim3A_463] : memref<1792x16xf32, #tpu.memory_space<vmem>>[vector<16xi32>, vector<16xi32>], vector<16xf32>,
        %mul3A_479 = arith.mulf %gather3A_172, %gather3A_478 : vector<16xf32>
        %add3A_480 = arith.addf %add3A_477, %mul3A_479 : vector<16xf32>
        %gather3A_481 = tpu.vector_load_idx %arg10[%add3A_164, %broadcast_in_dim3A_463] : memref<1792x16xf32, #tpu.memory_space<vmem>>[vector<16xi32>, vector<16xi32>], vector<16xf32>,
        %mul3A_482 = arith.mulf %gather3A_173, %gather3A_481 : vector<16xf32>
        %add3A_483 = arith.addf %add3A_480, %mul3A_482 : vector<16xf32>
        %gather3A_484 = tpu.vector_load_idx %arg10[%add3A_167, %broadcast_in_dim3A_463] : memref<1792x16xf32, #tpu.memory_space<vmem>>[vector<16xi32>, vector<16xi32>], vector<16xf32>,
        %mul3A_485 = arith.mulf %gather3A_174, %gather3A_484 : vector<16xf32>
        %add3A_486 = arith.addf %add3A_483, %mul3A_485 : vector<16xf32>
        %mul3A_487 = arith.mulf %add3A_436, %add3A_436 : vector<16xf32>
        %mul3A_488 = arith.mulf %add3A_461, %add3A_461 : vector<16xf32>
        %add3A_489 = arith.addf %mul3A_487, %mul3A_488 : vector<16xf32>
        %mul3A_490 = arith.mulf %add3A_486, %add3A_486 : vector<16xf32>
        %add3A_491 = arith.addf %add3A_489, %mul3A_490 : vector<16xf32>
        %max3A_492 = arith.constant 1.000000e-24 : f32
        %max3A_493 = vector.broadcast %max3A_492 : f32 to vector<16xf32>
        %max3A_494 = arith.maximumf %add3A_491, %max3A_493 : vector<16xf32>
        %bitcast3A_495 = vector.bitcast %max3A_494 : vector<16xf32> to vector<16xi32>
        %shift_right_arithmetic3A_496 = arith.constant 1 : i32
        %shift_right_arithmetic3A_497 = vector.broadcast %shift_right_arithmetic3A_496 : i32 to vector<16xi32>
        %shift_right_arithmetic3A_498 = arith.shrsi %bitcast3A_495, %shift_right_arithmetic3A_497 : vector<16xi32>
        %sub3A_499 = arith.constant 1597463007 : i32
        %sub3A_500 = vector.broadcast %sub3A_499 : i32 to vector<16xi32>
        %sub3A_501 = arith.subi %sub3A_500, %shift_right_arithmetic3A_498 : vector<16xi32>
        %bitcast3A_502 = vector.bitcast %sub3A_501 : vector<16xi32> to vector<16xf32>
        %mul3A_503 = arith.constant 5.000000e-01 : f32
        %mul3A_504 = vector.broadcast %mul3A_503 : f32 to vector<16xf32>
        %mul3A_505 = arith.mulf %max3A_494, %mul3A_504 : vector<16xf32>
        %mul3A_506 = arith.mulf %mul3A_505, %bitcast3A_502 : vector<16xf32>
        %mul3A_507 = arith.mulf %mul3A_506, %bitcast3A_502 : vector<16xf32>
        %sub3A_508 = arith.constant 1.500000e+00 : f32
        %sub3A_509 = vector.broadcast %sub3A_508 : f32 to vector<16xf32>
        %sub3A_510 = arith.subf %sub3A_509, %mul3A_507 : vector<16xf32>
        %mul3A_511 = arith.mulf %bitcast3A_502, %sub3A_510 : vector<16xf32>
        %mul3A_512 = arith.mulf %mul3A_505, %mul3A_511 : vector<16xf32>
        %mul3A_513 = arith.mulf %mul3A_512, %mul3A_511 : vector<16xf32>
        %sub3A_514 = arith.constant 1.500000e+00 : f32
        %sub3A_515 = vector.broadcast %sub3A_514 : f32 to vector<16xf32>
        %sub3A_516 = arith.subf %sub3A_515, %mul3A_513 : vector<16xf32>
        %mul3A_517 = arith.mulf %mul3A_511, %sub3A_516 : vector<16xf32>
        %mul3A_518 = arith.mulf %mul3A_505, %mul3A_517 : vector<16xf32>
        %mul3A_519 = arith.mulf %mul3A_518, %mul3A_517 : vector<16xf32>
        %sub3A_520 = arith.constant 1.500000e+00 : f32
        %sub3A_521 = vector.broadcast %sub3A_520 : f32 to vector<16xf32>
        %sub3A_522 = arith.subf %sub3A_521, %mul3A_519 : vector<16xf32>
        %mul3A_523 = arith.mulf %mul3A_517, %sub3A_522 : vector<16xf32>
        %broadcast_in_dim3A_524 = arith.constant 6 : i32
        %broadcast_in_dim3A_525 = vector.broadcast %broadcast_in_dim3A_524 : i32 to vector<16xi32>
        %mul3A_526 = arith.mulf %add3A_436, %mul3A_523 : vector<16xf32>
        tpu.vector_store_idx %arg12[%add3A_140, %broadcast_in_dim3A_525], %mul3A_526 : memref<224x16xf32, #tpu.memory_space<vmem>>[vector<16xi32>, vector<16xi32>], vector<16xf32>,
        %broadcast_in_dim3A_527 = arith.constant 7 : i32
        %broadcast_in_dim3A_528 = vector.broadcast %broadcast_in_dim3A_527 : i32 to vector<16xi32>
        %mul3A_529 = arith.mulf %add3A_461, %mul3A_523 : vector<16xf32>
        tpu.vector_store_idx %arg12[%add3A_140, %broadcast_in_dim3A_528], %mul3A_529 : memref<224x16xf32, #tpu.memory_space<vmem>>[vector<16xi32>, vector<16xi32>], vector<16xf32>,
        %broadcast_in_dim3A_530 = arith.constant 8 : i32
        %broadcast_in_dim3A_531 = vector.broadcast %broadcast_in_dim3A_530 : i32 to vector<16xi32>
        %mul3A_532 = arith.mulf %add3A_486, %mul3A_523 : vector<16xf32>
        tpu.vector_store_idx %arg12[%add3A_140, %broadcast_in_dim3A_531], %mul3A_532 : memref<224x16xf32, #tpu.memory_space<vmem>>[vector<16xi32>, vector<16xi32>], vector<16xf32>,
        %broadcast_in_dim3A_533 = arith.constant 9 : i32
        %broadcast_in_dim3A_534 = vector.broadcast %broadcast_in_dim3A_533 : i32 to vector<16xi32>
        %gather3A_535 = tpu.vector_load_idx %arg10[%add3A_146, %broadcast_in_dim3A_534] : memref<1792x16xf32, #tpu.memory_space<vmem>>[vector<16xi32>, vector<16xi32>], vector<16xf32>,
        %mul3A_536 = arith.mulf %gather3A, %gather3A_535 : vector<16xf32>
        %gather3A_537 = tpu.vector_load_idx %arg10[%add3A_149, %broadcast_in_dim3A_534] : memref<1792x16xf32, #tpu.memory_space<vmem>>[vector<16xi32>, vector<16xi32>], vector<16xf32>,
        %mul3A_538 = arith.mulf %gather3A_168, %gather3A_537 : vector<16xf32>
        %add3A_539 = arith.addf %mul3A_536, %mul3A_538 : vector<16xf32>
        %gather3A_540 = tpu.vector_load_idx %arg10[%add3A_152, %broadcast_in_dim3A_534] : memref<1792x16xf32, #tpu.memory_space<vmem>>[vector<16xi32>, vector<16xi32>], vector<16xf32>,
        %mul3A_541 = arith.mulf %gather3A_169, %gather3A_540 : vector<16xf32>
        %add3A_542 = arith.addf %add3A_539, %mul3A_541 : vector<16xf32>
        %gather3A_543 = tpu.vector_load_idx %arg10[%add3A_155, %broadcast_in_dim3A_534] : memref<1792x16xf32, #tpu.memory_space<vmem>>[vector<16xi32>, vector<16xi32>], vector<16xf32>,
        %mul3A_544 = arith.mulf %gather3A_170, %gather3A_543 : vector<16xf32>
        %add3A_545 = arith.addf %add3A_542, %mul3A_544 : vector<16xf32>
        %gather3A_546 = tpu.vector_load_idx %arg10[%add3A_158, %broadcast_in_dim3A_534] : memref<1792x16xf32, #tpu.memory_space<vmem>>[vector<16xi32>, vector<16xi32>], vector<16xf32>,
        %mul3A_547 = arith.mulf %gather3A_171, %gather3A_546 : vector<16xf32>
        %add3A_548 = arith.addf %add3A_545, %mul3A_547 : vector<16xf32>
        %gather3A_549 = tpu.vector_load_idx %arg10[%add3A_161, %broadcast_in_dim3A_534] : memref<1792x16xf32, #tpu.memory_space<vmem>>[vector<16xi32>, vector<16xi32>], vector<16xf32>,
        %mul3A_550 = arith.mulf %gather3A_172, %gather3A_549 : vector<16xf32>
        %add3A_551 = arith.addf %add3A_548, %mul3A_550 : vector<16xf32>
        %gather3A_552 = tpu.vector_load_idx %arg10[%add3A_164, %broadcast_in_dim3A_534] : memref<1792x16xf32, #tpu.memory_space<vmem>>[vector<16xi32>, vector<16xi32>], vector<16xf32>,
        %mul3A_553 = arith.mulf %gather3A_173, %gather3A_552 : vector<16xf32>
        %add3A_554 = arith.addf %add3A_551, %mul3A_553 : vector<16xf32>
        %gather3A_555 = tpu.vector_load_idx %arg10[%add3A_167, %broadcast_in_dim3A_534] : memref<1792x16xf32, #tpu.memory_space<vmem>>[vector<16xi32>, vector<16xi32>], vector<16xf32>,
        %mul3A_556 = arith.mulf %gather3A_174, %gather3A_555 : vector<16xf32>
        %add3A_557 = arith.addf %add3A_554, %mul3A_556 : vector<16xf32>
        %broadcast_in_dim3A_558 = arith.constant 10 : i32
        %broadcast_in_dim3A_559 = vector.broadcast %broadcast_in_dim3A_558 : i32 to vector<16xi32>
        %gather3A_560 = tpu.vector_load_idx %arg10[%add3A_146, %broadcast_in_dim3A_559] : memref<1792x16xf32, #tpu.memory_space<vmem>>[vector<16xi32>, vector<16xi32>], vector<16xf32>,
        %mul3A_561 = arith.mulf %gather3A, %gather3A_560 : vector<16xf32>
        %gather3A_562 = tpu.vector_load_idx %arg10[%add3A_149, %broadcast_in_dim3A_559] : memref<1792x16xf32, #tpu.memory_space<vmem>>[vector<16xi32>, vector<16xi32>], vector<16xf32>,
        %mul3A_563 = arith.mulf %gather3A_168, %gather3A_562 : vector<16xf32>
        %add3A_564 = arith.addf %mul3A_561, %mul3A_563 : vector<16xf32>
        %gather3A_565 = tpu.vector_load_idx %arg10[%add3A_152, %broadcast_in_dim3A_559] : memref<1792x16xf32, #tpu.memory_space<vmem>>[vector<16xi32>, vector<16xi32>], vector<16xf32>,
        %mul3A_566 = arith.mulf %gather3A_169, %gather3A_565 : vector<16xf32>
        %add3A_567 = arith.addf %add3A_564, %mul3A_566 : vector<16xf32>
        %gather3A_568 = tpu.vector_load_idx %arg10[%add3A_155, %broadcast_in_dim3A_559] : memref<1792x16xf32, #tpu.memory_space<vmem>>[vector<16xi32>, vector<16xi32>], vector<16xf32>,
        %mul3A_569 = arith.mulf %gather3A_170, %gather3A_568 : vector<16xf32>
        %add3A_570 = arith.addf %add3A_567, %mul3A_569 : vector<16xf32>
        %gather3A_571 = tpu.vector_load_idx %arg10[%add3A_158, %broadcast_in_dim3A_559] : memref<1792x16xf32, #tpu.memory_space<vmem>>[vector<16xi32>, vector<16xi32>], vector<16xf32>,
        %mul3A_572 = arith.mulf %gather3A_171, %gather3A_571 : vector<16xf32>
        %add3A_573 = arith.addf %add3A_570, %mul3A_572 : vector<16xf32>
        %gather3A_574 = tpu.vector_load_idx %arg10[%add3A_161, %broadcast_in_dim3A_559] : memref<1792x16xf32, #tpu.memory_space<vmem>>[vector<16xi32>, vector<16xi32>], vector<16xf32>,
        %mul3A_575 = arith.mulf %gather3A_172, %gather3A_574 : vector<16xf32>
        %add3A_576 = arith.addf %add3A_573, %mul3A_575 : vector<16xf32>
        %gather3A_577 = tpu.vector_load_idx %arg10[%add3A_164, %broadcast_in_dim3A_559] : memref<1792x16xf32, #tpu.memory_space<vmem>>[vector<16xi32>, vector<16xi32>], vector<16xf32>,
        %mul3A_578 = arith.mulf %gather3A_173, %gather3A_577 : vector<16xf32>
        %add3A_579 = arith.addf %add3A_576, %mul3A_578 : vector<16xf32>
        %gather3A_580 = tpu.vector_load_idx %arg10[%add3A_167, %broadcast_in_dim3A_559] : memref<1792x16xf32, #tpu.memory_space<vmem>>[vector<16xi32>, vector<16xi32>], vector<16xf32>,
        %mul3A_581 = arith.mulf %gather3A_174, %gather3A_580 : vector<16xf32>
        %add3A_582 = arith.addf %add3A_579, %mul3A_581 : vector<16xf32>
        %broadcast_in_dim3A_583 = arith.constant 11 : i32
        %broadcast_in_dim3A_584 = vector.broadcast %broadcast_in_dim3A_583 : i32 to vector<16xi32>
        %gather3A_585 = tpu.vector_load_idx %arg10[%add3A_146, %broadcast_in_dim3A_584] : memref<1792x16xf32, #tpu.memory_space<vmem>>[vector<16xi32>, vector<16xi32>], vector<16xf32>,
        %mul3A_586 = arith.mulf %gather3A, %gather3A_585 : vector<16xf32>
        %gather3A_587 = tpu.vector_load_idx %arg10[%add3A_149, %broadcast_in_dim3A_584] : memref<1792x16xf32, #tpu.memory_space<vmem>>[vector<16xi32>, vector<16xi32>], vector<16xf32>,
        %mul3A_588 = arith.mulf %gather3A_168, %gather3A_587 : vector<16xf32>
        %add3A_589 = arith.addf %mul3A_586, %mul3A_588 : vector<16xf32>
        %gather3A_590 = tpu.vector_load_idx %arg10[%add3A_152, %broadcast_in_dim3A_584] : memref<1792x16xf32, #tpu.memory_space<vmem>>[vector<16xi32>, vector<16xi32>], vector<16xf32>,
        %mul3A_591 = arith.mulf %gather3A_169, %gather3A_590 : vector<16xf32>
        %add3A_592 = arith.addf %add3A_589, %mul3A_591 : vector<16xf32>
        %gather3A_593 = tpu.vector_load_idx %arg10[%add3A_155, %broadcast_in_dim3A_584] : memref<1792x16xf32, #tpu.memory_space<vmem>>[vector<16xi32>, vector<16xi32>], vector<16xf32>,
        %mul3A_594 = arith.mulf %gather3A_170, %gather3A_593 : vector<16xf32>
        %add3A_595 = arith.addf %add3A_592, %mul3A_594 : vector<16xf32>
        %gather3A_596 = tpu.vector_load_idx %arg10[%add3A_158, %broadcast_in_dim3A_584] : memref<1792x16xf32, #tpu.memory_space<vmem>>[vector<16xi32>, vector<16xi32>], vector<16xf32>,
        %mul3A_597 = arith.mulf %gather3A_171, %gather3A_596 : vector<16xf32>
        %add3A_598 = arith.addf %add3A_595, %mul3A_597 : vector<16xf32>
        %gather3A_599 = tpu.vector_load_idx %arg10[%add3A_161, %broadcast_in_dim3A_584] : memref<1792x16xf32, #tpu.memory_space<vmem>>[vector<16xi32>, vector<16xi32>], vector<16xf32>,
        %mul3A_600 = arith.mulf %gather3A_172, %gather3A_599 : vector<16xf32>
        %add3A_601 = arith.addf %add3A_598, %mul3A_600 : vector<16xf32>
        %gather3A_602 = tpu.vector_load_idx %arg10[%add3A_164, %broadcast_in_dim3A_584] : memref<1792x16xf32, #tpu.memory_space<vmem>>[vector<16xi32>, vector<16xi32>], vector<16xf32>,
        %mul3A_603 = arith.mulf %gather3A_173, %gather3A_602 : vector<16xf32>
        %add3A_604 = arith.addf %add3A_601, %mul3A_603 : vector<16xf32>
        %gather3A_605 = tpu.vector_load_idx %arg10[%add3A_167, %broadcast_in_dim3A_584] : memref<1792x16xf32, #tpu.memory_space<vmem>>[vector<16xi32>, vector<16xi32>], vector<16xf32>,
        %mul3A_606 = arith.mulf %gather3A_174, %gather3A_605 : vector<16xf32>
        %add3A_607 = arith.addf %add3A_604, %mul3A_606 : vector<16xf32>
        %mul3A_608 = arith.mulf %add3A_557, %add3A_557 : vector<16xf32>
        %mul3A_609 = arith.mulf %add3A_582, %add3A_582 : vector<16xf32>
        %add3A_610 = arith.addf %mul3A_608, %mul3A_609 : vector<16xf32>
        %mul3A_611 = arith.mulf %add3A_607, %add3A_607 : vector<16xf32>
        %add3A_612 = arith.addf %add3A_610, %mul3A_611 : vector<16xf32>
        %max3A_613 = arith.constant 1.000000e-24 : f32
        %max3A_614 = vector.broadcast %max3A_613 : f32 to vector<16xf32>
        %max3A_615 = arith.maximumf %add3A_612, %max3A_614 : vector<16xf32>
        %bitcast3A_616 = vector.bitcast %max3A_615 : vector<16xf32> to vector<16xi32>
        %shift_right_arithmetic3A_617 = arith.constant 1 : i32
        %shift_right_arithmetic3A_618 = vector.broadcast %shift_right_arithmetic3A_617 : i32 to vector<16xi32>
        %shift_right_arithmetic3A_619 = arith.shrsi %bitcast3A_616, %shift_right_arithmetic3A_618 : vector<16xi32>
        %sub3A_620 = arith.constant 1597463007 : i32
        %sub3A_621 = vector.broadcast %sub3A_620 : i32 to vector<16xi32>
        %sub3A_622 = arith.subi %sub3A_621, %shift_right_arithmetic3A_619 : vector<16xi32>
        %bitcast3A_623 = vector.bitcast %sub3A_622 : vector<16xi32> to vector<16xf32>
        %mul3A_624 = arith.constant 5.000000e-01 : f32
        %mul3A_625 = vector.broadcast %mul3A_624 : f32 to vector<16xf32>
        %mul3A_626 = arith.mulf %max3A_615, %mul3A_625 : vector<16xf32>
        %mul3A_627 = arith.mulf %mul3A_626, %bitcast3A_623 : vector<16xf32>
        %mul3A_628 = arith.mulf %mul3A_627, %bitcast3A_623 : vector<16xf32>
        %sub3A_629 = arith.constant 1.500000e+00 : f32
        %sub3A_630 = vector.broadcast %sub3A_629 : f32 to vector<16xf32>
        %sub3A_631 = arith.subf %sub3A_630, %mul3A_628 : vector<16xf32>
        %mul3A_632 = arith.mulf %bitcast3A_623, %sub3A_631 : vector<16xf32>
        %mul3A_633 = arith.mulf %mul3A_626, %mul3A_632 : vector<16xf32>
        %mul3A_634 = arith.mulf %mul3A_633, %mul3A_632 : vector<16xf32>
        %sub3A_635 = arith.constant 1.500000e+00 : f32
        %sub3A_636 = vector.broadcast %sub3A_635 : f32 to vector<16xf32>
        %sub3A_637 = arith.subf %sub3A_636, %mul3A_634 : vector<16xf32>
        %mul3A_638 = arith.mulf %mul3A_632, %sub3A_637 : vector<16xf32>
        %mul3A_639 = arith.mulf %mul3A_626, %mul3A_638 : vector<16xf32>
        %mul3A_640 = arith.mulf %mul3A_639, %mul3A_638 : vector<16xf32>
        %sub3A_641 = arith.constant 1.500000e+00 : f32
        %sub3A_642 = vector.broadcast %sub3A_641 : f32 to vector<16xf32>
        %sub3A_643 = arith.subf %sub3A_642, %mul3A_640 : vector<16xf32>
        %mul3A_644 = arith.mulf %mul3A_638, %sub3A_643 : vector<16xf32>
        %broadcast_in_dim3A_645 = arith.constant 9 : i32
        %broadcast_in_dim3A_646 = vector.broadcast %broadcast_in_dim3A_645 : i32 to vector<16xi32>
        %mul3A_647 = arith.mulf %add3A_557, %mul3A_644 : vector<16xf32>
        tpu.vector_store_idx %arg12[%add3A_140, %broadcast_in_dim3A_646], %mul3A_647 : memref<224x16xf32, #tpu.memory_space<vmem>>[vector<16xi32>, vector<16xi32>], vector<16xf32>,
        %broadcast_in_dim3A_648 = arith.constant 10 : i32
        %broadcast_in_dim3A_649 = vector.broadcast %broadcast_in_dim3A_648 : i32 to vector<16xi32>
        %mul3A_650 = arith.mulf %add3A_582, %mul3A_644 : vector<16xf32>
        tpu.vector_store_idx %arg12[%add3A_140, %broadcast_in_dim3A_649], %mul3A_650 : memref<224x16xf32, #tpu.memory_space<vmem>>[vector<16xi32>, vector<16xi32>], vector<16xf32>,
        %broadcast_in_dim3A_651 = arith.constant 11 : i32
        %broadcast_in_dim3A_652 = vector.broadcast %broadcast_in_dim3A_651 : i32 to vector<16xi32>
        %mul3A_653 = arith.mulf %add3A_607, %mul3A_644 : vector<16xf32>
        tpu.vector_store_idx %arg12[%add3A_140, %broadcast_in_dim3A_652], %mul3A_653 : memref<224x16xf32, #tpu.memory_space<vmem>>[vector<16xi32>, vector<16xi32>], vector<16xf32>,
      }
      %scan3A_71 = arith.constant 14 : i32
      %mul3A_72 = arith.constant 14 : i32
      %mul3A_73 = arith.muli %add3A, %mul3A_72 : i32
      %add3A_74 = arith.addi %mul3A_73, %mul3A_52 : i32
      %mul3A_75 = arith.constant 224 : i32
      %mul3A_76 = arith.muli %add3A_74, %mul3A_75 : i32
      %multiple_of3A_77 = tpu.assume_multiple %mul3A_76, 8 : i32
      "tpu.region"() ({
        %run_scoped3A = tpu.sem_alloc : memref<!tpu.dma_semaphore, #tpu.memory_space<semaphore_mem>>
        %dma_start3A_132 = arith.constant 0 : i32
        %dma_start3A_133 = tpu.memref_slice %arg5[%multiple_of3A_77, %dma_start3A_132] : memref<100352x16xf32, #tpu.memory_space<hbm>> -> memref<224x16xf32, #tpu.memory_space<hbm>>
        %dma_start3A_134 = arith.constant 0 : i32
        %dma_start3A_135 = tpu.memref_slice %arg5[%multiple_of3A_77, %dma_start3A_134] : memref<100352x16xf32, #tpu.memory_space<hbm>> -> memref<224x16xf32, #tpu.memory_space<hbm>>
        tpu.enqueue_dma source(%arg12 : memref<224x16xf32, #tpu.memory_space<vmem>>) target(%dma_start3A_135 : memref<224x16xf32, #tpu.memory_space<hbm>>) target_semaphore(%run_scoped3A : memref<!tpu.dma_semaphore, #tpu.memory_space<semaphore_mem>>)
        %dma_wait3A_136 = arith.constant 0 : i32
        %dma_wait3A_137 = tpu.memref_slice %arg5[%multiple_of3A_77, %dma_wait3A_136] : memref<100352x16xf32, #tpu.memory_space<hbm>> -> memref<224x16xf32, #tpu.memory_space<hbm>>
        %dma_wait3A_138 = arith.constant 0 : i32
        %dma_wait3A_139 = tpu.memref_slice %arg5[%multiple_of3A_77, %dma_wait3A_138] : memref<100352x16xf32, #tpu.memory_space<hbm>> -> memref<224x16xf32, #tpu.memory_space<hbm>>
        tpu.wait_dma2 semaphore(%run_scoped3A : memref<!tpu.dma_semaphore, #tpu.memory_space<semaphore_mem>>) src(%arg12 : memref<224x16xf32, #tpu.memory_space<vmem>>) dst(%dma_wait3A_139 : memref<224x16xf32, #tpu.memory_space<hbm>>)
        tpu.yield
      }) : () -> ()
      %add3A_78 = arith.constant 2 : i32
      %add3A_79 = arith.addi %mul3A_52, %add3A_78 : i32
      %min3A = arith.constant 13 : i32
      %min3A_80 = arith.minsi %add3A_79, %min3A : i32
      %mul3A_81 = arith.constant 14 : i32
      %mul3A_82 = arith.muli %add3A, %mul3A_81 : i32
      %add3A_83 = arith.addi %mul3A_82, %min3A_80 : i32
      %mul3A_84 = arith.constant 1792 : i32
      %mul3A_85 = arith.muli %add3A_83, %mul3A_84 : i32
      %multiple_of3A_86 = tpu.assume_multiple %mul3A_85, 8 : i32
      %dma_start3A_87 = tpu.memref_slice %arg3[%multiple_of3A_86] : memref<802816xi32, #tpu.memory_space<hbm>> -> memref<1792xi32, #tpu.memory_space<hbm>>
      %dma_start3A_88 = tpu.memref_slice %arg3[%multiple_of3A_86] : memref<802816xi32, #tpu.memory_space<hbm>> -> memref<1792xi32, #tpu.memory_space<hbm>>
      tpu.enqueue_dma source(%dma_start3A_88 : memref<1792xi32, #tpu.memory_space<hbm>>) target(%arg6 : memref<1792xi32, #tpu.memory_space<vmem>>) target_semaphore(%arg14 : memref<!tpu.dma_semaphore, #tpu.memory_space<semaphore_mem>>)
      %dma_start3A_89 = tpu.memref_slice %arg4[%multiple_of3A_86] : memref<802816xf32, #tpu.memory_space<hbm>> -> memref<1792xf32, #tpu.memory_space<hbm>>
      %dma_start3A_90 = tpu.memref_slice %arg4[%multiple_of3A_86] : memref<802816xf32, #tpu.memory_space<hbm>> -> memref<1792xf32, #tpu.memory_space<hbm>>
      tpu.enqueue_dma source(%dma_start3A_90 : memref<1792xf32, #tpu.memory_space<hbm>>) target(%arg8 : memref<1792xf32, #tpu.memory_space<vmem>>) target_semaphore(%arg14 : memref<!tpu.dma_semaphore, #tpu.memory_space<semaphore_mem>>)
      %dma_wait3A_91 = arith.constant 0 : i32
      %dma_wait3A_92 = arith.constant 0 : i32
      %dma_wait3A_93 = tpu.memref_slice %arg2[%dma_wait3A_91, %dma_wait3A_92] : memref<200704x16xf32, #tpu.memory_space<hbm>> -> memref<200704x16xf32, #tpu.memory_space<hbm>>
      tpu.wait_indirect_dma semaphore(%arg17 : memref<!tpu.dma_semaphore, #tpu.memory_space<semaphore_mem>>) src(%dma_wait3A_93 : memref<200704x16xf32, #tpu.memory_space<hbm>>) dst(%arg11 : memref<1792x16xf32, #tpu.memory_space<vmem>>)
      %dma_wait3A_94 = arith.constant 0 : i32
      %dma_wait3A_95 = tpu.memref_slice %arg3[%dma_wait3A_94] : memref<802816xi32, #tpu.memory_space<hbm>> -> memref<1792xi32, #tpu.memory_space<hbm>>
      %dma_wait3A_96 = arith.constant 0 : i32
      %dma_wait3A_97 = tpu.memref_slice %arg3[%dma_wait3A_96] : memref<802816xi32, #tpu.memory_space<hbm>> -> memref<1792xi32, #tpu.memory_space<hbm>>
      tpu.wait_dma2 semaphore(%arg14 : memref<!tpu.dma_semaphore, #tpu.memory_space<semaphore_mem>>) src(%dma_wait3A_97 : memref<1792xi32, #tpu.memory_space<hbm>>) dst(%arg6 : memref<1792xi32, #tpu.memory_space<vmem>>)
      %dma_wait3A_98 = arith.constant 0 : i32
      %dma_wait3A_99 = tpu.memref_slice %arg4[%dma_wait3A_98] : memref<802816xf32, #tpu.memory_space<hbm>> -> memref<1792xf32, #tpu.memory_space<hbm>>
      %dma_wait3A_100 = arith.constant 0 : i32
      %dma_wait3A_101 = tpu.memref_slice %arg4[%dma_wait3A_100] : memref<802816xf32, #tpu.memory_space<hbm>> -> memref<1792xf32, #tpu.memory_space<hbm>>
      tpu.wait_dma2 semaphore(%arg14 : memref<!tpu.dma_semaphore, #tpu.memory_space<semaphore_mem>>) src(%dma_wait3A_101 : memref<1792xf32, #tpu.memory_space<hbm>>) dst(%arg8 : memref<1792xf32, #tpu.memory_space<vmem>>)
      %dma_start3A_102 = arith.constant 0 : i32
      %dma_start3A_103 = arith.constant 0 : i32
      %dma_start3A_104 = tpu.memref_slice %arg2[%dma_start3A_102, %dma_start3A_103] : memref<200704x16xf32, #tpu.memory_space<hbm>> -> memref<200704x16xf32, #tpu.memory_space<hbm>>
      tpu.enqueue_indirect_dma source(%dma_start3A_104 : memref<200704x16xf32, #tpu.memory_space<hbm>>) target(%arg10 : memref<1792x16xf32, #tpu.memory_space<vmem>>) offsets(%arg6 : memref<1792xi32, #tpu.memory_space<vmem>>) semaphore(%arg16 : memref<!tpu.dma_semaphore, #tpu.memory_space<semaphore_mem>>)
      %add3A_105 = arith.constant 1 : i32
      %add3A_106 = arith.addi %mul3A_52, %add3A_105 : i32
      %scan3A_107 = arith.constant 0 : i32
      %scan3A_108 = arith.constant 14 : i32
      %scan3A_109 = arith.addi %scan3A_107, %scan3A_108 : i32
      %scan3A_110 = arith.constant 1 : i32
      scf.for %scan3A_132 = %scan3A_107 to %scan3A_109 step %scan3A_110  : i32 {
        %mul3A_133 = arith.constant 1 : i32
        %mul3A_134 = arith.muli %scan3A_132, %mul3A_133 : i32
        %add3A_135 = arith.constant 0 : i32
        %add3A_136 = arith.addi %add3A_135, %mul3A_134 : i32
        %mul3A_137 = arith.constant 16 : i32
        %mul3A_138 = arith.muli %add3A_136, %mul3A_137 : i32
        %add3A_139 = vector.broadcast %mul3A_138 : i32 to vector<16xi32>
        %add3A_140 = arith.addi %add3A_139, %iota3A : vector<16xi32>
        %mul3A_141 = arith.constant 8 : i32
        %mul3A_142 = vector.broadcast %mul3A_141 : i32 to vector<16xi32>
        %mul3A_143 = arith.muli %add3A_140, %mul3A_142 : vector<16xi32>
        %add3A_144 = arith.constant 0 : i32
        %add3A_145 = vector.broadcast %add3A_144 : i32 to vector<16xi32>
        %add3A_146 = arith.addi %mul3A_143, %add3A_145 : vector<16xi32>
        %add3A_147 = arith.constant 1 : i32
        %add3A_148 = vector.broadcast %add3A_147 : i32 to vector<16xi32>
        %add3A_149 = arith.addi %mul3A_143, %add3A_148 : vector<16xi32>
        %add3A_150 = arith.constant 2 : i32
        %add3A_151 = vector.broadcast %add3A_150 : i32 to vector<16xi32>
        %add3A_152 = arith.addi %mul3A_143, %add3A_151 : vector<16xi32>
        %add3A_153 = arith.constant 3 : i32
        %add3A_154 = vector.broadcast %add3A_153 : i32 to vector<16xi32>
        %add3A_155 = arith.addi %mul3A_143, %add3A_154 : vector<16xi32>
        %add3A_156 = arith.constant 4 : i32
        %add3A_157 = vector.broadcast %add3A_156 : i32 to vector<16xi32>
        %add3A_158 = arith.addi %mul3A_143, %add3A_157 : vector<16xi32>
        %add3A_159 = arith.constant 5 : i32
        %add3A_160 = vector.broadcast %add3A_159 : i32 to vector<16xi32>
        %add3A_161 = arith.addi %mul3A_143, %add3A_160 : vector<16xi32>
        %add3A_162 = arith.constant 6 : i32
        %add3A_163 = vector.broadcast %add3A_162 : i32 to vector<16xi32>
        %add3A_164 = arith.addi %mul3A_143, %add3A_163 : vector<16xi32>
        %add3A_165 = arith.constant 7 : i32
        %add3A_166 = vector.broadcast %add3A_165 : i32 to vector<16xi32>
        %add3A_167 = arith.addi %mul3A_143, %add3A_166 : vector<16xi32>
        %gather3A = tpu.vector_load_idx %arg9[%add3A_146] : memref<1792xf32, #tpu.memory_space<vmem>>[vector<16xi32>], vector<16xf32>,
        %gather3A_168 = tpu.vector_load_idx %arg9[%add3A_149] : memref<1792xf32, #tpu.memory_space<vmem>>[vector<16xi32>], vector<16xf32>,
        %gather3A_169 = tpu.vector_load_idx %arg9[%add3A_152] : memref<1792xf32, #tpu.memory_space<vmem>>[vector<16xi32>], vector<16xf32>,
        %gather3A_170 = tpu.vector_load_idx %arg9[%add3A_155] : memref<1792xf32, #tpu.memory_space<vmem>>[vector<16xi32>], vector<16xf32>,
        %gather3A_171 = tpu.vector_load_idx %arg9[%add3A_158] : memref<1792xf32, #tpu.memory_space<vmem>>[vector<16xi32>], vector<16xf32>,
        %gather3A_172 = tpu.vector_load_idx %arg9[%add3A_161] : memref<1792xf32, #tpu.memory_space<vmem>>[vector<16xi32>], vector<16xf32>,
        %gather3A_173 = tpu.vector_load_idx %arg9[%add3A_164] : memref<1792xf32, #tpu.memory_space<vmem>>[vector<16xi32>], vector<16xf32>,
        %gather3A_174 = tpu.vector_load_idx %arg9[%add3A_167] : memref<1792xf32, #tpu.memory_space<vmem>>[vector<16xi32>], vector<16xf32>,
        %broadcast_in_dim3A = arith.constant 0 : i32
        %broadcast_in_dim3A_175 = vector.broadcast %broadcast_in_dim3A : i32 to vector<16xi32>
        %gather3A_176 = tpu.vector_load_idx %arg11[%add3A_146, %broadcast_in_dim3A_175] : memref<1792x16xf32, #tpu.memory_space<vmem>>[vector<16xi32>, vector<16xi32>], vector<16xf32>,
        %mul3A_177 = arith.mulf %gather3A, %gather3A_176 : vector<16xf32>
        %gather3A_178 = tpu.vector_load_idx %arg11[%add3A_149, %broadcast_in_dim3A_175] : memref<1792x16xf32, #tpu.memory_space<vmem>>[vector<16xi32>, vector<16xi32>], vector<16xf32>,
        %mul3A_179 = arith.mulf %gather3A_168, %gather3A_178 : vector<16xf32>
        %add3A_180 = arith.addf %mul3A_177, %mul3A_179 : vector<16xf32>
        %gather3A_181 = tpu.vector_load_idx %arg11[%add3A_152, %broadcast_in_dim3A_175] : memref<1792x16xf32, #tpu.memory_space<vmem>>[vector<16xi32>, vector<16xi32>], vector<16xf32>,
        %mul3A_182 = arith.mulf %gather3A_169, %gather3A_181 : vector<16xf32>
        %add3A_183 = arith.addf %add3A_180, %mul3A_182 : vector<16xf32>
        %gather3A_184 = tpu.vector_load_idx %arg11[%add3A_155, %broadcast_in_dim3A_175] : memref<1792x16xf32, #tpu.memory_space<vmem>>[vector<16xi32>, vector<16xi32>], vector<16xf32>,
        %mul3A_185 = arith.mulf %gather3A_170, %gather3A_184 : vector<16xf32>
        %add3A_186 = arith.addf %add3A_183, %mul3A_185 : vector<16xf32>
        %gather3A_187 = tpu.vector_load_idx %arg11[%add3A_158, %broadcast_in_dim3A_175] : memref<1792x16xf32, #tpu.memory_space<vmem>>[vector<16xi32>, vector<16xi32>], vector<16xf32>,
        %mul3A_188 = arith.mulf %gather3A_171, %gather3A_187 : vector<16xf32>
        %add3A_189 = arith.addf %add3A_186, %mul3A_188 : vector<16xf32>
        %gather3A_190 = tpu.vector_load_idx %arg11[%add3A_161, %broadcast_in_dim3A_175] : memref<1792x16xf32, #tpu.memory_space<vmem>>[vector<16xi32>, vector<16xi32>], vector<16xf32>,
        %mul3A_191 = arith.mulf %gather3A_172, %gather3A_190 : vector<16xf32>
        %add3A_192 = arith.addf %add3A_189, %mul3A_191 : vector<16xf32>
        %gather3A_193 = tpu.vector_load_idx %arg11[%add3A_164, %broadcast_in_dim3A_175] : memref<1792x16xf32, #tpu.memory_space<vmem>>[vector<16xi32>, vector<16xi32>], vector<16xf32>,
        %mul3A_194 = arith.mulf %gather3A_173, %gather3A_193 : vector<16xf32>
        %add3A_195 = arith.addf %add3A_192, %mul3A_194 : vector<16xf32>
        %gather3A_196 = tpu.vector_load_idx %arg11[%add3A_167, %broadcast_in_dim3A_175] : memref<1792x16xf32, #tpu.memory_space<vmem>>[vector<16xi32>, vector<16xi32>], vector<16xf32>,
        %mul3A_197 = arith.mulf %gather3A_174, %gather3A_196 : vector<16xf32>
        %add3A_198 = arith.addf %add3A_195, %mul3A_197 : vector<16xf32>
        %broadcast_in_dim3A_199 = arith.constant 1 : i32
        %broadcast_in_dim3A_200 = vector.broadcast %broadcast_in_dim3A_199 : i32 to vector<16xi32>
        %gather3A_201 = tpu.vector_load_idx %arg11[%add3A_146, %broadcast_in_dim3A_200] : memref<1792x16xf32, #tpu.memory_space<vmem>>[vector<16xi32>, vector<16xi32>], vector<16xf32>,
        %mul3A_202 = arith.mulf %gather3A, %gather3A_201 : vector<16xf32>
        %gather3A_203 = tpu.vector_load_idx %arg11[%add3A_149, %broadcast_in_dim3A_200] : memref<1792x16xf32, #tpu.memory_space<vmem>>[vector<16xi32>, vector<16xi32>], vector<16xf32>,
        %mul3A_204 = arith.mulf %gather3A_168, %gather3A_203 : vector<16xf32>
        %add3A_205 = arith.addf %mul3A_202, %mul3A_204 : vector<16xf32>
        %gather3A_206 = tpu.vector_load_idx %arg11[%add3A_152, %broadcast_in_dim3A_200] : memref<1792x16xf32, #tpu.memory_space<vmem>>[vector<16xi32>, vector<16xi32>], vector<16xf32>,
        %mul3A_207 = arith.mulf %gather3A_169, %gather3A_206 : vector<16xf32>
        %add3A_208 = arith.addf %add3A_205, %mul3A_207 : vector<16xf32>
        %gather3A_209 = tpu.vector_load_idx %arg11[%add3A_155, %broadcast_in_dim3A_200] : memref<1792x16xf32, #tpu.memory_space<vmem>>[vector<16xi32>, vector<16xi32>], vector<16xf32>,
        %mul3A_210 = arith.mulf %gather3A_170, %gather3A_209 : vector<16xf32>
        %add3A_211 = arith.addf %add3A_208, %mul3A_210 : vector<16xf32>
        %gather3A_212 = tpu.vector_load_idx %arg11[%add3A_158, %broadcast_in_dim3A_200] : memref<1792x16xf32, #tpu.memory_space<vmem>>[vector<16xi32>, vector<16xi32>], vector<16xf32>,
        %mul3A_213 = arith.mulf %gather3A_171, %gather3A_212 : vector<16xf32>
        %add3A_214 = arith.addf %add3A_211, %mul3A_213 : vector<16xf32>
        %gather3A_215 = tpu.vector_load_idx %arg11[%add3A_161, %broadcast_in_dim3A_200] : memref<1792x16xf32, #tpu.memory_space<vmem>>[vector<16xi32>, vector<16xi32>], vector<16xf32>,
        %mul3A_216 = arith.mulf %gather3A_172, %gather3A_215 : vector<16xf32>
        %add3A_217 = arith.addf %add3A_214, %mul3A_216 : vector<16xf32>
        %gather3A_218 = tpu.vector_load_idx %arg11[%add3A_164, %broadcast_in_dim3A_200] : memref<1792x16xf32, #tpu.memory_space<vmem>>[vector<16xi32>, vector<16xi32>], vector<16xf32>,
        %mul3A_219 = arith.mulf %gather3A_173, %gather3A_218 : vector<16xf32>
        %add3A_220 = arith.addf %add3A_217, %mul3A_219 : vector<16xf32>
        %gather3A_221 = tpu.vector_load_idx %arg11[%add3A_167, %broadcast_in_dim3A_200] : memref<1792x16xf32, #tpu.memory_space<vmem>>[vector<16xi32>, vector<16xi32>], vector<16xf32>,
        %mul3A_222 = arith.mulf %gather3A_174, %gather3A_221 : vector<16xf32>
        %add3A_223 = arith.addf %add3A_220, %mul3A_222 : vector<16xf32>
        %broadcast_in_dim3A_224 = arith.constant 2 : i32
        %broadcast_in_dim3A_225 = vector.broadcast %broadcast_in_dim3A_224 : i32 to vector<16xi32>
        %gather3A_226 = tpu.vector_load_idx %arg11[%add3A_146, %broadcast_in_dim3A_225] : memref<1792x16xf32, #tpu.memory_space<vmem>>[vector<16xi32>, vector<16xi32>], vector<16xf32>,
        %mul3A_227 = arith.mulf %gather3A, %gather3A_226 : vector<16xf32>
        %gather3A_228 = tpu.vector_load_idx %arg11[%add3A_149, %broadcast_in_dim3A_225] : memref<1792x16xf32, #tpu.memory_space<vmem>>[vector<16xi32>, vector<16xi32>], vector<16xf32>,
        %mul3A_229 = arith.mulf %gather3A_168, %gather3A_228 : vector<16xf32>
        %add3A_230 = arith.addf %mul3A_227, %mul3A_229 : vector<16xf32>
        %gather3A_231 = tpu.vector_load_idx %arg11[%add3A_152, %broadcast_in_dim3A_225] : memref<1792x16xf32, #tpu.memory_space<vmem>>[vector<16xi32>, vector<16xi32>], vector<16xf32>,
        %mul3A_232 = arith.mulf %gather3A_169, %gather3A_231 : vector<16xf32>
        %add3A_233 = arith.addf %add3A_230, %mul3A_232 : vector<16xf32>
        %gather3A_234 = tpu.vector_load_idx %arg11[%add3A_155, %broadcast_in_dim3A_225] : memref<1792x16xf32, #tpu.memory_space<vmem>>[vector<16xi32>, vector<16xi32>], vector<16xf32>,
        %mul3A_235 = arith.mulf %gather3A_170, %gather3A_234 : vector<16xf32>
        %add3A_236 = arith.addf %add3A_233, %mul3A_235 : vector<16xf32>
        %gather3A_237 = tpu.vector_load_idx %arg11[%add3A_158, %broadcast_in_dim3A_225] : memref<1792x16xf32, #tpu.memory_space<vmem>>[vector<16xi32>, vector<16xi32>], vector<16xf32>,
        %mul3A_238 = arith.mulf %gather3A_171, %gather3A_237 : vector<16xf32>
        %add3A_239 = arith.addf %add3A_236, %mul3A_238 : vector<16xf32>
        %gather3A_240 = tpu.vector_load_idx %arg11[%add3A_161, %broadcast_in_dim3A_225] : memref<1792x16xf32, #tpu.memory_space<vmem>>[vector<16xi32>, vector<16xi32>], vector<16xf32>,
        %mul3A_241 = arith.mulf %gather3A_172, %gather3A_240 : vector<16xf32>
        %add3A_242 = arith.addf %add3A_239, %mul3A_241 : vector<16xf32>
        %gather3A_243 = tpu.vector_load_idx %arg11[%add3A_164, %broadcast_in_dim3A_225] : memref<1792x16xf32, #tpu.memory_space<vmem>>[vector<16xi32>, vector<16xi32>], vector<16xf32>,
        %mul3A_244 = arith.mulf %gather3A_173, %gather3A_243 : vector<16xf32>
        %add3A_245 = arith.addf %add3A_242, %mul3A_244 : vector<16xf32>
        %gather3A_246 = tpu.vector_load_idx %arg11[%add3A_167, %broadcast_in_dim3A_225] : memref<1792x16xf32, #tpu.memory_space<vmem>>[vector<16xi32>, vector<16xi32>], vector<16xf32>,
        %mul3A_247 = arith.mulf %gather3A_174, %gather3A_246 : vector<16xf32>
        %add3A_248 = arith.addf %add3A_245, %mul3A_247 : vector<16xf32>
        %mul3A_249 = arith.mulf %add3A_198, %add3A_198 : vector<16xf32>
        %mul3A_250 = arith.mulf %add3A_223, %add3A_223 : vector<16xf32>
        %add3A_251 = arith.addf %mul3A_249, %mul3A_250 : vector<16xf32>
        %mul3A_252 = arith.mulf %add3A_248, %add3A_248 : vector<16xf32>
        %add3A_253 = arith.addf %add3A_251, %mul3A_252 : vector<16xf32>
        %max3A = arith.constant 1.000000e-24 : f32
        %max3A_254 = vector.broadcast %max3A : f32 to vector<16xf32>
        %max3A_255 = arith.maximumf %add3A_253, %max3A_254 : vector<16xf32>
        %bitcast3A = vector.bitcast %max3A_255 : vector<16xf32> to vector<16xi32>
        %shift_right_arithmetic3A = arith.constant 1 : i32
        %shift_right_arithmetic3A_256 = vector.broadcast %shift_right_arithmetic3A : i32 to vector<16xi32>
        %shift_right_arithmetic3A_257 = arith.shrsi %bitcast3A, %shift_right_arithmetic3A_256 : vector<16xi32>
        %sub3A = arith.constant 1597463007 : i32
        %sub3A_258 = vector.broadcast %sub3A : i32 to vector<16xi32>
        %sub3A_259 = arith.subi %sub3A_258, %shift_right_arithmetic3A_257 : vector<16xi32>
        %bitcast3A_260 = vector.bitcast %sub3A_259 : vector<16xi32> to vector<16xf32>
        %mul3A_261 = arith.constant 5.000000e-01 : f32
        %mul3A_262 = vector.broadcast %mul3A_261 : f32 to vector<16xf32>
        %mul3A_263 = arith.mulf %max3A_255, %mul3A_262 : vector<16xf32>
        %mul3A_264 = arith.mulf %mul3A_263, %bitcast3A_260 : vector<16xf32>
        %mul3A_265 = arith.mulf %mul3A_264, %bitcast3A_260 : vector<16xf32>
        %sub3A_266 = arith.constant 1.500000e+00 : f32
        %sub3A_267 = vector.broadcast %sub3A_266 : f32 to vector<16xf32>
        %sub3A_268 = arith.subf %sub3A_267, %mul3A_265 : vector<16xf32>
        %mul3A_269 = arith.mulf %bitcast3A_260, %sub3A_268 : vector<16xf32>
        %mul3A_270 = arith.mulf %mul3A_263, %mul3A_269 : vector<16xf32>
        %mul3A_271 = arith.mulf %mul3A_270, %mul3A_269 : vector<16xf32>
        %sub3A_272 = arith.constant 1.500000e+00 : f32
        %sub3A_273 = vector.broadcast %sub3A_272 : f32 to vector<16xf32>
        %sub3A_274 = arith.subf %sub3A_273, %mul3A_271 : vector<16xf32>
        %mul3A_275 = arith.mulf %mul3A_269, %sub3A_274 : vector<16xf32>
        %mul3A_276 = arith.mulf %mul3A_263, %mul3A_275 : vector<16xf32>
        %mul3A_277 = arith.mulf %mul3A_276, %mul3A_275 : vector<16xf32>
        %sub3A_278 = arith.constant 1.500000e+00 : f32
        %sub3A_279 = vector.broadcast %sub3A_278 : f32 to vector<16xf32>
        %sub3A_280 = arith.subf %sub3A_279, %mul3A_277 : vector<16xf32>
        %mul3A_281 = arith.mulf %mul3A_275, %sub3A_280 : vector<16xf32>
        %broadcast_in_dim3A_282 = arith.constant 0 : i32
        %broadcast_in_dim3A_283 = vector.broadcast %broadcast_in_dim3A_282 : i32 to vector<16xi32>
        %mul3A_284 = arith.mulf %add3A_198, %mul3A_281 : vector<16xf32>
        tpu.vector_store_idx %arg13[%add3A_140, %broadcast_in_dim3A_283], %mul3A_284 : memref<224x16xf32, #tpu.memory_space<vmem>>[vector<16xi32>, vector<16xi32>], vector<16xf32>,
        %broadcast_in_dim3A_285 = arith.constant 1 : i32
        %broadcast_in_dim3A_286 = vector.broadcast %broadcast_in_dim3A_285 : i32 to vector<16xi32>
        %mul3A_287 = arith.mulf %add3A_223, %mul3A_281 : vector<16xf32>
        tpu.vector_store_idx %arg13[%add3A_140, %broadcast_in_dim3A_286], %mul3A_287 : memref<224x16xf32, #tpu.memory_space<vmem>>[vector<16xi32>, vector<16xi32>], vector<16xf32>,
        %broadcast_in_dim3A_288 = arith.constant 2 : i32
        %broadcast_in_dim3A_289 = vector.broadcast %broadcast_in_dim3A_288 : i32 to vector<16xi32>
        %mul3A_290 = arith.mulf %add3A_248, %mul3A_281 : vector<16xf32>
        tpu.vector_store_idx %arg13[%add3A_140, %broadcast_in_dim3A_289], %mul3A_290 : memref<224x16xf32, #tpu.memory_space<vmem>>[vector<16xi32>, vector<16xi32>], vector<16xf32>,
        %broadcast_in_dim3A_291 = arith.constant 3 : i32
        %broadcast_in_dim3A_292 = vector.broadcast %broadcast_in_dim3A_291 : i32 to vector<16xi32>
        %gather3A_293 = tpu.vector_load_idx %arg11[%add3A_146, %broadcast_in_dim3A_292] : memref<1792x16xf32, #tpu.memory_space<vmem>>[vector<16xi32>, vector<16xi32>], vector<16xf32>,
        %mul3A_294 = arith.mulf %gather3A, %gather3A_293 : vector<16xf32>
        %gather3A_295 = tpu.vector_load_idx %arg11[%add3A_149, %broadcast_in_dim3A_292] : memref<1792x16xf32, #tpu.memory_space<vmem>>[vector<16xi32>, vector<16xi32>], vector<16xf32>,
        %mul3A_296 = arith.mulf %gather3A_168, %gather3A_295 : vector<16xf32>
        %add3A_297 = arith.addf %mul3A_294, %mul3A_296 : vector<16xf32>
        %gather3A_298 = tpu.vector_load_idx %arg11[%add3A_152, %broadcast_in_dim3A_292] : memref<1792x16xf32, #tpu.memory_space<vmem>>[vector<16xi32>, vector<16xi32>], vector<16xf32>,
        %mul3A_299 = arith.mulf %gather3A_169, %gather3A_298 : vector<16xf32>
        %add3A_300 = arith.addf %add3A_297, %mul3A_299 : vector<16xf32>
        %gather3A_301 = tpu.vector_load_idx %arg11[%add3A_155, %broadcast_in_dim3A_292] : memref<1792x16xf32, #tpu.memory_space<vmem>>[vector<16xi32>, vector<16xi32>], vector<16xf32>,
        %mul3A_302 = arith.mulf %gather3A_170, %gather3A_301 : vector<16xf32>
        %add3A_303 = arith.addf %add3A_300, %mul3A_302 : vector<16xf32>
        %gather3A_304 = tpu.vector_load_idx %arg11[%add3A_158, %broadcast_in_dim3A_292] : memref<1792x16xf32, #tpu.memory_space<vmem>>[vector<16xi32>, vector<16xi32>], vector<16xf32>,
        %mul3A_305 = arith.mulf %gather3A_171, %gather3A_304 : vector<16xf32>
        %add3A_306 = arith.addf %add3A_303, %mul3A_305 : vector<16xf32>
        %gather3A_307 = tpu.vector_load_idx %arg11[%add3A_161, %broadcast_in_dim3A_292] : memref<1792x16xf32, #tpu.memory_space<vmem>>[vector<16xi32>, vector<16xi32>], vector<16xf32>,
        %mul3A_308 = arith.mulf %gather3A_172, %gather3A_307 : vector<16xf32>
        %add3A_309 = arith.addf %add3A_306, %mul3A_308 : vector<16xf32>
        %gather3A_310 = tpu.vector_load_idx %arg11[%add3A_164, %broadcast_in_dim3A_292] : memref<1792x16xf32, #tpu.memory_space<vmem>>[vector<16xi32>, vector<16xi32>], vector<16xf32>,
        %mul3A_311 = arith.mulf %gather3A_173, %gather3A_310 : vector<16xf32>
        %add3A_312 = arith.addf %add3A_309, %mul3A_311 : vector<16xf32>
        %gather3A_313 = tpu.vector_load_idx %arg11[%add3A_167, %broadcast_in_dim3A_292] : memref<1792x16xf32, #tpu.memory_space<vmem>>[vector<16xi32>, vector<16xi32>], vector<16xf32>,
        %mul3A_314 = arith.mulf %gather3A_174, %gather3A_313 : vector<16xf32>
        %add3A_315 = arith.addf %add3A_312, %mul3A_314 : vector<16xf32>
        %broadcast_in_dim3A_316 = arith.constant 4 : i32
        %broadcast_in_dim3A_317 = vector.broadcast %broadcast_in_dim3A_316 : i32 to vector<16xi32>
        %gather3A_318 = tpu.vector_load_idx %arg11[%add3A_146, %broadcast_in_dim3A_317] : memref<1792x16xf32, #tpu.memory_space<vmem>>[vector<16xi32>, vector<16xi32>], vector<16xf32>,
        %mul3A_319 = arith.mulf %gather3A, %gather3A_318 : vector<16xf32>
        %gather3A_320 = tpu.vector_load_idx %arg11[%add3A_149, %broadcast_in_dim3A_317] : memref<1792x16xf32, #tpu.memory_space<vmem>>[vector<16xi32>, vector<16xi32>], vector<16xf32>,
        %mul3A_321 = arith.mulf %gather3A_168, %gather3A_320 : vector<16xf32>
        %add3A_322 = arith.addf %mul3A_319, %mul3A_321 : vector<16xf32>
        %gather3A_323 = tpu.vector_load_idx %arg11[%add3A_152, %broadcast_in_dim3A_317] : memref<1792x16xf32, #tpu.memory_space<vmem>>[vector<16xi32>, vector<16xi32>], vector<16xf32>,
        %mul3A_324 = arith.mulf %gather3A_169, %gather3A_323 : vector<16xf32>
        %add3A_325 = arith.addf %add3A_322, %mul3A_324 : vector<16xf32>
        %gather3A_326 = tpu.vector_load_idx %arg11[%add3A_155, %broadcast_in_dim3A_317] : memref<1792x16xf32, #tpu.memory_space<vmem>>[vector<16xi32>, vector<16xi32>], vector<16xf32>,
        %mul3A_327 = arith.mulf %gather3A_170, %gather3A_326 : vector<16xf32>
        %add3A_328 = arith.addf %add3A_325, %mul3A_327 : vector<16xf32>
        %gather3A_329 = tpu.vector_load_idx %arg11[%add3A_158, %broadcast_in_dim3A_317] : memref<1792x16xf32, #tpu.memory_space<vmem>>[vector<16xi32>, vector<16xi32>], vector<16xf32>,
        %mul3A_330 = arith.mulf %gather3A_171, %gather3A_329 : vector<16xf32>
        %add3A_331 = arith.addf %add3A_328, %mul3A_330 : vector<16xf32>
        %gather3A_332 = tpu.vector_load_idx %arg11[%add3A_161, %broadcast_in_dim3A_317] : memref<1792x16xf32, #tpu.memory_space<vmem>>[vector<16xi32>, vector<16xi32>], vector<16xf32>,
        %mul3A_333 = arith.mulf %gather3A_172, %gather3A_332 : vector<16xf32>
        %add3A_334 = arith.addf %add3A_331, %mul3A_333 : vector<16xf32>
        %gather3A_335 = tpu.vector_load_idx %arg11[%add3A_164, %broadcast_in_dim3A_317] : memref<1792x16xf32, #tpu.memory_space<vmem>>[vector<16xi32>, vector<16xi32>], vector<16xf32>,
        %mul3A_336 = arith.mulf %gather3A_173, %gather3A_335 : vector<16xf32>
        %add3A_337 = arith.addf %add3A_334, %mul3A_336 : vector<16xf32>
        %gather3A_338 = tpu.vector_load_idx %arg11[%add3A_167, %broadcast_in_dim3A_317] : memref<1792x16xf32, #tpu.memory_space<vmem>>[vector<16xi32>, vector<16xi32>], vector<16xf32>,
        %mul3A_339 = arith.mulf %gather3A_174, %gather3A_338 : vector<16xf32>
        %add3A_340 = arith.addf %add3A_337, %mul3A_339 : vector<16xf32>
        %broadcast_in_dim3A_341 = arith.constant 5 : i32
        %broadcast_in_dim3A_342 = vector.broadcast %broadcast_in_dim3A_341 : i32 to vector<16xi32>
        %gather3A_343 = tpu.vector_load_idx %arg11[%add3A_146, %broadcast_in_dim3A_342] : memref<1792x16xf32, #tpu.memory_space<vmem>>[vector<16xi32>, vector<16xi32>], vector<16xf32>,
        %mul3A_344 = arith.mulf %gather3A, %gather3A_343 : vector<16xf32>
        %gather3A_345 = tpu.vector_load_idx %arg11[%add3A_149, %broadcast_in_dim3A_342] : memref<1792x16xf32, #tpu.memory_space<vmem>>[vector<16xi32>, vector<16xi32>], vector<16xf32>,
        %mul3A_346 = arith.mulf %gather3A_168, %gather3A_345 : vector<16xf32>
        %add3A_347 = arith.addf %mul3A_344, %mul3A_346 : vector<16xf32>
        %gather3A_348 = tpu.vector_load_idx %arg11[%add3A_152, %broadcast_in_dim3A_342] : memref<1792x16xf32, #tpu.memory_space<vmem>>[vector<16xi32>, vector<16xi32>], vector<16xf32>,
        %mul3A_349 = arith.mulf %gather3A_169, %gather3A_348 : vector<16xf32>
        %add3A_350 = arith.addf %add3A_347, %mul3A_349 : vector<16xf32>
        %gather3A_351 = tpu.vector_load_idx %arg11[%add3A_155, %broadcast_in_dim3A_342] : memref<1792x16xf32, #tpu.memory_space<vmem>>[vector<16xi32>, vector<16xi32>], vector<16xf32>,
        %mul3A_352 = arith.mulf %gather3A_170, %gather3A_351 : vector<16xf32>
        %add3A_353 = arith.addf %add3A_350, %mul3A_352 : vector<16xf32>
        %gather3A_354 = tpu.vector_load_idx %arg11[%add3A_158, %broadcast_in_dim3A_342] : memref<1792x16xf32, #tpu.memory_space<vmem>>[vector<16xi32>, vector<16xi32>], vector<16xf32>,
        %mul3A_355 = arith.mulf %gather3A_171, %gather3A_354 : vector<16xf32>
        %add3A_356 = arith.addf %add3A_353, %mul3A_355 : vector<16xf32>
        %gather3A_357 = tpu.vector_load_idx %arg11[%add3A_161, %broadcast_in_dim3A_342] : memref<1792x16xf32, #tpu.memory_space<vmem>>[vector<16xi32>, vector<16xi32>], vector<16xf32>,
        %mul3A_358 = arith.mulf %gather3A_172, %gather3A_357 : vector<16xf32>
        %add3A_359 = arith.addf %add3A_356, %mul3A_358 : vector<16xf32>
        %gather3A_360 = tpu.vector_load_idx %arg11[%add3A_164, %broadcast_in_dim3A_342] : memref<1792x16xf32, #tpu.memory_space<vmem>>[vector<16xi32>, vector<16xi32>], vector<16xf32>,
        %mul3A_361 = arith.mulf %gather3A_173, %gather3A_360 : vector<16xf32>
        %add3A_362 = arith.addf %add3A_359, %mul3A_361 : vector<16xf32>
        %gather3A_363 = tpu.vector_load_idx %arg11[%add3A_167, %broadcast_in_dim3A_342] : memref<1792x16xf32, #tpu.memory_space<vmem>>[vector<16xi32>, vector<16xi32>], vector<16xf32>,
        %mul3A_364 = arith.mulf %gather3A_174, %gather3A_363 : vector<16xf32>
        %add3A_365 = arith.addf %add3A_362, %mul3A_364 : vector<16xf32>
        %mul3A_366 = arith.mulf %add3A_315, %add3A_315 : vector<16xf32>
        %mul3A_367 = arith.mulf %add3A_340, %add3A_340 : vector<16xf32>
        %add3A_368 = arith.addf %mul3A_366, %mul3A_367 : vector<16xf32>
        %mul3A_369 = arith.mulf %add3A_365, %add3A_365 : vector<16xf32>
        %add3A_370 = arith.addf %add3A_368, %mul3A_369 : vector<16xf32>
        %max3A_371 = arith.constant 1.000000e-24 : f32
        %max3A_372 = vector.broadcast %max3A_371 : f32 to vector<16xf32>
        %max3A_373 = arith.maximumf %add3A_370, %max3A_372 : vector<16xf32>
        %bitcast3A_374 = vector.bitcast %max3A_373 : vector<16xf32> to vector<16xi32>
        %shift_right_arithmetic3A_375 = arith.constant 1 : i32
        %shift_right_arithmetic3A_376 = vector.broadcast %shift_right_arithmetic3A_375 : i32 to vector<16xi32>
        %shift_right_arithmetic3A_377 = arith.shrsi %bitcast3A_374, %shift_right_arithmetic3A_376 : vector<16xi32>
        %sub3A_378 = arith.constant 1597463007 : i32
        %sub3A_379 = vector.broadcast %sub3A_378 : i32 to vector<16xi32>
        %sub3A_380 = arith.subi %sub3A_379, %shift_right_arithmetic3A_377 : vector<16xi32>
        %bitcast3A_381 = vector.bitcast %sub3A_380 : vector<16xi32> to vector<16xf32>
        %mul3A_382 = arith.constant 5.000000e-01 : f32
        %mul3A_383 = vector.broadcast %mul3A_382 : f32 to vector<16xf32>
        %mul3A_384 = arith.mulf %max3A_373, %mul3A_383 : vector<16xf32>
        %mul3A_385 = arith.mulf %mul3A_384, %bitcast3A_381 : vector<16xf32>
        %mul3A_386 = arith.mulf %mul3A_385, %bitcast3A_381 : vector<16xf32>
        %sub3A_387 = arith.constant 1.500000e+00 : f32
        %sub3A_388 = vector.broadcast %sub3A_387 : f32 to vector<16xf32>
        %sub3A_389 = arith.subf %sub3A_388, %mul3A_386 : vector<16xf32>
        %mul3A_390 = arith.mulf %bitcast3A_381, %sub3A_389 : vector<16xf32>
        %mul3A_391 = arith.mulf %mul3A_384, %mul3A_390 : vector<16xf32>
        %mul3A_392 = arith.mulf %mul3A_391, %mul3A_390 : vector<16xf32>
        %sub3A_393 = arith.constant 1.500000e+00 : f32
        %sub3A_394 = vector.broadcast %sub3A_393 : f32 to vector<16xf32>
        %sub3A_395 = arith.subf %sub3A_394, %mul3A_392 : vector<16xf32>
        %mul3A_396 = arith.mulf %mul3A_390, %sub3A_395 : vector<16xf32>
        %mul3A_397 = arith.mulf %mul3A_384, %mul3A_396 : vector<16xf32>
        %mul3A_398 = arith.mulf %mul3A_397, %mul3A_396 : vector<16xf32>
        %sub3A_399 = arith.constant 1.500000e+00 : f32
        %sub3A_400 = vector.broadcast %sub3A_399 : f32 to vector<16xf32>
        %sub3A_401 = arith.subf %sub3A_400, %mul3A_398 : vector<16xf32>
        %mul3A_402 = arith.mulf %mul3A_396, %sub3A_401 : vector<16xf32>
        %broadcast_in_dim3A_403 = arith.constant 3 : i32
        %broadcast_in_dim3A_404 = vector.broadcast %broadcast_in_dim3A_403 : i32 to vector<16xi32>
        %mul3A_405 = arith.mulf %add3A_315, %mul3A_402 : vector<16xf32>
        tpu.vector_store_idx %arg13[%add3A_140, %broadcast_in_dim3A_404], %mul3A_405 : memref<224x16xf32, #tpu.memory_space<vmem>>[vector<16xi32>, vector<16xi32>], vector<16xf32>,
        %broadcast_in_dim3A_406 = arith.constant 4 : i32
        %broadcast_in_dim3A_407 = vector.broadcast %broadcast_in_dim3A_406 : i32 to vector<16xi32>
        %mul3A_408 = arith.mulf %add3A_340, %mul3A_402 : vector<16xf32>
        tpu.vector_store_idx %arg13[%add3A_140, %broadcast_in_dim3A_407], %mul3A_408 : memref<224x16xf32, #tpu.memory_space<vmem>>[vector<16xi32>, vector<16xi32>], vector<16xf32>,
        %broadcast_in_dim3A_409 = arith.constant 5 : i32
        %broadcast_in_dim3A_410 = vector.broadcast %broadcast_in_dim3A_409 : i32 to vector<16xi32>
        %mul3A_411 = arith.mulf %add3A_365, %mul3A_402 : vector<16xf32>
        tpu.vector_store_idx %arg13[%add3A_140, %broadcast_in_dim3A_410], %mul3A_411 : memref<224x16xf32, #tpu.memory_space<vmem>>[vector<16xi32>, vector<16xi32>], vector<16xf32>,
        %broadcast_in_dim3A_412 = arith.constant 6 : i32
        %broadcast_in_dim3A_413 = vector.broadcast %broadcast_in_dim3A_412 : i32 to vector<16xi32>
        %gather3A_414 = tpu.vector_load_idx %arg11[%add3A_146, %broadcast_in_dim3A_413] : memref<1792x16xf32, #tpu.memory_space<vmem>>[vector<16xi32>, vector<16xi32>], vector<16xf32>,
        %mul3A_415 = arith.mulf %gather3A, %gather3A_414 : vector<16xf32>
        %gather3A_416 = tpu.vector_load_idx %arg11[%add3A_149, %broadcast_in_dim3A_413] : memref<1792x16xf32, #tpu.memory_space<vmem>>[vector<16xi32>, vector<16xi32>], vector<16xf32>,
        %mul3A_417 = arith.mulf %gather3A_168, %gather3A_416 : vector<16xf32>
        %add3A_418 = arith.addf %mul3A_415, %mul3A_417 : vector<16xf32>
        %gather3A_419 = tpu.vector_load_idx %arg11[%add3A_152, %broadcast_in_dim3A_413] : memref<1792x16xf32, #tpu.memory_space<vmem>>[vector<16xi32>, vector<16xi32>], vector<16xf32>,
        %mul3A_420 = arith.mulf %gather3A_169, %gather3A_419 : vector<16xf32>
        %add3A_421 = arith.addf %add3A_418, %mul3A_420 : vector<16xf32>
        %gather3A_422 = tpu.vector_load_idx %arg11[%add3A_155, %broadcast_in_dim3A_413] : memref<1792x16xf32, #tpu.memory_space<vmem>>[vector<16xi32>, vector<16xi32>], vector<16xf32>,
        %mul3A_423 = arith.mulf %gather3A_170, %gather3A_422 : vector<16xf32>
        %add3A_424 = arith.addf %add3A_421, %mul3A_423 : vector<16xf32>
        %gather3A_425 = tpu.vector_load_idx %arg11[%add3A_158, %broadcast_in_dim3A_413] : memref<1792x16xf32, #tpu.memory_space<vmem>>[vector<16xi32>, vector<16xi32>], vector<16xf32>,
        %mul3A_426 = arith.mulf %gather3A_171, %gather3A_425 : vector<16xf32>
        %add3A_427 = arith.addf %add3A_424, %mul3A_426 : vector<16xf32>
        %gather3A_428 = tpu.vector_load_idx %arg11[%add3A_161, %broadcast_in_dim3A_413] : memref<1792x16xf32, #tpu.memory_space<vmem>>[vector<16xi32>, vector<16xi32>], vector<16xf32>,
        %mul3A_429 = arith.mulf %gather3A_172, %gather3A_428 : vector<16xf32>
        %add3A_430 = arith.addf %add3A_427, %mul3A_429 : vector<16xf32>
        %gather3A_431 = tpu.vector_load_idx %arg11[%add3A_164, %broadcast_in_dim3A_413] : memref<1792x16xf32, #tpu.memory_space<vmem>>[vector<16xi32>, vector<16xi32>], vector<16xf32>,
        %mul3A_432 = arith.mulf %gather3A_173, %gather3A_431 : vector<16xf32>
        %add3A_433 = arith.addf %add3A_430, %mul3A_432 : vector<16xf32>
        %gather3A_434 = tpu.vector_load_idx %arg11[%add3A_167, %broadcast_in_dim3A_413] : memref<1792x16xf32, #tpu.memory_space<vmem>>[vector<16xi32>, vector<16xi32>], vector<16xf32>,
        %mul3A_435 = arith.mulf %gather3A_174, %gather3A_434 : vector<16xf32>
        %add3A_436 = arith.addf %add3A_433, %mul3A_435 : vector<16xf32>
        %broadcast_in_dim3A_437 = arith.constant 7 : i32
        %broadcast_in_dim3A_438 = vector.broadcast %broadcast_in_dim3A_437 : i32 to vector<16xi32>
        %gather3A_439 = tpu.vector_load_idx %arg11[%add3A_146, %broadcast_in_dim3A_438] : memref<1792x16xf32, #tpu.memory_space<vmem>>[vector<16xi32>, vector<16xi32>], vector<16xf32>,
        %mul3A_440 = arith.mulf %gather3A, %gather3A_439 : vector<16xf32>
        %gather3A_441 = tpu.vector_load_idx %arg11[%add3A_149, %broadcast_in_dim3A_438] : memref<1792x16xf32, #tpu.memory_space<vmem>>[vector<16xi32>, vector<16xi32>], vector<16xf32>,
        %mul3A_442 = arith.mulf %gather3A_168, %gather3A_441 : vector<16xf32>
        %add3A_443 = arith.addf %mul3A_440, %mul3A_442 : vector<16xf32>
        %gather3A_444 = tpu.vector_load_idx %arg11[%add3A_152, %broadcast_in_dim3A_438] : memref<1792x16xf32, #tpu.memory_space<vmem>>[vector<16xi32>, vector<16xi32>], vector<16xf32>,
        %mul3A_445 = arith.mulf %gather3A_169, %gather3A_444 : vector<16xf32>
        %add3A_446 = arith.addf %add3A_443, %mul3A_445 : vector<16xf32>
        %gather3A_447 = tpu.vector_load_idx %arg11[%add3A_155, %broadcast_in_dim3A_438] : memref<1792x16xf32, #tpu.memory_space<vmem>>[vector<16xi32>, vector<16xi32>], vector<16xf32>,
        %mul3A_448 = arith.mulf %gather3A_170, %gather3A_447 : vector<16xf32>
        %add3A_449 = arith.addf %add3A_446, %mul3A_448 : vector<16xf32>
        %gather3A_450 = tpu.vector_load_idx %arg11[%add3A_158, %broadcast_in_dim3A_438] : memref<1792x16xf32, #tpu.memory_space<vmem>>[vector<16xi32>, vector<16xi32>], vector<16xf32>,
        %mul3A_451 = arith.mulf %gather3A_171, %gather3A_450 : vector<16xf32>
        %add3A_452 = arith.addf %add3A_449, %mul3A_451 : vector<16xf32>
        %gather3A_453 = tpu.vector_load_idx %arg11[%add3A_161, %broadcast_in_dim3A_438] : memref<1792x16xf32, #tpu.memory_space<vmem>>[vector<16xi32>, vector<16xi32>], vector<16xf32>,
        %mul3A_454 = arith.mulf %gather3A_172, %gather3A_453 : vector<16xf32>
        %add3A_455 = arith.addf %add3A_452, %mul3A_454 : vector<16xf32>
        %gather3A_456 = tpu.vector_load_idx %arg11[%add3A_164, %broadcast_in_dim3A_438] : memref<1792x16xf32, #tpu.memory_space<vmem>>[vector<16xi32>, vector<16xi32>], vector<16xf32>,
        %mul3A_457 = arith.mulf %gather3A_173, %gather3A_456 : vector<16xf32>
        %add3A_458 = arith.addf %add3A_455, %mul3A_457 : vector<16xf32>
        %gather3A_459 = tpu.vector_load_idx %arg11[%add3A_167, %broadcast_in_dim3A_438] : memref<1792x16xf32, #tpu.memory_space<vmem>>[vector<16xi32>, vector<16xi32>], vector<16xf32>,
        %mul3A_460 = arith.mulf %gather3A_174, %gather3A_459 : vector<16xf32>
        %add3A_461 = arith.addf %add3A_458, %mul3A_460 : vector<16xf32>
        %broadcast_in_dim3A_462 = arith.constant 8 : i32
        %broadcast_in_dim3A_463 = vector.broadcast %broadcast_in_dim3A_462 : i32 to vector<16xi32>
        %gather3A_464 = tpu.vector_load_idx %arg11[%add3A_146, %broadcast_in_dim3A_463] : memref<1792x16xf32, #tpu.memory_space<vmem>>[vector<16xi32>, vector<16xi32>], vector<16xf32>,
        %mul3A_465 = arith.mulf %gather3A, %gather3A_464 : vector<16xf32>
        %gather3A_466 = tpu.vector_load_idx %arg11[%add3A_149, %broadcast_in_dim3A_463] : memref<1792x16xf32, #tpu.memory_space<vmem>>[vector<16xi32>, vector<16xi32>], vector<16xf32>,
        %mul3A_467 = arith.mulf %gather3A_168, %gather3A_466 : vector<16xf32>
        %add3A_468 = arith.addf %mul3A_465, %mul3A_467 : vector<16xf32>
        %gather3A_469 = tpu.vector_load_idx %arg11[%add3A_152, %broadcast_in_dim3A_463] : memref<1792x16xf32, #tpu.memory_space<vmem>>[vector<16xi32>, vector<16xi32>], vector<16xf32>,
        %mul3A_470 = arith.mulf %gather3A_169, %gather3A_469 : vector<16xf32>
        %add3A_471 = arith.addf %add3A_468, %mul3A_470 : vector<16xf32>
        %gather3A_472 = tpu.vector_load_idx %arg11[%add3A_155, %broadcast_in_dim3A_463] : memref<1792x16xf32, #tpu.memory_space<vmem>>[vector<16xi32>, vector<16xi32>], vector<16xf32>,
        %mul3A_473 = arith.mulf %gather3A_170, %gather3A_472 : vector<16xf32>
        %add3A_474 = arith.addf %add3A_471, %mul3A_473 : vector<16xf32>
        %gather3A_475 = tpu.vector_load_idx %arg11[%add3A_158, %broadcast_in_dim3A_463] : memref<1792x16xf32, #tpu.memory_space<vmem>>[vector<16xi32>, vector<16xi32>], vector<16xf32>,
        %mul3A_476 = arith.mulf %gather3A_171, %gather3A_475 : vector<16xf32>
        %add3A_477 = arith.addf %add3A_474, %mul3A_476 : vector<16xf32>
        %gather3A_478 = tpu.vector_load_idx %arg11[%add3A_161, %broadcast_in_dim3A_463] : memref<1792x16xf32, #tpu.memory_space<vmem>>[vector<16xi32>, vector<16xi32>], vector<16xf32>,
        %mul3A_479 = arith.mulf %gather3A_172, %gather3A_478 : vector<16xf32>
        %add3A_480 = arith.addf %add3A_477, %mul3A_479 : vector<16xf32>
        %gather3A_481 = tpu.vector_load_idx %arg11[%add3A_164, %broadcast_in_dim3A_463] : memref<1792x16xf32, #tpu.memory_space<vmem>>[vector<16xi32>, vector<16xi32>], vector<16xf32>,
        %mul3A_482 = arith.mulf %gather3A_173, %gather3A_481 : vector<16xf32>
        %add3A_483 = arith.addf %add3A_480, %mul3A_482 : vector<16xf32>
        %gather3A_484 = tpu.vector_load_idx %arg11[%add3A_167, %broadcast_in_dim3A_463] : memref<1792x16xf32, #tpu.memory_space<vmem>>[vector<16xi32>, vector<16xi32>], vector<16xf32>,
        %mul3A_485 = arith.mulf %gather3A_174, %gather3A_484 : vector<16xf32>
        %add3A_486 = arith.addf %add3A_483, %mul3A_485 : vector<16xf32>
        %mul3A_487 = arith.mulf %add3A_436, %add3A_436 : vector<16xf32>
        %mul3A_488 = arith.mulf %add3A_461, %add3A_461 : vector<16xf32>
        %add3A_489 = arith.addf %mul3A_487, %mul3A_488 : vector<16xf32>
        %mul3A_490 = arith.mulf %add3A_486, %add3A_486 : vector<16xf32>
        %add3A_491 = arith.addf %add3A_489, %mul3A_490 : vector<16xf32>
        %max3A_492 = arith.constant 1.000000e-24 : f32
        %max3A_493 = vector.broadcast %max3A_492 : f32 to vector<16xf32>
        %max3A_494 = arith.maximumf %add3A_491, %max3A_493 : vector<16xf32>
        %bitcast3A_495 = vector.bitcast %max3A_494 : vector<16xf32> to vector<16xi32>
        %shift_right_arithmetic3A_496 = arith.constant 1 : i32
        %shift_right_arithmetic3A_497 = vector.broadcast %shift_right_arithmetic3A_496 : i32 to vector<16xi32>
        %shift_right_arithmetic3A_498 = arith.shrsi %bitcast3A_495, %shift_right_arithmetic3A_497 : vector<16xi32>
        %sub3A_499 = arith.constant 1597463007 : i32
        %sub3A_500 = vector.broadcast %sub3A_499 : i32 to vector<16xi32>
        %sub3A_501 = arith.subi %sub3A_500, %shift_right_arithmetic3A_498 : vector<16xi32>
        %bitcast3A_502 = vector.bitcast %sub3A_501 : vector<16xi32> to vector<16xf32>
        %mul3A_503 = arith.constant 5.000000e-01 : f32
        %mul3A_504 = vector.broadcast %mul3A_503 : f32 to vector<16xf32>
        %mul3A_505 = arith.mulf %max3A_494, %mul3A_504 : vector<16xf32>
        %mul3A_506 = arith.mulf %mul3A_505, %bitcast3A_502 : vector<16xf32>
        %mul3A_507 = arith.mulf %mul3A_506, %bitcast3A_502 : vector<16xf32>
        %sub3A_508 = arith.constant 1.500000e+00 : f32
        %sub3A_509 = vector.broadcast %sub3A_508 : f32 to vector<16xf32>
        %sub3A_510 = arith.subf %sub3A_509, %mul3A_507 : vector<16xf32>
        %mul3A_511 = arith.mulf %bitcast3A_502, %sub3A_510 : vector<16xf32>
        %mul3A_512 = arith.mulf %mul3A_505, %mul3A_511 : vector<16xf32>
        %mul3A_513 = arith.mulf %mul3A_512, %mul3A_511 : vector<16xf32>
        %sub3A_514 = arith.constant 1.500000e+00 : f32
        %sub3A_515 = vector.broadcast %sub3A_514 : f32 to vector<16xf32>
        %sub3A_516 = arith.subf %sub3A_515, %mul3A_513 : vector<16xf32>
        %mul3A_517 = arith.mulf %mul3A_511, %sub3A_516 : vector<16xf32>
        %mul3A_518 = arith.mulf %mul3A_505, %mul3A_517 : vector<16xf32>
        %mul3A_519 = arith.mulf %mul3A_518, %mul3A_517 : vector<16xf32>
        %sub3A_520 = arith.constant 1.500000e+00 : f32
        %sub3A_521 = vector.broadcast %sub3A_520 : f32 to vector<16xf32>
        %sub3A_522 = arith.subf %sub3A_521, %mul3A_519 : vector<16xf32>
        %mul3A_523 = arith.mulf %mul3A_517, %sub3A_522 : vector<16xf32>
        %broadcast_in_dim3A_524 = arith.constant 6 : i32
        %broadcast_in_dim3A_525 = vector.broadcast %broadcast_in_dim3A_524 : i32 to vector<16xi32>
        %mul3A_526 = arith.mulf %add3A_436, %mul3A_523 : vector<16xf32>
        tpu.vector_store_idx %arg13[%add3A_140, %broadcast_in_dim3A_525], %mul3A_526 : memref<224x16xf32, #tpu.memory_space<vmem>>[vector<16xi32>, vector<16xi32>], vector<16xf32>,
        %broadcast_in_dim3A_527 = arith.constant 7 : i32
        %broadcast_in_dim3A_528 = vector.broadcast %broadcast_in_dim3A_527 : i32 to vector<16xi32>
        %mul3A_529 = arith.mulf %add3A_461, %mul3A_523 : vector<16xf32>
        tpu.vector_store_idx %arg13[%add3A_140, %broadcast_in_dim3A_528], %mul3A_529 : memref<224x16xf32, #tpu.memory_space<vmem>>[vector<16xi32>, vector<16xi32>], vector<16xf32>,
        %broadcast_in_dim3A_530 = arith.constant 8 : i32
        %broadcast_in_dim3A_531 = vector.broadcast %broadcast_in_dim3A_530 : i32 to vector<16xi32>
        %mul3A_532 = arith.mulf %add3A_486, %mul3A_523 : vector<16xf32>
        tpu.vector_store_idx %arg13[%add3A_140, %broadcast_in_dim3A_531], %mul3A_532 : memref<224x16xf32, #tpu.memory_space<vmem>>[vector<16xi32>, vector<16xi32>], vector<16xf32>,
        %broadcast_in_dim3A_533 = arith.constant 9 : i32
        %broadcast_in_dim3A_534 = vector.broadcast %broadcast_in_dim3A_533 : i32 to vector<16xi32>
        %gather3A_535 = tpu.vector_load_idx %arg11[%add3A_146, %broadcast_in_dim3A_534] : memref<1792x16xf32, #tpu.memory_space<vmem>>[vector<16xi32>, vector<16xi32>], vector<16xf32>,
        %mul3A_536 = arith.mulf %gather3A, %gather3A_535 : vector<16xf32>
        %gather3A_537 = tpu.vector_load_idx %arg11[%add3A_149, %broadcast_in_dim3A_534] : memref<1792x16xf32, #tpu.memory_space<vmem>>[vector<16xi32>, vector<16xi32>], vector<16xf32>,
        %mul3A_538 = arith.mulf %gather3A_168, %gather3A_537 : vector<16xf32>
        %add3A_539 = arith.addf %mul3A_536, %mul3A_538 : vector<16xf32>
        %gather3A_540 = tpu.vector_load_idx %arg11[%add3A_152, %broadcast_in_dim3A_534] : memref<1792x16xf32, #tpu.memory_space<vmem>>[vector<16xi32>, vector<16xi32>], vector<16xf32>,
        %mul3A_541 = arith.mulf %gather3A_169, %gather3A_540 : vector<16xf32>
        %add3A_542 = arith.addf %add3A_539, %mul3A_541 : vector<16xf32>
        %gather3A_543 = tpu.vector_load_idx %arg11[%add3A_155, %broadcast_in_dim3A_534] : memref<1792x16xf32, #tpu.memory_space<vmem>>[vector<16xi32>, vector<16xi32>], vector<16xf32>,
        %mul3A_544 = arith.mulf %gather3A_170, %gather3A_543 : vector<16xf32>
        %add3A_545 = arith.addf %add3A_542, %mul3A_544 : vector<16xf32>
        %gather3A_546 = tpu.vector_load_idx %arg11[%add3A_158, %broadcast_in_dim3A_534] : memref<1792x16xf32, #tpu.memory_space<vmem>>[vector<16xi32>, vector<16xi32>], vector<16xf32>,
        %mul3A_547 = arith.mulf %gather3A_171, %gather3A_546 : vector<16xf32>
        %add3A_548 = arith.addf %add3A_545, %mul3A_547 : vector<16xf32>
        %gather3A_549 = tpu.vector_load_idx %arg11[%add3A_161, %broadcast_in_dim3A_534] : memref<1792x16xf32, #tpu.memory_space<vmem>>[vector<16xi32>, vector<16xi32>], vector<16xf32>,
        %mul3A_550 = arith.mulf %gather3A_172, %gather3A_549 : vector<16xf32>
        %add3A_551 = arith.addf %add3A_548, %mul3A_550 : vector<16xf32>
        %gather3A_552 = tpu.vector_load_idx %arg11[%add3A_164, %broadcast_in_dim3A_534] : memref<1792x16xf32, #tpu.memory_space<vmem>>[vector<16xi32>, vector<16xi32>], vector<16xf32>,
        %mul3A_553 = arith.mulf %gather3A_173, %gather3A_552 : vector<16xf32>
        %add3A_554 = arith.addf %add3A_551, %mul3A_553 : vector<16xf32>
        %gather3A_555 = tpu.vector_load_idx %arg11[%add3A_167, %broadcast_in_dim3A_534] : memref<1792x16xf32, #tpu.memory_space<vmem>>[vector<16xi32>, vector<16xi32>], vector<16xf32>,
        %mul3A_556 = arith.mulf %gather3A_174, %gather3A_555 : vector<16xf32>
        %add3A_557 = arith.addf %add3A_554, %mul3A_556 : vector<16xf32>
        %broadcast_in_dim3A_558 = arith.constant 10 : i32
        %broadcast_in_dim3A_559 = vector.broadcast %broadcast_in_dim3A_558 : i32 to vector<16xi32>
        %gather3A_560 = tpu.vector_load_idx %arg11[%add3A_146, %broadcast_in_dim3A_559] : memref<1792x16xf32, #tpu.memory_space<vmem>>[vector<16xi32>, vector<16xi32>], vector<16xf32>,
        %mul3A_561 = arith.mulf %gather3A, %gather3A_560 : vector<16xf32>
        %gather3A_562 = tpu.vector_load_idx %arg11[%add3A_149, %broadcast_in_dim3A_559] : memref<1792x16xf32, #tpu.memory_space<vmem>>[vector<16xi32>, vector<16xi32>], vector<16xf32>,
        %mul3A_563 = arith.mulf %gather3A_168, %gather3A_562 : vector<16xf32>
        %add3A_564 = arith.addf %mul3A_561, %mul3A_563 : vector<16xf32>
        %gather3A_565 = tpu.vector_load_idx %arg11[%add3A_152, %broadcast_in_dim3A_559] : memref<1792x16xf32, #tpu.memory_space<vmem>>[vector<16xi32>, vector<16xi32>], vector<16xf32>,
        %mul3A_566 = arith.mulf %gather3A_169, %gather3A_565 : vector<16xf32>
        %add3A_567 = arith.addf %add3A_564, %mul3A_566 : vector<16xf32>
        %gather3A_568 = tpu.vector_load_idx %arg11[%add3A_155, %broadcast_in_dim3A_559] : memref<1792x16xf32, #tpu.memory_space<vmem>>[vector<16xi32>, vector<16xi32>], vector<16xf32>,
        %mul3A_569 = arith.mulf %gather3A_170, %gather3A_568 : vector<16xf32>
        %add3A_570 = arith.addf %add3A_567, %mul3A_569 : vector<16xf32>
        %gather3A_571 = tpu.vector_load_idx %arg11[%add3A_158, %broadcast_in_dim3A_559] : memref<1792x16xf32, #tpu.memory_space<vmem>>[vector<16xi32>, vector<16xi32>], vector<16xf32>,
        %mul3A_572 = arith.mulf %gather3A_171, %gather3A_571 : vector<16xf32>
        %add3A_573 = arith.addf %add3A_570, %mul3A_572 : vector<16xf32>
        %gather3A_574 = tpu.vector_load_idx %arg11[%add3A_161, %broadcast_in_dim3A_559] : memref<1792x16xf32, #tpu.memory_space<vmem>>[vector<16xi32>, vector<16xi32>], vector<16xf32>,
        %mul3A_575 = arith.mulf %gather3A_172, %gather3A_574 : vector<16xf32>
        %add3A_576 = arith.addf %add3A_573, %mul3A_575 : vector<16xf32>
        %gather3A_577 = tpu.vector_load_idx %arg11[%add3A_164, %broadcast_in_dim3A_559] : memref<1792x16xf32, #tpu.memory_space<vmem>>[vector<16xi32>, vector<16xi32>], vector<16xf32>,
        %mul3A_578 = arith.mulf %gather3A_173, %gather3A_577 : vector<16xf32>
        %add3A_579 = arith.addf %add3A_576, %mul3A_578 : vector<16xf32>
        %gather3A_580 = tpu.vector_load_idx %arg11[%add3A_167, %broadcast_in_dim3A_559] : memref<1792x16xf32, #tpu.memory_space<vmem>>[vector<16xi32>, vector<16xi32>], vector<16xf32>,
        %mul3A_581 = arith.mulf %gather3A_174, %gather3A_580 : vector<16xf32>
        %add3A_582 = arith.addf %add3A_579, %mul3A_581 : vector<16xf32>
        %broadcast_in_dim3A_583 = arith.constant 11 : i32
        %broadcast_in_dim3A_584 = vector.broadcast %broadcast_in_dim3A_583 : i32 to vector<16xi32>
        %gather3A_585 = tpu.vector_load_idx %arg11[%add3A_146, %broadcast_in_dim3A_584] : memref<1792x16xf32, #tpu.memory_space<vmem>>[vector<16xi32>, vector<16xi32>], vector<16xf32>,
        %mul3A_586 = arith.mulf %gather3A, %gather3A_585 : vector<16xf32>
        %gather3A_587 = tpu.vector_load_idx %arg11[%add3A_149, %broadcast_in_dim3A_584] : memref<1792x16xf32, #tpu.memory_space<vmem>>[vector<16xi32>, vector<16xi32>], vector<16xf32>,
        %mul3A_588 = arith.mulf %gather3A_168, %gather3A_587 : vector<16xf32>
        %add3A_589 = arith.addf %mul3A_586, %mul3A_588 : vector<16xf32>
        %gather3A_590 = tpu.vector_load_idx %arg11[%add3A_152, %broadcast_in_dim3A_584] : memref<1792x16xf32, #tpu.memory_space<vmem>>[vector<16xi32>, vector<16xi32>], vector<16xf32>,
        %mul3A_591 = arith.mulf %gather3A_169, %gather3A_590 : vector<16xf32>
        %add3A_592 = arith.addf %add3A_589, %mul3A_591 : vector<16xf32>
        %gather3A_593 = tpu.vector_load_idx %arg11[%add3A_155, %broadcast_in_dim3A_584] : memref<1792x16xf32, #tpu.memory_space<vmem>>[vector<16xi32>, vector<16xi32>], vector<16xf32>,
        %mul3A_594 = arith.mulf %gather3A_170, %gather3A_593 : vector<16xf32>
        %add3A_595 = arith.addf %add3A_592, %mul3A_594 : vector<16xf32>
        %gather3A_596 = tpu.vector_load_idx %arg11[%add3A_158, %broadcast_in_dim3A_584] : memref<1792x16xf32, #tpu.memory_space<vmem>>[vector<16xi32>, vector<16xi32>], vector<16xf32>,
        %mul3A_597 = arith.mulf %gather3A_171, %gather3A_596 : vector<16xf32>
        %add3A_598 = arith.addf %add3A_595, %mul3A_597 : vector<16xf32>
        %gather3A_599 = tpu.vector_load_idx %arg11[%add3A_161, %broadcast_in_dim3A_584] : memref<1792x16xf32, #tpu.memory_space<vmem>>[vector<16xi32>, vector<16xi32>], vector<16xf32>,
        %mul3A_600 = arith.mulf %gather3A_172, %gather3A_599 : vector<16xf32>
        %add3A_601 = arith.addf %add3A_598, %mul3A_600 : vector<16xf32>
        %gather3A_602 = tpu.vector_load_idx %arg11[%add3A_164, %broadcast_in_dim3A_584] : memref<1792x16xf32, #tpu.memory_space<vmem>>[vector<16xi32>, vector<16xi32>], vector<16xf32>,
        %mul3A_603 = arith.mulf %gather3A_173, %gather3A_602 : vector<16xf32>
        %add3A_604 = arith.addf %add3A_601, %mul3A_603 : vector<16xf32>
        %gather3A_605 = tpu.vector_load_idx %arg11[%add3A_167, %broadcast_in_dim3A_584] : memref<1792x16xf32, #tpu.memory_space<vmem>>[vector<16xi32>, vector<16xi32>], vector<16xf32>,
        %mul3A_606 = arith.mulf %gather3A_174, %gather3A_605 : vector<16xf32>
        %add3A_607 = arith.addf %add3A_604, %mul3A_606 : vector<16xf32>
        %mul3A_608 = arith.mulf %add3A_557, %add3A_557 : vector<16xf32>
        %mul3A_609 = arith.mulf %add3A_582, %add3A_582 : vector<16xf32>
        %add3A_610 = arith.addf %mul3A_608, %mul3A_609 : vector<16xf32>
        %mul3A_611 = arith.mulf %add3A_607, %add3A_607 : vector<16xf32>
        %add3A_612 = arith.addf %add3A_610, %mul3A_611 : vector<16xf32>
        %max3A_613 = arith.constant 1.000000e-24 : f32
        %max3A_614 = vector.broadcast %max3A_613 : f32 to vector<16xf32>
        %max3A_615 = arith.maximumf %add3A_612, %max3A_614 : vector<16xf32>
        %bitcast3A_616 = vector.bitcast %max3A_615 : vector<16xf32> to vector<16xi32>
        %shift_right_arithmetic3A_617 = arith.constant 1 : i32
        %shift_right_arithmetic3A_618 = vector.broadcast %shift_right_arithmetic3A_617 : i32 to vector<16xi32>
        %shift_right_arithmetic3A_619 = arith.shrsi %bitcast3A_616, %shift_right_arithmetic3A_618 : vector<16xi32>
        %sub3A_620 = arith.constant 1597463007 : i32
        %sub3A_621 = vector.broadcast %sub3A_620 : i32 to vector<16xi32>
        %sub3A_622 = arith.subi %sub3A_621, %shift_right_arithmetic3A_619 : vector<16xi32>
        %bitcast3A_623 = vector.bitcast %sub3A_622 : vector<16xi32> to vector<16xf32>
        %mul3A_624 = arith.constant 5.000000e-01 : f32
        %mul3A_625 = vector.broadcast %mul3A_624 : f32 to vector<16xf32>
        %mul3A_626 = arith.mulf %max3A_615, %mul3A_625 : vector<16xf32>
        %mul3A_627 = arith.mulf %mul3A_626, %bitcast3A_623 : vector<16xf32>
        %mul3A_628 = arith.mulf %mul3A_627, %bitcast3A_623 : vector<16xf32>
        %sub3A_629 = arith.constant 1.500000e+00 : f32
        %sub3A_630 = vector.broadcast %sub3A_629 : f32 to vector<16xf32>
        %sub3A_631 = arith.subf %sub3A_630, %mul3A_628 : vector<16xf32>
        %mul3A_632 = arith.mulf %bitcast3A_623, %sub3A_631 : vector<16xf32>
        %mul3A_633 = arith.mulf %mul3A_626, %mul3A_632 : vector<16xf32>
        %mul3A_634 = arith.mulf %mul3A_633, %mul3A_632 : vector<16xf32>
        %sub3A_635 = arith.constant 1.500000e+00 : f32
        %sub3A_636 = vector.broadcast %sub3A_635 : f32 to vector<16xf32>
        %sub3A_637 = arith.subf %sub3A_636, %mul3A_634 : vector<16xf32>
        %mul3A_638 = arith.mulf %mul3A_632, %sub3A_637 : vector<16xf32>
        %mul3A_639 = arith.mulf %mul3A_626, %mul3A_638 : vector<16xf32>
        %mul3A_640 = arith.mulf %mul3A_639, %mul3A_638 : vector<16xf32>
        %sub3A_641 = arith.constant 1.500000e+00 : f32
        %sub3A_642 = vector.broadcast %sub3A_641 : f32 to vector<16xf32>
        %sub3A_643 = arith.subf %sub3A_642, %mul3A_640 : vector<16xf32>
        %mul3A_644 = arith.mulf %mul3A_638, %sub3A_643 : vector<16xf32>
        %broadcast_in_dim3A_645 = arith.constant 9 : i32
        %broadcast_in_dim3A_646 = vector.broadcast %broadcast_in_dim3A_645 : i32 to vector<16xi32>
        %mul3A_647 = arith.mulf %add3A_557, %mul3A_644 : vector<16xf32>
        tpu.vector_store_idx %arg13[%add3A_140, %broadcast_in_dim3A_646], %mul3A_647 : memref<224x16xf32, #tpu.memory_space<vmem>>[vector<16xi32>, vector<16xi32>], vector<16xf32>,
        %broadcast_in_dim3A_648 = arith.constant 10 : i32
        %broadcast_in_dim3A_649 = vector.broadcast %broadcast_in_dim3A_648 : i32 to vector<16xi32>
        %mul3A_650 = arith.mulf %add3A_582, %mul3A_644 : vector<16xf32>
        tpu.vector_store_idx %arg13[%add3A_140, %broadcast_in_dim3A_649], %mul3A_650 : memref<224x16xf32, #tpu.memory_space<vmem>>[vector<16xi32>, vector<16xi32>], vector<16xf32>,
        %broadcast_in_dim3A_651 = arith.constant 11 : i32
        %broadcast_in_dim3A_652 = vector.broadcast %broadcast_in_dim3A_651 : i32 to vector<16xi32>
        %mul3A_653 = arith.mulf %add3A_607, %mul3A_644 : vector<16xf32>
        tpu.vector_store_idx %arg13[%add3A_140, %broadcast_in_dim3A_652], %mul3A_653 : memref<224x16xf32, #tpu.memory_space<vmem>>[vector<16xi32>, vector<16xi32>], vector<16xf32>,
      }
      %scan3A_111 = arith.constant 14 : i32
      %mul3A_112 = arith.constant 14 : i32
      %mul3A_113 = arith.muli %add3A, %mul3A_112 : i32
      %add3A_114 = arith.addi %mul3A_113, %add3A_106 : i32
      %mul3A_115 = arith.constant 224 : i32
      %mul3A_116 = arith.muli %add3A_114, %mul3A_115 : i32
      %multiple_of3A_117 = tpu.assume_multiple %mul3A_116, 8 : i32
      "tpu.region"() ({
        %run_scoped3A = tpu.sem_alloc : memref<!tpu.dma_semaphore, #tpu.memory_space<semaphore_mem>>
        %dma_start3A_132 = arith.constant 0 : i32
        %dma_start3A_133 = tpu.memref_slice %arg5[%multiple_of3A_117, %dma_start3A_132] : memref<100352x16xf32, #tpu.memory_space<hbm>> -> memref<224x16xf32, #tpu.memory_space<hbm>>
        %dma_start3A_134 = arith.constant 0 : i32
        %dma_start3A_135 = tpu.memref_slice %arg5[%multiple_of3A_117, %dma_start3A_134] : memref<100352x16xf32, #tpu.memory_space<hbm>> -> memref<224x16xf32, #tpu.memory_space<hbm>>
        tpu.enqueue_dma source(%arg13 : memref<224x16xf32, #tpu.memory_space<vmem>>) target(%dma_start3A_135 : memref<224x16xf32, #tpu.memory_space<hbm>>) target_semaphore(%run_scoped3A : memref<!tpu.dma_semaphore, #tpu.memory_space<semaphore_mem>>)
        %dma_wait3A_136 = arith.constant 0 : i32
        %dma_wait3A_137 = tpu.memref_slice %arg5[%multiple_of3A_117, %dma_wait3A_136] : memref<100352x16xf32, #tpu.memory_space<hbm>> -> memref<224x16xf32, #tpu.memory_space<hbm>>
        %dma_wait3A_138 = arith.constant 0 : i32
        %dma_wait3A_139 = tpu.memref_slice %arg5[%multiple_of3A_117, %dma_wait3A_138] : memref<100352x16xf32, #tpu.memory_space<hbm>> -> memref<224x16xf32, #tpu.memory_space<hbm>>
        tpu.wait_dma2 semaphore(%run_scoped3A : memref<!tpu.dma_semaphore, #tpu.memory_space<semaphore_mem>>) src(%arg13 : memref<224x16xf32, #tpu.memory_space<vmem>>) dst(%dma_wait3A_139 : memref<224x16xf32, #tpu.memory_space<hbm>>)
        tpu.yield
      }) : () -> ()
      %add3A_118 = arith.constant 3 : i32
      %add3A_119 = arith.addi %mul3A_52, %add3A_118 : i32
      %min3A_120 = arith.constant 13 : i32
      %min3A_121 = arith.minsi %add3A_119, %min3A_120 : i32
      %mul3A_122 = arith.constant 14 : i32
      %mul3A_123 = arith.muli %add3A, %mul3A_122 : i32
      %add3A_124 = arith.addi %mul3A_123, %min3A_121 : i32
      %mul3A_125 = arith.constant 1792 : i32
      %mul3A_126 = arith.muli %add3A_124, %mul3A_125 : i32
      %multiple_of3A_127 = tpu.assume_multiple %mul3A_126, 8 : i32
      %dma_start3A_128 = tpu.memref_slice %arg3[%multiple_of3A_127] : memref<802816xi32, #tpu.memory_space<hbm>> -> memref<1792xi32, #tpu.memory_space<hbm>>
      %dma_start3A_129 = tpu.memref_slice %arg3[%multiple_of3A_127] : memref<802816xi32, #tpu.memory_space<hbm>> -> memref<1792xi32, #tpu.memory_space<hbm>>
      tpu.enqueue_dma source(%dma_start3A_129 : memref<1792xi32, #tpu.memory_space<hbm>>) target(%arg7 : memref<1792xi32, #tpu.memory_space<vmem>>) target_semaphore(%arg15 : memref<!tpu.dma_semaphore, #tpu.memory_space<semaphore_mem>>)
      %dma_start3A_130 = tpu.memref_slice %arg4[%multiple_of3A_127] : memref<802816xf32, #tpu.memory_space<hbm>> -> memref<1792xf32, #tpu.memory_space<hbm>>
      %dma_start3A_131 = tpu.memref_slice %arg4[%multiple_of3A_127] : memref<802816xf32, #tpu.memory_space<hbm>> -> memref<1792xf32, #tpu.memory_space<hbm>>
      tpu.enqueue_dma source(%dma_start3A_131 : memref<1792xf32, #tpu.memory_space<hbm>>) target(%arg9 : memref<1792xf32, #tpu.memory_space<vmem>>) target_semaphore(%arg15 : memref<!tpu.dma_semaphore, #tpu.memory_space<semaphore_mem>>)
    }
    %scan3A_34 = arith.constant 7 : i32
    %dma_wait3A_35 = arith.constant 0 : i32
    %dma_wait3A_36 = arith.constant 0 : i32
    %dma_wait3A_37 = tpu.memref_slice %arg2[%dma_wait3A_35, %dma_wait3A_36] : memref<200704x16xf32, #tpu.memory_space<hbm>> -> memref<200704x16xf32, #tpu.memory_space<hbm>>
    tpu.wait_indirect_dma semaphore(%arg16 : memref<!tpu.dma_semaphore, #tpu.memory_space<semaphore_mem>>) src(%dma_wait3A_37 : memref<200704x16xf32, #tpu.memory_space<hbm>>) dst(%arg10 : memref<1792x16xf32, #tpu.memory_space<vmem>>)
    %dma_wait3A_38 = arith.constant 0 : i32
    %dma_wait3A_39 = tpu.memref_slice %arg3[%dma_wait3A_38] : memref<802816xi32, #tpu.memory_space<hbm>> -> memref<1792xi32, #tpu.memory_space<hbm>>
    %dma_wait3A_40 = arith.constant 0 : i32
    %dma_wait3A_41 = tpu.memref_slice %arg3[%dma_wait3A_40] : memref<802816xi32, #tpu.memory_space<hbm>> -> memref<1792xi32, #tpu.memory_space<hbm>>
    tpu.wait_dma2 semaphore(%arg15 : memref<!tpu.dma_semaphore, #tpu.memory_space<semaphore_mem>>) src(%dma_wait3A_41 : memref<1792xi32, #tpu.memory_space<hbm>>) dst(%arg7 : memref<1792xi32, #tpu.memory_space<vmem>>)
    %dma_wait3A_42 = arith.constant 0 : i32
    %dma_wait3A_43 = tpu.memref_slice %arg4[%dma_wait3A_42] : memref<802816xf32, #tpu.memory_space<hbm>> -> memref<1792xf32, #tpu.memory_space<hbm>>
    %dma_wait3A_44 = arith.constant 0 : i32
    %dma_wait3A_45 = tpu.memref_slice %arg4[%dma_wait3A_44] : memref<802816xf32, #tpu.memory_space<hbm>> -> memref<1792xf32, #tpu.memory_space<hbm>>
    tpu.wait_dma2 semaphore(%arg15 : memref<!tpu.dma_semaphore, #tpu.memory_space<semaphore_mem>>) src(%dma_wait3A_45 : memref<1792xf32, #tpu.memory_space<hbm>>) dst(%arg9 : memref<1792xf32, #tpu.memory_space<vmem>>)
    return
  }
}

module attributes {stable_mosaic.version = 14 : i64} {
  func.func @_lambda_(%arg0: memref<12500x128xf32, #tpu.memory_space<vmem>>, %arg1: memref<12500x128xf32, #tpu.memory_space<vmem>>) attributes {dimension_semantics = [], scalar_prefetch = 0 : i64, scratch_operands = 0 : i64, tpu.core_type = #tpu.core_type<tc>} {
    %get3A = arith.constant 0 : index
    %get3A_0 = arith.constant 0 : index
    %get3A_1 = vector.load %arg0[%get3A, %get3A_0] : memref<12500x128xf32, #tpu.memory_space<vmem>>, vector<12500x128xf32>
    %reduce_sum3A = arith.constant dense<0.000000e+00> : vector<128xf32>
    %reduce_sum3A_2 = vector.multi_reduction <add>, %get3A_1, %reduce_sum3A [0] : vector<12500x128xf32> to vector<128xf32>
    %broadcast_in_dim3A = vector.shape_cast %reduce_sum3A_2 : vector<128xf32> to vector<1x128xf32>
    %slice3A = vector.extract_strided_slice %broadcast_in_dim3A {offsets = [0, 0], sizes = [1, 16], strides = [1, 1]} : vector<1x128xf32> to vector<1x16xf32>
    %slice3A_3 = vector.extract_strided_slice %broadcast_in_dim3A {offsets = [0, 16], sizes = [1, 16], strides = [1, 1]} : vector<1x128xf32> to vector<1x16xf32>
    %add3A = arith.addf %slice3A, %slice3A_3 : vector<1x16xf32>
    %slice3A_4 = vector.extract_strided_slice %broadcast_in_dim3A {offsets = [0, 32], sizes = [1, 16], strides = [1, 1]} : vector<1x128xf32> to vector<1x16xf32>
    %add3A_5 = arith.addf %add3A, %slice3A_4 : vector<1x16xf32>
    %slice3A_6 = vector.extract_strided_slice %broadcast_in_dim3A {offsets = [0, 48], sizes = [1, 16], strides = [1, 1]} : vector<1x128xf32> to vector<1x16xf32>
    %add3A_7 = arith.addf %add3A_5, %slice3A_6 : vector<1x16xf32>
    %slice3A_8 = vector.extract_strided_slice %broadcast_in_dim3A {offsets = [0, 64], sizes = [1, 16], strides = [1, 1]} : vector<1x128xf32> to vector<1x16xf32>
    %add3A_9 = arith.addf %add3A_7, %slice3A_8 : vector<1x16xf32>
    %slice3A_10 = vector.extract_strided_slice %broadcast_in_dim3A {offsets = [0, 80], sizes = [1, 16], strides = [1, 1]} : vector<1x128xf32> to vector<1x16xf32>
    %add3A_11 = arith.addf %add3A_9, %slice3A_10 : vector<1x16xf32>
    %slice3A_12 = vector.extract_strided_slice %broadcast_in_dim3A {offsets = [0, 96], sizes = [1, 16], strides = [1, 1]} : vector<1x128xf32> to vector<1x16xf32>
    %add3A_13 = arith.addf %add3A_11, %slice3A_12 : vector<1x16xf32>
    %slice3A_14 = vector.extract_strided_slice %broadcast_in_dim3A {offsets = [0, 112], sizes = [1, 16], strides = [1, 1]} : vector<1x128xf32> to vector<1x16xf32>
    %add3A_15 = arith.addf %add3A_13, %slice3A_14 : vector<1x16xf32>
    %mul3A = arith.constant 9.99999974E-6 : f32
    %mul3A_16 = vector.broadcast %mul3A : f32 to vector<1x16xf32>
    %mul3A_17 = arith.mulf %add3A_15, %mul3A_16 : vector<1x16xf32>
    %concatenate3A = tpu.concatenate %mul3A_17, %mul3A_17, %mul3A_17, %mul3A_17, %mul3A_17, %mul3A_17, %mul3A_17, %mul3A_17 in 1 : vector<1x16xf32>, vector<1x16xf32>, vector<1x16xf32>, vector<1x16xf32>, vector<1x16xf32>, vector<1x16xf32>, vector<1x16xf32>, vector<1x16xf32> -> vector<1x128xf32>
    %sub3A = vector.broadcast %concatenate3A : vector<1x128xf32> to vector<12500x128xf32>
    %sub3A_18 = arith.subf %get3A_1, %sub3A : vector<12500x128xf32>
    %swap3A = arith.constant 0 : index
    %swap3A_19 = arith.constant 0 : index
    %swap3A_20 = vector.load %arg1[%swap3A, %swap3A_19] : memref<12500x128xf32, #tpu.memory_space<vmem>>, vector<12500x128xf32>
    tpu.vector_store %arg1[%swap3A, %swap3A_19], %sub3A_18 {strides = array<i32>} : memref<12500x128xf32, #tpu.memory_space<vmem>>, vector<12500x128xf32>,
    return
  }
}

</mosaic_0001>

<sc_bundles>
// kernel: kernel.5.cloned.1.call-start
scs
__scs_entry_jumppad:
0x0: {  	(pc) =	sbr.rel $0x88, $3  }
0x1: {  	(tag) =	ssettag $0x0;
	lr =	simm.s32 $0x1  }
0x2: {  	[smem:$0x3F9D] =	sst lr;
	_ =	strace $0xD0000000  }
0x3: {  	_ = 	snop  }
0x4: {  	_ = 	snop  }
0x5: {  	_ = 	snop  }
0x6: {  	_ = 	snop  }
0x7: {  	_ = 	snop  }
__scs_overlays_trampoline_lowered:
0x8: {  	[smem:$0x3FAC] =	sst s0  }
0x9: {  	[smem:$0x3FAD] =	sst s1  }
0xa: {  	[smem:$0x3FAE] =	sst s2  }
0xb: {  	[smem:$0x3FAF] =	sst s3  }
0xc: {  	[smem:$0x3FB0] =	sst s4  }
0xd: {  	[smem:$0x3FB1] =	sst s5  }
0xe: {  	[smem:$0x3FB2] =	sst s6  }
0xf: {  	[smem:$0x3FB3] =	sst s7  }
0x10: {  	[smem:$0x3FB4] =	sst s8  }
0x11: {  	[smem:$0x3FB5] =	sst s9;
	s0 =	simm.s32 @!p0 $0x0  }
0x12: {  	s1 =	sld [smem:$0x3F9B];
	s0 =	simm.s32 @p0 $0x1  }
0x13: {  	[smem:$0x3FB6] =	sst s0;
	s0 =	simm.s32 @!p1 $0x0  }
0x14: {  	s2 =	sld [smem:$0x3F9A];
	s0 =	simm.s32 @p1 $0x1  }
0x15: {  	[smem:$0x3FB7] =	sst s0;
	s0 =	simm.s32 @!p2 $0x0  }
0x16: {  	s3 =	sld [smem:$0x3FDB];
	s0 =	simm.s32 @p2 $0x1  }
0x17: {  	s4 =	simm.s32 $0x1BF5;
	[smem:$0x3FB9] =	sst s0  }
0x18: {  	s0 =	sld [smem:$0x3F9C];
	_ =	swait.ge [sflag:s4], $0x0  }
0x19: {  	s7 =	sld [smem:$0x3F9D]  }
0x1a: {  	s8 =	sadd.s32 $0xFFFFE003, lr  }
0x1b: {  	s9 =	sadd.s32 $0xFFFFFEF7, lr;
	s5 =	simm.s32 $0xFFFFFFFF;
	p2 =	slt.u32 s8, $0xFFFFF086  }
0x1c: {  	p1 =	slt.u32 s9, $0xF7A;
	s5 =	simm.s32 @!p2 $0x0  }
0x1d: {  	s5 =	simm.s32 @p1 $0x1;
	p0 =	seq.s32 s7, s2  }
0x1e: {  	s7 =	smul.u32 @!p0 $0xF7A, s2;
	p2 =	seq.s32 @!p0 s5, $0x0  }
0x1f: {  	s9 =	smul.u32 $0xF7A, s1;
	s8 =	simm.s32 @!p0 $0x1BF5;
	p2 =	por !p2, p0  }
0x20: {  	[sflag:s8] =	ssyncset.s32 @!p0 $0xFFFFF086;
	s6 =	sadd.s32 @!p0 s3, s7;
	s7 =	simm.s32 @!p0 $0x108  }
0x21: {  	s3 =	sadd.s32 s3, s9;
	s6 =	sadd.s32 @!p0 $0x88, s6;
	s7 =	simm.s32 @p2 $0x1082  }
0x22: {  	[simem:s7], [sflag:s8] =	dma.local @!p0 [hbm:s6], $0xF7A  }
0x23: {  	s9 =	sor.u32 $0xD0000000, s2;
	s6 =	simm.s32 $0x108;
	_ =	swait.ge @!p0 [sflag:s8], $0x0  }
0x24: {  	s3 =	sadd.s32 $0x88, s3;
	s6 =	simm.s32 @!p1 $0x1082;
	[sflag:s4] =	ssyncset.s32 $0xFFFFF086  }
0x25: {  	[simem:s6], [sflag:s4] =	dma.local [hbm:s3], $0xF7A  }
0x26: {  	[smem:$0x3F9D] =	sst s1;
	(tag) =	ssettag s2;
	_ =	strace s9  }
0x27: {  	s1 =	sld [smem:$0x3FAD]  }
0x28: {  	s2 =	sld [smem:$0x3FAE]  }
0x29: {  	s4 =	sld [smem:$0x3FB0]  }
0x2a: {  	p0 =	seq.s32 s5, $0x0;
	s5 =	sld [smem:$0x3FB1]  }
0x2b: {  	s6 =	sld [smem:$0x3FB2]  }
0x2c: {  	s7 =	sld [smem:$0x3FB3]  }
0x2d: {  	s3 =	simm.s32 $0x108;
	s8 =	sld [smem:$0x3FB4]  }
0x2e: {  	s3 =	simm.s32 @!p0 $0x1082;
	s9 =	sld [smem:$0x3FB5]  }
0x2f: {  	lr =	sadd.s32 s0, s3;
	s0 =	sld [smem:$0x3FAC]  }
0x30: {  	s3 =	sld [smem:$0x3FAF]  }
0x31: {  	[smem:$0x3FB8] =	sst s10  }
0x32: {  	s10 =	sld [smem:$0x3FB6];
	_ =	sdelay $0x3  }
0x33: {  	p0 =	seq.s32 s10, $0x1;
	s10 =	sld [smem:$0x3FB8];
	_ =	sdelay $0x3  }
0x34: {  	[smem:$0x3FB8] =	sst s10  }
0x35: {  	s10 =	sld [smem:$0x3FB7];
	_ =	sdelay $0x3  }
0x36: {  	p1 =	seq.s32 s10, $0x1;
	s10 =	sld [smem:$0x3FB8];
	_ =	sdelay $0x3  }
0x37: {  	[smem:$0x3FB8] =	sst s10  }
0x38: {  	s10 =	sld [smem:$0x3FB9]  }
0x39: {  	_ = 	snop;
	(pc) =	sbr.ind lr, $3  }
0x3a: {  	_ = 	snop  }
0x3b: {  	_ = 	snop  }
0x3c: {  	p2 =	seq.s32 s10, $0x1;
	s10 =	sld [smem:$0x3FB8]  }
0x3d: {  	_ =	shalt  }
0x3e: {  	_ =	shalt  }
0x3f: {  	_ =	shalt  }
0x40: {  	_ =	shalt  }
0x41: {  	_ =	shalt  }
0x42: {  	_ =	shalt  }
0x43: {  	_ =	shalt  }
0x44: {  	_ =	shalt  }
0x45: {  	_ =	shalt  }
0x46: {  	_ =	shalt  }
0x47: {  	_ =	shalt  }
0x48: {  	_ =	shalt  }
0x49: {  	_ =	shalt  }
0x4a: {  	_ =	shalt  }
0x4b: {  	_ =	shalt  }
0x4c: {  	_ =	shalt  }
0x4d: {  	_ =	shalt  }
0x4e: {  	_ =	shalt  }
0x4f: {  	_ =	shalt  }
0x50: {  	_ =	shalt  }
0x51: {  	_ =	shalt  }
0x52: {  	_ =	shalt  }
0x53: {  	_ =	shalt  }
0x54: {  	_ =	shalt  }
0x55: {  	_ =	shalt  }
0x56: {  	_ =	shalt  }
0x57: {  	_ =	shalt  }
0x58: {  	_ =	shalt  }
0x59: {  	_ =	shalt  }
0x5a: {  	_ =	shalt  }
0x5b: {  	_ =	shalt  }
0x5c: {  	_ =	shalt  }
0x5d: {  	_ =	shalt  }
0x5e: {  	_ =	shalt  }
0x5f: {  	_ =	shalt  }
0x60: {  	_ =	shalt  }
0x61: {  	_ =	shalt  }
0x62: {  	_ =	shalt  }
0x63: {  	_ =	shalt  }
0x64: {  	_ =	shalt  }
0x65: {  	_ =	shalt  }
0x66: {  	_ =	shalt  }
0x67: {  	_ =	shalt  }
0x68: {  	_ =	shalt  }
0x69: {  	_ =	shalt  }
0x6a: {  	_ =	shalt  }
0x6b: {  	_ =	shalt  }
0x6c: {  	_ =	shalt  }
0x6d: {  	_ =	shalt  }
0x6e: {  	_ =	shalt  }
0x6f: {  	_ =	shalt  }
0x70: {  	_ =	shalt  }
0x71: {  	_ =	shalt  }
0x72: {  	_ =	shalt  }
0x73: {  	_ =	shalt  }
0x74: {  	_ =	shalt  }
0x75: {  	_ =	shalt  }
0x76: {  	_ =	shalt  }
0x77: {  	_ =	shalt  }
0x78: {  	_ =	shalt  }
0x79: {  	_ =	shalt  }
0x7a: {  	_ =	shalt  }
0x7b: {  	_ =	shalt  }
0x7c: {  	_ =	shalt  }
0x7d: {  	_ =	shalt  }
0x7e: {  	_ =	shalt  }
0x7f: {  	_ =	shalt  }
0x80: {  	_ =	shalt  }
0x81: {  	_ =	shalt  }
0x82: {  	_ =	shalt  }
0x83: {  	_ =	shalt  }
0x84: {  	_ =	shalt  }
0x85: {  	_ =	shalt  }
0x86: {  	_ =	shalt  }
0x87: {  	_ =	shalt  }
.Lfunc_end0:
.L_simem_size_0:
called_computation_lowered:
.L_overlay_start_0:
0x88: {  	s2 =	sld [smem:$0x3FD9]  }
0x89: {  	s3 =	sld [smem:$0x3FFE];
	_ =	sdelay $0x1  }
0x8a: {  	s1 =	srdreg.scid  }
0x8b: {  	s0 =	sand.u32 $0x1, s1  }
0x8c: {  	s14 =	sshll.u32 s0, $0xA;
	s2 =	sadd.s32 s3, s2  }
0x8d: {  	s2 =	sadd.s32 s2, s14  }
0x8e: {  	[smem:$0x3FC4] =	sst s2  }
0x8f: {  	_ = 	snop  }
0x90: {  	s2 =	sld [smem:$0x3FD0];
	_ =	sdelay $0x2  }
0x91: {  	s15 =	simm.s32 $0xA;
	s4 =	simm.s32 $0x10  }
0x92: {  	[smem:s4], [sflag:s15] =	dma.local [hbm:s2], $0x1  }
0x93: {  	_ =	swait.eq [sflag:s15], $0x1  }
0x94: {  	[sflag:s15] =	ssyncset.done $0x0  }
0x95: {  	[sflag:s15] =	ssyncadd.s32 $0xFFFFFFFF  }
0x96: {  	s16 =	sld [smem:$0x10];
	(tm) =	ssettm $0x1  }
0x97: {  	s17 =	sld [smem:$0x3FFB];
	_ =	sdelay $0x3  }
0x98: {  	_ =	strace s17  }
0x99: {  	s3 =	sld [smem:$0x3FFC];
	_ =	sdelay $0x3  }
0x9a: {  	_ =	strace s3  }
0x9b: {  	s3 =	sld [smem:$0x3FFD];
	_ =	sdelay $0x3  }
0x9c: {  	_ =	strace s3  }
0x9d: {  	_ =	strace $0x8FFFFFFF  }
0x9e: {  	s18 =	sld [smem:$0x3FDB];
	_ =	sdelay $0x1  }
0x9f: {  	s19 =	simm.s32 $_scs_section_size  }
0xa0: {  	s5 =	simm.s32 $_size__tile_overlayer_lowered;
	s6 =	simm.s32 $_tile_overlayer_lowered  }
0xa1: {  	s22 =	simm.s32 $0x1BFF;
	s21 =	sshll.u32 s6, $0x1;
	s3 =	sadd.s32 s19, s18  }
0xa2: {  	s7 =	simm.s32 $0x0;
	s20 =	sshll.u32 s5, $0x1;
	s5 =	sadd.s32 s21, s3  }
0xa3: {  	[timem:s7], [sflag:s22] =	dma.local [hbm:s5], s20  }
0xa4: {  	_ =	swait.ge [sflag:s22], s20  }
0xa5: {  	s4 =	ssub.s32 $0x0, s20;
	[sflag:s22] =	ssyncset.done $0x0  }
0xa6: {  	[sflag:s22] =	ssyncadd.s32 s4;
	_ =	sdelay $0x1  }
0xa7: {  	s23 =	simm.s32 $0x1B8B  }
0xa8: {  	_ =	swait.ge [sflag:s23], $0x1  }
0xa9: {  	[sflag:s23] =	ssyncset.done $0x0  }
0xaa: {  	s25 =	simm.s32 $0x1B8E;
	s24 =	sld [smem:$0x3FFE];
	[sflag:s23] =	ssyncadd.s32 $0xFFFFFFFF  }
0xab: {  	s26 =	simm.s32 $execute0_lowered;
	[smem:$0x3FD2] =	sst s25  }
0xac: {  	s5 =	sshll.u32 s26, $0x1;
	_ =	strace $0x80000046;
	[dreg:$0x1] =	wrdreg $0xFFFFFFFF  }
0xad: {  	s28 =	simm.s32 $_size_execute0_lowered;
	s3 =	sadd.s32 s3, s5;
	[dreg:$0x0] =	wrdreg $0x0  }
0xae: {  	s5 =	sshll.u32 s28, $0x1;
	[dreg:$0x2] =	wrdreg s3  }
0xaf: {  	[dreg:$0x3] =	wrdreg s5  }
0xb0: {  	[dreg:$0x4] =	wrdreg $0xC0  }
0xb1: {  	_ =	task [dreg:s7], $0x5FFFF  }
0xb2: {  	[dreg:$0x1] =	wrdreg $0xFFFFFFFF  }
0xb3: {  	[dreg:$0x0] =	wrdreg $0x60  }
0xb4: {  	[dreg:$0x2] =	wrdreg s24  }
0xb5: {  	[dreg:$0x3] =	wrdreg s16  }
0xb6: {  	[dreg:$0x4] =	wrdreg $0x9  }
0xb7: {  	_ =	task.clear_ibuf [dreg:s7], $0x5FFFF;
	_ =	strace $0x90000046  }
0xb8: {  	s29 =	simm.s32 $0x9;
	_ =	strace $0x80000048  }
0xb9: {  	_ =	swait.ge [sflag:s29], $0x1  }
0xba: {  	[sflag:s29] =	ssyncadd.s32 $0xFFFFFFFF  }
0xbb: {  	_ =	strace $0x90000048  }
0xbc: {  	_ =	sfence  }
0xbd: {  	s30 =	sld [smem:$0x0];
	_ =	sdelay $0x2  }
0xbe: {  	s31 =	sshll.u32 s1, $0xD;
	s1 =	sshrl.u32 s1, $0x2  }
0xbf: {  	s3 =	sand.u32 $0x4000, s31;
	s1 =	sadd.s32 s1, s30  }
0xc0: {  	s0 =	sor.u32 s3, s0;
	s1 =	sshll.u32 s1, $0x11  }
0xc1: {  	s0 =	sor.u32 s1, s0  }
0xc2: {  	s0 =	sadd.s32 $0x8F2B, s0  }
0xc3: {  	[sflag:s0] =	ssyncadd.remote.s32 $0x1  }
0xc4: {  	_ =	sfence.sel $0xFFFF  }
0xc5: {  	[dreg:$0x0] =	wrdreg $0xFFFFFFFF;
	(pc) =	sbr.abs _section_cstart, $3  }
0xc6: {  	[dreg:$0x1] =	wrdreg $0xFFFFFFFF  }
0xc7: {  	_ =	task.clear_ibuf [dreg:s7], $0x2FFFF;
	_ =	strace $0x9FFFFFFF  }
0xc8: {  	(tm) =	ssettm $0x7FFFFFFF  }
0xc9: {  	_ =	shalt  }
tec
execute0_lowered:
.L_overlay_start_1:
0x0: {  	(tag) =	ssettag $0x1  }
0x1: {  	s2 =	rddreg [dreg:$0x0]  }
0x2: {  	s10 =	rddreg [dreg:$0x1]  }
0x3: {  	s0 =	srdreg.scid;
	s1 =	stileid.u32  }
0x4: {  	s4 =	simm.s32 $0x0;
	s28 =	simm.s32 $0x8C0;
	s29 =	simm.s32 $0x3  }
0x5: {  	s30 =	simm.s32 $0x2;
	s31 =	simm.s32 $0x5E80;
	s11 =	simm.s32 $0x4  }
0x6: {  	s12 =	simm.s32 $0xCE80;
	s0 =	sand.u32 $0x1, s0;
	s1 =	sshll.u32 s1, $0x1  }
0x7: {  	[smem:$0x7FF] =	sst s4;
	s5 =	sadd.s32 $0x30E00, s2;
	s1 =	sor.u32 s0, s1  }
0x8: {  	s6 =	sadd.s32 $0x37000, s2;
	s7 =	sadd.s32 $0x3D200, s2;
	s3 =	smul.u32 $0x310, s1  }
0x9: {  	s15 =	smov.u32 s10;
	s0 =	ssub.s32 $0x2, s0;
	s8 =	smul.u32 $0x1880, s1  }
0xa: {  	_ =	strace $0x80000047;
	s9 =	sshrl.u32 s0, $0x1;
	s21 =	smul.u32 $0xE, s1  }
0xb: {  	s0 =	ssub.s32 s0, s9;
	s9 =	simm.s32 $0x5;
	s19 =	sadd.s32 s10, s3  }
0xc: {  	s8 =	sshrl.u32 s8, $0x3;
	s20 =	sadd.s32 s5, s3;
	[dreg:$0x3] =	wrdreg s19  }
0xd: {  	s3 =	sadd.s32 s6, s3;
	s25 =	sadd.s32 $0x2, s21;
	[dreg:$0x4] =	wrdreg s20  }
0xe: {  	s26 =	sor.u32 $0x1, s21;
	s16 =	smov.u32 s21;
	[dreg:$0x5] =	wrdreg s3  }
0xf: {  	s17 =	sadd.s32 $0x3, s21;
	s0 =	smax.u32 s0, $0x1;
	[dreg:$0x9] =	wrdreg s25  }
0x10: {  	s21 =	simm.s32 $0x1;
	s22 =	sadd.s32 $0x38, s8;
	[dreg:$0xa] =	wrdreg s26  }
0x11: {  	[dreg:$0xb] =	wrdreg s0;
	s19 =	simm.s32 $0x1C0;
	s20 =	simm.s32 $0x380  }
0x12: {  	s25 =	simm.s32 $0x540;
	s26 =	simm.s32 $0x700;
	s23 =	sadd.s32 s10, s22  }
0x13: {  	s0 =	simm.s32 $0x7A80;
	s24 =	sadd.s32 s5, s22;
	[dreg:$0x6] =	wrdreg s23  }
0x14: {  	s8 =	simm.s32 $0xB280;
	s1 =	sadd.s32 s6, s22;
	[dreg:$0x7] =	wrdreg s24  }
0x15: {  	v0 =	vlaneseq.u32;
	s22 =	simm.s32 $0xA80;
	s10 =	simm.s32 $0x0;
	[dreg:$0x8] =	wrdreg s1  }
0x16: {  	v0 =	vmul.u32 $0x10, v0;
	s23 =	simm.s32 $0x2680;
	s24 =	simm.s32 $0x4280;
	s1 =	simm.s32 $0x9680  }
.LBB2_1:
0x17: {  	[dreg:$0xc] =	wrdreg s10  }
0x18: {  	s3 =	rddreg [dreg:$0x3]  }
0x19: {  	[tilespmem:s4], [sflag:$0x1] =	stream.linear.gather [hbm4b:s3+s4], $0x1C0, $0x38;
	[tilespmem:$0xEA80] =	vst v63  }
0x1a: {  	s18 =	rddreg [dreg:$0x4]  }
0x1b: {  	[tilespmem:s19], [sflag:$0x1] =	stream.linear.gather [hbm4b:s18+s4], $0x1C0, $0x38;
	[tilespmem:$0xEA80] =	vst v63  }
0x1c: {  	s10 =	rddreg [dreg:$0x5]  }
0x1d: {  	[tilespmem:s20], [sflag:$0x1] =	stream.linear.gather [hbm4b:s10+s4], $0x1C0, $0x38;
	[tilespmem:$0xEA80] =	vst v63  }
0x1e: {  	_ =	swait.ge [sflag:s21], $0x1C0  }
0x1f: {  	[sflag:s21] =	ssyncset.done $0x0  }
0x20: {  	[sflag:s21] =	ssyncadd.s32 $0xFFFFFE40  }
0x21: {  	_ =	swait.ge [sflag:s21], $0x1C0  }
0x22: {  	[sflag:s21] =	ssyncset.done $0x0  }
0x23: {  	[sflag:s21] =	ssyncadd.s32 $0xFFFFFE40  }
0x24: {  	_ =	swait.ge [sflag:s21], $0x1C0  }
0x25: {  	[sflag:s21] =	ssyncset.done $0x0  }
0x26: {  	[sflag:s21] =	ssyncadd.s32 $0xFFFFFE40  }
0x27: {  	[tilespmem:s22], [sflag:$0x3] =	stream.indirect.gather [hbm4b:s2+s19], $0x10, s4, s19, $0xb8;
	[tilespmem:$0xEA80] =	vst v63  }
0x28: {  	_ = 	snop  }
0x29: {  	[tilespmem:s23], [sflag:$0x3] =	stream.indirect.gather [hbm4b:s2+s19], $0x10, s19, s19, $0xb8;
	[tilespmem:$0xEA80] =	vst v63  }
0x2a: {  	_ = 	snop  }
0x2b: {  	[tilespmem:s24], [sflag:$0x3] =	stream.indirect.gather [hbm4b:s2+s19], $0x10, s20, s19, $0xb8;
	[tilespmem:$0xEA80] =	vst v63  }
0x2c: {  	s13 =	rddreg [dreg:$0x6]  }
0x2d: {  	[tilespmem:s25], [sflag:$0x2] =	stream.linear.gather [hbm4b:s13+s4], $0x1C0, $0x38;
	[tilespmem:$0xEA80] =	vst v63  }
0x2e: {  	s14 =	rddreg [dreg:$0x7]  }
0x2f: {  	[tilespmem:s26], [sflag:$0x2] =	stream.linear.gather [hbm4b:s14+s4], $0x1C0, $0x38;
	[tilespmem:$0xEA80] =	vst v63  }
0x30: {  	s18 =	rddreg [dreg:$0x8];
	s14 =	simm.s32 $0x0  }
0x31: {  	[tilespmem:s28], [sflag:$0x2] =	stream.linear.gather [hbm4b:s18+s4], $0x1C0, $0x38;
	[tilespmem:$0xEA80] =	vst v63  }
.LBB2_2:
0x32: {  	_ =	swait.ge [sflag:s29], $0x1C00  }
0x33: {  	[sflag:s29] =	ssyncset.done $0x0  }
0x34: {  	[sflag:s29] =	ssyncadd.s32 $0xFFFFE400  }
0x35: {  	_ =	swait.ge [sflag:s29], $0x1C00  }
0x36: {  	[sflag:s29] =	ssyncset.done $0x0  }
0x37: {  	[sflag:s29] =	ssyncadd.s32 $0xFFFFE400  }
0x38: {  	_ =	swait.ge [sflag:s29], $0x1C00  }
0x39: {  	[sflag:s29] =	ssyncset.done $0x0  }
0x3a: {  	[sflag:s29] =	ssyncadd.s32 $0xFFFFE400  }
0x3b: {  	_ =	swait.ge [sflag:s30], $0x1C0  }
0x3c: {  	[sflag:s30] =	ssyncset.done $0x0  }
0x3d: {  	[sflag:s30] =	ssyncadd.s32 $0xFFFFFE40  }
0x3e: {  	_ =	swait.ge [sflag:s30], $0x1C0  }
0x3f: {  	[sflag:s30] =	ssyncset.done $0x0  }
0x40: {  	[sflag:s30] =	ssyncadd.s32 $0xFFFFFE40  }
0x41: {  	s3 =	simm.s32 $0x0;
	_ =	swait.ge [sflag:s30], $0x1C0  }
0x42: {  	v1 =	vmov s3;
	[sflag:s30] =	ssyncset.done $0x0  }
0x43: {  	v1 =	vshll.u32 v1, $0x4;
	[sflag:s30] =	ssyncadd.s32 $0xFFFFFE40  }
0x44: {  	v3 =	vor.u32 v0, v1;
	[tilespmem:s31], [sflag:$0x4] =	stream.indirect.gather [hbm4b:s2+s19], $0x10, s25, s19, $0xb8;
	[tilespmem:$0xEA80] =	vst v63  }
0x45: {  	v2 =	vor.u32 $0x2, v3  }
0x46: {  	[tilespmem:s0], [sflag:$0x4] =	stream.indirect.gather [hbm4b:s2+s19], $0x10, s26, s19, $0xb8;
	[tilespmem:$0xEA80] =	vst v63  }
0x47: {  	_ = 	snop  }
0x48: {  	[tilespmem:s1], [sflag:$0x4] =	stream.indirect.gather [hbm4b:s2+s19], $0x10, s28, s19, $0xb8;
	[tilespmem:$0xEA80] =	vst v63  }
0x49: {  	v4 =	vor.u32 $0x1, v3;
	v9 =	vld.idx.msk [tilespmem:v3+s23+$0x0], $0xffff  }
0x4a: {  	v10 =	vld.idx.msk [tilespmem:v2+s24+$0x0], $0xffff  }
0x4b: {  	v11 =	vld.idx.msk [tilespmem:v2+s23+$0x0], $0xffff  }
0x4c: {  	v12 =	vld.idx.msk [tilespmem:v3+s22+$0x0], $0xffff  }
0x4d: {  	v7 =	vor.u32 $0x3, v3;
	v13 =	vld.idx.msk [tilespmem:v3+s24+$0x0], $0xffff  }
0x4e: {  	v5 =	vor.u32 $0x4, v3;
	v14 =	vld.idx.msk [tilespmem:v4+s24+$0x0], $0xffff  }
0x4f: {  	v15 =	vld.idx.msk [tilespmem:v4+s23+$0x0], $0xffff  }
0x50: {  	v16 =	vld.idx.msk [tilespmem:v4+s22+$0x0], $0xffff  }
0x51: {  	v8 =	vor.u32 $0x5, v3;
	v17 =	vld.idx.msk [tilespmem:v2+s22+$0x0], $0xffff  }
0x52: {  	v18 =	vld.idx.msk [tilespmem:v7+s24+$0x0], $0xffff  }
0x53: {  	v20 =	vld.idx.msk [tilespmem:v5+s23+$0x0], $0xffff  }
0x54: {  	v21 =	vld.idx.msk [tilespmem:v5+s24+$0x0], $0xffff  }
0x55: {  	v6 =	vor.u32 $0x8, v3;
	v22 =	vld.idx.msk [tilespmem:v5+s22+$0x0], $0xffff  }
0x56: {  	v23 =	vld.idx.msk [tilespmem:v8+s24+$0x0], $0xffff;
	v15 =	vsub.f32 v15, v16  }
0x57: {  	v25 =	vld.idx.msk [tilespmem:v8+s23+$0x0], $0xffff;
	v14 =	vsub.f32 v14, v16;
	v11 =	vsub.f32 v11, v17  }
0x58: {  	v26 =	vld.idx.msk [tilespmem:v7+s22+$0x0], $0xffff;
	v17 =	vsub.f32 v10, v17;
	v24 =	vsub.f32 v9, v12;
	v9 =	vor.u32 $0x7, v3  }
0x59: {  	v28 =	vld.idx.msk [tilespmem:v8+s22+$0x0], $0xffff;
	v12 =	vsub.f32 v13, v12;
	v10 =	vor.u32 $0x6, v3  }
0x5a: {  	v29 =	vld.idx.msk [tilespmem:v6+s22+$0x0], $0xffff;
	v13 =	vmul.f32 v17, v15;
	v27 =	vmul.f32 v14, v11  }
0x5b: {  	v16 =	vld.idx.msk [tilespmem:v7+s23+$0x0], $0xffff;
	v11 =	vmul.f32 v12, v11;
	v17 =	vmul.f32 v17, v24  }
0x5c: {  	v24 =	vmul.f32 v14, v24;
	v12 =	vmul.f32 v12, v15;
	v15 =	vsub.f32 v13, v27;
	v27 =	vld.idx.msk [tilespmem:v6+s23+$0x0], $0xffff  }
0x5d: {  	v14 =	vsub.f32 v11, v17;
	v17 =	vsub.f32 v20, v22;
	v20 =	vld.idx.msk [tilespmem:v9+s23+$0x0], $0xffff  }
0x5e: {  	v13 =	vsub.f32 v24, v12;
	v24 =	vld.idx.msk [tilespmem:v10+s24+$0x0], $0xffff  }
0x5f: {  	v25 =	vsub.f32 v25, v28;
	v31 =	vld.idx.msk [tilespmem:v9+s24+$0x0], $0xffff  }
0x60: {  	v1 =	vor.u32 $0xA, v3;
	v18 =	vsub.f32 v18, v26;
	v23 =	vsub.f32 v23, v28;
	v32 =	vld.idx.msk [tilespmem:v9+s22+$0x0], $0xffff  }
0x61: {  	v16 =	vsub.f32 v16, v26;
	v28 =	vld.idx.msk [tilespmem:v10+s23+$0x0], $0xffff;
	v12 =	vmul.f32 v15, v15;
	v30 =	vmul.f32 v14, v14  }
0x62: {  	v11 =	vor.u32 $0xB, v3;
	v33 =	vld.idx.msk [tilespmem:v10+s22+$0x0], $0xffff;
	v34 =	vmul.f32 v18, v17;
	v17 =	vmul.f32 v23, v17  }
0x63: {  	v26 =	vld.idx.msk [tilespmem:v6+s24+$0x0], $0xffff;
	v18 =	vmul.f32 v18, v25;
	v23 =	vmul.f32 v23, v16  }
0x64: {  	v21 =	vsub.f32 v21, v22;
	v22 =	vadd.f32 v30, v12;
	v30 =	vmul.f32 v13, v13  }
0x65: {  	v19 =	vld.idx.msk [tilespmem:v1+s22+$0x0], $0xffff;
	v12 =	vor.u32 $0x9, v3;
	v27 =	vsub.f32 v27, v29;
	v18 =	vsub.f32 v18, v23  }
0x66: {  	v52 =	vld.idx.msk [tilespmem:v1+s24+$0x0], $0xffff;
	v22 =	vadd.f32 v22, v30;
	v30 =	vmul.f32 v21, v16;
	v31 =	vsub.f32 v31, v32  }
0x67: {  	v36 =	vld.idx.msk [tilespmem:v11+s23+$0x0], $0xffff;
	v21 =	vmul.f32 v21, v25;
	v20 =	vsub.f32 v20, v32;
	v28 =	vsub.f32 v28, v33  }
0x68: {  	v25 =	vld.idx.msk [tilespmem:v1+s23+$0x0], $0xffff;
	v24 =	vsub.f32 v24, v33;
	v26 =	vsub.f32 v26, v29;
	v53 =	vmul.f32 v18, v18  }
0x69: {  	v23 =	vld.idx.msk [tilespmem:v11+s24+$0x0], $0xffff;
	v22 =	vmax.f32 v22, $1.000000020e-24;
	v16 =	vsub.f32 v17, v21;
	v54 =	vmul.f32 v31, v27  }
0x6a: {  	v21 =	vld.idx.msk [tilespmem:v11+s22+$0x0], $0xffff;
	v17 =	vsub.f32 v30, v34;
	v31 =	vmul.f32 v31, v28;
	v40 =	vmul.f32 v26, v20  }
0x6b: {  	v26 =	vmul.f32 v26, v28;
	v35 =	vshra.s32 v22, $0x1;
	v22 =	vmul.f32 $5.000000000e-01, v22;
	v38 =	vld.idx.msk [tilespmem:v12+s22+$0x0], $0xffff  }
0x6c: {  	v28 =	vsub.f32 v52, v19;
	v29 =	vld.idx.msk [tilespmem:v12+s23+$0x0], $0xffff;
	v35 =	vsub.s32 $0x5F3759DF, v35;
	v30 =	vmul.f32 v16, v16  }
0x6d: {  	v55 =	vld.idx.msk [tilespmem:v12+s24+$0x0], $0xffff;
	v39 =	vmul.f32 v17, v17;
	v37 =	vmul.f32 v35, v22;
	v25 =	vsub.f32 v25, v19  }
0x6e: {  	v19 =	vmul.f32 v24, v20;
	v20 =	vsub.f32 v40, v54;
	v30 =	vadd.f32 v53, v30  }
0x6f: {  	v36 =	vsub.f32 v36, v21;
	v23 =	vsub.f32 v23, v21;
	v21 =	vmul.f32 v24, v27  }
0x70: {  	v24 =	vmul.f32 v35, v37;
	v19 =	vsub.f32 v31, v19  }
0x71: {  	v31 =	vmul.f32 v20, v20;
	v27 =	vadd.f32 v30, v39;
	v21 =	vsub.f32 v21, v26  }
0x72: {  	v26 =	vsub.f32 v29, v38;
	v30 =	vmul.f32 v23, v25;
	v29 =	vsub.f32 v55, v38  }
0x73: {  	v34 =	vmul.f32 v28, v36;
	v37 =	vsub.f32 $1.500000000e+00, v24;
	v56 =	vmul.f32 v21, v21  }
0x74: {  	v27 =	vmax.f32 v27, $1.000000020e-24;
	v57 =	vmul.f32 v23, v26;
	v23 =	vmul.f32 v19, v19  }
0x75: {  	v58 =	vmul.f32 v28, v26;
	v28 =	vshra.s32 v27, $0x1;
	v36 =	vmul.f32 v29, v36  }
0x76: {  	v25 =	vmul.f32 v29, v25;
	v26 =	vmul.f32 $5.000000000e-01, v27;
	v31 =	vadd.f32 v56, v31  }
0x77: {  	v29 =	vsub.s32 $0x5F3759DF, v28;
	v28 =	vmul.f32 v35, v37;
	v24 =	vsub.f32 v36, v57  }
0x78: {  	v27 =	vadd.f32 v31, v23;
	v23 =	vsub.f32 v30, v34  }
0x79: {  	v25 =	vsub.f32 v58, v25;
	v35 =	vmul.f32 v28, v22;
	v30 =	vmul.f32 v29, v26  }
0x7a: {  	v59 =	vmul.f32 v24, v24;
	v31 =	vmul.f32 v23, v23  }
0x7b: {  	v63 =	vmul.f32 v25, v25;
	v27 =	vmax.f32 v27, $1.000000020e-24;
	v61 =	vmul.f32 v29, v30  }
0x7c: {  	v60 =	vshra.s32 v27, $0x1;
	v27 =	vmul.f32 $5.000000000e-01, v27;
	v62 =	vadd.f32 v59, v31  }
0x7d: {  	v30 =	vsub.s32 $0x5F3759DF, v60;
	v31 =	vsub.f32 $1.500000000e+00, v61  }
0x7e: {  	s18 =	simm.s32 $0x10;
	v32 =	vmul.f32 v35, v28;
	v33 =	vmul.f32 v30, v27;
	v34 =	vadd.f32 v62, v63  }
.LBB2_3:
0x7f: {  	p0 =	sne.s32 s18, $0x1B0;
	v29 =	vmul.f32 v29, v31;
	s13 =	smov.u32 s18;
	s18 =	sadd.s32 $0x10, s18  }
0x80: {  	v31 =	vsub.f32 $1.500000000e+00, v32;
	v32 =	vmul.f32 v30, v33;
	v33 =	vmax.f32 v34, $1.000000020e-24  }
0x81: {  	v34 =	vmul.f32 v29, v26;
	v35 =	vshra.s32 v33, $0x1;
	v33 =	vmul.f32 $5.000000000e-01, v33  }
0x82: {  	v28 =	vmul.f32 v31, v28;
	v31 =	vsub.f32 $1.500000000e+00, v32;
	v32 =	vsub.s32 $0x5F3759DF, v35  }
0x83: {  	v34 =	vmul.f32 v34, v29;
	v35 =	vmul.f32 v32, v33  }
0x84: {  	v22 =	vmul.f32 v28, v22;
	v30 =	vmul.f32 v30, v31  }
0x85: {  	v31 =	vsub.f32 $1.500000000e+00, v34;
	v34 =	vmul.f32 v32, v35  }
0x86: {  	v22 =	vmul.f32 v22, v28;
	v35 =	vmul.f32 v30, v27  }
0x87: {  	v29 =	vmul.f32 v31, v29;
	v31 =	vsub.f32 $1.500000000e+00, v34  }
0x88: {  	v22 =	vsub.f32 $1.500000000e+00, v22;
	v34 =	vmul.f32 v35, v30  }
0x89: {  	v26 =	vmul.f32 v29, v26;
	v31 =	vmul.f32 v32, v31  }
0x8a: {  	v22 =	vmul.f32 v22, v28;
	v28 =	vsub.f32 $1.500000000e+00, v34  }
0x8b: {  	v26 =	vmul.f32 v26, v29;
	v32 =	vmul.f32 v31, v33  }
0x8c: {  	v15 =	vmul.f32 v22, v15;
	v28 =	vmul.f32 v28, v30  }
0x8d: {  	v14 =	vmul.f32 v22, v14;
	v26 =	vsub.f32 $1.500000000e+00, v26;
	v30 =	vmul.f32 v32, v31  }
0x8e: {  	[tilespmem:v3+s8+$0x0] =	vst.idx.msk $0xffff, v15;
	v3 =	vmul.f32 v22, v13;
	v13 =	vmul.f32 v28, v27  }
0x8f: {  	[tilespmem:v4+s8+$0x0] =	vst.idx.msk $0xffff, v14;
	v4 =	vmul.f32 v26, v29;
	v14 =	vsub.f32 $1.500000000e+00, v30  }
0x90: {  	[tilespmem:v2+s8+$0x0] =	vst.idx.msk $0xffff, v3;
	v2 =	vmul.f32 v13, v28  }
0x91: {  	v3 =	vmul.f32 v4, v16;
	v13 =	vmul.f32 v14, v31  }
0x92: {  	v14 =	vmul.f32 v4, v18;
	v4 =	vmul.f32 v4, v17;
	v2 =	vsub.f32 $1.500000000e+00, v2  }
0x93: {  	[tilespmem:v7+s8+$0x0] =	vst.idx.msk $0xffff, v3;
	v3 =	vmul.f32 v13, v33  }
0x94: {  	v7 =	vmov s13;
	[tilespmem:v5+s8+$0x0] =	vst.idx.msk $0xffff, v14;
	v5 =	vmul.f32 v2, v28  }
0x95: {  	v2 =	vshll.u32 v7, $0x4;
	[tilespmem:v8+s8+$0x0] =	vst.idx.msk $0xffff, v4;
	v7 =	vmul.f32 v3, v13  }
0x96: {  	v3 =	vor.u32 v0, v2;
	v8 =	vmul.f32 v5, v20;
	v14 =	vmul.f32 v5, v21  }
0x97: {  	v4 =	vor.u32 $0x1, v3;
	v2 =	vor.u32 $0x2, v3;
	v7 =	vsub.f32 $1.500000000e+00, v7  }
0x98: {  	v5 =	vmul.f32 v5, v19;
	[tilespmem:v10+s8+$0x0] =	vst.idx.msk $0xffff, v8  }
0x99: {  	[tilespmem:v9+s8+$0x0] =	vst.idx.msk $0xffff, v14;
	v7 =	vmul.f32 v7, v13  }
0x9a: {  	[tilespmem:v6+s8+$0x0] =	vst.idx.msk $0xffff, v5  }
0x9b: {  	v5 =	vor.u32 $0xA, v3;
	v6 =	vmul.f32 v7, v23;
	v8 =	vmul.f32 v7, v24  }
0x9c: {  	v7 =	vmul.f32 v7, v25  }
0x9d: {  	[tilespmem:v12+s8+$0x0] =	vst.idx.msk $0xffff, v6  }
0x9e: {  	[tilespmem:v1+s8+$0x0] =	vst.idx.msk $0xffff, v8;
	v1 =	vmov v5  }
0x9f: {  	[tilespmem:v11+s8+$0x0] =	vst.idx.msk $0xffff, v7  }
0xa0: {  	v19 =	vld.idx.msk [tilespmem:v5+s22+$0x0], $0xffff  }
0xa1: {  	v7 =	vor.u32 $0x3, v3;
	v5 =	vor.u32 $0x4, v3;
	v6 =	vld.idx.msk [tilespmem:v3+s23+$0x0], $0xffff  }
0xa2: {  	v11 =	vld.idx.msk [tilespmem:v2+s24+$0x0], $0xffff  }
0xa3: {  	v12 =	vld.idx.msk [tilespmem:v2+s23+$0x0], $0xffff  }
0xa4: {  	v8 =	vor.u32 $0x5, v3;
	v9 =	vld.idx.msk [tilespmem:v3+s22+$0x0], $0xffff  }
0xa5: {  	v10 =	vld.idx.msk [tilespmem:v3+s24+$0x0], $0xffff  }
0xa6: {  	v13 =	vld.idx.msk [tilespmem:v4+s24+$0x0], $0xffff  }
0xa7: {  	v14 =	vld.idx.msk [tilespmem:v4+s23+$0x0], $0xffff  }
0xa8: {  	v15 =	vld.idx.msk [tilespmem:v4+s22+$0x0], $0xffff  }
0xa9: {  	v16 =	vld.idx.msk [tilespmem:v2+s22+$0x0], $0xffff  }
0xaa: {  	v18 =	vsub.f32 v6, v9;
	v17 =	vld.idx.msk [tilespmem:v7+s24+$0x0], $0xffff  }
0xab: {  	v6 =	vor.u32 $0x8, v3;
	v21 =	vsub.f32 v10, v9;
	v20 =	vld.idx.msk [tilespmem:v5+s23+$0x0], $0xffff  }
0xac: {  	v10 =	vor.u32 $0x6, v3;
	v9 =	vor.u32 $0x7, v3;
	v22 =	vld.idx.msk [tilespmem:v5+s24+$0x0], $0xffff  }
0xad: {  	v23 =	vld.idx.msk [tilespmem:v5+s22+$0x0], $0xffff  }
0xae: {  	v14 =	vsub.f32 v14, v15;
	v13 =	vsub.f32 v13, v15;
	v24 =	vld.idx.msk [tilespmem:v8+s24+$0x0], $0xffff  }
0xaf: {  	v12 =	vsub.f32 v12, v16;
	v15 =	vsub.f32 v11, v16;
	v25 =	vld.idx.msk [tilespmem:v7+s23+$0x0], $0xffff  }
0xb0: {  	v26 =	vmul.f32 v13, v18;
	v27 =	vmul.f32 v21, v14;
	v16 =	vld.idx.msk [tilespmem:v8+s23+$0x0], $0xffff  }
0xb1: {  	v14 =	vmul.f32 v15, v14;
	v13 =	vmul.f32 v13, v12;
	v28 =	vld.idx.msk [tilespmem:v7+s22+$0x0], $0xffff  }
0xb2: {  	v11 =	vor.u32 $0xB, v3;
	v12 =	vmul.f32 v21, v12;
	v18 =	vmul.f32 v15, v18;
	v29 =	vld.idx.msk [tilespmem:v8+s22+$0x0], $0xffff  }
0xb3: {  	v20 =	vsub.f32 v20, v23;
	v15 =	vsub.f32 v14, v13;
	v21 =	vld.idx.msk [tilespmem:v6+s22+$0x0], $0xffff  }
0xb4: {  	v14 =	vsub.f32 v12, v18;
	v13 =	vsub.f32 v26, v27;
	v30 =	vld.idx.msk [tilespmem:v6+s23+$0x0], $0xffff  }
0xb5: {  	v12 =	vor.u32 $0x9, v3;
	v18 =	vsub.f32 v22, v23;
	v22 =	vmul.f32 v15, v15;
	v26 =	vld.idx.msk [tilespmem:v9+s23+$0x0], $0xffff  }
0xb6: {  	v27 =	vmul.f32 v14, v14;
	v23 =	vld.idx.msk [tilespmem:v10+s24+$0x0], $0xffff  }
0xb7: {  	v17 =	vsub.f32 v17, v28;
	v31 =	vld.idx.msk [tilespmem:v9+s24+$0x0], $0xffff  }
0xb8: {  	v25 =	vsub.f32 v25, v28;
	v22 =	vadd.f32 v27, v22;
	v27 =	vmul.f32 v13, v13;
	v32 =	vld.idx.msk [tilespmem:v9+s22+$0x0], $0xffff  }
0xb9: {  	v16 =	vsub.f32 v16, v29;
	v24 =	vsub.f32 v24, v29;
	v28 =	vld.idx.msk [tilespmem:v6+s24+$0x0], $0xffff  }
0xba: {  	v22 =	vadd.f32 v22, v27;
	v27 =	vmul.f32 v18, v25;
	v30 =	vsub.f32 v30, v21;
	v29 =	vld.idx.msk [tilespmem:v10+s23+$0x0], $0xffff  }
0xbb: {  	v34 =	vmul.f32 v17, v20;
	v18 =	vmul.f32 v18, v16;
	v33 =	vld.idx.msk [tilespmem:v10+s22+$0x0], $0xffff  }
0xbc: {  	v20 =	vmul.f32 v24, v20;
	v36 =	vmul.f32 v17, v16;
	v22 =	vmax.f32 v22, $1.000000020e-24;
	v35 =	vld.idx.msk [tilespmem:v11+s24+$0x0], $0xffff  }
0xbd: {  	v24 =	vmul.f32 v24, v25;
	v16 =	vshra.s32 v22, $0x1;
	v22 =	vmul.f32 $5.000000000e-01, v22;
	v37 =	vld.idx.msk [tilespmem:v1+s23+$0x0], $0xffff  }
0xbe: {  	v38 =	vsub.s32 $0x5F3759DF, v16;
	v16 =	vsub.f32 v20, v18;
	v25 =	vld.idx.msk [tilespmem:v11+s23+$0x0], $0xffff  }
0xbf: {  	v17 =	vsub.f32 v27, v34;
	v31 =	vsub.f32 v31, v32;
	v39 =	vmul.f32 v38, v22;
	v20 =	vld.idx.msk [tilespmem:v11+s22+$0x0], $0xffff  }
0xc0: {  	v18 =	vsub.f32 v36, v24;
	v24 =	vmul.f32 v16, v16;
	v27 =	vld.idx.msk [tilespmem:v1+s24+$0x0], $0xffff  }
0xc1: {  	v36 =	vmul.f32 v17, v17;
	v26 =	vsub.f32 v26, v32;
	v32 =	vmul.f32 v38, v39;
	v34 =	vld.idx.msk [tilespmem:v12+s22+$0x0], $0xffff  }
0xc2: {  	v40 =	vmul.f32 v18, v18;
	v41 =	vmul.f32 v31, v30;
	v29 =	vsub.f32 v29, v33;
	v39 =	vld.idx.msk [tilespmem:v12+s23+$0x0], $0xffff  }
0xc3: {  	v21 =	vsub.f32 v28, v21;
	v23 =	vsub.f32 v23, v33;
	v42 =	vld.idx.msk [tilespmem:v12+s24+$0x0], $0xffff  }
0xc4: {  	v24 =	vadd.f32 v40, v24;
	v28 =	vsub.f32 v37, v19;
	v31 =	vmul.f32 v31, v29  }
0xc5: {  	v33 =	vmul.f32 v21, v26;
	v21 =	vmul.f32 v21, v29;
	v25 =	vsub.f32 v25, v20  }
0xc6: {  	v24 =	vadd.f32 v24, v36;
	v30 =	vmul.f32 v23, v30;
	v29 =	vsub.f32 v35, v20  }
0xc7: {  	v20 =	vsub.f32 v33, v41;
	v27 =	vsub.f32 v27, v19;
	v19 =	vmul.f32 v23, v26  }
0xc8: {  	v21 =	vsub.f32 v30, v21;
	v30 =	vmul.f32 v29, v28;
	v23 =	vsub.f32 v39, v34  }
0xc9: {  	v26 =	vmul.f32 v20, v20;
	v19 =	vsub.f32 v31, v19;
	v33 =	vsub.f32 v42, v34  }
0xca: {  	v24 =	vmax.f32 v24, $1.000000020e-24;
	v31 =	vmul.f32 v21, v21;
	v34 =	vmul.f32 v29, v23  }
0xcb: {  	v36 =	vmul.f32 v27, v25;
	v29 =	vshra.s32 v24, $0x1;
	v35 =	vmul.f32 v19, v19  }
0xcc: {  	v31 =	vadd.f32 v31, v26;
	v27 =	vmul.f32 v27, v23;
	v37 =	vmul.f32 v33, v28  }
0xcd: {  	v26 =	vmul.f32 $5.000000000e-01, v24;
	v28 =	vsub.f32 $1.500000000e+00, v32;
	v24 =	vmul.f32 v33, v25  }
0xce: {  	v23 =	vsub.f32 v30, v36;
	v29 =	vsub.s32 $0x5F3759DF, v29;
	v25 =	vadd.f32 v31, v35  }
0xcf: {  	v30 =	vmul.f32 v29, v26;
	v28 =	vmul.f32 v38, v28;
	v24 =	vsub.f32 v24, v34  }
0xd0: {  	v32 =	vmul.f32 v23, v23;
	v31 =	vmax.f32 v25, $1.000000020e-24  }
.Ltmp0:
0xd1: {  	v25 =	vsub.f32 v27, v37;
	v33 =	vshra.s32 v31, $0x1;
	v34 =	vmul.f32 v24, v24;
	(pc) =	sbr.rel @p0 .LBB2_3-.Ltmp0, $4  }
0xd2: {  	v35 =	vmul.f32 v29, v30;
	v27 =	vmul.f32 $5.000000000e-01, v31;
	v30 =	vsub.s32 $0x5F3759DF, v33  }
0xd3: {  	v36 =	vmul.f32 v28, v22;
	v37 =	vmul.f32 v25, v25;
	v34 =	vadd.f32 v34, v32  }
0xd4: {  	v31 =	vsub.f32 $1.500000000e+00, v35;
	v33 =	vmul.f32 v30, v27  }
0xd5: {  	v32 =	vmul.f32 v36, v28;
	v34 =	vadd.f32 v34, v37  }
0xd6: {  	_ = 	snop  }
0xd7: {  	v34 =	vmax.f32 v34, $1.000000020e-24  }
0xd8: {  	v35 =	vshra.s32 v34, $0x1;
	v34 =	vmul.f32 $5.000000000e-01, v34  }
0xd9: {  	v33 =	vmul.f32 v30, v33;
	v35 =	vsub.s32 $0x5F3759DF, v35  }
0xda: {  	v29 =	vmul.f32 v29, v31;
	v31 =	vmul.f32 v35, v34  }
0xdb: {  	v32 =	vsub.f32 $1.500000000e+00, v32;
	v33 =	vsub.f32 $1.500000000e+00, v33  }
0xdc: {  	v36 =	vmul.f32 v29, v26;
	v31 =	vmul.f32 v35, v31  }
0xdd: {  	v28 =	vmul.f32 v32, v28;
	v30 =	vmul.f32 v30, v33  }
0xde: {  	v45 =	vmul.f32 v36, v29;
	v31 =	vsub.f32 $1.500000000e+00, v31  }
0xdf: {  	v22 =	vmul.f32 v28, v22;
	v33 =	vmul.f32 v30, v27  }
0xe0: {  	v32 =	vsub.f32 $1.500000000e+00, v45;
	v31 =	vmul.f32 v35, v31  }
0xe1: {  	v22 =	vmul.f32 v22, v28;
	v33 =	vmul.f32 v33, v30  }
0xe2: {  	v29 =	vmul.f32 v32, v29;
	v46 =	vmul.f32 v31, v34  }
0xe3: {  	v33 =	vsub.f32 $1.500000000e+00, v33  }
0xe4: {  	v22 =	vsub.f32 $1.500000000e+00, v22;
	v26 =	vmul.f32 v29, v26;
	v32 =	vmul.f32 v46, v31  }
0xe5: {  	v30 =	vmul.f32 v33, v30  }
0xe6: {  	v22 =	vmul.f32 v22, v28;
	v26 =	vmul.f32 v26, v29;
	v28 =	vsub.f32 $1.500000000e+00, v32  }
0xe7: {  	v27 =	vmul.f32 v30, v27  }
0xe8: {  	v15 =	vmul.f32 v22, v15;
	v26 =	vsub.f32 $1.500000000e+00, v26;
	v28 =	vmul.f32 v28, v31  }
0xe9: {  	v14 =	vmul.f32 v22, v14;
	v27 =	vmul.f32 v27, v30  }
0xea: {  	v26 =	vmul.f32 v26, v29;
	v29 =	vmul.f32 v28, v34  }
0xeb: {  	[tilespmem:v3+s8+$0x0] =	vst.idx.msk $0xffff, v15;
	v3 =	vmul.f32 v22, v13;
	v13 =	vsub.f32 $1.500000000e+00, v27  }
0xec: {  	[tilespmem:v4+s8+$0x0] =	vst.idx.msk $0xffff, v14;
	v4 =	vmul.f32 v26, v16;
	v14 =	vmul.f32 v29, v28  }
0xed: {  	[tilespmem:v2+s8+$0x0] =	vst.idx.msk $0xffff, v3;
	v2 =	vmul.f32 v26, v18;
	v3 =	vmul.f32 v13, v30  }
0xee: {  	v13 =	vmul.f32 v26, v17;
	[tilespmem:v7+s8+$0x0] =	vst.idx.msk $0xffff, v4;
	v4 =	vsub.f32 $1.500000000e+00, v14  }
0xef: {  	[tilespmem:v5+s8+$0x0] =	vst.idx.msk $0xffff, v2;
	v2 =	vmul.f32 v3, v20  }
0xf0: {  	[tilespmem:v8+s8+$0x0] =	vst.idx.msk $0xffff, v13;
	v5 =	vmul.f32 v3, v21;
	v4 =	vmul.f32 v4, v28  }
0xf1: {  	[tilespmem:v10+s8+$0x0] =	vst.idx.msk $0xffff, v2;
	v2 =	vmul.f32 v3, v19  }
0xf2: {  	s18 =	sshll.u32 s14, $0x1;
	[tilespmem:v9+s8+$0x0] =	vst.idx.msk $0xffff, v5;
	v3 =	vmul.f32 v4, v23  }
0xf3: {  	s3 =	sadd.s32 s16, s18;
	[tilespmem:v6+s8+$0x0] =	vst.idx.msk $0xffff, v2;
	v2 =	vmul.f32 v4, v24  }
0xf4: {  	s3 =	smul.u32 $0x380, s3;
	v4 =	vmul.f32 v4, v25;
	[tilespmem:v12+s8+$0x0] =	vst.idx.msk $0xffff, v3  }
0xf5: {  	[tilespmem:v1+s8+$0x0] =	vst.idx.msk $0xffff, v2  }
0xf6: {  	s13 =	simm.s32 $0x0;
	s3 =	sadd.s32 s7, s3;
	[tilespmem:v11+s8+$0x0] =	vst.idx.msk $0xffff, v4  }
0xf7: {  	[hbm4b:s3+s13] =	stream.linear.scatter [tilespmem:s8], [sflag:$0x5], $0x1C00, $0x38;
	[tilespmem:$0xEA80] =	vst v63  }
0xf8: {  	s10 =	rddreg [dreg:$0x9];
	s3 =	smin.u32 s18, $0xB  }
0xf9: {  	s3 =	sadd.s32 s3, s10  }
0xfa: {  	_ =	swait.ge [sflag:s9], $0x1C00;
	s3 =	smul.u32 $0x38, s3  }
0xfb: {  	[sflag:s9] =	ssyncset.done $0x0  }
0xfc: {  	[sflag:s9] =	ssyncadd.s32 $0xFFFFE400;
	s10 =	sadd.s32 s15, s3  }
0xfd: {  	[tilespmem:s13], [sflag:$0x1] =	stream.linear.gather [hbm4b:s10+s13], $0x1C0, $0x38;
	[tilespmem:$0xEA80] =	vst v63  }
0xfe: {  	s10 =	sadd.s32 s5, s3  }
0xff: {  	[tilespmem:s19], [sflag:$0x1] =	stream.linear.gather [hbm4b:s10+s13], $0x1C0, $0x38;
	[tilespmem:$0xEA80] =	vst v63  }
0x100: {  	s3 =	sadd.s32 s6, s3  }
0x101: {  	[tilespmem:s20], [sflag:$0x1] =	stream.linear.gather [hbm4b:s3+s13], $0x1C0, $0x38;
	[tilespmem:$0xEA80] =	vst v63  }
0x102: {  	_ =	swait.ge [sflag:s11], $0x1C00  }
0x103: {  	[sflag:s11] =	ssyncset.done $0x0  }
0x104: {  	[sflag:s11] =	ssyncadd.s32 $0xFFFFE400  }
0x105: {  	_ =	swait.ge [sflag:s11], $0x1C00  }
0x106: {  	[sflag:s11] =	ssyncset.done $0x0  }
0x107: {  	[sflag:s11] =	ssyncadd.s32 $0xFFFFE400  }
0x108: {  	_ =	swait.ge [sflag:s11], $0x1C00  }
0x109: {  	[sflag:s11] =	ssyncset.done $0x0  }
0x10a: {  	[sflag:s11] =	ssyncadd.s32 $0xFFFFE400  }
0x10b: {  	_ =	swait.ge [sflag:s21], $0x1C0  }
0x10c: {  	[sflag:s21] =	ssyncset.done $0x0  }
0x10d: {  	[sflag:s21] =	ssyncadd.s32 $0xFFFFFE40  }
0x10e: {  	_ =	swait.ge [sflag:s21], $0x1C0  }
0x10f: {  	[sflag:s21] =	ssyncset.done $0x0  }
0x110: {  	[sflag:s21] =	ssyncadd.s32 $0xFFFFFE40  }
0x111: {  	_ =	swait.ge [sflag:s21], $0x1C0  }
0x112: {  	v1 =	vmov s13;
	[sflag:s21] =	ssyncset.done $0x0  }
0x113: {  	v1 =	vshll.u32 v1, $0x4;
	[sflag:s21] =	ssyncadd.s32 $0xFFFFFE40  }
0x114: {  	v3 =	vor.u32 v0, v1;
	[tilespmem:s22], [sflag:$0x3] =	stream.indirect.gather [hbm4b:s2+s19], $0x10, s13, s19, $0xb8;
	[tilespmem:$0xEA80] =	vst v63  }
0x115: {  	v2 =	vor.u32 $0x2, v3  }
0x116: {  	[tilespmem:s23], [sflag:$0x3] =	stream.indirect.gather [hbm4b:s2+s19], $0x10, s19, s19, $0xb8;
	[tilespmem:$0xEA80] =	vst v63  }
0x117: {  	_ = 	snop  }
0x118: {  	[tilespmem:s24], [sflag:$0x3] =	stream.indirect.gather [hbm4b:s2+s19], $0x10, s20, s19, $0xb8;
	[tilespmem:$0xEA80] =	vst v63  }
0x119: {  	v4 =	vor.u32 $0x1, v3;
	v9 =	vld.idx.msk [tilespmem:v3+s0+$0x0], $0xffff  }
0x11a: {  	v10 =	vld.idx.msk [tilespmem:v2+s1+$0x0], $0xffff  }
0x11b: {  	v11 =	vld.idx.msk [tilespmem:v2+s0+$0x0], $0xffff  }
0x11c: {  	v12 =	vld.idx.msk [tilespmem:v3+s31+$0x0], $0xffff  }
0x11d: {  	v6 =	vor.u32 $0x3, v3;
	v13 =	vld.idx.msk [tilespmem:v3+s1+$0x0], $0xffff  }
0x11e: {  	v5 =	vor.u32 $0x4, v3;
	v14 =	vld.idx.msk [tilespmem:v4+s1+$0x0], $0xffff  }
0x11f: {  	v15 =	vld.idx.msk [tilespmem:v4+s0+$0x0], $0xffff  }
0x120: {  	v16 =	vld.idx.msk [tilespmem:v4+s31+$0x0], $0xffff  }
0x121: {  	v8 =	vor.u32 $0x5, v3;
	v17 =	vld.idx.msk [tilespmem:v2+s31+$0x0], $0xffff  }
0x122: {  	v18 =	vld.idx.msk [tilespmem:v6+s1+$0x0], $0xffff  }
0x123: {  	v20 =	vld.idx.msk [tilespmem:v5+s0+$0x0], $0xffff  }
0x124: {  	v21 =	vld.idx.msk [tilespmem:v5+s1+$0x0], $0xffff  }
0x125: {  	v7 =	vor.u32 $0x8, v3;
	v22 =	vld.idx.msk [tilespmem:v5+s31+$0x0], $0xffff  }
0x126: {  	v23 =	vld.idx.msk [tilespmem:v8+s1+$0x0], $0xffff;
	v15 =	vsub.f32 v15, v16  }
0x127: {  	v25 =	vld.idx.msk [tilespmem:v8+s0+$0x0], $0xffff;
	v14 =	vsub.f32 v14, v16;
	v11 =	vsub.f32 v11, v17  }
0x128: {  	v26 =	vld.idx.msk [tilespmem:v6+s31+$0x0], $0xffff;
	v17 =	vsub.f32 v10, v17;
	v24 =	vsub.f32 v9, v12;
	v9 =	vor.u32 $0x7, v3  }
0x129: {  	v28 =	vld.idx.msk [tilespmem:v8+s31+$0x0], $0xffff;
	v12 =	vsub.f32 v13, v12;
	v10 =	vor.u32 $0x6, v3  }
0x12a: {  	v29 =	vld.idx.msk [tilespmem:v7+s31+$0x0], $0xffff;
	v13 =	vmul.f32 v17, v15;
	v27 =	vmul.f32 v14, v11  }
0x12b: {  	v16 =	vld.idx.msk [tilespmem:v6+s0+$0x0], $0xffff;
	v11 =	vmul.f32 v12, v11;
	v17 =	vmul.f32 v17, v24  }
0x12c: {  	v24 =	vmul.f32 v14, v24;
	v12 =	vmul.f32 v12, v15;
	v15 =	vsub.f32 v13, v27;
	v27 =	vld.idx.msk [tilespmem:v7+s0+$0x0], $0xffff  }
0x12d: {  	v14 =	vsub.f32 v11, v17;
	v17 =	vsub.f32 v20, v22;
	v20 =	vld.idx.msk [tilespmem:v9+s0+$0x0], $0xffff  }
0x12e: {  	v13 =	vsub.f32 v24, v12;
	v24 =	vld.idx.msk [tilespmem:v10+s1+$0x0], $0xffff  }
0x12f: {  	v25 =	vsub.f32 v25, v28;
	v31 =	vld.idx.msk [tilespmem:v9+s1+$0x0], $0xffff  }
0x130: {  	v1 =	vor.u32 $0xA, v3;
	v18 =	vsub.f32 v18, v26;
	v23 =	vsub.f32 v23, v28;
	v47 =	vld.idx.msk [tilespmem:v9+s31+$0x0], $0xffff  }
0x131: {  	v16 =	vsub.f32 v16, v26;
	v28 =	vld.idx.msk [tilespmem:v10+s0+$0x0], $0xffff;
	v12 =	vmul.f32 v15, v15;
	v30 =	vmul.f32 v14, v14  }
0x132: {  	v11 =	vor.u32 $0xB, v3;
	v48 =	vld.idx.msk [tilespmem:v10+s31+$0x0], $0xffff;
	v49 =	vmul.f32 v18, v17;
	v17 =	vmul.f32 v23, v17  }
0x133: {  	v26 =	vld.idx.msk [tilespmem:v7+s1+$0x0], $0xffff;
	v18 =	vmul.f32 v18, v25;
	v23 =	vmul.f32 v23, v16  }
0x134: {  	v21 =	vsub.f32 v21, v22;
	v22 =	vadd.f32 v30, v12;
	v30 =	vmul.f32 v13, v13  }
0x135: {  	v19 =	vld.idx.msk [tilespmem:v1+s31+$0x0], $0xffff;
	v12 =	vor.u32 $0x9, v3;
	v27 =	vsub.f32 v27, v29;
	v18 =	vsub.f32 v18, v23  }
0x136: {  	v52 =	vld.idx.msk [tilespmem:v1+s1+$0x0], $0xffff;
	v22 =	vadd.f32 v22, v30;
	v30 =	vmul.f32 v21, v16;
	v31 =	vsub.f32 v31, v47  }
0x137: {  	v51 =	vld.idx.msk [tilespmem:v11+s0+$0x0], $0xffff;
	v21 =	vmul.f32 v21, v25;
	v20 =	vsub.f32 v20, v47;
	v28 =	vsub.f32 v28, v48  }
0x138: {  	v25 =	vld.idx.msk [tilespmem:v1+s0+$0x0], $0xffff;
	v24 =	vsub.f32 v24, v48;
	v26 =	vsub.f32 v26, v29;
	v53 =	vmul.f32 v18, v18  }
0x139: {  	v23 =	vld.idx.msk [tilespmem:v11+s1+$0x0], $0xffff;
	v22 =	vmax.f32 v22, $1.000000020e-24;
	v16 =	vsub.f32 v17, v21;
	v54 =	vmul.f32 v31, v27  }
0x13a: {  	v21 =	vld.idx.msk [tilespmem:v11+s31+$0x0], $0xffff;
	v17 =	vsub.f32 v30, v49;
	v31 =	vmul.f32 v31, v28;
	v40 =	vmul.f32 v26, v20  }
0x13b: {  	v26 =	vmul.f32 v26, v28;
	v50 =	vshra.s32 v22, $0x1;
	v22 =	vmul.f32 $5.000000000e-01, v22;
	v38 =	vld.idx.msk [tilespmem:v12+s31+$0x0], $0xffff  }
0x13c: {  	v28 =	vsub.f32 v52, v19;
	v29 =	vld.idx.msk [tilespmem:v12+s0+$0x0], $0xffff;
	v35 =	vsub.s32 $0x5F3759DF, v50;
	v30 =	vmul.f32 v16, v16  }
0x13d: {  	v55 =	vld.idx.msk [tilespmem:v12+s1+$0x0], $0xffff;
	v39 =	vmul.f32 v17, v17;
	v37 =	vmul.f32 v35, v22;
	v25 =	vsub.f32 v25, v19  }
0x13e: {  	v19 =	vmul.f32 v24, v20;
	v20 =	vsub.f32 v40, v54;
	v30 =	vadd.f32 v53, v30  }
0x13f: {  	v36 =	vsub.f32 v51, v21;
	v23 =	vsub.f32 v23, v21;
	v21 =	vmul.f32 v24, v27  }
0x140: {  	v24 =	vmul.f32 v35, v37;
	v19 =	vsub.f32 v31, v19  }
0x141: {  	v31 =	vmul.f32 v20, v20;
	v27 =	vadd.f32 v30, v39;
	v21 =	vsub.f32 v21, v26  }
0x142: {  	v26 =	vsub.f32 v29, v38;
	v30 =	vmul.f32 v23, v25;
	v29 =	vsub.f32 v55, v38  }
0x143: {  	v34 =	vmul.f32 v28, v36;
	v37 =	vsub.f32 $1.500000000e+00, v24;
	v56 =	vmul.f32 v21, v21  }
0x144: {  	v27 =	vmax.f32 v27, $1.000000020e-24;
	v57 =	vmul.f32 v23, v26;
	v23 =	vmul.f32 v19, v19  }
0x145: {  	v58 =	vmul.f32 v28, v26;
	v28 =	vshra.s32 v27, $0x1;
	v36 =	vmul.f32 v29, v36  }
0x146: {  	v25 =	vmul.f32 v29, v25;
	v26 =	vmul.f32 $5.000000000e-01, v27;
	v31 =	vadd.f32 v56, v31  }
0x147: {  	v29 =	vsub.s32 $0x5F3759DF, v28;
	v28 =	vmul.f32 v35, v37;
	v24 =	vsub.f32 v36, v57  }
0x148: {  	v27 =	vadd.f32 v31, v23;
	v23 =	vsub.f32 v30, v34  }
0x149: {  	v25 =	vsub.f32 v58, v25;
	v35 =	vmul.f32 v28, v22;
	v30 =	vmul.f32 v29, v26  }
0x14a: {  	v59 =	vmul.f32 v24, v24;
	v31 =	vmul.f32 v23, v23  }
0x14b: {  	v63 =	vmul.f32 v25, v25;
	v27 =	vmax.f32 v27, $1.000000020e-24;
	v61 =	vmul.f32 v29, v30  }
0x14c: {  	v60 =	vshra.s32 v27, $0x1;
	v27 =	vmul.f32 $5.000000000e-01, v27;
	v62 =	vadd.f32 v59, v31  }
0x14d: {  	v30 =	vsub.s32 $0x5F3759DF, v60;
	v31 =	vsub.f32 $1.500000000e+00, v61  }
0x14e: {  	s13 =	simm.s32 $0x10;
	v32 =	vmul.f32 v35, v28;
	v33 =	vmul.f32 v30, v27;
	v34 =	vadd.f32 v62, v63  }
.LBB2_5:
0x14f: {  	p0 =	sne.s32 s13, $0x1B0;
	v29 =	vmul.f32 v29, v31;
	s3 =	smov.u32 s13;
	s13 =	sadd.s32 $0x10, s13  }
0x150: {  	v31 =	vsub.f32 $1.500000000e+00, v32;
	v32 =	vmul.f32 v30, v33;
	v33 =	vmax.f32 v34, $1.000000020e-24  }
0x151: {  	v34 =	vmul.f32 v29, v26;
	v35 =	vshra.s32 v33, $0x1;
	v33 =	vmul.f32 $5.000000000e-01, v33  }
0x152: {  	v28 =	vmul.f32 v31, v28;
	v31 =	vsub.f32 $1.500000000e+00, v32;
	v32 =	vsub.s32 $0x5F3759DF, v35  }
0x153: {  	v34 =	vmul.f32 v34, v29;
	v35 =	vmul.f32 v32, v33  }
0x154: {  	v22 =	vmul.f32 v28, v22;
	v30 =	vmul.f32 v30, v31  }
0x155: {  	v31 =	vsub.f32 $1.500000000e+00, v34;
	v34 =	vmul.f32 v32, v35  }
0x156: {  	v22 =	vmul.f32 v22, v28;
	v35 =	vmul.f32 v30, v27  }
0x157: {  	v29 =	vmul.f32 v31, v29;
	v31 =	vsub.f32 $1.500000000e+00, v34  }
0x158: {  	v22 =	vsub.f32 $1.500000000e+00, v22;
	v34 =	vmul.f32 v35, v30  }
0x159: {  	v26 =	vmul.f32 v29, v26;
	v31 =	vmul.f32 v32, v31  }
0x15a: {  	v22 =	vmul.f32 v22, v28;
	v28 =	vsub.f32 $1.500000000e+00, v34  }
0x15b: {  	v26 =	vmul.f32 v26, v29;
	v32 =	vmul.f32 v31, v33  }
0x15c: {  	v15 =	vmul.f32 v22, v15;
	v28 =	vmul.f32 v28, v30  }
0x15d: {  	v14 =	vmul.f32 v22, v14;
	v26 =	vsub.f32 $1.500000000e+00, v26;
	v30 =	vmul.f32 v32, v31  }
0x15e: {  	[tilespmem:v3+s12+$0x0] =	vst.idx.msk $0xffff, v15;
	v3 =	vmul.f32 v22, v13;
	v13 =	vmul.f32 v28, v27  }
0x15f: {  	[tilespmem:v4+s12+$0x0] =	vst.idx.msk $0xffff, v14;
	v4 =	vmul.f32 v26, v29;
	v14 =	vsub.f32 $1.500000000e+00, v30  }
0x160: {  	[tilespmem:v2+s12+$0x0] =	vst.idx.msk $0xffff, v3;
	v2 =	vmul.f32 v13, v28  }
0x161: {  	v3 =	vmul.f32 v4, v16;
	v13 =	vmul.f32 v14, v31  }
0x162: {  	v14 =	vmul.f32 v4, v18;
	v4 =	vmul.f32 v4, v17;
	v2 =	vsub.f32 $1.500000000e+00, v2  }
0x163: {  	[tilespmem:v6+s12+$0x0] =	vst.idx.msk $0xffff, v3;
	v3 =	vmul.f32 v13, v33  }
0x164: {  	v6 =	vmov s3;
	[tilespmem:v5+s12+$0x0] =	vst.idx.msk $0xffff, v14;
	v5 =	vmul.f32 v2, v28  }
0x165: {  	v2 =	vshll.u32 v6, $0x4;
	[tilespmem:v8+s12+$0x0] =	vst.idx.msk $0xffff, v4;
	v6 =	vmul.f32 v3, v13  }
0x166: {  	v3 =	vor.u32 v0, v2;
	v8 =	vmul.f32 v5, v20;
	v14 =	vmul.f32 v5, v21  }
0x167: {  	v4 =	vor.u32 $0x1, v3;
	v2 =	vor.u32 $0x2, v3;
	v6 =	vsub.f32 $1.500000000e+00, v6  }
0x168: {  	v5 =	vmul.f32 v5, v19;
	[tilespmem:v10+s12+$0x0] =	vst.idx.msk $0xffff, v8  }
0x169: {  	[tilespmem:v9+s12+$0x0] =	vst.idx.msk $0xffff, v14;
	v6 =	vmul.f32 v6, v13  }
0x16a: {  	[tilespmem:v7+s12+$0x0] =	vst.idx.msk $0xffff, v5  }
0x16b: {  	v5 =	vor.u32 $0xA, v3;
	v7 =	vmul.f32 v6, v23;
	v8 =	vmul.f32 v6, v24  }
0x16c: {  	v6 =	vmul.f32 v6, v25  }
0x16d: {  	[tilespmem:v12+s12+$0x0] =	vst.idx.msk $0xffff, v7  }
0x16e: {  	[tilespmem:v1+s12+$0x0] =	vst.idx.msk $0xffff, v8;
	v1 =	vmov v5  }
0x16f: {  	[tilespmem:v11+s12+$0x0] =	vst.idx.msk $0xffff, v6  }
0x170: {  	v19 =	vld.idx.msk [tilespmem:v5+s31+$0x0], $0xffff  }
0x171: {  	v6 =	vor.u32 $0x3, v3;
	v5 =	vor.u32 $0x4, v3;
	v7 =	vld.idx.msk [tilespmem:v3+s0+$0x0], $0xffff  }
0x172: {  	v11 =	vld.idx.msk [tilespmem:v2+s1+$0x0], $0xffff  }
0x173: {  	v12 =	vld.idx.msk [tilespmem:v2+s0+$0x0], $0xffff  }
0x174: {  	v8 =	vor.u32 $0x5, v3;
	v9 =	vld.idx.msk [tilespmem:v3+s31+$0x0], $0xffff  }
0x175: {  	v10 =	vld.idx.msk [tilespmem:v3+s1+$0x0], $0xffff  }
0x176: {  	v13 =	vld.idx.msk [tilespmem:v4+s1+$0x0], $0xffff  }
0x177: {  	v14 =	vld.idx.msk [tilespmem:v4+s0+$0x0], $0xffff  }
0x178: {  	v15 =	vld.idx.msk [tilespmem:v4+s31+$0x0], $0xffff  }
0x179: {  	v16 =	vld.idx.msk [tilespmem:v2+s31+$0x0], $0xffff  }
0x17a: {  	v18 =	vsub.f32 v7, v9;
	v17 =	vld.idx.msk [tilespmem:v6+s1+$0x0], $0xffff  }
0x17b: {  	v7 =	vor.u32 $0x8, v3;
	v21 =	vsub.f32 v10, v9;
	v20 =	vld.idx.msk [tilespmem:v5+s0+$0x0], $0xffff  }
0x17c: {  	v10 =	vor.u32 $0x6, v3;
	v9 =	vor.u32 $0x7, v3;
	v22 =	vld.idx.msk [tilespmem:v5+s1+$0x0], $0xffff  }
0x17d: {  	v23 =	vld.idx.msk [tilespmem:v5+s31+$0x0], $0xffff  }
0x17e: {  	v14 =	vsub.f32 v14, v15;
	v13 =	vsub.f32 v13, v15;
	v24 =	vld.idx.msk [tilespmem:v8+s1+$0x0], $0xffff  }
0x17f: {  	v12 =	vsub.f32 v12, v16;
	v15 =	vsub.f32 v11, v16;
	v25 =	vld.idx.msk [tilespmem:v6+s0+$0x0], $0xffff  }
0x180: {  	v26 =	vmul.f32 v13, v18;
	v27 =	vmul.f32 v21, v14;
	v16 =	vld.idx.msk [tilespmem:v8+s0+$0x0], $0xffff  }
0x181: {  	v14 =	vmul.f32 v15, v14;
	v13 =	vmul.f32 v13, v12;
	v28 =	vld.idx.msk [tilespmem:v6+s31+$0x0], $0xffff  }
0x182: {  	v11 =	vor.u32 $0xB, v3;
	v12 =	vmul.f32 v21, v12;
	v18 =	vmul.f32 v15, v18;
	v29 =	vld.idx.msk [tilespmem:v8+s31+$0x0], $0xffff  }
0x183: {  	v20 =	vsub.f32 v20, v23;
	v15 =	vsub.f32 v14, v13;
	v21 =	vld.idx.msk [tilespmem:v7+s31+$0x0], $0xffff  }
0x184: {  	v14 =	vsub.f32 v12, v18;
	v13 =	vsub.f32 v26, v27;
	v30 =	vld.idx.msk [tilespmem:v7+s0+$0x0], $0xffff  }
0x185: {  	v12 =	vor.u32 $0x9, v3;
	v18 =	vsub.f32 v22, v23;
	v22 =	vmul.f32 v15, v15;
	v26 =	vld.idx.msk [tilespmem:v9+s0+$0x0], $0xffff  }
0x186: {  	v27 =	vmul.f32 v14, v14;
	v23 =	vld.idx.msk [tilespmem:v10+s1+$0x0], $0xffff  }
0x187: {  	v17 =	vsub.f32 v17, v28;
	v31 =	vld.idx.msk [tilespmem:v9+s1+$0x0], $0xffff  }
0x188: {  	v25 =	vsub.f32 v25, v28;
	v22 =	vadd.f32 v27, v22;
	v27 =	vmul.f32 v13, v13;
	v32 =	vld.idx.msk [tilespmem:v9+s31+$0x0], $0xffff  }
0x189: {  	v16 =	vsub.f32 v16, v29;
	v24 =	vsub.f32 v24, v29;
	v28 =	vld.idx.msk [tilespmem:v7+s1+$0x0], $0xffff  }
0x18a: {  	v22 =	vadd.f32 v22, v27;
	v27 =	vmul.f32 v18, v25;
	v30 =	vsub.f32 v30, v21;
	v29 =	vld.idx.msk [tilespmem:v10+s0+$0x0], $0xffff  }
0x18b: {  	v34 =	vmul.f32 v17, v20;
	v18 =	vmul.f32 v18, v16;
	v33 =	vld.idx.msk [tilespmem:v10+s31+$0x0], $0xffff  }
0x18c: {  	v20 =	vmul.f32 v24, v20;
	v36 =	vmul.f32 v17, v16;
	v22 =	vmax.f32 v22, $1.000000020e-24;
	v35 =	vld.idx.msk [tilespmem:v11+s1+$0x0], $0xffff  }
0x18d: {  	v24 =	vmul.f32 v24, v25;
	v16 =	vshra.s32 v22, $0x1;
	v22 =	vmul.f32 $5.000000000e-01, v22;
	v37 =	vld.idx.msk [tilespmem:v1+s0+$0x0], $0xffff  }
0x18e: {  	v38 =	vsub.s32 $0x5F3759DF, v16;
	v16 =	vsub.f32 v20, v18;
	v25 =	vld.idx.msk [tilespmem:v11+s0+$0x0], $0xffff  }
0x18f: {  	v17 =	vsub.f32 v27, v34;
	v31 =	vsub.f32 v31, v32;
	v39 =	vmul.f32 v38, v22;
	v20 =	vld.idx.msk [tilespmem:v11+s31+$0x0], $0xffff  }
0x190: {  	v18 =	vsub.f32 v36, v24;
	v24 =	vmul.f32 v16, v16;
	v27 =	vld.idx.msk [tilespmem:v1+s1+$0x0], $0xffff  }
0x191: {  	v36 =	vmul.f32 v17, v17;
	v26 =	vsub.f32 v26, v32;
	v32 =	vmul.f32 v38, v39;
	v34 =	vld.idx.msk [tilespmem:v12+s31+$0x0], $0xffff  }
0x192: {  	v40 =	vmul.f32 v18, v18;
	v41 =	vmul.f32 v31, v30;
	v29 =	vsub.f32 v29, v33;
	v39 =	vld.idx.msk [tilespmem:v12+s0+$0x0], $0xffff  }
0x193: {  	v21 =	vsub.f32 v28, v21;
	v23 =	vsub.f32 v23, v33;
	v42 =	vld.idx.msk [tilespmem:v12+s1+$0x0], $0xffff  }
0x194: {  	v24 =	vadd.f32 v40, v24;
	v28 =	vsub.f32 v37, v19;
	v31 =	vmul.f32 v31, v29  }
0x195: {  	v33 =	vmul.f32 v21, v26;
	v21 =	vmul.f32 v21, v29;
	v25 =	vsub.f32 v25, v20  }
0x196: {  	v24 =	vadd.f32 v24, v36;
	v30 =	vmul.f32 v23, v30;
	v29 =	vsub.f32 v35, v20  }
0x197: {  	v20 =	vsub.f32 v33, v41;
	v27 =	vsub.f32 v27, v19;
	v19 =	vmul.f32 v23, v26  }
0x198: {  	v21 =	vsub.f32 v30, v21;
	v30 =	vmul.f32 v29, v28;
	v23 =	vsub.f32 v39, v34  }
0x199: {  	v26 =	vmul.f32 v20, v20;
	v19 =	vsub.f32 v31, v19;
	v33 =	vsub.f32 v42, v34  }
0x19a: {  	v24 =	vmax.f32 v24, $1.000000020e-24;
	v31 =	vmul.f32 v21, v21;
	v34 =	vmul.f32 v29, v23  }
0x19b: {  	v36 =	vmul.f32 v27, v25;
	v29 =	vshra.s32 v24, $0x1;
	v35 =	vmul.f32 v19, v19  }
0x19c: {  	v31 =	vadd.f32 v31, v26;
	v27 =	vmul.f32 v27, v23;
	v37 =	vmul.f32 v33, v28  }
0x19d: {  	v26 =	vmul.f32 $5.000000000e-01, v24;
	v28 =	vsub.f32 $1.500000000e+00, v32;
	v24 =	vmul.f32 v33, v25  }
0x19e: {  	v23 =	vsub.f32 v30, v36;
	v29 =	vsub.s32 $0x5F3759DF, v29;
	v25 =	vadd.f32 v31, v35  }
0x19f: {  	v30 =	vmul.f32 v29, v26;
	v28 =	vmul.f32 v38, v28;
	v24 =	vsub.f32 v24, v34  }
0x1a0: {  	v32 =	vmul.f32 v23, v23;
	v31 =	vmax.f32 v25, $1.000000020e-24  }
.Ltmp1:
0x1a1: {  	v25 =	vsub.f32 v27, v37;
	v33 =	vshra.s32 v31, $0x1;
	v34 =	vmul.f32 v24, v24;
	(pc) =	sbr.rel @p0 .LBB2_5-.Ltmp1, $4  }
0x1a2: {  	v35 =	vmul.f32 v29, v30;
	v27 =	vmul.f32 $5.000000000e-01, v31;
	v30 =	vsub.s32 $0x5F3759DF, v33  }
0x1a3: {  	v36 =	vmul.f32 v28, v22;
	v37 =	vmul.f32 v25, v25;
	v34 =	vadd.f32 v34, v32  }
0x1a4: {  	v31 =	vsub.f32 $1.500000000e+00, v35;
	v33 =	vmul.f32 v30, v27  }
0x1a5: {  	v32 =	vmul.f32 v36, v28;
	v34 =	vadd.f32 v34, v37  }
0x1a6: {  	_ = 	snop  }
0x1a7: {  	v34 =	vmax.f32 v34, $1.000000020e-24  }
0x1a8: {  	v35 =	vshra.s32 v34, $0x1;
	v34 =	vmul.f32 $5.000000000e-01, v34  }
0x1a9: {  	v33 =	vmul.f32 v30, v33;
	v35 =	vsub.s32 $0x5F3759DF, v35  }
0x1aa: {  	v29 =	vmul.f32 v29, v31;
	v50 =	vmul.f32 v35, v34  }
0x1ab: {  	v32 =	vsub.f32 $1.500000000e+00, v32;
	v33 =	vsub.f32 $1.500000000e+00, v33  }
0x1ac: {  	v36 =	vmul.f32 v29, v26;
	v31 =	vmul.f32 v35, v50  }
0x1ad: {  	v28 =	vmul.f32 v32, v28;
	v51 =	vmul.f32 v30, v33  }
0x1ae: {  	v52 =	vmul.f32 v36, v29;
	v31 =	vsub.f32 $1.500000000e+00, v31  }
0x1af: {  	v22 =	vmul.f32 v28, v22;
	v33 =	vmul.f32 v51, v27  }
0x1b0: {  	v32 =	vsub.f32 $1.500000000e+00, v52;
	v31 =	vmul.f32 v35, v31  }
0x1b1: {  	v22 =	vmul.f32 v22, v28;
	v33 =	vmul.f32 v33, v51  }
0x1b2: {  	v29 =	vmul.f32 v32, v29;
	v53 =	vmul.f32 v31, v34  }
0x1b3: {  	v33 =	vsub.f32 $1.500000000e+00, v33  }
0x1b4: {  	v22 =	vsub.f32 $1.500000000e+00, v22;
	v54 =	vmul.f32 v29, v26;
	v32 =	vmul.f32 v53, v31  }
0x1b5: {  	v30 =	vmul.f32 v33, v51  }
0x1b6: {  	v22 =	vmul.f32 v22, v28;
	v26 =	vmul.f32 v54, v29;
	v55 =	vsub.f32 $1.500000000e+00, v32  }
0x1b7: {  	v56 =	vmul.f32 v30, v27  }
0x1b8: {  	v15 =	vmul.f32 v22, v15;
	v26 =	vsub.f32 $1.500000000e+00, v26;
	v28 =	vmul.f32 v55, v31  }
0x1b9: {  	v14 =	vmul.f32 v22, v14;
	v27 =	vmul.f32 v56, v30  }
0x1ba: {  	v26 =	vmul.f32 v26, v29;
	v57 =	vmul.f32 v28, v34  }
0x1bb: {  	[tilespmem:v3+s12+$0x0] =	vst.idx.msk $0xffff, v15;
	v3 =	vmul.f32 v22, v13;
	v58 =	vsub.f32 $1.500000000e+00, v27  }
0x1bc: {  	[tilespmem:v4+s12+$0x0] =	vst.idx.msk $0xffff, v14;
	v59 =	vmul.f32 v26, v16;
	v60 =	vmul.f32 v57, v28  }
0x1bd: {  	[tilespmem:v2+s12+$0x0] =	vst.idx.msk $0xffff, v3;
	v2 =	vmul.f32 v26, v18;
	v3 =	vmul.f32 v58, v30  }
0x1be: {  	v61 =	vmul.f32 v26, v17;
	[tilespmem:v6+s12+$0x0] =	vst.idx.msk $0xffff, v59;
	v62 =	vsub.f32 $1.500000000e+00, v60  }
0x1bf: {  	[tilespmem:v5+s12+$0x0] =	vst.idx.msk $0xffff, v2;
	v2 =	vmul.f32 v3, v20  }
0x1c0: {  	[tilespmem:v8+s12+$0x0] =	vst.idx.msk $0xffff, v61;
	v63 =	vmul.f32 v3, v21;
	v4 =	vmul.f32 v62, v28  }
0x1c1: {  	[tilespmem:v10+s12+$0x0] =	vst.idx.msk $0xffff, v2;
	v2 =	vmul.f32 v3, v19  }
0x1c2: {  	s3 =	rddreg [dreg:$0xa];
	[tilespmem:v9+s12+$0x0] =	vst.idx.msk $0xffff, v63;
	v3 =	vmul.f32 v4, v23  }
0x1c3: {  	s3 =	sadd.s32 s18, s3;
	[tilespmem:v7+s12+$0x0] =	vst.idx.msk $0xffff, v2;
	v2 =	vmul.f32 v4, v24  }
0x1c4: {  	s3 =	smul.u32 $0x380, s3;
	v4 =	vmul.f32 v4, v25;
	[tilespmem:v12+s12+$0x0] =	vst.idx.msk $0xffff, v3  }
0x1c5: {  	[tilespmem:v1+s12+$0x0] =	vst.idx.msk $0xffff, v2  }
0x1c6: {  	s13 =	smin.u32 s18, $0xA;
	s3 =	sadd.s32 s7, s3;
	[tilespmem:v11+s12+$0x0] =	vst.idx.msk $0xffff, v4  }
0x1c7: {  	[hbm4b:s3+s4] =	stream.linear.scatter [tilespmem:s12], [sflag:$0x5], $0x1C00, $0x38;
	[tilespmem:$0xEA80] =	vst v63  }
0x1c8: {  	s3 =	sadd.s32 s13, s17  }
0x1c9: {  	_ =	swait.ge [sflag:s9], $0x1C00;
	s3 =	smul.u32 $0x38, s3  }
0x1ca: {  	s14 =	sadd.s32 $0x1, s14;
	[sflag:s9] =	ssyncset.done $0x0  }
0x1cb: {  	p0 =	sne.s32 s14, $0x7;
	[sflag:s9] =	ssyncadd.s32 $0xFFFFE400;
	s10 =	sadd.s32 s15, s3  }
0x1cc: {  	[tilespmem:s25], [sflag:$0x2] =	stream.linear.gather [hbm4b:s10+s4], $0x1C0, $0x38;
	[tilespmem:$0xEA80] =	vst v63  }
.Ltmp2:
0x1cd: {  	_ = 	snop;
	(pc) =	sbr.rel @p0 .LBB2_2-.Ltmp2, $4  }
0x1ce: {  	s18 =	sadd.s32 s5, s3  }
0x1cf: {  	[tilespmem:s26], [sflag:$0x2] =	stream.linear.gather [hbm4b:s18+s4], $0x1C0, $0x38;
	[tilespmem:$0xEA80] =	vst v63  }
0x1d0: {  	s3 =	sadd.s32 s6, s3  }
0x1d1: {  	[tilespmem:s28], [sflag:$0x2] =	stream.linear.gather [hbm4b:s3+s4], $0x1C0, $0x38;
	[tilespmem:$0xEA80] =	vst v63  }
0x1d2: {  	_ =	swait.ge [sflag:s29], $0x1C00  }
0x1d3: {  	[sflag:s29] =	ssyncset.done $0x0  }
0x1d4: {  	[sflag:s29] =	ssyncadd.s32 $0xFFFFE400  }
0x1d5: {  	_ =	swait.ge [sflag:s29], $0x1C00  }
0x1d6: {  	[sflag:s29] =	ssyncset.done $0x0  }
0x1d7: {  	[sflag:s29] =	ssyncadd.s32 $0xFFFFE400  }
0x1d8: {  	_ =	swait.ge [sflag:s29], $0x1C00  }
0x1d9: {  	[sflag:s29] =	ssyncset.done $0x0  }
0x1da: {  	[sflag:s29] =	ssyncadd.s32 $0xFFFFE400  }
0x1db: {  	_ =	swait.ge [sflag:s30], $0x1C0  }
0x1dc: {  	[sflag:s30] =	ssyncset.done $0x0  }
0x1dd: {  	[sflag:s30] =	ssyncadd.s32 $0xFFFFFE40  }
0x1de: {  	_ =	swait.ge [sflag:s30], $0x1C0  }
0x1df: {  	[sflag:s30] =	ssyncset.done $0x0  }
0x1e0: {  	[sflag:s30] =	ssyncadd.s32 $0xFFFFFE40  }
0x1e1: {  	_ =	swait.ge [sflag:s30], $0x1C0  }
0x1e2: {  	s10 =	rddreg [dreg:$0xc]  }
0x1e3: {  	s3 =	rddreg [dreg:$0xb];
	s10 =	sadd.s32 $0x1, s10  }
0x1e4: {  	p0 =	sne.s32 s10, s3  }
.Ltmp3:
0x1e5: {  	_ = 	snop;
	(pc) =	sbr.rel @p0 .LBB2_1-.Ltmp3, $3  }
0x1e6: {  	_ =	sdelay $0x1  }
0x1e7: {  	[sflag:s30] =	ssyncset.done $0x0  }
0x1e8: {  	[sflag:s30] =	ssyncadd.s32 $0xFFFFFE40  }
0x1e9: {  	_ =	sfence.sel $0x180000  }
0x1ea: {  	[bflag:$0x0] =	sbarrier.arrive $0xFFFF  }
0x1eb: {  	_ =	strace $0x90000047  }
0x1ec: {  	s0 =	stileid.u32;
	[bflag:$0x2] =	sbarrier.arrive $0xFFFF  }
0x1ed: {  	p0 =	sne.s32 s0, $0x0;
	s0 =	rddreg [dreg:$0x2]  }
0x1ee: {  	s0 =	sadd.s32 @!p0 $0x100000, s0  }
0x1ef: {  	[sflag:s0] =	ssyncadd.tile.s32 @!p0 $0x1;
	_ =	shalt  }
.Lfunc_end2:
_tile_overlayer_lowered:
.L_overlay_start_2:
0x1f0: {  	(tag) =	ssettag $0x2  }
0x1f1: {  	s0 =	rddreg [dreg:$0x0];
	s2 =	stileid.u32  }
0x1f2: {  	s1 =	rddreg [dreg:$0x1];
	p0 =	sne.s32 s2, $0x0  }
0x1f3: {  	s3 =	rddreg [dreg:$0x2];
	[bflag:$0x3] =	sbarrier.arrive $0xFFFF;
	s2 =	simm.s32 @!p0 $0x1C05  }
0x1f4: {  	[timem:s3], [sflag:s2] =	dma.local @!p0 [hbm:s0], s1  }
0x1f5: {  	s0 =	simm.s32 @!p0 $0x5  }
0x1f6: {  	_ =	swait.ge @!p0 [sflag:s0], s1  }
0x1f7: {  	s1 =	ssub.s32 @!p0 $0x0, s1;
	[sflag:s0] =	ssyncset.done @!p0 $0x0  }
0x1f8: {  	[sflag:s0] =	ssyncadd.s32 @!p0 s1  }
0x1f9: {  	[bflag:$0x3] =	sbarrier.arrive $0xFFFF  }
0x1fa: {  	_ =	shalt  }

// kernel: kernel.8.cloned.1.call-start
scs
__scs_entry_jumppad:
0x0: {  	(pc) =	sbr.rel $0x88, $3  }
0x1: {  	(tag) =	ssettag $0x0;
	lr =	simm.s32 $0x1  }
0x2: {  	[smem:$0x3F9D] =	sst lr;
	_ =	strace $0xD0000000  }
0x3: {  	_ = 	snop  }
0x4: {  	_ = 	snop  }
0x5: {  	_ = 	snop  }
0x6: {  	_ = 	snop  }
0x7: {  	_ = 	snop  }
__scs_overlays_trampoline_lowered:
0x8: {  	[smem:$0x3FAC] =	sst s0  }
0x9: {  	[smem:$0x3FAD] =	sst s1  }
0xa: {  	[smem:$0x3FAE] =	sst s2  }
0xb: {  	[smem:$0x3FAF] =	sst s3  }
0xc: {  	[smem:$0x3FB0] =	sst s4  }
0xd: {  	[smem:$0x3FB1] =	sst s5  }
0xe: {  	[smem:$0x3FB2] =	sst s6  }
0xf: {  	[smem:$0x3FB3] =	sst s7  }
0x10: {  	[smem:$0x3FB4] =	sst s8  }
0x11: {  	[smem:$0x3FB5] =	sst s9;
	s0 =	simm.s32 @!p0 $0x0  }
0x12: {  	s1 =	sld [smem:$0x3F9B];
	s0 =	simm.s32 @p0 $0x1  }
0x13: {  	[smem:$0x3FB6] =	sst s0;
	s0 =	simm.s32 @!p1 $0x0  }
0x14: {  	s2 =	sld [smem:$0x3F9A];
	s0 =	simm.s32 @p1 $0x1  }
0x15: {  	[smem:$0x3FB7] =	sst s0;
	s0 =	simm.s32 @!p2 $0x0  }
0x16: {  	s3 =	sld [smem:$0x3FDB];
	s0 =	simm.s32 @p2 $0x1  }
0x17: {  	s4 =	simm.s32 $0x1BF5;
	[smem:$0x3FB9] =	sst s0  }
0x18: {  	s0 =	sld [smem:$0x3F9C];
	_ =	swait.ge [sflag:s4], $0x0  }
0x19: {  	s7 =	sld [smem:$0x3F9D]  }
0x1a: {  	s8 =	sadd.s32 $0xFFFFE003, lr  }
0x1b: {  	s9 =	sadd.s32 $0xFFFFFEF7, lr;
	s5 =	simm.s32 $0xFFFFFFFF;
	p2 =	slt.u32 s8, $0xFFFFF086  }
0x1c: {  	p1 =	slt.u32 s9, $0xF7A;
	s5 =	simm.s32 @!p2 $0x0  }
0x1d: {  	s5 =	simm.s32 @p1 $0x1;
	p0 =	seq.s32 s7, s2  }
0x1e: {  	s7 =	smul.u32 @!p0 $0xF7A, s2;
	p2 =	seq.s32 @!p0 s5, $0x0  }
0x1f: {  	s9 =	smul.u32 $0xF7A, s1;
	s8 =	simm.s32 @!p0 $0x1BF5;
	p2 =	por !p2, p0  }
0x20: {  	[sflag:s8] =	ssyncset.s32 @!p0 $0xFFFFF086;
	s6 =	sadd.s32 @!p0 s3, s7;
	s7 =	simm.s32 @!p0 $0x108  }
0x21: {  	s3 =	sadd.s32 s3, s9;
	s6 =	sadd.s32 @!p0 $0x88, s6;
	s7 =	simm.s32 @p2 $0x1082  }
0x22: {  	[simem:s7], [sflag:s8] =	dma.local @!p0 [hbm:s6], $0xF7A  }
0x23: {  	s9 =	sor.u32 $0xD0000000, s2;
	s6 =	simm.s32 $0x108;
	_ =	swait.ge @!p0 [sflag:s8], $0x0  }
0x24: {  	s3 =	sadd.s32 $0x88, s3;
	s6 =	simm.s32 @!p1 $0x1082;
	[sflag:s4] =	ssyncset.s32 $0xFFFFF086  }
0x25: {  	[simem:s6], [sflag:s4] =	dma.local [hbm:s3], $0xF7A  }
0x26: {  	[smem:$0x3F9D] =	sst s1;
	(tag) =	ssettag s2;
	_ =	strace s9  }
0x27: {  	s1 =	sld [smem:$0x3FAD]  }
0x28: {  	s2 =	sld [smem:$0x3FAE]  }
0x29: {  	s4 =	sld [smem:$0x3FB0]  }
0x2a: {  	p0 =	seq.s32 s5, $0x0;
	s5 =	sld [smem:$0x3FB1]  }
0x2b: {  	s6 =	sld [smem:$0x3FB2]  }
0x2c: {  	s7 =	sld [smem:$0x3FB3]  }
0x2d: {  	s3 =	simm.s32 $0x108;
	s8 =	sld [smem:$0x3FB4]  }
0x2e: {  	s3 =	simm.s32 @!p0 $0x1082;
	s9 =	sld [smem:$0x3FB5]  }
0x2f: {  	lr =	sadd.s32 s0, s3;
	s0 =	sld [smem:$0x3FAC]  }
0x30: {  	s3 =	sld [smem:$0x3FAF]  }
0x31: {  	[smem:$0x3FB8] =	sst s10  }
0x32: {  	s10 =	sld [smem:$0x3FB6];
	_ =	sdelay $0x3  }
0x33: {  	p0 =	seq.s32 s10, $0x1;
	s10 =	sld [smem:$0x3FB8];
	_ =	sdelay $0x3  }
0x34: {  	[smem:$0x3FB8] =	sst s10  }
0x35: {  	s10 =	sld [smem:$0x3FB7];
	_ =	sdelay $0x3  }
0x36: {  	p1 =	seq.s32 s10, $0x1;
	s10 =	sld [smem:$0x3FB8];
	_ =	sdelay $0x3  }
0x37: {  	[smem:$0x3FB8] =	sst s10  }
0x38: {  	s10 =	sld [smem:$0x3FB9]  }
0x39: {  	_ = 	snop;
	(pc) =	sbr.ind lr, $3  }
0x3a: {  	_ = 	snop  }
0x3b: {  	_ = 	snop  }
0x3c: {  	p2 =	seq.s32 s10, $0x1;
	s10 =	sld [smem:$0x3FB8]  }
0x3d: {  	_ =	shalt  }
0x3e: {  	_ =	shalt  }
0x3f: {  	_ =	shalt  }
0x40: {  	_ =	shalt  }
0x41: {  	_ =	shalt  }
0x42: {  	_ =	shalt  }
0x43: {  	_ =	shalt  }
0x44: {  	_ =	shalt  }
0x45: {  	_ =	shalt  }
0x46: {  	_ =	shalt  }
0x47: {  	_ =	shalt  }
0x48: {  	_ =	shalt  }
0x49: {  	_ =	shalt  }
0x4a: {  	_ =	shalt  }
0x4b: {  	_ =	shalt  }
0x4c: {  	_ =	shalt  }
0x4d: {  	_ =	shalt  }
0x4e: {  	_ =	shalt  }
0x4f: {  	_ =	shalt  }
0x50: {  	_ =	shalt  }
0x51: {  	_ =	shalt  }
0x52: {  	_ =	shalt  }
0x53: {  	_ =	shalt  }
0x54: {  	_ =	shalt  }
0x55: {  	_ =	shalt  }
0x56: {  	_ =	shalt  }
0x57: {  	_ =	shalt  }
0x58: {  	_ =	shalt  }
0x59: {  	_ =	shalt  }
0x5a: {  	_ =	shalt  }
0x5b: {  	_ =	shalt  }
0x5c: {  	_ =	shalt  }
0x5d: {  	_ =	shalt  }
0x5e: {  	_ =	shalt  }
0x5f: {  	_ =	shalt  }
0x60: {  	_ =	shalt  }
0x61: {  	_ =	shalt  }
0x62: {  	_ =	shalt  }
0x63: {  	_ =	shalt  }
0x64: {  	_ =	shalt  }
0x65: {  	_ =	shalt  }
0x66: {  	_ =	shalt  }
0x67: {  	_ =	shalt  }
0x68: {  	_ =	shalt  }
0x69: {  	_ =	shalt  }
0x6a: {  	_ =	shalt  }
0x6b: {  	_ =	shalt  }
0x6c: {  	_ =	shalt  }
0x6d: {  	_ =	shalt  }
0x6e: {  	_ =	shalt  }
0x6f: {  	_ =	shalt  }
0x70: {  	_ =	shalt  }
0x71: {  	_ =	shalt  }
0x72: {  	_ =	shalt  }
0x73: {  	_ =	shalt  }
0x74: {  	_ =	shalt  }
0x75: {  	_ =	shalt  }
0x76: {  	_ =	shalt  }
0x77: {  	_ =	shalt  }
0x78: {  	_ =	shalt  }
0x79: {  	_ =	shalt  }
0x7a: {  	_ =	shalt  }
0x7b: {  	_ =	shalt  }
0x7c: {  	_ =	shalt  }
0x7d: {  	_ =	shalt  }
0x7e: {  	_ =	shalt  }
0x7f: {  	_ =	shalt  }
0x80: {  	_ =	shalt  }
0x81: {  	_ =	shalt  }
0x82: {  	_ =	shalt  }
0x83: {  	_ =	shalt  }
0x84: {  	_ =	shalt  }
0x85: {  	_ =	shalt  }
0x86: {  	_ =	shalt  }
0x87: {  	_ =	shalt  }
.Lfunc_end0:
.L_simem_size_0:
called_computation.1_lowered:
.L_overlay_start_0:
0x88: {  	s2 =	sld [smem:$0x3FD9]  }
0x89: {  	s3 =	sld [smem:$0x3FFE];
	_ =	sdelay $0x1  }
0x8a: {  	s1 =	srdreg.scid  }
0x8b: {  	s0 =	sand.u32 $0x1, s1  }
0x8c: {  	s14 =	sshll.u32 s0, $0xA;
	s2 =	sadd.s32 s3, s2  }
0x8d: {  	s2 =	sadd.s32 s2, s14  }
0x8e: {  	[smem:$0x3FC4] =	sst s2  }
0x8f: {  	_ = 	snop  }
0x90: {  	s2 =	sld [smem:$0x3FD0];
	_ =	sdelay $0x2  }
0x91: {  	s15 =	simm.s32 $0xA;
	s4 =	simm.s32 $0x10  }
0x92: {  	[smem:s4], [sflag:s15] =	dma.local [hbm:s2], $0x1  }
0x93: {  	_ =	swait.eq [sflag:s15], $0x1  }
0x94: {  	[sflag:s15] =	ssyncset.done $0x0  }
0x95: {  	s16 =	sld [smem:$0x11];
	[sflag:s15] =	ssyncadd.s32 $0xFFFFFFFF  }
0x96: {  	s17 =	sld [smem:$0x12];
	(tm) =	ssettm $0x1  }
0x97: {  	s18 =	sld [smem:$0x3FFB];
	_ =	sdelay $0x3  }
0x98: {  	_ =	strace s18  }
0x99: {  	s4 =	sld [smem:$0x3FFC];
	_ =	sdelay $0x3  }
0x9a: {  	_ =	strace s4  }
0x9b: {  	s4 =	sld [smem:$0x3FFD];
	_ =	sdelay $0x3  }
0x9c: {  	_ =	strace s4  }
0x9d: {  	_ =	strace $0x8FFFFFFF  }
0x9e: {  	s19 =	sld [smem:$0x3FDB];
	_ =	sdelay $0x1  }
0x9f: {  	s5 =	simm.s32 $_scs_section_size  }
0xa0: {  	s6 =	simm.s32 $_size__tile_overlayer_lowered;
	s7 =	simm.s32 $_tile_overlayer_lowered  }
0xa1: {  	s22 =	simm.s32 $0x1BFF;
	s21 =	sshll.u32 s7, $0x1;
	s4 =	sadd.s32 s5, s19  }
0xa2: {  	s8 =	simm.s32 $0x0;
	s20 =	sshll.u32 s6, $0x1;
	s6 =	sadd.s32 s21, s4  }
0xa3: {  	[timem:s8], [sflag:s22] =	dma.local [hbm:s6], s20  }
0xa4: {  	_ =	swait.ge [sflag:s22], s20  }
0xa5: {  	s5 =	ssub.s32 $0x0, s20;
	[sflag:s22] =	ssyncset.done $0x0  }
0xa6: {  	[sflag:s22] =	ssyncadd.s32 s5;
	_ =	sdelay $0x1  }
0xa7: {  	s23 =	simm.s32 $0x1B8B  }
0xa8: {  	_ =	swait.ge [sflag:s23], $0x1  }
0xa9: {  	[sflag:s23] =	ssyncset.done $0x0  }
0xaa: {  	s25 =	simm.s32 $0x1B8E;
	s24 =	sld [smem:$0x3FFE];
	[sflag:s23] =	ssyncadd.s32 $0xFFFFFFFF  }
0xab: {  	s26 =	simm.s32 $execute0_lowered;
	[smem:$0x3FD2] =	sst s25  }
0xac: {  	s6 =	sshll.u32 s26, $0x1;
	_ =	strace $0x80000049;
	[dreg:$0x1] =	wrdreg $0xFFFFFFFF  }
0xad: {  	s28 =	simm.s32 $_size_execute0_lowered;
	s4 =	sadd.s32 s4, s6;
	[dreg:$0x0] =	wrdreg $0x0  }
0xae: {  	s6 =	sshll.u32 s28, $0x1;
	[dreg:$0x2] =	wrdreg s4  }
0xaf: {  	[dreg:$0x3] =	wrdreg s6  }
0xb0: {  	[dreg:$0x4] =	wrdreg $0xC0  }
0xb1: {  	_ =	task [dreg:s8], $0x5FFFF  }
0xb2: {  	[dreg:$0x1] =	wrdreg $0xFFFFFFFF  }
0xb3: {  	[dreg:$0x0] =	wrdreg $0x60  }
0xb4: {  	[dreg:$0x2] =	wrdreg s24  }
0xb5: {  	[dreg:$0x3] =	wrdreg s17  }
0xb6: {  	[dreg:$0x4] =	wrdreg s16  }
0xb7: {  	[dreg:$0x5] =	wrdreg $0x9  }
0xb8: {  	_ =	task.clear_ibuf [dreg:s8], $0x6FFFF;
	_ =	strace $0x90000049  }
0xb9: {  	s29 =	simm.s32 $0x9;
	_ =	strace $0x8000004B  }
0xba: {  	_ =	swait.ge [sflag:s29], $0x1  }
0xbb: {  	[sflag:s29] =	ssyncadd.s32 $0xFFFFFFFF  }
0xbc: {  	_ =	strace $0x9000004B  }
0xbd: {  	_ =	sfence  }
0xbe: {  	s30 =	sld [smem:$0x0];
	_ =	sdelay $0x2  }
0xbf: {  	s31 =	sshll.u32 s1, $0xD;
	s1 =	sshrl.u32 s1, $0x2  }
0xc0: {  	s3 =	sand.u32 $0x4000, s31;
	s1 =	sadd.s32 s1, s30  }
0xc1: {  	s0 =	sor.u32 s3, s0;
	s1 =	sshll.u32 s1, $0x11  }
0xc2: {  	s0 =	sor.u32 s1, s0  }
0xc3: {  	s0 =	sadd.s32 $0x8F2B, s0  }
0xc4: {  	[sflag:s0] =	ssyncadd.remote.s32 $0x1  }
0xc5: {  	_ =	sfence.sel $0xFFFF  }
0xc6: {  	[dreg:$0x0] =	wrdreg $0xFFFFFFFF;
	(pc) =	sbr.abs _section_cstart, $3  }
0xc7: {  	[dreg:$0x1] =	wrdreg $0xFFFFFFFF  }
0xc8: {  	_ =	task.clear_ibuf [dreg:s8], $0x2FFFF;
	_ =	strace $0x9FFFFFFF  }
0xc9: {  	(tm) =	ssettm $0x7FFFFFFF  }
tec
execute0_lowered:
.L_overlay_start_1:
0x0: {  	(tag) =	ssettag $0x1  }
0x1: {  	s1 =	rddreg [dreg:$0x0]  }
0x2: {  	s3 =	rddreg [dreg:$0x1];
	s2 =	srdreg.scid  }
0x3: {  	s0 =	stileid.u32;
	s4 =	rddreg [dreg:$0x2];
	s5 =	simm.s32 $0x0  }
0x4: {  	s16 =	simm.s32 $0xE00;
	s17 =	simm.s32 $0x1;
	s18 =	simm.s32 $0x700  }
0x5: {  	s19 =	simm.s32 $0x1C00;
	s20 =	simm.s32 $0x1500;
	s21 =	simm.s32 $0x3  }
0x6: {  	s22 =	simm.s32 $0x2;
	s23 =	simm.s32 $0x8C00;
	s24 =	simm.s32 $0xFC00  }
0x7: {  	s25 =	simm.s32 $0x5;
	s2 =	sand.u32 $0x1, s2;
	s6 =	sshll.u32 s0, $0x1  }
0x8: {  	s26 =	simm.s32 $0x4;
	s28 =	simm.s32 $0x10A00;
	s7 =	sor.u32 s2, s6  }
0x9: {  	s29 =	simm.s32 $0x0;
	[smem:$0x7FF] =	sst s5;
	s8 =	smul.u32 $0x6200, s7  }
0xa: {  	_ =	strace $0x8000004A;
	s2 =	ssub.s32 $0x2, s2;
	s10 =	smul.u32 $0xC40, s7  }
0xb: {  	s6 =	sadd.s32 $0x3D200, s1;
	s9 =	sshrl.u32 s2, $0x1;
	s7 =	smul.u32 $0xE, s7  }
0xc: {  	s2 =	ssub.s32 s2, s9;
	s8 =	sshrl.u32 s8, $0x3;
	s31 =	sadd.s32 s3, s10  }
0xd: {  	s9 =	sadd.s32 s4, s10;
	s12 =	sadd.s32 $0x2, s7;
	s13 =	sor.u32 $0x1, s7  }
0xe: {  	s14 =	sadd.s32 $0x3, s7;
	s15 =	smax.u32 s2, $0x1;
	s11 =	sadd.s32 $0xE0, s8  }
0xf: {  	v0 =	vlaneseq.u32;
	[dreg:$0x4] =	wrdreg s31;
	s10 =	sadd.s32 s3, s11;
	s11 =	sadd.s32 s4, s11  }
.LBB2_1:
0x10: {  	s0 =	rddreg [dreg:$0x4]  }
0x11: {  	[tilespmem:s5], [sflag:$0x1] =	stream.linear.gather [hbm4b:s0+s5], $0x700, $0x38;
	[tilespmem:$0x11800] =	vst v63  }
0x12: {  	_ = 	snop  }
0x13: {  	[tilespmem:s16], [sflag:$0x1] =	stream.linear.gather [hbm4b:s9+s5], $0x700, $0x38;
	[tilespmem:$0x11800] =	vst v63  }
0x14: {  	_ =	swait.ge [sflag:s17], $0x700  }
0x15: {  	[sflag:s17] =	ssyncset.done $0x0  }
0x16: {  	[sflag:s17] =	ssyncadd.s32 $0xFFFFF900  }
0x17: {  	_ =	swait.ge [sflag:s17], $0x700  }
0x18: {  	[sflag:s17] =	ssyncset.done $0x0  }
0x19: {  	[sflag:s17] =	ssyncadd.s32 $0xFFFFF900  }
0x1a: {  	[tilespmem:s19], [sflag:$0x3] =	stream.indirect.gather [hbm4b:s6+s18], $0x10, s5, s18, $0xb8;
	[tilespmem:$0x11800] =	vst v63  }
0x1b: {  	_ = 	snop  }
0x1c: {  	[tilespmem:s18], [sflag:$0x2] =	stream.linear.gather [hbm4b:s10+s5], $0x700, $0x38;
	[tilespmem:$0x11800] =	vst v63  }
0x1d: {  	s30 =	simm.s32 $0x0  }
0x1e: {  	[tilespmem:s20], [sflag:$0x2] =	stream.linear.gather [hbm4b:s11+s5], $0x700, $0x38;
	[tilespmem:$0x11800] =	vst v63  }
.LBB2_2:
0x1f: {  	_ =	swait.ge [sflag:s21], $0x7000  }
0x20: {  	[sflag:s21] =	ssyncset.done $0x0  }
0x21: {  	[sflag:s21] =	ssyncadd.s32 $0xFFFF9000  }
0x22: {  	_ =	swait.ge [sflag:s22], $0x700  }
0x23: {  	[sflag:s22] =	ssyncset.done $0x0  }
0x24: {  	[sflag:s22] =	ssyncadd.s32 $0xFFFFF900  }
0x25: {  	_ =	swait.ge [sflag:s22], $0x700  }
0x26: {  	[sflag:s22] =	ssyncset.done $0x0  }
0x27: {  	s2 =	simm.s32 $0x0;
	[sflag:s22] =	ssyncadd.s32 $0xFFFFF900  }
0x28: {  	[tilespmem:s23], [sflag:$0x4] =	stream.indirect.gather [hbm4b:s6+s18], $0x10, s18, s18, $0xb8;
	[tilespmem:$0x11800] =	vst v63  }
.LBB2_3:
0x29: {  	v10 =	vor.u32 s2, v0  }
0x2a: {  	v1 =	vshll.u32 v10, $0x3  }
0x2b: {  	v6 =	vshll.u32 v10, $0x7  }
0x2c: {  	v2 =	vor.u32 $0x1, v1  }
0x2d: {  	v3 =	vor.u32 $0x2, v1  }
0x2e: {  	v4 =	vor.u32 $0x3, v1  }
0x2f: {  	v11 =	vor.u32 $0x4, v1;
	v8 =	vld.idx.msk [tilespmem:v1+s16+$0x0], $0xffff  }
0x30: {  	v12 =	vor.u32 $0x5, v1;
	v15 =	vld.idx.msk [tilespmem:v6+s19+$0x0], $0xffff  }
0x31: {  	v54 =	vor.u32 $0x10, v6;
	v9 =	vld.idx.msk [tilespmem:v2+s16+$0x0], $0xffff  }
0x32: {  	v55 =	vor.u32 $0x20, v6;
	v7 =	vld.idx.msk [tilespmem:v3+s16+$0x0], $0xffff  }
0x33: {  	v13 =	vor.u32 $0x30, v6;
	v5 =	vld.idx.msk [tilespmem:v4+s16+$0x0], $0xffff  }
0x34: {  	v14 =	vor.u32 $0x40, v6;
	v4 =	vld.idx.msk [tilespmem:v11+s16+$0x0], $0xffff  }
0x35: {  	v16 =	vor.u32 $0x50, v6;
	v3 =	vld.idx.msk [tilespmem:v12+s16+$0x0], $0xffff  }
0x36: {  	v17 =	vor.u32 $0x60, v6;
	v11 =	vld.idx.msk [tilespmem:v54+s19+$0x0], $0xffff  }
0x37: {  	v18 =	vor.u32 $0x70, v6;
	v12 =	vld.idx.msk [tilespmem:v55+s19+$0x0], $0xffff  }
0x38: {  	v19 =	vor.u32 $0x1, v6;
	v13 =	vld.idx.msk [tilespmem:v13+s19+$0x0], $0xffff  }
0x39: {  	v20 =	vor.u32 $0x11, v6;
	v14 =	vld.idx.msk [tilespmem:v14+s19+$0x0], $0xffff  }
0x3a: {  	v21 =	vor.u32 $0x21, v6;
	v16 =	vld.idx.msk [tilespmem:v16+s19+$0x0], $0xffff  }
0x3b: {  	v22 =	vor.u32 $0x2, v6;
	v17 =	vld.idx.msk [tilespmem:v17+s19+$0x0], $0xffff  }
0x3c: {  	v23 =	vor.u32 $0x12, v6;
	v18 =	vld.idx.msk [tilespmem:v18+s19+$0x0], $0xffff  }
0x3d: {  	v24 =	vor.u32 $0x31, v6;
	v19 =	vld.idx.msk [tilespmem:v19+s19+$0x0], $0xffff  }
0x3e: {  	v25 =	vor.u32 $0x22, v6;
	v20 =	vld.idx.msk [tilespmem:v20+s19+$0x0], $0xffff  }
0x3f: {  	v26 =	vor.u32 $0x41, v6;
	v21 =	vld.idx.msk [tilespmem:v21+s19+$0x0], $0xffff  }
0x40: {  	v57 =	vor.u32 $0x32, v6;
	v56 =	vld.idx.msk [tilespmem:v22+s19+$0x0], $0xffff  }
0x41: {  	v27 =	vor.u32 $0x51, v6;
	v23 =	vld.idx.msk [tilespmem:v23+s19+$0x0], $0xffff  }
0x42: {  	v60 =	vor.u32 $0x42, v6;
	v59 =	vld.idx.msk [tilespmem:v24+s19+$0x0], $0xffff  }
0x43: {  	v28 =	vor.u32 $0x61, v6;
	v62 =	vor.u32 $0x52, v6;
	v25 =	vld.idx.msk [tilespmem:v25+s19+$0x0], $0xffff  }
0x44: {  	v32 =	vor.u32 $0x71, v6;
	v29 =	vor.u32 $0x62, v6;
	v36 =	vor.u32 $0x72, v6;
	v61 =	vld.idx.msk [tilespmem:v26+s19+$0x0], $0xffff  }
0x45: {  	v2 =	vor.u32 $0x6, v1;
	v22 =	vld.idx.msk [tilespmem:v57+s19+$0x0], $0xffff;
	v15 =	vmul.f32 v15, v8;
	v11 =	vmul.f32 v11, v9  }
0x46: {  	v1 =	vor.u32 $0x7, v1;
	v27 =	vld.idx.msk [tilespmem:v27+s19+$0x0], $0xffff;
	v19 =	vmul.f32 v19, v8;
	v20 =	vmul.f32 v20, v9  }
0x47: {  	v33 =	vld.idx.msk [tilespmem:v60+s19+$0x0], $0xffff;
	v12 =	vmul.f32 v12, v7;
	v63 =	vmul.f32 v21, v7;
	v11 =	vadd.f32 v11, v15  }
0x48: {  	v34 =	vld.idx.msk [tilespmem:v28+s19+$0x0], $0xffff;
	v23 =	vmul.f32 v23, v9;
	v19 =	vadd.f32 v20, v19;
	v15 =	vmul.f32 v56, v8  }
0x49: {  	v37 =	vld.idx.msk [tilespmem:v62+s19+$0x0], $0xffff;
	v58 =	vmul.f32 v13, v5;
	v13 =	vmul.f32 v59, v5;
	v11 =	vadd.f32 v12, v11  }
0x4a: {  	v2 =	vld.idx.msk [tilespmem:v2+s16+$0x0], $0xffff;
	v35 =	vmul.f32 v25, v7;
	v19 =	vadd.f32 v63, v19;
	v15 =	vadd.f32 v23, v15  }
0x4b: {  	v38 =	vld.idx.msk [tilespmem:v32+s19+$0x0], $0xffff;
	v14 =	vmul.f32 v14, v4;
	v39 =	vmul.f32 v22, v5;
	v11 =	vadd.f32 v58, v11  }
0x4c: {  	v1 =	vld.idx.msk [tilespmem:v1+s16+$0x0], $0xffff;
	v12 =	vmul.f32 v61, v4;
	v13 =	vadd.f32 v13, v19;
	v15 =	vadd.f32 v35, v15  }
0x4d: {  	v41 =	vld.idx.msk [tilespmem:v29+s19+$0x0], $0xffff;
	v16 =	vmul.f32 v16, v3;
	v40 =	vmul.f32 v27, v3;
	v11 =	vadd.f32 v14, v11  }
0x4e: {  	v42 =	vmul.f32 v33, v4;
	v12 =	vadd.f32 v12, v13;
	v15 =	vadd.f32 v39, v15  }
0x4f: {  	v44 =	vld.idx.msk [tilespmem:v36+s19+$0x0], $0xffff;
	v17 =	vmul.f32 v17, v2;
	v43 =	vmul.f32 v34, v2;
	v11 =	vadd.f32 v16, v11  }
0x50: {  	v14 =	vmul.f32 v37, v3;
	v12 =	vadd.f32 v40, v12;
	v15 =	vadd.f32 v42, v15  }
0x51: {  	v45 =	vmul.f32 v18, v1;
	v46 =	vmul.f32 v38, v1;
	v11 =	vadd.f32 v17, v11  }
0x52: {  	v47 =	vmul.f32 v41, v2;
	v12 =	vadd.f32 v43, v12;
	v14 =	vadd.f32 v14, v15  }
0x53: {  	v11 =	vadd.f32 v45, v11  }
0x54: {  	v49 =	vmul.f32 v44, v1;
	v12 =	vadd.f32 v46, v12;
	v48 =	vadd.f32 v47, v14;
	_ =	sdelay $0x1  }
0x55: {  	v13 =	vadd.f32 v49, v48;
	v50 =	vmul.f32 v11, v11;
	v51 =	vmul.f32 v12, v12;
	_ =	sdelay $0x1  }
0x56: {  	v14 =	vadd.f32 v51, v50;
	v52 =	vmul.f32 v13, v13;
	_ =	sdelay $0x1  }
0x57: {  	v14 =	vadd.f32 v52, v14;
	_ =	sdelay $0x1  }
0x58: {  	v14 =	vmax.f32 v14, $1.000000020e-24  }
0x59: {  	v53 =	vshra.s32 v14, $0x1;
	v14 =	vmul.f32 $5.000000000e-01, v14  }
0x5a: {  	v15 =	vsub.s32 $0x5F3759DF, v53  }
0x5b: {  	v54 =	vmul.f32 v15, v14;
	_ =	sdelay $0x1  }
0x5c: {  	v16 =	vmul.f32 v15, v54;
	_ =	sdelay $0x1  }
0x5d: {  	v16 =	vsub.f32 $1.500000000e+00, v16;
	_ =	sdelay $0x1  }
0x5e: {  	v15 =	vmul.f32 v15, v16;
	_ =	sdelay $0x1  }
0x5f: {  	v16 =	vmul.f32 v15, v14;
	_ =	sdelay $0x1  }
0x60: {  	v16 =	vmul.f32 v16, v15;
	_ =	sdelay $0x1  }
0x61: {  	v16 =	vsub.f32 $1.500000000e+00, v16;
	_ =	sdelay $0x1  }
0x62: {  	v15 =	vmul.f32 v16, v15;
	_ =	sdelay $0x1  }
0x63: {  	v14 =	vmul.f32 v15, v14;
	_ =	sdelay $0x1  }
0x64: {  	v14 =	vmul.f32 v14, v15;
	_ =	sdelay $0x1  }
0x65: {  	v14 =	vsub.f32 $1.500000000e+00, v14  }
0x66: {  	v10 =	vshll.u32 v10, $0x4  }
0x67: {  	v55 =	vor.u32 $0x1, v10;
	v14 =	vmul.f32 v14, v15  }
0x68: {  	v56 =	vor.u32 $0x2, v10  }
0x69: {  	v57 =	vor.u32 $0x3, v6;
	v11 =	vmul.f32 v14, v11  }
0x6a: {  	v58 =	vor.u32 $0x13, v6;
	v12 =	vmul.f32 v14, v12  }
0x6b: {  	v60 =	vor.u32 $0x23, v6;
	v59 =	vmul.f32 v14, v13;
	[tilespmem:v10+s24+$0x0] =	vst.idx.msk $0xffff, v11  }
0x6c: {  	v61 =	vor.u32 $0x33, v6;
	[tilespmem:v55+s24+$0x0] =	vst.idx.msk $0xffff, v12  }
0x6d: {  	v62 =	vor.u32 $0x43, v6;
	[tilespmem:v56+s24+$0x0] =	vst.idx.msk $0xffff, v59  }
0x6e: {  	v25 =	vor.u32 $0x53, v6;
	v63 =	vld.idx.msk [tilespmem:v57+s19+$0x0], $0xffff  }
0x6f: {  	v26 =	vor.u32 $0x63, v6;
	v16 =	vld.idx.msk [tilespmem:v58+s19+$0x0], $0xffff  }
0x70: {  	v27 =	vor.u32 $0x73, v6;
	v13 =	vld.idx.msk [tilespmem:v60+s19+$0x0], $0xffff  }
0x71: {  	v28 =	vor.u32 $0x4, v6;
	v12 =	vld.idx.msk [tilespmem:v61+s19+$0x0], $0xffff  }
0x72: {  	v29 =	vor.u32 $0x14, v6;
	v11 =	vld.idx.msk [tilespmem:v62+s19+$0x0], $0xffff  }
0x73: {  	v30 =	vor.u32 $0x24, v6;
	v15 =	vld.idx.msk [tilespmem:v25+s19+$0x0], $0xffff  }
0x74: {  	v31 =	vor.u32 $0x5, v6;
	v17 =	vld.idx.msk [tilespmem:v26+s19+$0x0], $0xffff  }
0x75: {  	v32 =	vor.u32 $0x15, v6;
	v18 =	vld.idx.msk [tilespmem:v27+s19+$0x0], $0xffff  }
0x76: {  	v34 =	vor.u32 $0x25, v6;
	v19 =	vld.idx.msk [tilespmem:v28+s19+$0x0], $0xffff  }
0x77: {  	v33 =	vor.u32 $0x34, v6;
	v20 =	vld.idx.msk [tilespmem:v29+s19+$0x0], $0xffff  }
0x78: {  	v37 =	vor.u32 $0x35, v6;
	v21 =	vld.idx.msk [tilespmem:v30+s19+$0x0], $0xffff  }
0x79: {  	v35 =	vor.u32 $0x44, v6;
	v36 =	vld.idx.msk [tilespmem:v31+s19+$0x0], $0xffff  }
0x7a: {  	v38 =	vor.u32 $0x54, v6;
	v41 =	vor.u32 $0x64, v6;
	v23 =	vld.idx.msk [tilespmem:v32+s19+$0x0], $0xffff  }
0x7b: {  	v40 =	vor.u32 $0x45, v6;
	v43 =	vor.u32 $0x55, v6;
	v45 =	vor.u32 $0x74, v6;
	v25 =	vld.idx.msk [tilespmem:v34+s19+$0x0], $0xffff  }
0x7c: {  	v46 =	vor.u32 $0x65, v6;
	v39 =	vld.idx.msk [tilespmem:v33+s19+$0x0], $0xffff;
	v14 =	vmul.f32 v63, v8;
	v16 =	vmul.f32 v16, v9  }
0x7d: {  	v50 =	vor.u32 $0x75, v6;
	v22 =	vld.idx.msk [tilespmem:v37+s19+$0x0], $0xffff;
	v19 =	vmul.f32 v19, v8;
	v20 =	vmul.f32 v20, v9  }
0x7e: {  	v42 =	vld.idx.msk [tilespmem:v35+s19+$0x0], $0xffff;
	v13 =	vmul.f32 v13, v7;
	v44 =	vmul.f32 v21, v7;
	v14 =	vadd.f32 v16, v14  }
0x7f: {  	v27 =	vld.idx.msk [tilespmem:v38+s19+$0x0], $0xffff;
	v23 =	vmul.f32 v23, v9;
	v19 =	vadd.f32 v20, v19;
	v16 =	vmul.f32 v36, v8  }
0x80: {  	v47 =	vld.idx.msk [tilespmem:v40+s19+$0x0], $0xffff;
	v12 =	vmul.f32 v12, v5;
	v49 =	vmul.f32 v25, v7;
	v13 =	vadd.f32 v13, v14  }
0x81: {  	v48 =	vld.idx.msk [tilespmem:v41+s19+$0x0], $0xffff;
	v19 =	vadd.f32 v44, v19;
	v14 =	vmul.f32 v39, v5;
	v16 =	vadd.f32 v23, v16  }
0x82: {  	v52 =	vld.idx.msk [tilespmem:v43+s19+$0x0], $0xffff;
	v11 =	vmul.f32 v11, v4;
	v54 =	vmul.f32 v22, v5;
	v12 =	vadd.f32 v12, v13  }
0x83: {  	v53 =	vld.idx.msk [tilespmem:v45+s19+$0x0], $0xffff;
	v51 =	vadd.f32 v14, v19;
	v13 =	vmul.f32 v42, v4;
	v16 =	vadd.f32 v49, v16  }
0x84: {  	v56 =	vld.idx.msk [tilespmem:v46+s19+$0x0], $0xffff;
	v15 =	vmul.f32 v15, v3;
	v55 =	vmul.f32 v27, v3;
	v11 =	vadd.f32 v11, v12  }
0x85: {  	v58 =	vmul.f32 v47, v4;
	v12 =	vadd.f32 v13, v51;
	v57 =	vadd.f32 v54, v16  }
0x86: {  	v60 =	vld.idx.msk [tilespmem:v50+s19+$0x0], $0xffff;
	v17 =	vmul.f32 v17, v2;
	v59 =	vmul.f32 v48, v2;
	v11 =	vadd.f32 v15, v11  }
0x87: {  	v14 =	vmul.f32 v52, v3;
	v12 =	vadd.f32 v55, v12;
	v15 =	vadd.f32 v58, v57  }
0x88: {  	v61 =	vmul.f32 v18, v1;
	v62 =	vmul.f32 v53, v1;
	v11 =	vadd.f32 v17, v11  }
0x89: {  	v63 =	vmul.f32 v56, v2;
	v12 =	vadd.f32 v59, v12;
	v14 =	vadd.f32 v14, v15  }
0x8a: {  	v11 =	vadd.f32 v61, v11  }
0x8b: {  	v19 =	vmul.f32 v60, v1;
	v12 =	vadd.f32 v62, v12;
	v18 =	vadd.f32 v63, v14;
	_ =	sdelay $0x1  }
0x8c: {  	v13 =	vadd.f32 v19, v18;
	v20 =	vmul.f32 v11, v11;
	v21 =	vmul.f32 v12, v12;
	_ =	sdelay $0x1  }
0x8d: {  	v14 =	vadd.f32 v21, v20;
	v22 =	vmul.f32 v13, v13;
	_ =	sdelay $0x1  }
0x8e: {  	v14 =	vadd.f32 v22, v14;
	_ =	sdelay $0x1  }
0x8f: {  	v14 =	vmax.f32 v14, $1.000000020e-24  }
0x90: {  	v23 =	vshra.s32 v14, $0x1;
	v14 =	vmul.f32 $5.000000000e-01, v14  }
0x91: {  	v15 =	vsub.s32 $0x5F3759DF, v23  }
0x92: {  	v24 =	vmul.f32 v15, v14;
	_ =	sdelay $0x1  }
0x93: {  	v16 =	vmul.f32 v15, v24;
	_ =	sdelay $0x1  }
0x94: {  	v16 =	vsub.f32 $1.500000000e+00, v16;
	_ =	sdelay $0x1  }
0x95: {  	v15 =	vmul.f32 v15, v16;
	_ =	sdelay $0x1  }
0x96: {  	v16 =	vmul.f32 v15, v14;
	_ =	sdelay $0x1  }
0x97: {  	v16 =	vmul.f32 v16, v15;
	_ =	sdelay $0x1  }
0x98: {  	v16 =	vsub.f32 $1.500000000e+00, v16;
	_ =	sdelay $0x1  }
0x99: {  	v15 =	vmul.f32 v16, v15;
	_ =	sdelay $0x1  }
0x9a: {  	v14 =	vmul.f32 v15, v14;
	_ =	sdelay $0x1  }
0x9b: {  	v14 =	vmul.f32 v14, v15;
	_ =	sdelay $0x1  }
0x9c: {  	v14 =	vsub.f32 $1.500000000e+00, v14  }
0x9d: {  	v25 =	vor.u32 $0x3, v10  }
0x9e: {  	v26 =	vor.u32 $0x4, v10;
	v14 =	vmul.f32 v14, v15  }
0x9f: {  	v27 =	vor.u32 $0x5, v10  }
0xa0: {  	v28 =	vor.u32 $0x6, v6;
	v11 =	vmul.f32 v14, v11  }
0xa1: {  	v29 =	vor.u32 $0x16, v6;
	v12 =	vmul.f32 v14, v12  }
0xa2: {  	v31 =	vor.u32 $0x26, v6;
	v30 =	vmul.f32 v14, v13;
	[tilespmem:v25+s24+$0x0] =	vst.idx.msk $0xffff, v11  }
0xa3: {  	v32 =	vor.u32 $0x36, v6;
	[tilespmem:v26+s24+$0x0] =	vst.idx.msk $0xffff, v12  }
0xa4: {  	v33 =	vor.u32 $0x46, v6;
	[tilespmem:v27+s24+$0x0] =	vst.idx.msk $0xffff, v30  }
0xa5: {  	v35 =	vor.u32 $0x56, v6;
	v34 =	vld.idx.msk [tilespmem:v28+s19+$0x0], $0xffff  }
0xa6: {  	v36 =	vor.u32 $0x66, v6;
	v16 =	vld.idx.msk [tilespmem:v29+s19+$0x0], $0xffff  }
0xa7: {  	v37 =	vor.u32 $0x76, v6;
	v13 =	vld.idx.msk [tilespmem:v31+s19+$0x0], $0xffff  }
0xa8: {  	v38 =	vor.u32 $0x7, v6;
	v12 =	vld.idx.msk [tilespmem:v32+s19+$0x0], $0xffff  }
0xa9: {  	v39 =	vor.u32 $0x17, v6;
	v11 =	vld.idx.msk [tilespmem:v33+s19+$0x0], $0xffff  }
0xaa: {  	v40 =	vor.u32 $0x27, v6;
	v15 =	vld.idx.msk [tilespmem:v35+s19+$0x0], $0xffff  }
0xab: {  	v41 =	vor.u32 $0x8, v6;
	v17 =	vld.idx.msk [tilespmem:v36+s19+$0x0], $0xffff  }
0xac: {  	v42 =	vor.u32 $0x18, v6;
	v18 =	vld.idx.msk [tilespmem:v37+s19+$0x0], $0xffff  }
0xad: {  	v44 =	vor.u32 $0x28, v6;
	v19 =	vld.idx.msk [tilespmem:v38+s19+$0x0], $0xffff  }
0xae: {  	v43 =	vor.u32 $0x37, v6;
	v20 =	vld.idx.msk [tilespmem:v39+s19+$0x0], $0xffff  }
0xaf: {  	v47 =	vor.u32 $0x38, v6;
	v21 =	vld.idx.msk [tilespmem:v40+s19+$0x0], $0xffff  }
0xb0: {  	v45 =	vor.u32 $0x47, v6;
	v46 =	vld.idx.msk [tilespmem:v41+s19+$0x0], $0xffff  }
0xb1: {  	v50 =	vor.u32 $0x48, v6;
	v48 =	vor.u32 $0x57, v6;
	v23 =	vld.idx.msk [tilespmem:v42+s19+$0x0], $0xffff  }
0xb2: {  	v53 =	vor.u32 $0x58, v6;
	v56 =	vor.u32 $0x68, v6;
	v60 =	vor.u32 $0x78, v6;
	v25 =	vld.idx.msk [tilespmem:v44+s19+$0x0], $0xffff  }
0xb3: {  	v51 =	vor.u32 $0x67, v6;
	v49 =	vld.idx.msk [tilespmem:v43+s19+$0x0], $0xffff;
	v14 =	vmul.f32 v34, v8;
	v16 =	vmul.f32 v16, v9  }
0xb4: {  	v55 =	vor.u32 $0x77, v6;
	v22 =	vld.idx.msk [tilespmem:v47+s19+$0x0], $0xffff;
	v19 =	vmul.f32 v19, v8;
	v20 =	vmul.f32 v20, v9  }
0xb5: {  	v52 =	vld.idx.msk [tilespmem:v45+s19+$0x0], $0xffff;
	v13 =	vmul.f32 v13, v7;
	v54 =	vmul.f32 v21, v7;
	v14 =	vadd.f32 v16, v14  }
0xb6: {  	v27 =	vld.idx.msk [tilespmem:v48+s19+$0x0], $0xffff;
	v23 =	vmul.f32 v23, v9;
	v19 =	vadd.f32 v20, v19;
	v16 =	vmul.f32 v46, v8  }
0xb7: {  	v57 =	vld.idx.msk [tilespmem:v50+s19+$0x0], $0xffff;
	v12 =	vmul.f32 v12, v5;
	v59 =	vmul.f32 v25, v7;
	v13 =	vadd.f32 v13, v14  }
0xb8: {  	v58 =	vld.idx.msk [tilespmem:v51+s19+$0x0], $0xffff;
	v19 =	vadd.f32 v54, v19;
	v14 =	vmul.f32 v49, v5;
	v16 =	vadd.f32 v23, v16  }
0xb9: {  	v62 =	vld.idx.msk [tilespmem:v53+s19+$0x0], $0xffff;
	v11 =	vmul.f32 v11, v4;
	v26 =	vmul.f32 v22, v5;
	v12 =	vadd.f32 v12, v13  }
0xba: {  	v63 =	vld.idx.msk [tilespmem:v55+s19+$0x0], $0xffff;
	v61 =	vadd.f32 v14, v19;
	v13 =	vmul.f32 v52, v4;
	v16 =	vadd.f32 v59, v16  }
0xbb: {  	v29 =	vld.idx.msk [tilespmem:v56+s19+$0x0], $0xffff;
	v15 =	vmul.f32 v15, v3;
	v28 =	vmul.f32 v27, v3;
	v11 =	vadd.f32 v11, v12  }
0xbc: {  	v31 =	vmul.f32 v57, v4;
	v12 =	vadd.f32 v13, v61;
	v30 =	vadd.f32 v26, v16  }
0xbd: {  	v33 =	vld.idx.msk [tilespmem:v60+s19+$0x0], $0xffff;
	v17 =	vmul.f32 v17, v2;
	v32 =	vmul.f32 v58, v2;
	v11 =	vadd.f32 v15, v11  }
0xbe: {  	v14 =	vmul.f32 v62, v3;
	v12 =	vadd.f32 v28, v12;
	v15 =	vadd.f32 v31, v30  }
0xbf: {  	v34 =	vmul.f32 v18, v1;
	v35 =	vmul.f32 v63, v1;
	v11 =	vadd.f32 v17, v11  }
0xc0: {  	v36 =	vmul.f32 v29, v2;
	v12 =	vadd.f32 v32, v12;
	v14 =	vadd.f32 v14, v15  }
0xc1: {  	v11 =	vadd.f32 v34, v11  }
0xc2: {  	v38 =	vmul.f32 v33, v1;
	v12 =	vadd.f32 v35, v12;
	v37 =	vadd.f32 v36, v14;
	_ =	sdelay $0x1  }
0xc3: {  	v13 =	vadd.f32 v38, v37;
	v39 =	vmul.f32 v11, v11;
	v40 =	vmul.f32 v12, v12;
	_ =	sdelay $0x1  }
0xc4: {  	v14 =	vadd.f32 v40, v39;
	v41 =	vmul.f32 v13, v13;
	_ =	sdelay $0x1  }
0xc5: {  	v14 =	vadd.f32 v41, v14;
	_ =	sdelay $0x1  }
0xc6: {  	v14 =	vmax.f32 v14, $1.000000020e-24  }
0xc7: {  	v42 =	vshra.s32 v14, $0x1;
	v14 =	vmul.f32 $5.000000000e-01, v14  }
0xc8: {  	v15 =	vsub.s32 $0x5F3759DF, v42  }
0xc9: {  	v43 =	vmul.f32 v15, v14;
	_ =	sdelay $0x1  }
0xca: {  	v16 =	vmul.f32 v15, v43;
	_ =	sdelay $0x1  }
0xcb: {  	v16 =	vsub.f32 $1.500000000e+00, v16;
	_ =	sdelay $0x1  }
0xcc: {  	v15 =	vmul.f32 v15, v16;
	_ =	sdelay $0x1  }
0xcd: {  	v16 =	vmul.f32 v15, v14;
	_ =	sdelay $0x1  }
0xce: {  	v16 =	vmul.f32 v16, v15;
	_ =	sdelay $0x1  }
0xcf: {  	v16 =	vsub.f32 $1.500000000e+00, v16;
	_ =	sdelay $0x1  }
0xd0: {  	v15 =	vmul.f32 v16, v15;
	_ =	sdelay $0x1  }
0xd1: {  	v14 =	vmul.f32 v15, v14;
	_ =	sdelay $0x1  }
0xd2: {  	v14 =	vmul.f32 v14, v15;
	_ =	sdelay $0x1  }
0xd3: {  	v14 =	vsub.f32 $1.500000000e+00, v14  }
0xd4: {  	v44 =	vor.u32 $0x6, v10  }
0xd5: {  	v45 =	vor.u32 $0x7, v10;
	v14 =	vmul.f32 v14, v15  }
0xd6: {  	v46 =	vor.u32 $0x8, v10  }
0xd7: {  	v47 =	vor.u32 $0x9, v6;
	v11 =	vmul.f32 v14, v11  }
0xd8: {  	v48 =	vor.u32 $0x19, v6;
	v12 =	vmul.f32 v14, v12  }
0xd9: {  	v50 =	vor.u32 $0x29, v6;
	v49 =	vmul.f32 v14, v13;
	[tilespmem:v44+s24+$0x0] =	vst.idx.msk $0xffff, v11  }
0xda: {  	v51 =	vor.u32 $0x39, v6;
	[tilespmem:v45+s24+$0x0] =	vst.idx.msk $0xffff, v12  }
0xdb: {  	v52 =	vor.u32 $0x49, v6;
	[tilespmem:v46+s24+$0x0] =	vst.idx.msk $0xffff, v49  }
0xdc: {  	v54 =	vor.u32 $0x59, v6;
	v53 =	vld.idx.msk [tilespmem:v47+s19+$0x0], $0xffff  }
0xdd: {  	v55 =	vor.u32 $0x69, v6;
	v16 =	vld.idx.msk [tilespmem:v48+s19+$0x0], $0xffff  }
0xde: {  	v56 =	vor.u32 $0x79, v6;
	v13 =	vld.idx.msk [tilespmem:v50+s19+$0x0], $0xffff  }
0xdf: {  	v57 =	vor.u32 $0xA, v6;
	v12 =	vld.idx.msk [tilespmem:v51+s19+$0x0], $0xffff  }
0xe0: {  	v58 =	vor.u32 $0x1A, v6;
	v11 =	vld.idx.msk [tilespmem:v52+s19+$0x0], $0xffff  }
0xe1: {  	v60 =	vor.u32 $0xB, v6;
	v15 =	vld.idx.msk [tilespmem:v54+s19+$0x0], $0xffff  }
0xe2: {  	v61 =	vor.u32 $0x1B, v6;
	v17 =	vld.idx.msk [tilespmem:v55+s19+$0x0], $0xffff  }
0xe3: {  	v59 =	vor.u32 $0x2A, v6;
	v18 =	vld.idx.msk [tilespmem:v56+s19+$0x0], $0xffff  }
0xe4: {  	v63 =	vor.u32 $0x2B, v6;
	v19 =	vld.idx.msk [tilespmem:v57+s19+$0x0], $0xffff  }
0xe5: {  	v62 =	vor.u32 $0x3A, v6;
	v20 =	vld.idx.msk [tilespmem:v58+s19+$0x0], $0xffff  }
0xe6: {  	v34 =	vor.u32 $0x3B, v6;
	v33 =	vld.idx.msk [tilespmem:v60+s19+$0x0], $0xffff  }
0xe7: {  	v32 =	vor.u32 $0x4A, v6;
	v23 =	vld.idx.msk [tilespmem:v61+s19+$0x0], $0xffff  }
0xe8: {  	v35 =	vor.u32 $0x5A, v6;
	v37 =	vor.u32 $0x4B, v6;
	v21 =	vld.idx.msk [tilespmem:v59+s19+$0x0], $0xffff  }
0xe9: {  	v38 =	vor.u32 $0x6A, v6;
	v40 =	vor.u32 $0x5B, v6;
	v25 =	vld.idx.msk [tilespmem:v63+s19+$0x0], $0xffff;
	v14 =	vmul.f32 v53, v8  }
0xea: {  	v42 =	vor.u32 $0x7A, v6;
	v36 =	vld.idx.msk [tilespmem:v62+s19+$0x0], $0xffff;
	v16 =	vmul.f32 v16, v9;
	v13 =	vmul.f32 v13, v7  }
0xeb: {  	v44 =	vor.u32 $0x6B, v6;
	v22 =	vld.idx.msk [tilespmem:v34+s19+$0x0], $0xffff;
	v19 =	vmul.f32 v19, v8;
	v20 =	vmul.f32 v20, v9  }
0xec: {  	v6 =	vor.u32 $0x7B, v6;
	v39 =	vld.idx.msk [tilespmem:v32+s19+$0x0], $0xffff;
	v8 =	vmul.f32 v33, v8;
	v9 =	vmul.f32 v23, v9  }
0xed: {  	v45 =	vld.idx.msk [tilespmem:v37+s19+$0x0], $0xffff;
	v41 =	vmul.f32 v21, v7;
	v14 =	vadd.f32 v16, v14;
	v19 =	vadd.f32 v20, v19  }
0xee: {  	v43 =	vld.idx.msk [tilespmem:v35+s19+$0x0], $0xffff;
	v12 =	vmul.f32 v12, v5;
	v7 =	vmul.f32 v25, v7;
	v8 =	vadd.f32 v9, v8  }
0xef: {  	v48 =	vld.idx.msk [tilespmem:v40+s19+$0x0], $0xffff;
	v13 =	vadd.f32 v13, v14;
	v19 =	vadd.f32 v41, v19;
	v14 =	vmul.f32 v36, v5  }
0xf0: {  	v46 =	vld.idx.msk [tilespmem:v38+s19+$0x0], $0xffff;
	v11 =	vmul.f32 v11, v4;
	v7 =	vadd.f32 v7, v8;
	v5 =	vmul.f32 v22, v5  }
0xf1: {  	v52 =	vld.idx.msk [tilespmem:v44+s19+$0x0], $0xffff;
	v12 =	vadd.f32 v12, v13;
	v47 =	vadd.f32 v14, v19;
	v13 =	vmul.f32 v39, v4  }
0xf2: {  	v50 =	vld.idx.msk [tilespmem:v42+s19+$0x0], $0xffff;
	v49 =	vmul.f32 v15, v3;
	v5 =	vadd.f32 v5, v7;
	v4 =	vmul.f32 v45, v4  }
0xf3: {  	v51 =	vmul.f32 v43, v3;
	v11 =	vadd.f32 v11, v12;
	v12 =	vadd.f32 v13, v47  }
0xf4: {  	v6 =	vld.idx.msk [tilespmem:v6+s19+$0x0], $0xffff;
	v53 =	vmul.f32 v17, v2;
	v3 =	vmul.f32 v48, v3;
	v4 =	vadd.f32 v4, v5  }
0xf5: {  	v9 =	vmul.f32 v46, v2;
	v8 =	vadd.f32 v49, v11;
	v54 =	vadd.f32 v51, v12  }
0xf6: {  	v56 =	vmul.f32 v18, v1;
	v2 =	vmul.f32 v52, v2;
	v3 =	vadd.f32 v3, v4  }
0xf7: {  	v58 =	vmul.f32 v50, v1;
	v55 =	vadd.f32 v53, v8;
	v57 =	vadd.f32 v9, v54  }
0xf8: {  	v2 =	vadd.f32 v2, v3  }
0xf9: {  	v1 =	vmul.f32 v6, v1;
	v59 =	vadd.f32 v56, v55;
	v60 =	vadd.f32 v58, v57;
	_ =	sdelay $0x1  }
0xfa: {  	v1 =	vadd.f32 v1, v2;
	v2 =	vmul.f32 v59, v59;
	v3 =	vmul.f32 v60, v60;
	_ =	sdelay $0x1  }
0xfb: {  	v2 =	vadd.f32 v3, v2;
	v3 =	vmul.f32 v1, v1;
	_ =	sdelay $0x1  }
0xfc: {  	v2 =	vadd.f32 v3, v2;
	_ =	sdelay $0x1  }
0xfd: {  	v2 =	vmax.f32 v2, $1.000000020e-24  }
0xfe: {  	v3 =	vshra.s32 v2, $0x1;
	v2 =	vmul.f32 $5.000000000e-01, v2  }
0xff: {  	v3 =	vsub.s32 $0x5F3759DF, v3  }
0x100: {  	v61 =	vmul.f32 v3, v2;
	_ =	sdelay $0x1  }
0x101: {  	v6 =	vmul.f32 v3, v61;
	_ =	sdelay $0x1  }
0x102: {  	v6 =	vsub.f32 $1.500000000e+00, v6;
	_ =	sdelay $0x1  }
0x103: {  	v3 =	vmul.f32 v3, v6;
	_ =	sdelay $0x1  }
0x104: {  	v6 =	vmul.f32 v3, v2;
	_ =	sdelay $0x1  }
0x105: {  	v6 =	vmul.f32 v6, v3;
	_ =	sdelay $0x1  }
0x106: {  	v6 =	vsub.f32 $1.500000000e+00, v6;
	_ =	sdelay $0x1  }
0x107: {  	v3 =	vmul.f32 v6, v3;
	_ =	sdelay $0x1  }
0x108: {  	v2 =	vmul.f32 v3, v2;
	_ =	sdelay $0x1  }
0x109: {  	v2 =	vmul.f32 v2, v3;
	_ =	sdelay $0x1  }
0x10a: {  	v2 =	vsub.f32 $1.500000000e+00, v2  }
0x10b: {  	v62 =	vor.u32 $0x9, v10  }
0x10c: {  	v2 =	vmul.f32 v2, v3;
	v3 =	vor.u32 $0xA, v10  }
0x10d: {  	p0 =	sne.s32 s2, $0xD0;
	v63 =	vor.u32 $0xB, v10  }
.Ltmp0:
0x10e: {  	v4 =	vmul.f32 v2, v59;
	(pc) =	sbr.rel @p0 .LBB2_3-.Ltmp0, $4  }
0x10f: {  	v5 =	vmul.f32 v2, v60  }
0x110: {  	v1 =	vmul.f32 v2, v1;
	[tilespmem:v62+s24+$0x0] =	vst.idx.msk $0xffff, v4  }
0x111: {  	[tilespmem:v3+s24+$0x0] =	vst.idx.msk $0xffff, v5  }
0x112: {  	s2 =	sadd.s32 $0x10, s2;
	[tilespmem:v63+s24+$0x0] =	vst.idx.msk $0xffff, v1  }
0x113: {  	s31 =	sshll.u32 s30, $0x1  }
0x114: {  	s2 =	sadd.s32 s7, s31  }
0x115: {  	s2 =	smul.u32 $0x1C0, s2;
	_ =	sdelay $0x1  }
0x116: {  	s8 =	smin.u32 s31, $0xB;
	s0 =	sadd.s32 s1, s2;
	s2 =	simm.s32 $0x0  }
0x117: {  	[hbm4b:s0+s2] =	stream.linear.scatter [tilespmem:s24], [sflag:$0x5], $0xE00, $0x38;
	[tilespmem:$0x11800] =	vst v63  }
0x118: {  	s0 =	sadd.s32 s8, s12  }
0x119: {  	_ =	swait.ge [sflag:s25], $0xE00;
	s0 =	smul.u32 $0xE0, s0  }
0x11a: {  	[sflag:s25] =	ssyncset.done $0x0  }
0x11b: {  	[sflag:s25] =	ssyncadd.s32 $0xFFFFF200;
	s8 =	sadd.s32 s3, s0  }
0x11c: {  	[tilespmem:s2], [sflag:$0x1] =	stream.linear.gather [hbm4b:s8+s2], $0x700, $0x38;
	[tilespmem:$0x11800] =	vst v63  }
0x11d: {  	s0 =	sadd.s32 s4, s0  }
0x11e: {  	[tilespmem:s16], [sflag:$0x1] =	stream.linear.gather [hbm4b:s0+s2], $0x700, $0x38;
	[tilespmem:$0x11800] =	vst v63  }
0x11f: {  	_ =	swait.ge [sflag:s26], $0x7000  }
0x120: {  	[sflag:s26] =	ssyncset.done $0x0  }
0x121: {  	[sflag:s26] =	ssyncadd.s32 $0xFFFF9000  }
0x122: {  	_ =	swait.ge [sflag:s17], $0x700  }
0x123: {  	[sflag:s17] =	ssyncset.done $0x0  }
0x124: {  	[sflag:s17] =	ssyncadd.s32 $0xFFFFF900  }
0x125: {  	_ =	swait.ge [sflag:s17], $0x700  }
0x126: {  	[sflag:s17] =	ssyncset.done $0x0  }
0x127: {  	[sflag:s17] =	ssyncadd.s32 $0xFFFFF900  }
0x128: {  	[tilespmem:s19], [sflag:$0x3] =	stream.indirect.gather [hbm4b:s6+s18], $0x10, s2, s18, $0xb8;
	[tilespmem:$0x11800] =	vst v63  }
.LBB2_5:
0x129: {  	v10 =	vor.u32 s2, v0  }
0x12a: {  	v1 =	vshll.u32 v10, $0x3  }
0x12b: {  	v6 =	vshll.u32 v10, $0x7  }
0x12c: {  	v2 =	vor.u32 $0x1, v1  }
0x12d: {  	v3 =	vor.u32 $0x2, v1  }
0x12e: {  	v4 =	vor.u32 $0x3, v1  }
0x12f: {  	v11 =	vor.u32 $0x4, v1;
	v8 =	vld.idx.msk [tilespmem:v1+s20+$0x0], $0xffff  }
0x130: {  	v12 =	vor.u32 $0x5, v1;
	v15 =	vld.idx.msk [tilespmem:v6+s23+$0x0], $0xffff  }
0x131: {  	v54 =	vor.u32 $0x10, v6;
	v9 =	vld.idx.msk [tilespmem:v2+s20+$0x0], $0xffff  }
0x132: {  	v55 =	vor.u32 $0x20, v6;
	v7 =	vld.idx.msk [tilespmem:v3+s20+$0x0], $0xffff  }
0x133: {  	v13 =	vor.u32 $0x30, v6;
	v5 =	vld.idx.msk [tilespmem:v4+s20+$0x0], $0xffff  }
0x134: {  	v14 =	vor.u32 $0x40, v6;
	v4 =	vld.idx.msk [tilespmem:v11+s20+$0x0], $0xffff  }
0x135: {  	v16 =	vor.u32 $0x50, v6;
	v3 =	vld.idx.msk [tilespmem:v12+s20+$0x0], $0xffff  }
0x136: {  	v17 =	vor.u32 $0x60, v6;
	v11 =	vld.idx.msk [tilespmem:v54+s23+$0x0], $0xffff  }
0x137: {  	v18 =	vor.u32 $0x70, v6;
	v12 =	vld.idx.msk [tilespmem:v55+s23+$0x0], $0xffff  }
0x138: {  	v19 =	vor.u32 $0x1, v6;
	v13 =	vld.idx.msk [tilespmem:v13+s23+$0x0], $0xffff  }
0x139: {  	v20 =	vor.u32 $0x11, v6;
	v14 =	vld.idx.msk [tilespmem:v14+s23+$0x0], $0xffff  }
0x13a: {  	v21 =	vor.u32 $0x21, v6;
	v16 =	vld.idx.msk [tilespmem:v16+s23+$0x0], $0xffff  }
0x13b: {  	v22 =	vor.u32 $0x2, v6;
	v17 =	vld.idx.msk [tilespmem:v17+s23+$0x0], $0xffff  }
0x13c: {  	v23 =	vor.u32 $0x12, v6;
	v18 =	vld.idx.msk [tilespmem:v18+s23+$0x0], $0xffff  }
0x13d: {  	v24 =	vor.u32 $0x31, v6;
	v19 =	vld.idx.msk [tilespmem:v19+s23+$0x0], $0xffff  }
0x13e: {  	v25 =	vor.u32 $0x22, v6;
	v20 =	vld.idx.msk [tilespmem:v20+s23+$0x0], $0xffff  }
0x13f: {  	v26 =	vor.u32 $0x41, v6;
	v21 =	vld.idx.msk [tilespmem:v21+s23+$0x0], $0xffff  }
0x140: {  	v57 =	vor.u32 $0x32, v6;
	v56 =	vld.idx.msk [tilespmem:v22+s23+$0x0], $0xffff  }
0x141: {  	v27 =	vor.u32 $0x51, v6;
	v23 =	vld.idx.msk [tilespmem:v23+s23+$0x0], $0xffff  }
0x142: {  	v60 =	vor.u32 $0x42, v6;
	v59 =	vld.idx.msk [tilespmem:v24+s23+$0x0], $0xffff  }
0x143: {  	v28 =	vor.u32 $0x61, v6;
	v62 =	vor.u32 $0x52, v6;
	v25 =	vld.idx.msk [tilespmem:v25+s23+$0x0], $0xffff  }
0x144: {  	v32 =	vor.u32 $0x71, v6;
	v29 =	vor.u32 $0x62, v6;
	v36 =	vor.u32 $0x72, v6;
	v61 =	vld.idx.msk [tilespmem:v26+s23+$0x0], $0xffff  }
0x145: {  	v2 =	vor.u32 $0x6, v1;
	v22 =	vld.idx.msk [tilespmem:v57+s23+$0x0], $0xffff;
	v15 =	vmul.f32 v15, v8;
	v11 =	vmul.f32 v11, v9  }
0x146: {  	v1 =	vor.u32 $0x7, v1;
	v27 =	vld.idx.msk [tilespmem:v27+s23+$0x0], $0xffff;
	v19 =	vmul.f32 v19, v8;
	v20 =	vmul.f32 v20, v9  }
0x147: {  	v33 =	vld.idx.msk [tilespmem:v60+s23+$0x0], $0xffff;
	v12 =	vmul.f32 v12, v7;
	v63 =	vmul.f32 v21, v7;
	v11 =	vadd.f32 v11, v15  }
0x148: {  	v34 =	vld.idx.msk [tilespmem:v28+s23+$0x0], $0xffff;
	v23 =	vmul.f32 v23, v9;
	v19 =	vadd.f32 v20, v19;
	v15 =	vmul.f32 v56, v8  }
0x149: {  	v37 =	vld.idx.msk [tilespmem:v62+s23+$0x0], $0xffff;
	v58 =	vmul.f32 v13, v5;
	v13 =	vmul.f32 v59, v5;
	v11 =	vadd.f32 v12, v11  }
0x14a: {  	v2 =	vld.idx.msk [tilespmem:v2+s20+$0x0], $0xffff;
	v35 =	vmul.f32 v25, v7;
	v19 =	vadd.f32 v63, v19;
	v15 =	vadd.f32 v23, v15  }
0x14b: {  	v38 =	vld.idx.msk [tilespmem:v32+s23+$0x0], $0xffff;
	v14 =	vmul.f32 v14, v4;
	v39 =	vmul.f32 v22, v5;
	v11 =	vadd.f32 v58, v11  }
0x14c: {  	v1 =	vld.idx.msk [tilespmem:v1+s20+$0x0], $0xffff;
	v12 =	vmul.f32 v61, v4;
	v13 =	vadd.f32 v13, v19;
	v15 =	vadd.f32 v35, v15  }
0x14d: {  	v41 =	vld.idx.msk [tilespmem:v29+s23+$0x0], $0xffff;
	v16 =	vmul.f32 v16, v3;
	v40 =	vmul.f32 v27, v3;
	v11 =	vadd.f32 v14, v11  }
0x14e: {  	v42 =	vmul.f32 v33, v4;
	v12 =	vadd.f32 v12, v13;
	v15 =	vadd.f32 v39, v15  }
0x14f: {  	v44 =	vld.idx.msk [tilespmem:v36+s23+$0x0], $0xffff;
	v17 =	vmul.f32 v17, v2;
	v43 =	vmul.f32 v34, v2;
	v11 =	vadd.f32 v16, v11  }
0x150: {  	v14 =	vmul.f32 v37, v3;
	v12 =	vadd.f32 v40, v12;
	v15 =	vadd.f32 v42, v15  }
0x151: {  	v45 =	vmul.f32 v18, v1;
	v46 =	vmul.f32 v38, v1;
	v11 =	vadd.f32 v17, v11  }
0x152: {  	v47 =	vmul.f32 v41, v2;
	v12 =	vadd.f32 v43, v12;
	v14 =	vadd.f32 v14, v15  }
0x153: {  	v11 =	vadd.f32 v45, v11  }
0x154: {  	v49 =	vmul.f32 v44, v1;
	v12 =	vadd.f32 v46, v12;
	v48 =	vadd.f32 v47, v14;
	_ =	sdelay $0x1  }
0x155: {  	v13 =	vadd.f32 v49, v48;
	v50 =	vmul.f32 v11, v11;
	v51 =	vmul.f32 v12, v12;
	_ =	sdelay $0x1  }
0x156: {  	v14 =	vadd.f32 v51, v50;
	v52 =	vmul.f32 v13, v13;
	_ =	sdelay $0x1  }
0x157: {  	v14 =	vadd.f32 v52, v14;
	_ =	sdelay $0x1  }
0x158: {  	v14 =	vmax.f32 v14, $1.000000020e-24  }
0x159: {  	v53 =	vshra.s32 v14, $0x1;
	v14 =	vmul.f32 $5.000000000e-01, v14  }
0x15a: {  	v15 =	vsub.s32 $0x5F3759DF, v53  }
0x15b: {  	v54 =	vmul.f32 v15, v14;
	_ =	sdelay $0x1  }
0x15c: {  	v16 =	vmul.f32 v15, v54;
	_ =	sdelay $0x1  }
0x15d: {  	v16 =	vsub.f32 $1.500000000e+00, v16;
	_ =	sdelay $0x1  }
0x15e: {  	v15 =	vmul.f32 v15, v16;
	_ =	sdelay $0x1  }
0x15f: {  	v16 =	vmul.f32 v15, v14;
	_ =	sdelay $0x1  }
0x160: {  	v16 =	vmul.f32 v16, v15;
	_ =	sdelay $0x1  }
0x161: {  	v16 =	vsub.f32 $1.500000000e+00, v16;
	_ =	sdelay $0x1  }
0x162: {  	v15 =	vmul.f32 v16, v15;
	_ =	sdelay $0x1  }
0x163: {  	v14 =	vmul.f32 v15, v14;
	_ =	sdelay $0x1  }
0x164: {  	v14 =	vmul.f32 v14, v15;
	_ =	sdelay $0x1  }
0x165: {  	v14 =	vsub.f32 $1.500000000e+00, v14  }
0x166: {  	v10 =	vshll.u32 v10, $0x4  }
0x167: {  	v55 =	vor.u32 $0x1, v10;
	v14 =	vmul.f32 v14, v15  }
0x168: {  	v56 =	vor.u32 $0x2, v10  }
0x169: {  	v57 =	vor.u32 $0x3, v6;
	v11 =	vmul.f32 v14, v11  }
0x16a: {  	v58 =	vor.u32 $0x13, v6;
	v12 =	vmul.f32 v14, v12  }
0x16b: {  	v60 =	vor.u32 $0x23, v6;
	v59 =	vmul.f32 v14, v13;
	[tilespmem:v10+s28+$0x0] =	vst.idx.msk $0xffff, v11  }
0x16c: {  	v61 =	vor.u32 $0x33, v6;
	[tilespmem:v55+s28+$0x0] =	vst.idx.msk $0xffff, v12  }
0x16d: {  	v62 =	vor.u32 $0x43, v6;
	[tilespmem:v56+s28+$0x0] =	vst.idx.msk $0xffff, v59  }
0x16e: {  	v25 =	vor.u32 $0x53, v6;
	v63 =	vld.idx.msk [tilespmem:v57+s23+$0x0], $0xffff  }
0x16f: {  	v26 =	vor.u32 $0x63, v6;
	v16 =	vld.idx.msk [tilespmem:v58+s23+$0x0], $0xffff  }
0x170: {  	v27 =	vor.u32 $0x73, v6;
	v13 =	vld.idx.msk [tilespmem:v60+s23+$0x0], $0xffff  }
0x171: {  	v28 =	vor.u32 $0x4, v6;
	v12 =	vld.idx.msk [tilespmem:v61+s23+$0x0], $0xffff  }
0x172: {  	v29 =	vor.u32 $0x14, v6;
	v11 =	vld.idx.msk [tilespmem:v62+s23+$0x0], $0xffff  }
0x173: {  	v30 =	vor.u32 $0x24, v6;
	v15 =	vld.idx.msk [tilespmem:v25+s23+$0x0], $0xffff  }
0x174: {  	v31 =	vor.u32 $0x5, v6;
	v17 =	vld.idx.msk [tilespmem:v26+s23+$0x0], $0xffff  }
0x175: {  	v32 =	vor.u32 $0x15, v6;
	v18 =	vld.idx.msk [tilespmem:v27+s23+$0x0], $0xffff  }
0x176: {  	v34 =	vor.u32 $0x25, v6;
	v19 =	vld.idx.msk [tilespmem:v28+s23+$0x0], $0xffff  }
0x177: {  	v33 =	vor.u32 $0x34, v6;
	v20 =	vld.idx.msk [tilespmem:v29+s23+$0x0], $0xffff  }
0x178: {  	v37 =	vor.u32 $0x35, v6;
	v21 =	vld.idx.msk [tilespmem:v30+s23+$0x0], $0xffff  }
0x179: {  	v35 =	vor.u32 $0x44, v6;
	v36 =	vld.idx.msk [tilespmem:v31+s23+$0x0], $0xffff  }
0x17a: {  	v38 =	vor.u32 $0x54, v6;
	v41 =	vor.u32 $0x64, v6;
	v23 =	vld.idx.msk [tilespmem:v32+s23+$0x0], $0xffff  }
0x17b: {  	v40 =	vor.u32 $0x45, v6;
	v43 =	vor.u32 $0x55, v6;
	v45 =	vor.u32 $0x74, v6;
	v25 =	vld.idx.msk [tilespmem:v34+s23+$0x0], $0xffff  }
0x17c: {  	v46 =	vor.u32 $0x65, v6;
	v39 =	vld.idx.msk [tilespmem:v33+s23+$0x0], $0xffff;
	v14 =	vmul.f32 v63, v8;
	v16 =	vmul.f32 v16, v9  }
0x17d: {  	v50 =	vor.u32 $0x75, v6;
	v22 =	vld.idx.msk [tilespmem:v37+s23+$0x0], $0xffff;
	v19 =	vmul.f32 v19, v8;
	v20 =	vmul.f32 v20, v9  }
0x17e: {  	v42 =	vld.idx.msk [tilespmem:v35+s23+$0x0], $0xffff;
	v13 =	vmul.f32 v13, v7;
	v44 =	vmul.f32 v21, v7;
	v14 =	vadd.f32 v16, v14  }
0x17f: {  	v27 =	vld.idx.msk [tilespmem:v38+s23+$0x0], $0xffff;
	v23 =	vmul.f32 v23, v9;
	v19 =	vadd.f32 v20, v19;
	v16 =	vmul.f32 v36, v8  }
0x180: {  	v47 =	vld.idx.msk [tilespmem:v40+s23+$0x0], $0xffff;
	v12 =	vmul.f32 v12, v5;
	v49 =	vmul.f32 v25, v7;
	v13 =	vadd.f32 v13, v14  }
0x181: {  	v48 =	vld.idx.msk [tilespmem:v41+s23+$0x0], $0xffff;
	v19 =	vadd.f32 v44, v19;
	v14 =	vmul.f32 v39, v5;
	v16 =	vadd.f32 v23, v16  }
0x182: {  	v52 =	vld.idx.msk [tilespmem:v43+s23+$0x0], $0xffff;
	v11 =	vmul.f32 v11, v4;
	v54 =	vmul.f32 v22, v5;
	v12 =	vadd.f32 v12, v13  }
0x183: {  	v53 =	vld.idx.msk [tilespmem:v45+s23+$0x0], $0xffff;
	v51 =	vadd.f32 v14, v19;
	v13 =	vmul.f32 v42, v4;
	v16 =	vadd.f32 v49, v16  }
0x184: {  	v56 =	vld.idx.msk [tilespmem:v46+s23+$0x0], $0xffff;
	v15 =	vmul.f32 v15, v3;
	v55 =	vmul.f32 v27, v3;
	v11 =	vadd.f32 v11, v12  }
0x185: {  	v58 =	vmul.f32 v47, v4;
	v12 =	vadd.f32 v13, v51;
	v57 =	vadd.f32 v54, v16  }
0x186: {  	v60 =	vld.idx.msk [tilespmem:v50+s23+$0x0], $0xffff;
	v17 =	vmul.f32 v17, v2;
	v59 =	vmul.f32 v48, v2;
	v11 =	vadd.f32 v15, v11  }
0x187: {  	v14 =	vmul.f32 v52, v3;
	v12 =	vadd.f32 v55, v12;
	v15 =	vadd.f32 v58, v57  }
0x188: {  	v61 =	vmul.f32 v18, v1;
	v62 =	vmul.f32 v53, v1;
	v11 =	vadd.f32 v17, v11  }
0x189: {  	v63 =	vmul.f32 v56, v2;
	v12 =	vadd.f32 v59, v12;
	v14 =	vadd.f32 v14, v15  }
0x18a: {  	v11 =	vadd.f32 v61, v11  }
0x18b: {  	v19 =	vmul.f32 v60, v1;
	v12 =	vadd.f32 v62, v12;
	v18 =	vadd.f32 v63, v14;
	_ =	sdelay $0x1  }
0x18c: {  	v13 =	vadd.f32 v19, v18;
	v20 =	vmul.f32 v11, v11;
	v21 =	vmul.f32 v12, v12;
	_ =	sdelay $0x1  }
0x18d: {  	v14 =	vadd.f32 v21, v20;
	v22 =	vmul.f32 v13, v13;
	_ =	sdelay $0x1  }
0x18e: {  	v14 =	vadd.f32 v22, v14;
	_ =	sdelay $0x1  }
0x18f: {  	v14 =	vmax.f32 v14, $1.000000020e-24  }
0x190: {  	v23 =	vshra.s32 v14, $0x1;
	v14 =	vmul.f32 $5.000000000e-01, v14  }
0x191: {  	v15 =	vsub.s32 $0x5F3759DF, v23  }
0x192: {  	v24 =	vmul.f32 v15, v14;
	_ =	sdelay $0x1  }
0x193: {  	v16 =	vmul.f32 v15, v24;
	_ =	sdelay $0x1  }
0x194: {  	v16 =	vsub.f32 $1.500000000e+00, v16;
	_ =	sdelay $0x1  }
0x195: {  	v15 =	vmul.f32 v15, v16;
	_ =	sdelay $0x1  }
0x196: {  	v16 =	vmul.f32 v15, v14;
	_ =	sdelay $0x1  }
0x197: {  	v16 =	vmul.f32 v16, v15;
	_ =	sdelay $0x1  }
0x198: {  	v16 =	vsub.f32 $1.500000000e+00, v16;
	_ =	sdelay $0x1  }
0x199: {  	v15 =	vmul.f32 v16, v15;
	_ =	sdelay $0x1  }
0x19a: {  	v14 =	vmul.f32 v15, v14;
	_ =	sdelay $0x1  }
0x19b: {  	v14 =	vmul.f32 v14, v15;
	_ =	sdelay $0x1  }
0x19c: {  	v14 =	vsub.f32 $1.500000000e+00, v14  }
0x19d: {  	v25 =	vor.u32 $0x3, v10  }
0x19e: {  	v26 =	vor.u32 $0x4, v10;
	v14 =	vmul.f32 v14, v15  }
0x19f: {  	v27 =	vor.u32 $0x5, v10  }
0x1a0: {  	v28 =	vor.u32 $0x6, v6;
	v11 =	vmul.f32 v14, v11  }
0x1a1: {  	v29 =	vor.u32 $0x16, v6;
	v12 =	vmul.f32 v14, v12  }
0x1a2: {  	v31 =	vor.u32 $0x26, v6;
	v30 =	vmul.f32 v14, v13;
	[tilespmem:v25+s28+$0x0] =	vst.idx.msk $0xffff, v11  }
0x1a3: {  	v32 =	vor.u32 $0x36, v6;
	[tilespmem:v26+s28+$0x0] =	vst.idx.msk $0xffff, v12  }
0x1a4: {  	v33 =	vor.u32 $0x46, v6;
	[tilespmem:v27+s28+$0x0] =	vst.idx.msk $0xffff, v30  }
0x1a5: {  	v35 =	vor.u32 $0x56, v6;
	v34 =	vld.idx.msk [tilespmem:v28+s23+$0x0], $0xffff  }
0x1a6: {  	v36 =	vor.u32 $0x66, v6;
	v16 =	vld.idx.msk [tilespmem:v29+s23+$0x0], $0xffff  }
0x1a7: {  	v37 =	vor.u32 $0x76, v6;
	v13 =	vld.idx.msk [tilespmem:v31+s23+$0x0], $0xffff  }
0x1a8: {  	v38 =	vor.u32 $0x7, v6;
	v12 =	vld.idx.msk [tilespmem:v32+s23+$0x0], $0xffff  }
0x1a9: {  	v39 =	vor.u32 $0x17, v6;
	v11 =	vld.idx.msk [tilespmem:v33+s23+$0x0], $0xffff  }
0x1aa: {  	v40 =	vor.u32 $0x27, v6;
	v15 =	vld.idx.msk [tilespmem:v35+s23+$0x0], $0xffff  }
0x1ab: {  	v41 =	vor.u32 $0x8, v6;
	v17 =	vld.idx.msk [tilespmem:v36+s23+$0x0], $0xffff  }
0x1ac: {  	v42 =	vor.u32 $0x18, v6;
	v18 =	vld.idx.msk [tilespmem:v37+s23+$0x0], $0xffff  }
0x1ad: {  	v44 =	vor.u32 $0x28, v6;
	v19 =	vld.idx.msk [tilespmem:v38+s23+$0x0], $0xffff  }
0x1ae: {  	v43 =	vor.u32 $0x37, v6;
	v20 =	vld.idx.msk [tilespmem:v39+s23+$0x0], $0xffff  }
0x1af: {  	v47 =	vor.u32 $0x38, v6;
	v21 =	vld.idx.msk [tilespmem:v40+s23+$0x0], $0xffff  }
0x1b0: {  	v45 =	vor.u32 $0x47, v6;
	v46 =	vld.idx.msk [tilespmem:v41+s23+$0x0], $0xffff  }
0x1b1: {  	v50 =	vor.u32 $0x48, v6;
	v48 =	vor.u32 $0x57, v6;
	v23 =	vld.idx.msk [tilespmem:v42+s23+$0x0], $0xffff  }
0x1b2: {  	v53 =	vor.u32 $0x58, v6;
	v56 =	vor.u32 $0x68, v6;
	v60 =	vor.u32 $0x78, v6;
	v25 =	vld.idx.msk [tilespmem:v44+s23+$0x0], $0xffff  }
0x1b3: {  	v51 =	vor.u32 $0x67, v6;
	v49 =	vld.idx.msk [tilespmem:v43+s23+$0x0], $0xffff;
	v14 =	vmul.f32 v34, v8;
	v16 =	vmul.f32 v16, v9  }
0x1b4: {  	v55 =	vor.u32 $0x77, v6;
	v22 =	vld.idx.msk [tilespmem:v47+s23+$0x0], $0xffff;
	v19 =	vmul.f32 v19, v8;
	v20 =	vmul.f32 v20, v9  }
0x1b5: {  	v52 =	vld.idx.msk [tilespmem:v45+s23+$0x0], $0xffff;
	v13 =	vmul.f32 v13, v7;
	v54 =	vmul.f32 v21, v7;
	v14 =	vadd.f32 v16, v14  }
0x1b6: {  	v27 =	vld.idx.msk [tilespmem:v48+s23+$0x0], $0xffff;
	v23 =	vmul.f32 v23, v9;
	v19 =	vadd.f32 v20, v19;
	v16 =	vmul.f32 v46, v8  }
0x1b7: {  	v57 =	vld.idx.msk [tilespmem:v50+s23+$0x0], $0xffff;
	v12 =	vmul.f32 v12, v5;
	v59 =	vmul.f32 v25, v7;
	v13 =	vadd.f32 v13, v14  }
0x1b8: {  	v58 =	vld.idx.msk [tilespmem:v51+s23+$0x0], $0xffff;
	v19 =	vadd.f32 v54, v19;
	v14 =	vmul.f32 v49, v5;
	v16 =	vadd.f32 v23, v16  }
0x1b9: {  	v62 =	vld.idx.msk [tilespmem:v53+s23+$0x0], $0xffff;
	v11 =	vmul.f32 v11, v4;
	v26 =	vmul.f32 v22, v5;
	v12 =	vadd.f32 v12, v13  }
0x1ba: {  	v63 =	vld.idx.msk [tilespmem:v55+s23+$0x0], $0xffff;
	v61 =	vadd.f32 v14, v19;
	v13 =	vmul.f32 v52, v4;
	v16 =	vadd.f32 v59, v16  }
0x1bb: {  	v29 =	vld.idx.msk [tilespmem:v56+s23+$0x0], $0xffff;
	v15 =	vmul.f32 v15, v3;
	v28 =	vmul.f32 v27, v3;
	v11 =	vadd.f32 v11, v12  }
0x1bc: {  	v31 =	vmul.f32 v57, v4;
	v12 =	vadd.f32 v13, v61;
	v30 =	vadd.f32 v26, v16  }
0x1bd: {  	v33 =	vld.idx.msk [tilespmem:v60+s23+$0x0], $0xffff;
	v17 =	vmul.f32 v17, v2;
	v32 =	vmul.f32 v58, v2;
	v11 =	vadd.f32 v15, v11  }
0x1be: {  	v14 =	vmul.f32 v62, v3;
	v12 =	vadd.f32 v28, v12;
	v15 =	vadd.f32 v31, v30  }
0x1bf: {  	v34 =	vmul.f32 v18, v1;
	v35 =	vmul.f32 v63, v1;
	v11 =	vadd.f32 v17, v11  }
0x1c0: {  	v36 =	vmul.f32 v29, v2;
	v12 =	vadd.f32 v32, v12;
	v14 =	vadd.f32 v14, v15  }
0x1c1: {  	v11 =	vadd.f32 v34, v11  }
0x1c2: {  	v38 =	vmul.f32 v33, v1;
	v12 =	vadd.f32 v35, v12;
	v37 =	vadd.f32 v36, v14;
	_ =	sdelay $0x1  }
0x1c3: {  	v13 =	vadd.f32 v38, v37;
	v39 =	vmul.f32 v11, v11;
	v40 =	vmul.f32 v12, v12;
	_ =	sdelay $0x1  }
0x1c4: {  	v14 =	vadd.f32 v40, v39;
	v41 =	vmul.f32 v13, v13;
	_ =	sdelay $0x1  }
0x1c5: {  	v14 =	vadd.f32 v41, v14;
	_ =	sdelay $0x1  }
0x1c6: {  	v14 =	vmax.f32 v14, $1.000000020e-24  }
0x1c7: {  	v42 =	vshra.s32 v14, $0x1;
	v14 =	vmul.f32 $5.000000000e-01, v14  }
0x1c8: {  	v15 =	vsub.s32 $0x5F3759DF, v42  }
0x1c9: {  	v43 =	vmul.f32 v15, v14;
	_ =	sdelay $0x1  }
0x1ca: {  	v16 =	vmul.f32 v15, v43;
	_ =	sdelay $0x1  }
0x1cb: {  	v16 =	vsub.f32 $1.500000000e+00, v16;
	_ =	sdelay $0x1  }
0x1cc: {  	v15 =	vmul.f32 v15, v16;
	_ =	sdelay $0x1  }
0x1cd: {  	v16 =	vmul.f32 v15, v14;
	_ =	sdelay $0x1  }
0x1ce: {  	v16 =	vmul.f32 v16, v15;
	_ =	sdelay $0x1  }
0x1cf: {  	v16 =	vsub.f32 $1.500000000e+00, v16;
	_ =	sdelay $0x1  }
0x1d0: {  	v15 =	vmul.f32 v16, v15;
	_ =	sdelay $0x1  }
0x1d1: {  	v14 =	vmul.f32 v15, v14;
	_ =	sdelay $0x1  }
0x1d2: {  	v14 =	vmul.f32 v14, v15;
	_ =	sdelay $0x1  }
0x1d3: {  	v14 =	vsub.f32 $1.500000000e+00, v14  }
0x1d4: {  	v44 =	vor.u32 $0x6, v10  }
0x1d5: {  	v45 =	vor.u32 $0x7, v10;
	v14 =	vmul.f32 v14, v15  }
0x1d6: {  	v46 =	vor.u32 $0x8, v10  }
0x1d7: {  	v47 =	vor.u32 $0x9, v6;
	v11 =	vmul.f32 v14, v11  }
0x1d8: {  	v48 =	vor.u32 $0x19, v6;
	v12 =	vmul.f32 v14, v12  }
0x1d9: {  	v50 =	vor.u32 $0x29, v6;
	v49 =	vmul.f32 v14, v13;
	[tilespmem:v44+s28+$0x0] =	vst.idx.msk $0xffff, v11  }
0x1da: {  	v51 =	vor.u32 $0x39, v6;
	[tilespmem:v45+s28+$0x0] =	vst.idx.msk $0xffff, v12  }
0x1db: {  	v52 =	vor.u32 $0x49, v6;
	[tilespmem:v46+s28+$0x0] =	vst.idx.msk $0xffff, v49  }
0x1dc: {  	v54 =	vor.u32 $0x59, v6;
	v53 =	vld.idx.msk [tilespmem:v47+s23+$0x0], $0xffff  }
0x1dd: {  	v55 =	vor.u32 $0x69, v6;
	v16 =	vld.idx.msk [tilespmem:v48+s23+$0x0], $0xffff  }
0x1de: {  	v56 =	vor.u32 $0x79, v6;
	v13 =	vld.idx.msk [tilespmem:v50+s23+$0x0], $0xffff  }
0x1df: {  	v57 =	vor.u32 $0xA, v6;
	v12 =	vld.idx.msk [tilespmem:v51+s23+$0x0], $0xffff  }
0x1e0: {  	v58 =	vor.u32 $0x1A, v6;
	v11 =	vld.idx.msk [tilespmem:v52+s23+$0x0], $0xffff  }
0x1e1: {  	v60 =	vor.u32 $0xB, v6;
	v15 =	vld.idx.msk [tilespmem:v54+s23+$0x0], $0xffff  }
0x1e2: {  	v61 =	vor.u32 $0x1B, v6;
	v17 =	vld.idx.msk [tilespmem:v55+s23+$0x0], $0xffff  }
0x1e3: {  	v59 =	vor.u32 $0x2A, v6;
	v18 =	vld.idx.msk [tilespmem:v56+s23+$0x0], $0xffff  }
0x1e4: {  	v63 =	vor.u32 $0x2B, v6;
	v19 =	vld.idx.msk [tilespmem:v57+s23+$0x0], $0xffff  }
0x1e5: {  	v62 =	vor.u32 $0x3A, v6;
	v20 =	vld.idx.msk [tilespmem:v58+s23+$0x0], $0xffff  }
0x1e6: {  	v34 =	vor.u32 $0x3B, v6;
	v33 =	vld.idx.msk [tilespmem:v60+s23+$0x0], $0xffff  }
0x1e7: {  	v32 =	vor.u32 $0x4A, v6;
	v23 =	vld.idx.msk [tilespmem:v61+s23+$0x0], $0xffff  }
0x1e8: {  	v35 =	vor.u32 $0x5A, v6;
	v37 =	vor.u32 $0x4B, v6;
	v21 =	vld.idx.msk [tilespmem:v59+s23+$0x0], $0xffff  }
0x1e9: {  	v38 =	vor.u32 $0x6A, v6;
	v40 =	vor.u32 $0x5B, v6;
	v25 =	vld.idx.msk [tilespmem:v63+s23+$0x0], $0xffff;
	v14 =	vmul.f32 v53, v8  }
0x1ea: {  	v42 =	vor.u32 $0x7A, v6;
	v36 =	vld.idx.msk [tilespmem:v62+s23+$0x0], $0xffff;
	v16 =	vmul.f32 v16, v9;
	v13 =	vmul.f32 v13, v7  }
0x1eb: {  	v44 =	vor.u32 $0x6B, v6;
	v22 =	vld.idx.msk [tilespmem:v34+s23+$0x0], $0xffff;
	v19 =	vmul.f32 v19, v8;
	v20 =	vmul.f32 v20, v9  }
0x1ec: {  	v6 =	vor.u32 $0x7B, v6;
	v39 =	vld.idx.msk [tilespmem:v32+s23+$0x0], $0xffff;
	v8 =	vmul.f32 v33, v8;
	v9 =	vmul.f32 v23, v9  }
0x1ed: {  	v45 =	vld.idx.msk [tilespmem:v37+s23+$0x0], $0xffff;
	v41 =	vmul.f32 v21, v7;
	v14 =	vadd.f32 v16, v14;
	v19 =	vadd.f32 v20, v19  }
0x1ee: {  	v43 =	vld.idx.msk [tilespmem:v35+s23+$0x0], $0xffff;
	v12 =	vmul.f32 v12, v5;
	v7 =	vmul.f32 v25, v7;
	v8 =	vadd.f32 v9, v8  }
0x1ef: {  	v48 =	vld.idx.msk [tilespmem:v40+s23+$0x0], $0xffff;
	v13 =	vadd.f32 v13, v14;
	v19 =	vadd.f32 v41, v19;
	v14 =	vmul.f32 v36, v5  }
0x1f0: {  	v46 =	vld.idx.msk [tilespmem:v38+s23+$0x0], $0xffff;
	v11 =	vmul.f32 v11, v4;
	v7 =	vadd.f32 v7, v8;
	v5 =	vmul.f32 v22, v5  }
0x1f1: {  	v52 =	vld.idx.msk [tilespmem:v44+s23+$0x0], $0xffff;
	v12 =	vadd.f32 v12, v13;
	v47 =	vadd.f32 v14, v19;
	v13 =	vmul.f32 v39, v4  }
0x1f2: {  	v50 =	vld.idx.msk [tilespmem:v42+s23+$0x0], $0xffff;
	v49 =	vmul.f32 v15, v3;
	v5 =	vadd.f32 v5, v7;
	v4 =	vmul.f32 v45, v4  }
0x1f3: {  	v51 =	vmul.f32 v43, v3;
	v11 =	vadd.f32 v11, v12;
	v12 =	vadd.f32 v13, v47  }
0x1f4: {  	v6 =	vld.idx.msk [tilespmem:v6+s23+$0x0], $0xffff;
	v53 =	vmul.f32 v17, v2;
	v3 =	vmul.f32 v48, v3;
	v4 =	vadd.f32 v4, v5  }
0x1f5: {  	v9 =	vmul.f32 v46, v2;
	v8 =	vadd.f32 v49, v11;
	v54 =	vadd.f32 v51, v12  }
0x1f6: {  	v56 =	vmul.f32 v18, v1;
	v2 =	vmul.f32 v52, v2;
	v3 =	vadd.f32 v3, v4  }
0x1f7: {  	v58 =	vmul.f32 v50, v1;
	v55 =	vadd.f32 v53, v8;
	v57 =	vadd.f32 v9, v54  }
0x1f8: {  	v2 =	vadd.f32 v2, v3  }
0x1f9: {  	v1 =	vmul.f32 v6, v1;
	v59 =	vadd.f32 v56, v55;
	v60 =	vadd.f32 v58, v57;
	_ =	sdelay $0x1  }
0x1fa: {  	v1 =	vadd.f32 v1, v2;
	v2 =	vmul.f32 v59, v59;
	v3 =	vmul.f32 v60, v60;
	_ =	sdelay $0x1  }
0x1fb: {  	v2 =	vadd.f32 v3, v2;
	v3 =	vmul.f32 v1, v1;
	_ =	sdelay $0x1  }
0x1fc: {  	v2 =	vadd.f32 v3, v2;
	_ =	sdelay $0x1  }
0x1fd: {  	v2 =	vmax.f32 v2, $1.000000020e-24  }
0x1fe: {  	v3 =	vshra.s32 v2, $0x1;
	v2 =	vmul.f32 $5.000000000e-01, v2  }
0x1ff: {  	v3 =	vsub.s32 $0x5F3759DF, v3  }
0x200: {  	v61 =	vmul.f32 v3, v2;
	_ =	sdelay $0x1  }
0x201: {  	v6 =	vmul.f32 v3, v61;
	_ =	sdelay $0x1  }
0x202: {  	v6 =	vsub.f32 $1.500000000e+00, v6;
	_ =	sdelay $0x1  }
0x203: {  	v3 =	vmul.f32 v3, v6;
	_ =	sdelay $0x1  }
0x204: {  	v6 =	vmul.f32 v3, v2;
	_ =	sdelay $0x1  }
0x205: {  	v6 =	vmul.f32 v6, v3;
	_ =	sdelay $0x1  }
0x206: {  	v6 =	vsub.f32 $1.500000000e+00, v6;
	_ =	sdelay $0x1  }
0x207: {  	v3 =	vmul.f32 v6, v3;
	_ =	sdelay $0x1  }
0x208: {  	v2 =	vmul.f32 v3, v2;
	_ =	sdelay $0x1  }
0x209: {  	v2 =	vmul.f32 v2, v3;
	_ =	sdelay $0x1  }
0x20a: {  	v2 =	vsub.f32 $1.500000000e+00, v2  }
0x20b: {  	v62 =	vor.u32 $0x9, v10  }
0x20c: {  	v2 =	vmul.f32 v2, v3;
	v3 =	vor.u32 $0xA, v10  }
0x20d: {  	p0 =	sne.s32 s2, $0xD0;
	v63 =	vor.u32 $0xB, v10  }
.Ltmp1:
0x20e: {  	v4 =	vmul.f32 v2, v59;
	(pc) =	sbr.rel @p0 .LBB2_5-.Ltmp1, $4  }
0x20f: {  	v5 =	vmul.f32 v2, v60  }
0x210: {  	v1 =	vmul.f32 v2, v1;
	[tilespmem:v62+s28+$0x0] =	vst.idx.msk $0xffff, v4  }
0x211: {  	[tilespmem:v3+s28+$0x0] =	vst.idx.msk $0xffff, v5  }
0x212: {  	s2 =	sadd.s32 $0x10, s2;
	[tilespmem:v63+s28+$0x0] =	vst.idx.msk $0xffff, v1  }
0x213: {  	s0 =	sadd.s32 s31, s13  }
0x214: {  	s0 =	smul.u32 $0x1C0, s0;
	_ =	sdelay $0x1  }
0x215: {  	s31 =	smin.u32 s31, $0xA;
	s0 =	sadd.s32 s1, s0  }
0x216: {  	[hbm4b:s0+s5] =	stream.linear.scatter [tilespmem:s28], [sflag:$0x5], $0xE00, $0x38;
	[tilespmem:$0x11800] =	vst v63  }
0x217: {  	s30 =	sadd.s32 $0x1, s30;
	s0 =	sadd.s32 s31, s14  }
0x218: {  	p0 =	sne.s32 s30, $0x7;
	_ =	swait.ge [sflag:s25], $0xE00;
	s0 =	smul.u32 $0xE0, s0  }
.Ltmp2:
0x219: {  	[sflag:s25] =	ssyncset.done $0x0;
	(pc) =	sbr.rel @p0 .LBB2_2-.Ltmp2, $4  }
0x21a: {  	[sflag:s25] =	ssyncadd.s32 $0xFFFFF200;
	s2 =	sadd.s32 s3, s0  }
0x21b: {  	[tilespmem:s18], [sflag:$0x2] =	stream.linear.gather [hbm4b:s2+s5], $0x700, $0x38;
	[tilespmem:$0x11800] =	vst v63  }
0x21c: {  	s0 =	sadd.s32 s4, s0  }
0x21d: {  	[tilespmem:s20], [sflag:$0x2] =	stream.linear.gather [hbm4b:s0+s5], $0x700, $0x38;
	[tilespmem:$0x11800] =	vst v63  }
0x21e: {  	_ =	swait.ge [sflag:s21], $0x7000  }
0x21f: {  	[sflag:s21] =	ssyncset.done $0x0  }
0x220: {  	s29 =	sadd.s32 $0x1, s29;
	[sflag:s21] =	ssyncadd.s32 $0xFFFF9000  }
0x221: {  	p0 =	sne.s32 s29, s15;
	_ =	swait.ge [sflag:s22], $0x700  }
.Ltmp3:
0x222: {  	[sflag:s22] =	ssyncset.done $0x0;
	(pc) =	sbr.rel @p0 .LBB2_1-.Ltmp3, $4  }
0x223: {  	[sflag:s22] =	ssyncadd.s32 $0xFFFFF900  }
0x224: {  	_ =	swait.ge [sflag:s22], $0x700  }
0x225: {  	[sflag:s22] =	ssyncset.done $0x0  }
0x226: {  	[sflag:s22] =	ssyncadd.s32 $0xFFFFF900  }
0x227: {  	_ =	sfence.sel $0x180000  }
0x228: {  	[bflag:$0x0] =	sbarrier.arrive $0xFFFF  }
0x229: {  	_ =	strace $0x9000004A  }
0x22a: {  	s0 =	stileid.u32;
	[bflag:$0x2] =	sbarrier.arrive $0xFFFF  }
0x22b: {  	p0 =	sne.s32 s0, $0x0;
	s0 =	rddreg [dreg:$0x3]  }
0x22c: {  	s0 =	sadd.s32 @!p0 $0x100000, s0  }
0x22d: {  	[sflag:s0] =	ssyncadd.tile.s32 @!p0 $0x1;
	_ =	shalt  }
.Lfunc_end2:
_tile_overlayer_lowered:
.L_overlay_start_2:
0x22e: {  	(tag) =	ssettag $0x2  }
0x22f: {  	s0 =	rddreg [dreg:$0x0];
	s2 =	stileid.u32  }
0x230: {  	s1 =	rddreg [dreg:$0x1];
	p0 =	sne.s32 s2, $0x0  }
0x231: {  	s3 =	rddreg [dreg:$0x2];
	[bflag:$0x3] =	sbarrier.arrive $0xFFFF;
	s2 =	simm.s32 @!p0 $0x1C05  }
0x232: {  	[timem:s3], [sflag:s2] =	dma.local @!p0 [hbm:s0], s1  }
0x233: {  	s0 =	simm.s32 @!p0 $0x5  }
0x234: {  	_ =	swait.ge @!p0 [sflag:s0], s1  }
0x235: {  	s1 =	ssub.s32 @!p0 $0x0, s1;
	[sflag:s0] =	ssyncset.done @!p0 $0x0  }
0x236: {  	[sflag:s0] =	ssyncadd.s32 @!p0 s1  }
0x237: {  	[bflag:$0x3] =	sbarrier.arrive $0xFFFF  }
0x238: {  	_ =	shalt  }

</sc_bundles>
